<compile_context>
chip_gen: v7x
topology: tpu7x:2x2x1
jax: 0.10.2.dev20260603
libtpu: 0.0.44.dev20260713+nightly
codegen_flags: <defaults>
</compile_context>

<pallas_src>
import dataclasses
import functools

import jax
import jax.numpy as jnp
from jax import lax
from jax.experimental import pallas as pl
from jax.experimental.pallas import tpu as pltpu
from jax.experimental.pallas import tpu_sc as plsc

N = 10000
D = 128
NP = 10240
NC, NS, L = 2, 16, 16
CH = 128
K = 80
EP = NC * NS * K * CH
BN = 1024
NB = NP // BN
RPT = NP // NS

NW = NC * NS
ER = 320000 // CH

_vmesh = plsc.VectorSubcoreMesh(core_axis_name="c", subcore_axis_name="s")


def _load_idx_block(ei_hbm, which, w, base, n, buf):

    @pl.when(w != NW - 1)
    def _():
        pltpu.sync_copy(ei_hbm.at[which, pl.ds(w * K + base, n)], buf)

    @pl.when(w == NW - 1)
    def _():
        nreal = max(0, min(n, ER - ((NW - 1) * K + base)))
        if nreal > 0:
            pltpu.sync_copy(ei_hbm.at[which, pl.ds((NW - 1) * K + base, nreal)],
                            buf.at[pl.ds(0, nreal)])
        iota = lax.iota(jnp.int32, L)

        @pl.loop(nreal, n)
        def _(j):
            for k in range(CH // L):
                buf[j, pl.ds(k * L, L)] = N + lax.rem(
                    j * CH + k * L + iota, NP - N)

_sc_params = pltpu.CompilerParams()
if "needs_layout_passes" in pltpu.CompilerParams.__dataclass_fields__:
    _sc_params = dataclasses.replace(_sc_params, needs_layout_passes=False)


def _mm_body(x_ref, w_ref, o_ref):
    o_ref[...] = jnp.dot(x_ref[...], w_ref[...],
                         preferred_element_type=jnp.float32)


def _matmul(xp, W1):
    return pl.pallas_call(
        _mm_body,
        grid=(NB,),
        in_specs=[pl.BlockSpec((BN, D), lambda i: (i, 0)),
                  pl.BlockSpec((D, D), lambda i: (0, 0))],
        out_specs=pl.BlockSpec((BN, D), lambda i: (i, 0)),
        out_shape=jax.ShapeDtypeStruct((NP, D), jnp.float32),
    )(xp, W1)


@functools.partial(
    pl.kernel,
    out_type=jax.ShapeDtypeStruct((NC * NS, NP), jnp.float32),
    mesh=_vmesh,
    compiler_params=_sc_params,
    scratch_types=[pltpu.VMEM((K, CH), jnp.int32),
                   pltpu.VMEM((NP,), jnp.float32)],
)
def _deg_kernel(ei_hbm, cnt_hbm, dst_v, acc_v):
    c = lax.axis_index("c")
    s = lax.axis_index("s")
    w = c * NS + s
    _load_idx_block(ei_hbm, 1, w, 0, K, dst_v)
    zero = jnp.zeros((L,), jnp.float32)

    @pl.loop(0, NP // L)
    def _(i):
        acc_v[pl.ds(i * L, L)] = zero

    ones = jnp.ones((L,), jnp.float32)

    @pl.loop(0, K)
    def _(j):
        for k in range(CH // L):
            idx = dst_v[j, pl.ds(k * L, L)]
            plsc.addupdate_scatter(acc_v, [idx], ones)

    pltpu.sync_copy(acc_v, cnt_hbm.at[w])


def _dinv_body(cnt_ref, xw_dep, dinv_ref):
    del xw_dep
    deg = jnp.sum(cnt_ref[...], axis=0) + 1.0
    dinv_ref[...] = lax.rsqrt(deg)


def _dinv(cnt, xw1):
    return pl.pallas_call(
        _dinv_body,
        grid=(NB,),
        in_specs=[pl.BlockSpec((NC * NS, BN), lambda i: (0, i)),
                  pl.BlockSpec((8, D), lambda i: (0, 0))],
        out_specs=pl.BlockSpec((BN,), lambda i: (i,)),
        out_shape=jax.ShapeDtypeStruct((NP,), jnp.float32),
    )(cnt, xw1)


def _y_body(dinv_ref, xw_ref, y_ref):
    y_ref[...] = dinv_ref[...][:, None] * xw_ref[...]


def _yscale(dinv, xw1):
    return pl.pallas_call(
        _y_body,
        grid=(NB,),
        in_specs=[pl.BlockSpec((BN,), lambda i: (i,)),
                  pl.BlockSpec((BN, D), lambda i: (i, 0))],
        out_specs=pl.BlockSpec((BN, D), lambda i: (i, 0)),
        out_shape=jax.ShapeDtypeStruct((NP, D), jnp.float32),
    )(dinv, xw1)


@functools.partial(
    pl.kernel,
    out_type=jax.ShapeDtypeStruct((NC * NS, NP), jnp.float32),
    mesh=_vmesh,
    compiler_params=_sc_params,
    scratch_types=[pltpu.VMEM((K, CH), jnp.int32),
                   pltpu.VMEM((K, CH), jnp.int32),
                   pltpu.VMEM((NP,), jnp.float32),
                   pltpu.VMEM((NP,), jnp.float32)],
)
def _s_kernel(ei_hbm, dinv_hbm, s_hbm, src_v, dst_v, dinv_v, s_acc):
    c = lax.axis_index("c")
    s = lax.axis_index("s")
    w = c * NS + s
    _load_idx_block(ei_hbm, 0, w, 0, K, src_v)
    _load_idx_block(ei_hbm, 1, w, 0, K, dst_v)
    pltpu.sync_copy(dinv_hbm, dinv_v)
    zero = jnp.zeros((L,), jnp.float32)

    @pl.loop(0, NP // L)
    def _(i):
        s_acc[pl.ds(i * L, L)] = zero

    @pl.loop(0, K)
    def _(j):
        for k in range(CH // L):
            sidx = src_v[j, pl.ds(k * L, L)]
            didx = dst_v[j, pl.ds(k * L, L)]
            vals = plsc.load_gather(dinv_v, [didx])
            plsc.addupdate_scatter(s_acc, [sidx], vals)

    pltpu.sync_copy(s_acc, s_hbm.at[w])


@functools.partial(
    pl.kernel,
    out_type=jax.ShapeDtypeStruct((NC, NP, D), jnp.float32),
    mesh=_vmesh,
    compiler_params=_sc_params,
    scratch_types=[pltpu.VMEM((K // 2, CH), jnp.int32),
                   pltpu.VMEM((K // 2, CH), jnp.int32),
                   pltpu.VMEM((CH, D), jnp.float32),
                   pltpu.VMEM((CH, D), jnp.float32),
                   pltpu.VMEM_SHARED((NP, D), jnp.float32),
                   pltpu.SemaphoreType.DMA,
                   pltpu.SemaphoreType.DMA],
)
def _main_kernel(ei_hbm, y_hbm, s_dep, a_hbm,
                 src_v, dst_v, rows_v, rows_w, a_sh, sem0, sem1):
    del s_dep
    c = lax.axis_index("c")
    s = lax.axis_index("s")
    w = c * NS + s
    K2 = K // 2
    zero = jnp.zeros((L,), jnp.float32)

    @pl.loop(0, CH)
    def _(i):
        for k in range(D // L):
            rows_v[i, pl.ds(k * L, L)] = zero

    for t in range(RPT // CH):
        pltpu.sync_copy(rows_v, a_sh.at[pl.ds(s * RPT + t * CH, CH)])
    plsc.subcore_barrier()

    def _gather(j, buf, sem):
        return pltpu.async_copy(y_hbm.at[src_v.at[j]], buf, sem)

    def _wait(j, buf, sem):
        pltpu.make_async_copy(y_hbm.at[src_v.at[j]], buf, sem).wait()

    def _scat(j, buf):
        pltpu.sync_copy(buf, a_sh.at[dst_v.at[j]], add=True)

    for half in range(2):
        _load_idx_block(ei_hbm, 0, w, half * K2, K2, src_v)
        _load_idx_block(ei_hbm, 1, w, half * K2, K2, dst_v)
        _gather(0, rows_v, sem0)

        @pl.loop(0, K2 // 2 - 1)
        def _(p):
            j0 = 2 * p
            _gather(j0 + 1, rows_w, sem1)
            _wait(j0, rows_v, sem0)
            _scat(j0, rows_v)
            _gather(j0 + 2, rows_v, sem0)
            _wait(j0 + 1, rows_w, sem1)
            _scat(j0 + 1, rows_w)

        _gather(K2 - 1, rows_w, sem1)
        _wait(K2 - 2, rows_v, sem0)
        _scat(K2 - 2, rows_v)
        _wait(K2 - 1, rows_w, sem1)
        _scat(K2 - 1, rows_w)

    plsc.subcore_barrier()
    for t in range(RPT // CH):
        r0 = s * RPT + t * CH
        pltpu.sync_copy(a_sh.at[pl.ds(r0, CH)], a_hbm.at[c, pl.ds(r0, CH)])


def _final_body(a_ref, xw_ref, dinv_ref, s_ref, b1_ref, w2_ref, b2_ref,
                wfct_ref, bfc_ref, o_ref, acc):
    i = pl.program_id(0)
    dinv = dinv_ref[...][:, None]
    a = a_ref[0] + a_ref[1]
    h = dinv * a + (dinv * dinv) * xw_ref[...] + b1_ref[...]
    r = jnp.maximum(h, 0.0)
    svec = jnp.sum(s_ref[...], axis=0)[:, None]
    rowid = i * BN + lax.broadcasted_iota(jnp.int32, (BN, 1), 0)
    wgt = jnp.where(rowid < N, dinv * (dinv + svec), 0.0)
    part = (wgt * r).reshape(BN // 8, 8, D).sum(axis=0)

    @pl.when(i == 0)
    def _():
        acc[...] = jnp.zeros((8, D), jnp.float32)

    acc[...] += part

    @pl.when(i == NB - 1)
    def _():
        v = jnp.sum(acc[...], axis=0, keepdims=True) * (1.0 / N)
        m = jnp.dot(v, w2_ref[...],
                    preferred_element_type=jnp.float32) + b2_ref[...]
        o_ref[...] = (jnp.sum(m * wfct_ref[...], axis=1, keepdims=True)
                      + bfc_ref[...])


def _final(a, xw1, dinv, s_part, b1, W2, b2, Wfc, bfc):
    return pl.pallas_call(
        _final_body,
        grid=(NB,),
        in_specs=[pl.BlockSpec((NC, BN, D), lambda i: (0, i, 0)),
                  pl.BlockSpec((BN, D), lambda i: (i, 0)),
                  pl.BlockSpec((BN,), lambda i: (i,)),
                  pl.BlockSpec((NC * NS, BN), lambda i: (0, i)),
                  pl.BlockSpec((1, D), lambda i: (0, 0)),
                  pl.BlockSpec((D, D), lambda i: (0, 0)),
                  pl.BlockSpec((1, D), lambda i: (0, 0)),
                  pl.BlockSpec((1, D), lambda i: (0, 0)),
                  pl.BlockSpec((1, 1), lambda i: (0, 0))],
        out_specs=pl.BlockSpec((1, 1), lambda i: (0, 0)),
        out_shape=jax.ShapeDtypeStruct((1, 1), jnp.float32),
        scratch_shapes=[pltpu.VMEM((8, D), jnp.float32)],
    )(a, xw1, dinv, s_part, b1.reshape(1, D), W2, b2.reshape(1, D),
      Wfc.reshape(1, D), bfc.reshape(1, 1))


def kernel(x, edge_index, W1, b1, W2, b2, Wfc, bfc):
    ei2d = edge_index.astype(jnp.int32).reshape(2, ER, CH)
    xp = jnp.pad(x, ((0, NP - N), (0, 0)))

    xw1 = _matmul(xp, W1)
    cnt = _deg_kernel(ei2d)
    dinv = _dinv(cnt, xw1)
    s_part = _s_kernel(ei2d, dinv)
    y = _yscale(dinv, xw1)
    a = _main_kernel(ei2d, y, s_part)
    out = _final(a, xw1, dinv, s_part, b1, W2, b2, Wfc, bfc)
    return out.reshape(1)

# --- scband reference (transcript-rebuilt; emitter-appended) ---
"""Pipeline reference for scband-gnn-28441273434635 (READ-ONLY COPY).

The authoritative reference and input builder live on the scoring server;
editing this copy changes nothing except your own understanding.
"""

import jax, jax.numpy as jnp
import numpy as np

N = 10000
E = 320000
D = 128


def _gcn_conv(x, src, dst, W, b, n_nodes):
    # PyG GCNConv: linear transform first, then D^-1/2 (A+I) D^-1/2 aggregation
    x = x @ W
    ones = jnp.ones(src.shape[0], dtype=x.dtype)
    deg = jnp.zeros(n_nodes, dtype=x.dtype).at[dst].add(ones)
    dinv = jnp.where(deg > 0, deg ** -0.5, 0.0)
    norm = dinv[src] * dinv[dst]
    msg = x[src] * norm[:, None]
    out = jnp.zeros((n_nodes, x.shape[1]), dtype=x.dtype).at[dst].add(msg)
    return out + b


def setup_inputs(seed: int = 0) -> dict:
    key = jax.random.key(seed)
    ks = [jax.random.fold_in(key, i) for i in range(8)]
    x = jax.random.normal(ks[0], (N, D), dtype=jnp.float32)
    edge_index = jax.random.randint(ks[1], (2, E), 0, N, dtype=jnp.int64)
    s1 = 1.0 / np.sqrt(D)
    W1 = jax.random.uniform(ks[2], (D, D), jnp.float32, -s1, s1)
    b1 = jax.random.uniform(ks[3], (D,), jnp.float32, -s1, s1)
    W2 = jax.random.uniform(ks[4], (D, D), jnp.float32, -s1, s1)
    b2 = jax.random.uniform(ks[5], (D,), jnp.float32, -s1, s1)
    Wfc = jax.random.uniform(ks[6], (D, 1), jnp.float32, -s1, s1)
    bfc = jax.random.uniform(ks[7], (1,), jnp.float32, -s1, s1)
    return {"x": x, "edge_index": edge_index, "W1": W1, "b1": b1, "W2": W2, "b2": b2, "Wfc": Wfc, "bfc": bfc}


def reference(x, edge_index, W1, b1, W2, b2, Wfc, bfc):
    n_nodes = x.shape[0]
    loop = jnp.arange(n_nodes, dtype=edge_index.dtype)
    src = jnp.concatenate([edge_index[0], loop])
    dst = jnp.concatenate([edge_index[1], loop])
    h = _gcn_conv(x, src, dst, W1, b1, n_nodes)
    h = jax.nn.relu(h)
    # dropout is identity in eval mode
    h = _gcn_conv(h, src, dst, W2, b2, n_nodes)
    h = jnp.mean(h, axis=0)
    out = h @ Wfc + bfc
    return out

if __name__ == "__main__":
    import jax
    _d = setup_inputs()
    print(jax.jit(kernel)(*tuple(_d.values())))

</pallas_src>

<mosaic_0001>
#map = affine_map<(d0, d1) -> (0, 0, 0)>
#map1 = affine_map<(d0, d1) -> (0, 0)>
module attributes {stable_mosaic.version = 14 : i64} {
  func.func @_main_kernel(%arg0: i32, %arg1: i32, %arg2: memref<2x2500x128xi32, #tpu.memory_space<hbm>>, %arg3: memref<10240x128xf32, #tpu.memory_space<hbm>>, %arg4: memref<32x10240xf32, #tpu.memory_space<hbm>>, %arg5: memref<2x10240x128xf32, #tpu.memory_space<hbm>>, %arg6: memref<40x128xi32, #tpu.memory_space<vmem>>, %arg7: memref<40x128xi32, #tpu.memory_space<vmem>>, %arg8: memref<128x128xf32, #tpu.memory_space<vmem>>, %arg9: memref<128x128xf32, #tpu.memory_space<vmem>>, %arg10: memref<10240x128xf32, #tpu.memory_space<vmem_shared>>, %arg11: memref<!tpu.dma_semaphore, #tpu.memory_space<semaphore_mem>>, %arg12: memref<!tpu.dma_semaphore, #tpu.memory_space<semaphore_mem>>) attributes {dimension_semantics = [#tpu.dimension_semantics<core_parallel>, #tpu.dimension_semantics<subcore_parallel>], iteration_bounds = array<i64: 2, 16>, scalar_prefetch = 0 : i64, scratch_operands = 7 : i64, tpu.core_type = #tpu.core_type<sc_vector_subcore>, window_params = [{transform_indices = #map}, {transform_indices = #map1}, {transform_indices = #map1}, {transform_indices = #map}]} {
    %mul3A = arith.constant 16 : i32
    %mul3A_0 = arith.muli %arg0, %mul3A : i32
    %add3A = arith.addi %mul3A_0, %arg1 : i32
    %broadcast_in_dim3A = arith.constant 0.000000e+00 : f32
    %broadcast_in_dim3A_1 = vector.broadcast %broadcast_in_dim3A : f32 to vector<16xf32>
    %scan3A = arith.constant 0 : i32
    %scan3A_2 = arith.constant 128 : i32
    %scan3A_3 = arith.addi %scan3A, %scan3A_2 : i32
    %scan3A_4 = arith.constant 1 : i32
    scf.for %scan3A_150 = %scan3A to %scan3A_3 step %scan3A_4  : i32 {
      %mul3A_151 = arith.constant 1 : i32
      %mul3A_152 = arith.muli %scan3A_150, %mul3A_151 : i32
      %add3A_153 = arith.constant 0 : i32
      %add3A_154 = arith.addi %add3A_153, %mul3A_152 : i32
      %swap3A = arith.index_cast %add3A_154 : i32 to index
      %swap3A_155 = arith.constant 0 : index
      %swap3A_156 = tpu.vector_load %arg8[%swap3A, %swap3A_155] {strides = array<i32>} : memref<128x128xf32, #tpu.memory_space<vmem>>, vector<16xf32>,
      tpu.vector_store %arg8[%swap3A, %swap3A_155], %broadcast_in_dim3A_1 {strides = array<i32>} : memref<128x128xf32, #tpu.memory_space<vmem>>, vector<16xf32>,
      %swap3A_157 = arith.index_cast %add3A_154 : i32 to index
      %swap3A_158 = arith.constant 16 : index
      %swap3A_159 = tpu.vector_load %arg8[%swap3A_157, %swap3A_158] {strides = array<i32>} : memref<128x128xf32, #tpu.memory_space<vmem>>, vector<16xf32>,
      tpu.vector_store %arg8[%swap3A_157, %swap3A_158], %broadcast_in_dim3A_1 {strides = array<i32>} : memref<128x128xf32, #tpu.memory_space<vmem>>, vector<16xf32>,
      %swap3A_160 = arith.index_cast %add3A_154 : i32 to index
      %swap3A_161 = arith.constant 32 : index
      %swap3A_162 = tpu.vector_load %arg8[%swap3A_160, %swap3A_161] {strides = array<i32>} : memref<128x128xf32, #tpu.memory_space<vmem>>, vector<16xf32>,
      tpu.vector_store %arg8[%swap3A_160, %swap3A_161], %broadcast_in_dim3A_1 {strides = array<i32>} : memref<128x128xf32, #tpu.memory_space<vmem>>, vector<16xf32>,
      %swap3A_163 = arith.index_cast %add3A_154 : i32 to index
      %swap3A_164 = arith.constant 48 : index
      %swap3A_165 = tpu.vector_load %arg8[%swap3A_163, %swap3A_164] {strides = array<i32>} : memref<128x128xf32, #tpu.memory_space<vmem>>, vector<16xf32>,
      tpu.vector_store %arg8[%swap3A_163, %swap3A_164], %broadcast_in_dim3A_1 {strides = array<i32>} : memref<128x128xf32, #tpu.memory_space<vmem>>, vector<16xf32>,
      %swap3A_166 = arith.index_cast %add3A_154 : i32 to index
      %swap3A_167 = arith.constant 64 : index
      %swap3A_168 = tpu.vector_load %arg8[%swap3A_166, %swap3A_167] {strides = array<i32>} : memref<128x128xf32, #tpu.memory_space<vmem>>, vector<16xf32>,
      tpu.vector_store %arg8[%swap3A_166, %swap3A_167], %broadcast_in_dim3A_1 {strides = array<i32>} : memref<128x128xf32, #tpu.memory_space<vmem>>, vector<16xf32>,
      %swap3A_169 = arith.index_cast %add3A_154 : i32 to index
      %swap3A_170 = arith.constant 80 : index
      %swap3A_171 = tpu.vector_load %arg8[%swap3A_169, %swap3A_170] {strides = array<i32>} : memref<128x128xf32, #tpu.memory_space<vmem>>, vector<16xf32>,
      tpu.vector_store %arg8[%swap3A_169, %swap3A_170], %broadcast_in_dim3A_1 {strides = array<i32>} : memref<128x128xf32, #tpu.memory_space<vmem>>, vector<16xf32>,
      %swap3A_172 = arith.index_cast %add3A_154 : i32 to index
      %swap3A_173 = arith.constant 96 : index
      %swap3A_174 = tpu.vector_load %arg8[%swap3A_172, %swap3A_173] {strides = array<i32>} : memref<128x128xf32, #tpu.memory_space<vmem>>, vector<16xf32>,
      tpu.vector_store %arg8[%swap3A_172, %swap3A_173], %broadcast_in_dim3A_1 {strides = array<i32>} : memref<128x128xf32, #tpu.memory_space<vmem>>, vector<16xf32>,
      %swap3A_175 = arith.index_cast %add3A_154 : i32 to index
      %swap3A_176 = arith.constant 112 : index
      %swap3A_177 = tpu.vector_load %arg8[%swap3A_175, %swap3A_176] {strides = array<i32>} : memref<128x128xf32, #tpu.memory_space<vmem>>, vector<16xf32>,
      tpu.vector_store %arg8[%swap3A_175, %swap3A_176], %broadcast_in_dim3A_1 {strides = array<i32>} : memref<128x128xf32, #tpu.memory_space<vmem>>, vector<16xf32>,
    }
    %scan3A_5 = arith.constant 128 : i32
    %mul3A_6 = arith.constant 640 : i32
    %mul3A_7 = arith.muli %arg1, %mul3A_6 : i32
    %add3A_8 = arith.constant 0 : i32
    %add3A_9 = arith.addi %mul3A_7, %add3A_8 : i32
    "tpu.region"() ({
      %run_scoped3A_150 = tpu.sem_alloc : memref<!tpu.dma_semaphore, #tpu.memory_space<semaphore_mem>>
      %dma_start3A_151 = arith.constant 0 : i32
      %dma_start3A_152 = tpu.memref_slice %arg10[%add3A_9, %dma_start3A_151] : memref<10240x128xf32, #tpu.memory_space<vmem_shared>> -> memref<128x128xf32, #tpu.memory_space<vmem_shared>>
      %dma_start3A_153 = arith.constant 0 : i32
      %dma_start3A_154 = tpu.memref_slice %arg10[%add3A_9, %dma_start3A_153] : memref<10240x128xf32, #tpu.memory_space<vmem_shared>> -> memref<128x128xf32, #tpu.memory_space<vmem_shared>>
      tpu.enqueue_dma source(%arg8 : memref<128x128xf32, #tpu.memory_space<vmem>>) target(%dma_start3A_154 : memref<128x128xf32, #tpu.memory_space<vmem_shared>>) target_semaphore(%run_scoped3A_150 : memref<!tpu.dma_semaphore, #tpu.memory_space<semaphore_mem>>)
      %dma_wait3A_155 = arith.constant 0 : i32
      %dma_wait3A_156 = tpu.memref_slice %arg10[%add3A_9, %dma_wait3A_155] : memref<10240x128xf32, #tpu.memory_space<vmem_shared>> -> memref<128x128xf32, #tpu.memory_space<vmem_shared>>
      %dma_wait3A_157 = arith.constant 0 : i32
      %dma_wait3A_158 = tpu.memref_slice %arg10[%add3A_9, %dma_wait3A_157] : memref<10240x128xf32, #tpu.memory_space<vmem_shared>> -> memref<128x128xf32, #tpu.memory_space<vmem_shared>>
      tpu.wait_dma2 semaphore(%run_scoped3A_150 : memref<!tpu.dma_semaphore, #tpu.memory_space<semaphore_mem>>) src(%arg8 : memref<128x128xf32, #tpu.memory_space<vmem>>) dst(%dma_wait3A_158 : memref<128x128xf32, #tpu.memory_space<vmem_shared>>)
      tpu.yield
    }) : () -> ()
    %mul3A_10 = arith.constant 640 : i32
    %mul3A_11 = arith.muli %arg1, %mul3A_10 : i32
    %add3A_12 = arith.constant 128 : i32
    %add3A_13 = arith.addi %mul3A_11, %add3A_12 : i32
    "tpu.region"() ({
      %run_scoped3A_150 = tpu.sem_alloc : memref<!tpu.dma_semaphore, #tpu.memory_space<semaphore_mem>>
      %dma_start3A_151 = arith.constant 0 : i32
      %dma_start3A_152 = tpu.memref_slice %arg10[%add3A_13, %dma_start3A_151] : memref<10240x128xf32, #tpu.memory_space<vmem_shared>> -> memref<128x128xf32, #tpu.memory_space<vmem_shared>>
      %dma_start3A_153 = arith.constant 0 : i32
      %dma_start3A_154 = tpu.memref_slice %arg10[%add3A_13, %dma_start3A_153] : memref<10240x128xf32, #tpu.memory_space<vmem_shared>> -> memref<128x128xf32, #tpu.memory_space<vmem_shared>>
      tpu.enqueue_dma source(%arg8 : memref<128x128xf32, #tpu.memory_space<vmem>>) target(%dma_start3A_154 : memref<128x128xf32, #tpu.memory_space<vmem_shared>>) target_semaphore(%run_scoped3A_150 : memref<!tpu.dma_semaphore, #tpu.memory_space<semaphore_mem>>)
      %dma_wait3A_155 = arith.constant 0 : i32
      %dma_wait3A_156 = tpu.memref_slice %arg10[%add3A_13, %dma_wait3A_155] : memref<10240x128xf32, #tpu.memory_space<vmem_shared>> -> memref<128x128xf32, #tpu.memory_space<vmem_shared>>
      %dma_wait3A_157 = arith.constant 0 : i32
      %dma_wait3A_158 = tpu.memref_slice %arg10[%add3A_13, %dma_wait3A_157] : memref<10240x128xf32, #tpu.memory_space<vmem_shared>> -> memref<128x128xf32, #tpu.memory_space<vmem_shared>>
      tpu.wait_dma2 semaphore(%run_scoped3A_150 : memref<!tpu.dma_semaphore, #tpu.memory_space<semaphore_mem>>) src(%arg8 : memref<128x128xf32, #tpu.memory_space<vmem>>) dst(%dma_wait3A_158 : memref<128x128xf32, #tpu.memory_space<vmem_shared>>)
      tpu.yield
    }) : () -> ()
    %mul3A_14 = arith.constant 640 : i32
    %mul3A_15 = arith.muli %arg1, %mul3A_14 : i32
    %add3A_16 = arith.constant 256 : i32
    %add3A_17 = arith.addi %mul3A_15, %add3A_16 : i32
    "tpu.region"() ({
      %run_scoped3A_150 = tpu.sem_alloc : memref<!tpu.dma_semaphore, #tpu.memory_space<semaphore_mem>>
      %dma_start3A_151 = arith.constant 0 : i32
      %dma_start3A_152 = tpu.memref_slice %arg10[%add3A_17, %dma_start3A_151] : memref<10240x128xf32, #tpu.memory_space<vmem_shared>> -> memref<128x128xf32, #tpu.memory_space<vmem_shared>>
      %dma_start3A_153 = arith.constant 0 : i32
      %dma_start3A_154 = tpu.memref_slice %arg10[%add3A_17, %dma_start3A_153] : memref<10240x128xf32, #tpu.memory_space<vmem_shared>> -> memref<128x128xf32, #tpu.memory_space<vmem_shared>>
      tpu.enqueue_dma source(%arg8 : memref<128x128xf32, #tpu.memory_space<vmem>>) target(%dma_start3A_154 : memref<128x128xf32, #tpu.memory_space<vmem_shared>>) target_semaphore(%run_scoped3A_150 : memref<!tpu.dma_semaphore, #tpu.memory_space<semaphore_mem>>)
      %dma_wait3A_155 = arith.constant 0 : i32
      %dma_wait3A_156 = tpu.memref_slice %arg10[%add3A_17, %dma_wait3A_155] : memref<10240x128xf32, #tpu.memory_space<vmem_shared>> -> memref<128x128xf32, #tpu.memory_space<vmem_shared>>
      %dma_wait3A_157 = arith.constant 0 : i32
      %dma_wait3A_158 = tpu.memref_slice %arg10[%add3A_17, %dma_wait3A_157] : memref<10240x128xf32, #tpu.memory_space<vmem_shared>> -> memref<128x128xf32, #tpu.memory_space<vmem_shared>>
      tpu.wait_dma2 semaphore(%run_scoped3A_150 : memref<!tpu.dma_semaphore, #tpu.memory_space<semaphore_mem>>) src(%arg8 : memref<128x128xf32, #tpu.memory_space<vmem>>) dst(%dma_wait3A_158 : memref<128x128xf32, #tpu.memory_space<vmem_shared>>)
      tpu.yield
    }) : () -> ()
    %mul3A_18 = arith.constant 640 : i32
    %mul3A_19 = arith.muli %arg1, %mul3A_18 : i32
    %add3A_20 = arith.constant 384 : i32
    %add3A_21 = arith.addi %mul3A_19, %add3A_20 : i32
    "tpu.region"() ({
      %run_scoped3A_150 = tpu.sem_alloc : memref<!tpu.dma_semaphore, #tpu.memory_space<semaphore_mem>>
      %dma_start3A_151 = arith.constant 0 : i32
      %dma_start3A_152 = tpu.memref_slice %arg10[%add3A_21, %dma_start3A_151] : memref<10240x128xf32, #tpu.memory_space<vmem_shared>> -> memref<128x128xf32, #tpu.memory_space<vmem_shared>>
      %dma_start3A_153 = arith.constant 0 : i32
      %dma_start3A_154 = tpu.memref_slice %arg10[%add3A_21, %dma_start3A_153] : memref<10240x128xf32, #tpu.memory_space<vmem_shared>> -> memref<128x128xf32, #tpu.memory_space<vmem_shared>>
      tpu.enqueue_dma source(%arg8 : memref<128x128xf32, #tpu.memory_space<vmem>>) target(%dma_start3A_154 : memref<128x128xf32, #tpu.memory_space<vmem_shared>>) target_semaphore(%run_scoped3A_150 : memref<!tpu.dma_semaphore, #tpu.memory_space<semaphore_mem>>)
      %dma_wait3A_155 = arith.constant 0 : i32
      %dma_wait3A_156 = tpu.memref_slice %arg10[%add3A_21, %dma_wait3A_155] : memref<10240x128xf32, #tpu.memory_space<vmem_shared>> -> memref<128x128xf32, #tpu.memory_space<vmem_shared>>
      %dma_wait3A_157 = arith.constant 0 : i32
      %dma_wait3A_158 = tpu.memref_slice %arg10[%add3A_21, %dma_wait3A_157] : memref<10240x128xf32, #tpu.memory_space<vmem_shared>> -> memref<128x128xf32, #tpu.memory_space<vmem_shared>>
      tpu.wait_dma2 semaphore(%run_scoped3A_150 : memref<!tpu.dma_semaphore, #tpu.memory_space<semaphore_mem>>) src(%arg8 : memref<128x128xf32, #tpu.memory_space<vmem>>) dst(%dma_wait3A_158 : memref<128x128xf32, #tpu.memory_space<vmem_shared>>)
      tpu.yield
    }) : () -> ()
    %mul3A_22 = arith.constant 640 : i32
    %mul3A_23 = arith.muli %arg1, %mul3A_22 : i32
    %add3A_24 = arith.constant 512 : i32
    %add3A_25 = arith.addi %mul3A_23, %add3A_24 : i32
    "tpu.region"() ({
      %run_scoped3A_150 = tpu.sem_alloc : memref<!tpu.dma_semaphore, #tpu.memory_space<semaphore_mem>>
      %dma_start3A_151 = arith.constant 0 : i32
      %dma_start3A_152 = tpu.memref_slice %arg10[%add3A_25, %dma_start3A_151] : memref<10240x128xf32, #tpu.memory_space<vmem_shared>> -> memref<128x128xf32, #tpu.memory_space<vmem_shared>>
      %dma_start3A_153 = arith.constant 0 : i32
      %dma_start3A_154 = tpu.memref_slice %arg10[%add3A_25, %dma_start3A_153] : memref<10240x128xf32, #tpu.memory_space<vmem_shared>> -> memref<128x128xf32, #tpu.memory_space<vmem_shared>>
      tpu.enqueue_dma source(%arg8 : memref<128x128xf32, #tpu.memory_space<vmem>>) target(%dma_start3A_154 : memref<128x128xf32, #tpu.memory_space<vmem_shared>>) target_semaphore(%run_scoped3A_150 : memref<!tpu.dma_semaphore, #tpu.memory_space<semaphore_mem>>)
      %dma_wait3A_155 = arith.constant 0 : i32
      %dma_wait3A_156 = tpu.memref_slice %arg10[%add3A_25, %dma_wait3A_155] : memref<10240x128xf32, #tpu.memory_space<vmem_shared>> -> memref<128x128xf32, #tpu.memory_space<vmem_shared>>
      %dma_wait3A_157 = arith.constant 0 : i32
      %dma_wait3A_158 = tpu.memref_slice %arg10[%add3A_25, %dma_wait3A_157] : memref<10240x128xf32, #tpu.memory_space<vmem_shared>> -> memref<128x128xf32, #tpu.memory_space<vmem_shared>>
      tpu.wait_dma2 semaphore(%run_scoped3A_150 : memref<!tpu.dma_semaphore, #tpu.memory_space<semaphore_mem>>) src(%arg8 : memref<128x128xf32, #tpu.memory_space<vmem>>) dst(%dma_wait3A_158 : memref<128x128xf32, #tpu.memory_space<vmem_shared>>)
      tpu.yield
    }) : () -> ()
    %barrier3A = arith.constant 0 : index
    tpu.barrier barrier_id(%barrier3A)
    %ne3A = arith.constant 31 : i32
    %ne3A_26 = arith.cmpi ne, %add3A, %ne3A : i32
    %convert_element_type3A = arith.extui %ne3A_26 : i1 to i32
    %cond3A = arith.constant 0 : i32
    %cond3A_27 = arith.cmpi ne, %convert_element_type3A, %cond3A : i32
    scf.if %cond3A_27 {
      %mul3A_150 = arith.constant 80 : i32
      %mul3A_151 = arith.muli %add3A, %mul3A_150 : i32
      %add3A_152 = arith.constant 0 : i32
      %add3A_153 = arith.addi %mul3A_151, %add3A_152 : i32
      %run_scoped3A_154 = arith.constant 0 : i32
      "tpu.region"() ({
        %run_scoped3A_155 = tpu.sem_alloc : memref<!tpu.dma_semaphore, #tpu.memory_space<semaphore_mem>>
        %dma_start3A_156 = arith.constant 0 : i32
        %dma_start3A_157 = tpu.memref_slice %arg2[%run_scoped3A_154, %add3A_153, %dma_start3A_156] : memref<2x2500x128xi32, #tpu.memory_space<hbm>> -> memref<1x40x128xi32, #tpu.memory_space<hbm>>
        %dma_start3A_158 = tpu.memref_squeeze %dma_start3A_157 : memref<1x40x128xi32, #tpu.memory_space<hbm>> -> memref<40x128xi32, #tpu.memory_space<hbm>>
        %dma_start3A_159 = arith.constant 0 : i32
        %dma_start3A_160 = tpu.memref_slice %arg2[%run_scoped3A_154, %add3A_153, %dma_start3A_159] : memref<2x2500x128xi32, #tpu.memory_space<hbm>> -> memref<1x40x128xi32, #tpu.memory_space<hbm>>
        %dma_start3A_161 = tpu.memref_squeeze %dma_start3A_160 : memref<1x40x128xi32, #tpu.memory_space<hbm>> -> memref<40x128xi32, #tpu.memory_space<hbm>>
        tpu.enqueue_dma source(%dma_start3A_161 : memref<40x128xi32, #tpu.memory_space<hbm>>) target(%arg6 : memref<40x128xi32, #tpu.memory_space<vmem>>) target_semaphore(%run_scoped3A_155 : memref<!tpu.dma_semaphore, #tpu.memory_space<semaphore_mem>>)
        %dma_wait3A_162 = arith.constant 0 : i32
        %dma_wait3A_163 = tpu.memref_slice %arg2[%run_scoped3A_154, %add3A_153, %dma_wait3A_162] : memref<2x2500x128xi32, #tpu.memory_space<hbm>> -> memref<1x40x128xi32, #tpu.memory_space<hbm>>
        %dma_wait3A_164 = tpu.memref_squeeze %dma_wait3A_163 : memref<1x40x128xi32, #tpu.memory_space<hbm>> -> memref<40x128xi32, #tpu.memory_space<hbm>>
        %dma_wait3A_165 = arith.constant 0 : i32
        %dma_wait3A_166 = tpu.memref_slice %arg2[%run_scoped3A_154, %add3A_153, %dma_wait3A_165] : memref<2x2500x128xi32, #tpu.memory_space<hbm>> -> memref<1x40x128xi32, #tpu.memory_space<hbm>>
        %dma_wait3A_167 = tpu.memref_squeeze %dma_wait3A_166 : memref<1x40x128xi32, #tpu.memory_space<hbm>> -> memref<40x128xi32, #tpu.memory_space<hbm>>
        tpu.wait_dma2 semaphore(%run_scoped3A_155 : memref<!tpu.dma_semaphore, #tpu.memory_space<semaphore_mem>>) src(%dma_wait3A_167 : memref<40x128xi32, #tpu.memory_space<hbm>>) dst(%arg6 : memref<40x128xi32, #tpu.memory_space<vmem>>)
        tpu.yield
      }) : () -> ()
    } else {
    }
    %eq3A = arith.constant 31 : i32
    %eq3A_28 = arith.cmpi eq, %add3A, %eq3A : i32
    %convert_element_type3A_29 = arith.extui %eq3A_28 : i1 to i32
    %cond3A_30 = arith.constant 0 : i32
    %cond3A_31 = arith.cmpi ne, %convert_element_type3A_29, %cond3A_30 : i32
    scf.if %cond3A_31 {
      %run_scoped3A_150 = arith.constant 0 : i32
      "tpu.region"() ({
        %run_scoped3A_156 = tpu.sem_alloc : memref<!tpu.dma_semaphore, #tpu.memory_space<semaphore_mem>>
        %dma_start3A_157 = arith.constant 0 : i32
        %dma_start3A_158 = arith.constant 0 : i32
        %dma_start3A_159 = tpu.memref_slice %arg6[%dma_start3A_157, %dma_start3A_158] : memref<40x128xi32, #tpu.memory_space<vmem>> -> memref<20x128xi32, #tpu.memory_space<vmem>>
        %dma_start3A_160 = arith.constant 2480 : i32
        %dma_start3A_161 = arith.constant 0 : i32
        %dma_start3A_162 = tpu.memref_slice %arg2[%run_scoped3A_150, %dma_start3A_160, %dma_start3A_161] : memref<2x2500x128xi32, #tpu.memory_space<hbm>> -> memref<1x20x128xi32, #tpu.memory_space<hbm>>
        %dma_start3A_163 = tpu.memref_squeeze %dma_start3A_162 : memref<1x20x128xi32, #tpu.memory_space<hbm>> -> memref<20x128xi32, #tpu.memory_space<hbm>>
        %dma_start3A_164 = arith.constant 0 : i32
        %dma_start3A_165 = arith.constant 0 : i32
        %dma_start3A_166 = tpu.memref_slice %arg6[%dma_start3A_164, %dma_start3A_165] : memref<40x128xi32, #tpu.memory_space<vmem>> -> memref<20x128xi32, #tpu.memory_space<vmem>>
        %dma_start3A_167 = arith.constant 2480 : i32
        %dma_start3A_168 = arith.constant 0 : i32
        %dma_start3A_169 = tpu.memref_slice %arg2[%run_scoped3A_150, %dma_start3A_167, %dma_start3A_168] : memref<2x2500x128xi32, #tpu.memory_space<hbm>> -> memref<1x20x128xi32, #tpu.memory_space<hbm>>
        %dma_start3A_170 = tpu.memref_squeeze %dma_start3A_169 : memref<1x20x128xi32, #tpu.memory_space<hbm>> -> memref<20x128xi32, #tpu.memory_space<hbm>>
        tpu.enqueue_dma source(%dma_start3A_170 : memref<20x128xi32, #tpu.memory_space<hbm>>) target(%dma_start3A_166 : memref<20x128xi32, #tpu.memory_space<vmem>>) target_semaphore(%run_scoped3A_156 : memref<!tpu.dma_semaphore, #tpu.memory_space<semaphore_mem>>)
        %dma_wait3A_171 = arith.constant 0 : i32
        %dma_wait3A_172 = arith.constant 0 : i32
        %dma_wait3A_173 = tpu.memref_slice %arg6[%dma_wait3A_171, %dma_wait3A_172] : memref<40x128xi32, #tpu.memory_space<vmem>> -> memref<20x128xi32, #tpu.memory_space<vmem>>
        %dma_wait3A_174 = arith.constant 2480 : i32
        %dma_wait3A_175 = arith.constant 0 : i32
        %dma_wait3A_176 = tpu.memref_slice %arg2[%run_scoped3A_150, %dma_wait3A_174, %dma_wait3A_175] : memref<2x2500x128xi32, #tpu.memory_space<hbm>> -> memref<1x20x128xi32, #tpu.memory_space<hbm>>
        %dma_wait3A_177 = tpu.memref_squeeze %dma_wait3A_176 : memref<1x20x128xi32, #tpu.memory_space<hbm>> -> memref<20x128xi32, #tpu.memory_space<hbm>>
        %dma_wait3A_178 = arith.constant 0 : i32
        %dma_wait3A_179 = arith.constant 0 : i32
        %dma_wait3A_180 = tpu.memref_slice %arg6[%dma_wait3A_178, %dma_wait3A_179] : memref<40x128xi32, #tpu.memory_space<vmem>> -> memref<20x128xi32, #tpu.memory_space<vmem>>
        %dma_wait3A_181 = arith.constant 2480 : i32
        %dma_wait3A_182 = arith.constant 0 : i32
        %dma_wait3A_183 = tpu.memref_slice %arg2[%run_scoped3A_150, %dma_wait3A_181, %dma_wait3A_182] : memref<2x2500x128xi32, #tpu.memory_space<hbm>> -> memref<1x20x128xi32, #tpu.memory_space<hbm>>
        %dma_wait3A_184 = tpu.memref_squeeze %dma_wait3A_183 : memref<1x20x128xi32, #tpu.memory_space<hbm>> -> memref<20x128xi32, #tpu.memory_space<hbm>>
        tpu.wait_dma2 semaphore(%run_scoped3A_156 : memref<!tpu.dma_semaphore, #tpu.memory_space<semaphore_mem>>) src(%dma_wait3A_184 : memref<20x128xi32, #tpu.memory_space<hbm>>) dst(%dma_wait3A_180 : memref<20x128xi32, #tpu.memory_space<vmem>>)
        tpu.yield
      }) : () -> ()
      %iota3A = tpu.iota {dimensions = array<i32: 0>} : vector<16xi32>
      %scan3A_151 = arith.constant 0 : i32
      %scan3A_152 = arith.constant 20 : i32
      %scan3A_153 = arith.addi %scan3A_151, %scan3A_152 : i32
      %scan3A_154 = arith.constant 1 : i32
      scf.for %scan3A_156 = %scan3A_151 to %scan3A_153 step %scan3A_154  : i32 {
        %mul3A_157 = arith.constant 1 : i32
        %mul3A_158 = arith.muli %scan3A_156, %mul3A_157 : i32
        %add3A_159 = arith.constant 20 : i32
        %add3A_160 = arith.addi %add3A_159, %mul3A_158 : i32
        %mul3A_161 = arith.constant 128 : i32
        %mul3A_162 = arith.muli %add3A_160, %mul3A_161 : i32
        %add3A_163 = arith.constant 0 : i32
        %add3A_164 = arith.addi %mul3A_162, %add3A_163 : i32
        %add3A_165 = vector.broadcast %add3A_164 : i32 to vector<16xi32>
        %add3A_166 = arith.addi %add3A_165, %iota3A : vector<16xi32>
        %rem3A = arith.constant 240 : i32
        %rem3A_167 = vector.broadcast %rem3A : i32 to vector<16xi32>
        %rem3A_168 = arith.remsi %add3A_166, %rem3A_167 : vector<16xi32>
        %add3A_169 = arith.constant 10000 : i32
        %add3A_170 = vector.broadcast %add3A_169 : i32 to vector<16xi32>
        %add3A_171 = arith.addi %add3A_170, %rem3A_168 : vector<16xi32>
        %swap3A = arith.index_cast %add3A_160 : i32 to index
        %swap3A_172 = arith.constant 0 : index
        %swap3A_173 = tpu.vector_load %arg6[%swap3A, %swap3A_172] {strides = array<i32>} : memref<40x128xi32, #tpu.memory_space<vmem>>, vector<16xi32>,
        tpu.vector_store %arg6[%swap3A, %swap3A_172], %add3A_171 {strides = array<i32>} : memref<40x128xi32, #tpu.memory_space<vmem>>, vector<16xi32>,
        %mul3A_174 = arith.constant 128 : i32
        %mul3A_175 = arith.muli %add3A_160, %mul3A_174 : i32
        %add3A_176 = arith.constant 16 : i32
        %add3A_177 = arith.addi %mul3A_175, %add3A_176 : i32
        %add3A_178 = vector.broadcast %add3A_177 : i32 to vector<16xi32>
        %add3A_179 = arith.addi %add3A_178, %iota3A : vector<16xi32>
        %rem3A_180 = arith.constant 240 : i32
        %rem3A_181 = vector.broadcast %rem3A_180 : i32 to vector<16xi32>
        %rem3A_182 = arith.remsi %add3A_179, %rem3A_181 : vector<16xi32>
        %add3A_183 = arith.constant 10000 : i32
        %add3A_184 = vector.broadcast %add3A_183 : i32 to vector<16xi32>
        %add3A_185 = arith.addi %add3A_184, %rem3A_182 : vector<16xi32>
        %swap3A_186 = arith.index_cast %add3A_160 : i32 to index
        %swap3A_187 = arith.constant 16 : index
        %swap3A_188 = tpu.vector_load %arg6[%swap3A_186, %swap3A_187] {strides = array<i32>} : memref<40x128xi32, #tpu.memory_space<vmem>>, vector<16xi32>,
        tpu.vector_store %arg6[%swap3A_186, %swap3A_187], %add3A_185 {strides = array<i32>} : memref<40x128xi32, #tpu.memory_space<vmem>>, vector<16xi32>,
        %mul3A_189 = arith.constant 128 : i32
        %mul3A_190 = arith.muli %add3A_160, %mul3A_189 : i32
        %add3A_191 = arith.constant 32 : i32
        %add3A_192 = arith.addi %mul3A_190, %add3A_191 : i32
        %add3A_193 = vector.broadcast %add3A_192 : i32 to vector<16xi32>
        %add3A_194 = arith.addi %add3A_193, %iota3A : vector<16xi32>
        %rem3A_195 = arith.constant 240 : i32
        %rem3A_196 = vector.broadcast %rem3A_195 : i32 to vector<16xi32>
        %rem3A_197 = arith.remsi %add3A_194, %rem3A_196 : vector<16xi32>
        %add3A_198 = arith.constant 10000 : i32
        %add3A_199 = vector.broadcast %add3A_198 : i32 to vector<16xi32>
        %add3A_200 = arith.addi %add3A_199, %rem3A_197 : vector<16xi32>
        %swap3A_201 = arith.index_cast %add3A_160 : i32 to index
        %swap3A_202 = arith.constant 32 : index
        %swap3A_203 = tpu.vector_load %arg6[%swap3A_201, %swap3A_202] {strides = array<i32>} : memref<40x128xi32, #tpu.memory_space<vmem>>, vector<16xi32>,
        tpu.vector_store %arg6[%swap3A_201, %swap3A_202], %add3A_200 {strides = array<i32>} : memref<40x128xi32, #tpu.memory_space<vmem>>, vector<16xi32>,
        %mul3A_204 = arith.constant 128 : i32
        %mul3A_205 = arith.muli %add3A_160, %mul3A_204 : i32
        %add3A_206 = arith.constant 48 : i32
        %add3A_207 = arith.addi %mul3A_205, %add3A_206 : i32
        %add3A_208 = vector.broadcast %add3A_207 : i32 to vector<16xi32>
        %add3A_209 = arith.addi %add3A_208, %iota3A : vector<16xi32>
        %rem3A_210 = arith.constant 240 : i32
        %rem3A_211 = vector.broadcast %rem3A_210 : i32 to vector<16xi32>
        %rem3A_212 = arith.remsi %add3A_209, %rem3A_211 : vector<16xi32>
        %add3A_213 = arith.constant 10000 : i32
        %add3A_214 = vector.broadcast %add3A_213 : i32 to vector<16xi32>
        %add3A_215 = arith.addi %add3A_214, %rem3A_212 : vector<16xi32>
        %swap3A_216 = arith.index_cast %add3A_160 : i32 to index
        %swap3A_217 = arith.constant 48 : index
        %swap3A_218 = tpu.vector_load %arg6[%swap3A_216, %swap3A_217] {strides = array<i32>} : memref<40x128xi32, #tpu.memory_space<vmem>>, vector<16xi32>,
        tpu.vector_store %arg6[%swap3A_216, %swap3A_217], %add3A_215 {strides = array<i32>} : memref<40x128xi32, #tpu.memory_space<vmem>>, vector<16xi32>,
        %mul3A_219 = arith.constant 128 : i32
        %mul3A_220 = arith.muli %add3A_160, %mul3A_219 : i32
        %add3A_221 = arith.constant 64 : i32
        %add3A_222 = arith.addi %mul3A_220, %add3A_221 : i32
        %add3A_223 = vector.broadcast %add3A_222 : i32 to vector<16xi32>
        %add3A_224 = arith.addi %add3A_223, %iota3A : vector<16xi32>
        %rem3A_225 = arith.constant 240 : i32
        %rem3A_226 = vector.broadcast %rem3A_225 : i32 to vector<16xi32>
        %rem3A_227 = arith.remsi %add3A_224, %rem3A_226 : vector<16xi32>
        %add3A_228 = arith.constant 10000 : i32
        %add3A_229 = vector.broadcast %add3A_228 : i32 to vector<16xi32>
        %add3A_230 = arith.addi %add3A_229, %rem3A_227 : vector<16xi32>
        %swap3A_231 = arith.index_cast %add3A_160 : i32 to index
        %swap3A_232 = arith.constant 64 : index
        %swap3A_233 = tpu.vector_load %arg6[%swap3A_231, %swap3A_232] {strides = array<i32>} : memref<40x128xi32, #tpu.memory_space<vmem>>, vector<16xi32>,
        tpu.vector_store %arg6[%swap3A_231, %swap3A_232], %add3A_230 {strides = array<i32>} : memref<40x128xi32, #tpu.memory_space<vmem>>, vector<16xi32>,
        %mul3A_234 = arith.constant 128 : i32
        %mul3A_235 = arith.muli %add3A_160, %mul3A_234 : i32
        %add3A_236 = arith.constant 80 : i32
        %add3A_237 = arith.addi %mul3A_235, %add3A_236 : i32
        %add3A_238 = vector.broadcast %add3A_237 : i32 to vector<16xi32>
        %add3A_239 = arith.addi %add3A_238, %iota3A : vector<16xi32>
        %rem3A_240 = arith.constant 240 : i32
        %rem3A_241 = vector.broadcast %rem3A_240 : i32 to vector<16xi32>
        %rem3A_242 = arith.remsi %add3A_239, %rem3A_241 : vector<16xi32>
        %add3A_243 = arith.constant 10000 : i32
        %add3A_244 = vector.broadcast %add3A_243 : i32 to vector<16xi32>
        %add3A_245 = arith.addi %add3A_244, %rem3A_242 : vector<16xi32>
        %swap3A_246 = arith.index_cast %add3A_160 : i32 to index
        %swap3A_247 = arith.constant 80 : index
        %swap3A_248 = tpu.vector_load %arg6[%swap3A_246, %swap3A_247] {strides = array<i32>} : memref<40x128xi32, #tpu.memory_space<vmem>>, vector<16xi32>,
        tpu.vector_store %arg6[%swap3A_246, %swap3A_247], %add3A_245 {strides = array<i32>} : memref<40x128xi32, #tpu.memory_space<vmem>>, vector<16xi32>,
        %mul3A_249 = arith.constant 128 : i32
        %mul3A_250 = arith.muli %add3A_160, %mul3A_249 : i32
        %add3A_251 = arith.constant 96 : i32
        %add3A_252 = arith.addi %mul3A_250, %add3A_251 : i32
        %add3A_253 = vector.broadcast %add3A_252 : i32 to vector<16xi32>
        %add3A_254 = arith.addi %add3A_253, %iota3A : vector<16xi32>
        %rem3A_255 = arith.constant 240 : i32
        %rem3A_256 = vector.broadcast %rem3A_255 : i32 to vector<16xi32>
        %rem3A_257 = arith.remsi %add3A_254, %rem3A_256 : vector<16xi32>
        %add3A_258 = arith.constant 10000 : i32
        %add3A_259 = vector.broadcast %add3A_258 : i32 to vector<16xi32>
        %add3A_260 = arith.addi %add3A_259, %rem3A_257 : vector<16xi32>
        %swap3A_261 = arith.index_cast %add3A_160 : i32 to index
        %swap3A_262 = arith.constant 96 : index
        %swap3A_263 = tpu.vector_load %arg6[%swap3A_261, %swap3A_262] {strides = array<i32>} : memref<40x128xi32, #tpu.memory_space<vmem>>, vector<16xi32>,
        tpu.vector_store %arg6[%swap3A_261, %swap3A_262], %add3A_260 {strides = array<i32>} : memref<40x128xi32, #tpu.memory_space<vmem>>, vector<16xi32>,
        %mul3A_264 = arith.constant 128 : i32
        %mul3A_265 = arith.muli %add3A_160, %mul3A_264 : i32
        %add3A_266 = arith.constant 112 : i32
        %add3A_267 = arith.addi %mul3A_265, %add3A_266 : i32
        %add3A_268 = vector.broadcast %add3A_267 : i32 to vector<16xi32>
        %add3A_269 = arith.addi %add3A_268, %iota3A : vector<16xi32>
        %rem3A_270 = arith.constant 240 : i32
        %rem3A_271 = vector.broadcast %rem3A_270 : i32 to vector<16xi32>
        %rem3A_272 = arith.remsi %add3A_269, %rem3A_271 : vector<16xi32>
        %add3A_273 = arith.constant 10000 : i32
        %add3A_274 = vector.broadcast %add3A_273 : i32 to vector<16xi32>
        %add3A_275 = arith.addi %add3A_274, %rem3A_272 : vector<16xi32>
        %swap3A_276 = arith.index_cast %add3A_160 : i32 to index
        %swap3A_277 = arith.constant 112 : index
        %swap3A_278 = tpu.vector_load %arg6[%swap3A_276, %swap3A_277] {strides = array<i32>} : memref<40x128xi32, #tpu.memory_space<vmem>>, vector<16xi32>,
        tpu.vector_store %arg6[%swap3A_276, %swap3A_277], %add3A_275 {strides = array<i32>} : memref<40x128xi32, #tpu.memory_space<vmem>>, vector<16xi32>,
      }
      %scan3A_155 = arith.constant 20 : i32
    } else {
    }
    %ne3A_32 = arith.constant 31 : i32
    %ne3A_33 = arith.cmpi ne, %add3A, %ne3A_32 : i32
    %convert_element_type3A_34 = arith.extui %ne3A_33 : i1 to i32
    %cond3A_35 = arith.constant 0 : i32
    %cond3A_36 = arith.cmpi ne, %convert_element_type3A_34, %cond3A_35 : i32
    scf.if %cond3A_36 {
      %mul3A_150 = arith.constant 80 : i32
      %mul3A_151 = arith.muli %add3A, %mul3A_150 : i32
      %add3A_152 = arith.constant 0 : i32
      %add3A_153 = arith.addi %mul3A_151, %add3A_152 : i32
      %run_scoped3A_154 = arith.constant 1 : i32
      "tpu.region"() ({
        %run_scoped3A_155 = tpu.sem_alloc : memref<!tpu.dma_semaphore, #tpu.memory_space<semaphore_mem>>
        %dma_start3A_156 = arith.constant 0 : i32
        %dma_start3A_157 = tpu.memref_slice %arg2[%run_scoped3A_154, %add3A_153, %dma_start3A_156] : memref<2x2500x128xi32, #tpu.memory_space<hbm>> -> memref<1x40x128xi32, #tpu.memory_space<hbm>>
        %dma_start3A_158 = tpu.memref_squeeze %dma_start3A_157 : memref<1x40x128xi32, #tpu.memory_space<hbm>> -> memref<40x128xi32, #tpu.memory_space<hbm>>
        %dma_start3A_159 = arith.constant 0 : i32
        %dma_start3A_160 = tpu.memref_slice %arg2[%run_scoped3A_154, %add3A_153, %dma_start3A_159] : memref<2x2500x128xi32, #tpu.memory_space<hbm>> -> memref<1x40x128xi32, #tpu.memory_space<hbm>>
        %dma_start3A_161 = tpu.memref_squeeze %dma_start3A_160 : memref<1x40x128xi32, #tpu.memory_space<hbm>> -> memref<40x128xi32, #tpu.memory_space<hbm>>
        tpu.enqueue_dma source(%dma_start3A_161 : memref<40x128xi32, #tpu.memory_space<hbm>>) target(%arg7 : memref<40x128xi32, #tpu.memory_space<vmem>>) target_semaphore(%run_scoped3A_155 : memref<!tpu.dma_semaphore, #tpu.memory_space<semaphore_mem>>)
        %dma_wait3A_162 = arith.constant 0 : i32
        %dma_wait3A_163 = tpu.memref_slice %arg2[%run_scoped3A_154, %add3A_153, %dma_wait3A_162] : memref<2x2500x128xi32, #tpu.memory_space<hbm>> -> memref<1x40x128xi32, #tpu.memory_space<hbm>>
        %dma_wait3A_164 = tpu.memref_squeeze %dma_wait3A_163 : memref<1x40x128xi32, #tpu.memory_space<hbm>> -> memref<40x128xi32, #tpu.memory_space<hbm>>
        %dma_wait3A_165 = arith.constant 0 : i32
        %dma_wait3A_166 = tpu.memref_slice %arg2[%run_scoped3A_154, %add3A_153, %dma_wait3A_165] : memref<2x2500x128xi32, #tpu.memory_space<hbm>> -> memref<1x40x128xi32, #tpu.memory_space<hbm>>
        %dma_wait3A_167 = tpu.memref_squeeze %dma_wait3A_166 : memref<1x40x128xi32, #tpu.memory_space<hbm>> -> memref<40x128xi32, #tpu.memory_space<hbm>>
        tpu.wait_dma2 semaphore(%run_scoped3A_155 : memref<!tpu.dma_semaphore, #tpu.memory_space<semaphore_mem>>) src(%dma_wait3A_167 : memref<40x128xi32, #tpu.memory_space<hbm>>) dst(%arg7 : memref<40x128xi32, #tpu.memory_space<vmem>>)
        tpu.yield
      }) : () -> ()
    } else {
    }
    %eq3A_37 = arith.constant 31 : i32
    %eq3A_38 = arith.cmpi eq, %add3A, %eq3A_37 : i32
    %convert_element_type3A_39 = arith.extui %eq3A_38 : i1 to i32
    %cond3A_40 = arith.constant 0 : i32
    %cond3A_41 = arith.cmpi ne, %convert_element_type3A_39, %cond3A_40 : i32
    scf.if %cond3A_41 {
      %run_scoped3A_150 = arith.constant 1 : i32
      "tpu.region"() ({
        %run_scoped3A_156 = tpu.sem_alloc : memref<!tpu.dma_semaphore, #tpu.memory_space<semaphore_mem>>
        %dma_start3A_157 = arith.constant 0 : i32
        %dma_start3A_158 = arith.constant 0 : i32
        %dma_start3A_159 = tpu.memref_slice %arg7[%dma_start3A_157, %dma_start3A_158] : memref<40x128xi32, #tpu.memory_space<vmem>> -> memref<20x128xi32, #tpu.memory_space<vmem>>
        %dma_start3A_160 = arith.constant 2480 : i32
        %dma_start3A_161 = arith.constant 0 : i32
        %dma_start3A_162 = tpu.memref_slice %arg2[%run_scoped3A_150, %dma_start3A_160, %dma_start3A_161] : memref<2x2500x128xi32, #tpu.memory_space<hbm>> -> memref<1x20x128xi32, #tpu.memory_space<hbm>>
        %dma_start3A_163 = tpu.memref_squeeze %dma_start3A_162 : memref<1x20x128xi32, #tpu.memory_space<hbm>> -> memref<20x128xi32, #tpu.memory_space<hbm>>
        %dma_start3A_164 = arith.constant 0 : i32
        %dma_start3A_165 = arith.constant 0 : i32
        %dma_start3A_166 = tpu.memref_slice %arg7[%dma_start3A_164, %dma_start3A_165] : memref<40x128xi32, #tpu.memory_space<vmem>> -> memref<20x128xi32, #tpu.memory_space<vmem>>
        %dma_start3A_167 = arith.constant 2480 : i32
        %dma_start3A_168 = arith.constant 0 : i32
        %dma_start3A_169 = tpu.memref_slice %arg2[%run_scoped3A_150, %dma_start3A_167, %dma_start3A_168] : memref<2x2500x128xi32, #tpu.memory_space<hbm>> -> memref<1x20x128xi32, #tpu.memory_space<hbm>>
        %dma_start3A_170 = tpu.memref_squeeze %dma_start3A_169 : memref<1x20x128xi32, #tpu.memory_space<hbm>> -> memref<20x128xi32, #tpu.memory_space<hbm>>
        tpu.enqueue_dma source(%dma_start3A_170 : memref<20x128xi32, #tpu.memory_space<hbm>>) target(%dma_start3A_166 : memref<20x128xi32, #tpu.memory_space<vmem>>) target_semaphore(%run_scoped3A_156 : memref<!tpu.dma_semaphore, #tpu.memory_space<semaphore_mem>>)
        %dma_wait3A_171 = arith.constant 0 : i32
        %dma_wait3A_172 = arith.constant 0 : i32
        %dma_wait3A_173 = tpu.memref_slice %arg7[%dma_wait3A_171, %dma_wait3A_172] : memref<40x128xi32, #tpu.memory_space<vmem>> -> memref<20x128xi32, #tpu.memory_space<vmem>>
        %dma_wait3A_174 = arith.constant 2480 : i32
        %dma_wait3A_175 = arith.constant 0 : i32
        %dma_wait3A_176 = tpu.memref_slice %arg2[%run_scoped3A_150, %dma_wait3A_174, %dma_wait3A_175] : memref<2x2500x128xi32, #tpu.memory_space<hbm>> -> memref<1x20x128xi32, #tpu.memory_space<hbm>>
        %dma_wait3A_177 = tpu.memref_squeeze %dma_wait3A_176 : memref<1x20x128xi32, #tpu.memory_space<hbm>> -> memref<20x128xi32, #tpu.memory_space<hbm>>
        %dma_wait3A_178 = arith.constant 0 : i32
        %dma_wait3A_179 = arith.constant 0 : i32
        %dma_wait3A_180 = tpu.memref_slice %arg7[%dma_wait3A_178, %dma_wait3A_179] : memref<40x128xi32, #tpu.memory_space<vmem>> -> memref<20x128xi32, #tpu.memory_space<vmem>>
        %dma_wait3A_181 = arith.constant 2480 : i32
        %dma_wait3A_182 = arith.constant 0 : i32
        %dma_wait3A_183 = tpu.memref_slice %arg2[%run_scoped3A_150, %dma_wait3A_181, %dma_wait3A_182] : memref<2x2500x128xi32, #tpu.memory_space<hbm>> -> memref<1x20x128xi32, #tpu.memory_space<hbm>>
        %dma_wait3A_184 = tpu.memref_squeeze %dma_wait3A_183 : memref<1x20x128xi32, #tpu.memory_space<hbm>> -> memref<20x128xi32, #tpu.memory_space<hbm>>
        tpu.wait_dma2 semaphore(%run_scoped3A_156 : memref<!tpu.dma_semaphore, #tpu.memory_space<semaphore_mem>>) src(%dma_wait3A_184 : memref<20x128xi32, #tpu.memory_space<hbm>>) dst(%dma_wait3A_180 : memref<20x128xi32, #tpu.memory_space<vmem>>)
        tpu.yield
      }) : () -> ()
      %iota3A = tpu.iota {dimensions = array<i32: 0>} : vector<16xi32>
      %scan3A_151 = arith.constant 0 : i32
      %scan3A_152 = arith.constant 20 : i32
      %scan3A_153 = arith.addi %scan3A_151, %scan3A_152 : i32
      %scan3A_154 = arith.constant 1 : i32
      scf.for %scan3A_156 = %scan3A_151 to %scan3A_153 step %scan3A_154  : i32 {
        %mul3A_157 = arith.constant 1 : i32
        %mul3A_158 = arith.muli %scan3A_156, %mul3A_157 : i32
        %add3A_159 = arith.constant 20 : i32
        %add3A_160 = arith.addi %add3A_159, %mul3A_158 : i32
        %mul3A_161 = arith.constant 128 : i32
        %mul3A_162 = arith.muli %add3A_160, %mul3A_161 : i32
        %add3A_163 = arith.constant 0 : i32
        %add3A_164 = arith.addi %mul3A_162, %add3A_163 : i32
        %add3A_165 = vector.broadcast %add3A_164 : i32 to vector<16xi32>
        %add3A_166 = arith.addi %add3A_165, %iota3A : vector<16xi32>
        %rem3A = arith.constant 240 : i32
        %rem3A_167 = vector.broadcast %rem3A : i32 to vector<16xi32>
        %rem3A_168 = arith.remsi %add3A_166, %rem3A_167 : vector<16xi32>
        %add3A_169 = arith.constant 10000 : i32
        %add3A_170 = vector.broadcast %add3A_169 : i32 to vector<16xi32>
        %add3A_171 = arith.addi %add3A_170, %rem3A_168 : vector<16xi32>
        %swap3A = arith.index_cast %add3A_160 : i32 to index
        %swap3A_172 = arith.constant 0 : index
        %swap3A_173 = tpu.vector_load %arg7[%swap3A, %swap3A_172] {strides = array<i32>} : memref<40x128xi32, #tpu.memory_space<vmem>>, vector<16xi32>,
        tpu.vector_store %arg7[%swap3A, %swap3A_172], %add3A_171 {strides = array<i32>} : memref<40x128xi32, #tpu.memory_space<vmem>>, vector<16xi32>,
        %mul3A_174 = arith.constant 128 : i32
        %mul3A_175 = arith.muli %add3A_160, %mul3A_174 : i32
        %add3A_176 = arith.constant 16 : i32
        %add3A_177 = arith.addi %mul3A_175, %add3A_176 : i32
        %add3A_178 = vector.broadcast %add3A_177 : i32 to vector<16xi32>
        %add3A_179 = arith.addi %add3A_178, %iota3A : vector<16xi32>
        %rem3A_180 = arith.constant 240 : i32
        %rem3A_181 = vector.broadcast %rem3A_180 : i32 to vector<16xi32>
        %rem3A_182 = arith.remsi %add3A_179, %rem3A_181 : vector<16xi32>
        %add3A_183 = arith.constant 10000 : i32
        %add3A_184 = vector.broadcast %add3A_183 : i32 to vector<16xi32>
        %add3A_185 = arith.addi %add3A_184, %rem3A_182 : vector<16xi32>
        %swap3A_186 = arith.index_cast %add3A_160 : i32 to index
        %swap3A_187 = arith.constant 16 : index
        %swap3A_188 = tpu.vector_load %arg7[%swap3A_186, %swap3A_187] {strides = array<i32>} : memref<40x128xi32, #tpu.memory_space<vmem>>, vector<16xi32>,
        tpu.vector_store %arg7[%swap3A_186, %swap3A_187], %add3A_185 {strides = array<i32>} : memref<40x128xi32, #tpu.memory_space<vmem>>, vector<16xi32>,
        %mul3A_189 = arith.constant 128 : i32
        %mul3A_190 = arith.muli %add3A_160, %mul3A_189 : i32
        %add3A_191 = arith.constant 32 : i32
        %add3A_192 = arith.addi %mul3A_190, %add3A_191 : i32
        %add3A_193 = vector.broadcast %add3A_192 : i32 to vector<16xi32>
        %add3A_194 = arith.addi %add3A_193, %iota3A : vector<16xi32>
        %rem3A_195 = arith.constant 240 : i32
        %rem3A_196 = vector.broadcast %rem3A_195 : i32 to vector<16xi32>
        %rem3A_197 = arith.remsi %add3A_194, %rem3A_196 : vector<16xi32>
        %add3A_198 = arith.constant 10000 : i32
        %add3A_199 = vector.broadcast %add3A_198 : i32 to vector<16xi32>
        %add3A_200 = arith.addi %add3A_199, %rem3A_197 : vector<16xi32>
        %swap3A_201 = arith.index_cast %add3A_160 : i32 to index
        %swap3A_202 = arith.constant 32 : index
        %swap3A_203 = tpu.vector_load %arg7[%swap3A_201, %swap3A_202] {strides = array<i32>} : memref<40x128xi32, #tpu.memory_space<vmem>>, vector<16xi32>,
        tpu.vector_store %arg7[%swap3A_201, %swap3A_202], %add3A_200 {strides = array<i32>} : memref<40x128xi32, #tpu.memory_space<vmem>>, vector<16xi32>,
        %mul3A_204 = arith.constant 128 : i32
        %mul3A_205 = arith.muli %add3A_160, %mul3A_204 : i32
        %add3A_206 = arith.constant 48 : i32
        %add3A_207 = arith.addi %mul3A_205, %add3A_206 : i32
        %add3A_208 = vector.broadcast %add3A_207 : i32 to vector<16xi32>
        %add3A_209 = arith.addi %add3A_208, %iota3A : vector<16xi32>
        %rem3A_210 = arith.constant 240 : i32
        %rem3A_211 = vector.broadcast %rem3A_210 : i32 to vector<16xi32>
        %rem3A_212 = arith.remsi %add3A_209, %rem3A_211 : vector<16xi32>
        %add3A_213 = arith.constant 10000 : i32
        %add3A_214 = vector.broadcast %add3A_213 : i32 to vector<16xi32>
        %add3A_215 = arith.addi %add3A_214, %rem3A_212 : vector<16xi32>
        %swap3A_216 = arith.index_cast %add3A_160 : i32 to index
        %swap3A_217 = arith.constant 48 : index
        %swap3A_218 = tpu.vector_load %arg7[%swap3A_216, %swap3A_217] {strides = array<i32>} : memref<40x128xi32, #tpu.memory_space<vmem>>, vector<16xi32>,
        tpu.vector_store %arg7[%swap3A_216, %swap3A_217], %add3A_215 {strides = array<i32>} : memref<40x128xi32, #tpu.memory_space<vmem>>, vector<16xi32>,
        %mul3A_219 = arith.constant 128 : i32
        %mul3A_220 = arith.muli %add3A_160, %mul3A_219 : i32
        %add3A_221 = arith.constant 64 : i32
        %add3A_222 = arith.addi %mul3A_220, %add3A_221 : i32
        %add3A_223 = vector.broadcast %add3A_222 : i32 to vector<16xi32>
        %add3A_224 = arith.addi %add3A_223, %iota3A : vector<16xi32>
        %rem3A_225 = arith.constant 240 : i32
        %rem3A_226 = vector.broadcast %rem3A_225 : i32 to vector<16xi32>
        %rem3A_227 = arith.remsi %add3A_224, %rem3A_226 : vector<16xi32>
        %add3A_228 = arith.constant 10000 : i32
        %add3A_229 = vector.broadcast %add3A_228 : i32 to vector<16xi32>
        %add3A_230 = arith.addi %add3A_229, %rem3A_227 : vector<16xi32>
        %swap3A_231 = arith.index_cast %add3A_160 : i32 to index
        %swap3A_232 = arith.constant 64 : index
        %swap3A_233 = tpu.vector_load %arg7[%swap3A_231, %swap3A_232] {strides = array<i32>} : memref<40x128xi32, #tpu.memory_space<vmem>>, vector<16xi32>,
        tpu.vector_store %arg7[%swap3A_231, %swap3A_232], %add3A_230 {strides = array<i32>} : memref<40x128xi32, #tpu.memory_space<vmem>>, vector<16xi32>,
        %mul3A_234 = arith.constant 128 : i32
        %mul3A_235 = arith.muli %add3A_160, %mul3A_234 : i32
        %add3A_236 = arith.constant 80 : i32
        %add3A_237 = arith.addi %mul3A_235, %add3A_236 : i32
        %add3A_238 = vector.broadcast %add3A_237 : i32 to vector<16xi32>
        %add3A_239 = arith.addi %add3A_238, %iota3A : vector<16xi32>
        %rem3A_240 = arith.constant 240 : i32
        %rem3A_241 = vector.broadcast %rem3A_240 : i32 to vector<16xi32>
        %rem3A_242 = arith.remsi %add3A_239, %rem3A_241 : vector<16xi32>
        %add3A_243 = arith.constant 10000 : i32
        %add3A_244 = vector.broadcast %add3A_243 : i32 to vector<16xi32>
        %add3A_245 = arith.addi %add3A_244, %rem3A_242 : vector<16xi32>
        %swap3A_246 = arith.index_cast %add3A_160 : i32 to index
        %swap3A_247 = arith.constant 80 : index
        %swap3A_248 = tpu.vector_load %arg7[%swap3A_246, %swap3A_247] {strides = array<i32>} : memref<40x128xi32, #tpu.memory_space<vmem>>, vector<16xi32>,
        tpu.vector_store %arg7[%swap3A_246, %swap3A_247], %add3A_245 {strides = array<i32>} : memref<40x128xi32, #tpu.memory_space<vmem>>, vector<16xi32>,
        %mul3A_249 = arith.constant 128 : i32
        %mul3A_250 = arith.muli %add3A_160, %mul3A_249 : i32
        %add3A_251 = arith.constant 96 : i32
        %add3A_252 = arith.addi %mul3A_250, %add3A_251 : i32
        %add3A_253 = vector.broadcast %add3A_252 : i32 to vector<16xi32>
        %add3A_254 = arith.addi %add3A_253, %iota3A : vector<16xi32>
        %rem3A_255 = arith.constant 240 : i32
        %rem3A_256 = vector.broadcast %rem3A_255 : i32 to vector<16xi32>
        %rem3A_257 = arith.remsi %add3A_254, %rem3A_256 : vector<16xi32>
        %add3A_258 = arith.constant 10000 : i32
        %add3A_259 = vector.broadcast %add3A_258 : i32 to vector<16xi32>
        %add3A_260 = arith.addi %add3A_259, %rem3A_257 : vector<16xi32>
        %swap3A_261 = arith.index_cast %add3A_160 : i32 to index
        %swap3A_262 = arith.constant 96 : index
        %swap3A_263 = tpu.vector_load %arg7[%swap3A_261, %swap3A_262] {strides = array<i32>} : memref<40x128xi32, #tpu.memory_space<vmem>>, vector<16xi32>,
        tpu.vector_store %arg7[%swap3A_261, %swap3A_262], %add3A_260 {strides = array<i32>} : memref<40x128xi32, #tpu.memory_space<vmem>>, vector<16xi32>,
        %mul3A_264 = arith.constant 128 : i32
        %mul3A_265 = arith.muli %add3A_160, %mul3A_264 : i32
        %add3A_266 = arith.constant 112 : i32
        %add3A_267 = arith.addi %mul3A_265, %add3A_266 : i32
        %add3A_268 = vector.broadcast %add3A_267 : i32 to vector<16xi32>
        %add3A_269 = arith.addi %add3A_268, %iota3A : vector<16xi32>
        %rem3A_270 = arith.constant 240 : i32
        %rem3A_271 = vector.broadcast %rem3A_270 : i32 to vector<16xi32>
        %rem3A_272 = arith.remsi %add3A_269, %rem3A_271 : vector<16xi32>
        %add3A_273 = arith.constant 10000 : i32
        %add3A_274 = vector.broadcast %add3A_273 : i32 to vector<16xi32>
        %add3A_275 = arith.addi %add3A_274, %rem3A_272 : vector<16xi32>
        %swap3A_276 = arith.index_cast %add3A_160 : i32 to index
        %swap3A_277 = arith.constant 112 : index
        %swap3A_278 = tpu.vector_load %arg7[%swap3A_276, %swap3A_277] {strides = array<i32>} : memref<40x128xi32, #tpu.memory_space<vmem>>, vector<16xi32>,
        tpu.vector_store %arg7[%swap3A_276, %swap3A_277], %add3A_275 {strides = array<i32>} : memref<40x128xi32, #tpu.memory_space<vmem>>, vector<16xi32>,
      }
      %scan3A_155 = arith.constant 20 : i32
    } else {
    }
    %dma_start3A = arith.constant 0 : i32
    %dma_start3A_42 = arith.constant 0 : i32
    %dma_start3A_43 = tpu.memref_slice %arg6[%dma_start3A, %dma_start3A_42] : memref<40x128xi32, #tpu.memory_space<vmem>> -> memref<1x128xi32, #tpu.memory_space<vmem>>
    %dma_start3A_44 = tpu.memref_squeeze %dma_start3A_43 : memref<1x128xi32, #tpu.memory_space<vmem>> -> memref<128xi32, #tpu.memory_space<vmem>>
    %dma_start3A_45 = arith.constant 0 : i32
    %dma_start3A_46 = arith.constant 0 : i32
    %dma_start3A_47 = tpu.memref_slice %arg3[%dma_start3A_45, %dma_start3A_46] : memref<10240x128xf32, #tpu.memory_space<hbm>> -> memref<10240x128xf32, #tpu.memory_space<hbm>>
    tpu.enqueue_indirect_dma source(%dma_start3A_47 : memref<10240x128xf32, #tpu.memory_space<hbm>>) target(%arg8 : memref<128x128xf32, #tpu.memory_space<vmem>>) offsets(%dma_start3A_44 : memref<128xi32, #tpu.memory_space<vmem>>) semaphore(%arg11 : memref<!tpu.dma_semaphore, #tpu.memory_space<semaphore_mem>>)
    %scan3A_48 = arith.constant 0 : i32
    %scan3A_49 = arith.constant 19 : i32
    %scan3A_50 = arith.addi %scan3A_48, %scan3A_49 : i32
    %scan3A_51 = arith.constant 1 : i32
    scf.for %scan3A_150 = %scan3A_48 to %scan3A_50 step %scan3A_51  : i32 {
      %mul3A_151 = arith.constant 1 : i32
      %mul3A_152 = arith.muli %scan3A_150, %mul3A_151 : i32
      %add3A_153 = arith.constant 0 : i32
      %add3A_154 = arith.addi %add3A_153, %mul3A_152 : i32
      %mul3A_155 = arith.constant 2 : i32
      %mul3A_156 = arith.muli %mul3A_155, %add3A_154 : i32
      %add3A_157 = arith.constant 1 : i32
      %add3A_158 = arith.addi %mul3A_156, %add3A_157 : i32
      %dma_start3A_159 = arith.constant 0 : i32
      %dma_start3A_160 = tpu.memref_slice %arg6[%add3A_158, %dma_start3A_159] : memref<40x128xi32, #tpu.memory_space<vmem>> -> memref<1x128xi32, #tpu.memory_space<vmem>>
      %dma_start3A_161 = tpu.memref_squeeze %dma_start3A_160 : memref<1x128xi32, #tpu.memory_space<vmem>> -> memref<128xi32, #tpu.memory_space<vmem>>
      %dma_start3A_162 = arith.constant 0 : i32
      %dma_start3A_163 = arith.constant 0 : i32
      %dma_start3A_164 = tpu.memref_slice %arg3[%dma_start3A_162, %dma_start3A_163] : memref<10240x128xf32, #tpu.memory_space<hbm>> -> memref<10240x128xf32, #tpu.memory_space<hbm>>
      tpu.enqueue_indirect_dma source(%dma_start3A_164 : memref<10240x128xf32, #tpu.memory_space<hbm>>) target(%arg9 : memref<128x128xf32, #tpu.memory_space<vmem>>) offsets(%dma_start3A_161 : memref<128xi32, #tpu.memory_space<vmem>>) semaphore(%arg12 : memref<!tpu.dma_semaphore, #tpu.memory_space<semaphore_mem>>)
      %dma_wait3A_165 = arith.constant 0 : i32
      %dma_wait3A_166 = tpu.memref_slice %arg6[%mul3A_156, %dma_wait3A_165] : memref<40x128xi32, #tpu.memory_space<vmem>> -> memref<1x128xi32, #tpu.memory_space<vmem>>
      %dma_wait3A_167 = tpu.memref_squeeze %dma_wait3A_166 : memref<1x128xi32, #tpu.memory_space<vmem>> -> memref<128xi32, #tpu.memory_space<vmem>>
      %dma_wait3A_168 = arith.constant 0 : i32
      %dma_wait3A_169 = arith.constant 0 : i32
      %dma_wait3A_170 = tpu.memref_slice %arg3[%dma_wait3A_168, %dma_wait3A_169] : memref<10240x128xf32, #tpu.memory_space<hbm>> -> memref<10240x128xf32, #tpu.memory_space<hbm>>
      tpu.wait_indirect_dma semaphore(%arg11 : memref<!tpu.dma_semaphore, #tpu.memory_space<semaphore_mem>>) src(%dma_wait3A_170 : memref<10240x128xf32, #tpu.memory_space<hbm>>) dst(%arg8 : memref<128x128xf32, #tpu.memory_space<vmem>>)
      "tpu.region"() ({
        %run_scoped3A_189 = tpu.sem_alloc : memref<!tpu.dma_semaphore, #tpu.memory_space<semaphore_mem>>
        %dma_start3A_190 = arith.constant 0 : i32
        %dma_start3A_191 = tpu.memref_slice %arg7[%mul3A_156, %dma_start3A_190] : memref<40x128xi32, #tpu.memory_space<vmem>> -> memref<1x128xi32, #tpu.memory_space<vmem>>
        %dma_start3A_192 = tpu.memref_squeeze %dma_start3A_191 : memref<1x128xi32, #tpu.memory_space<vmem>> -> memref<128xi32, #tpu.memory_space<vmem>>
        %dma_start3A_193 = arith.constant 0 : i32
        %dma_start3A_194 = arith.constant 0 : i32
        %dma_start3A_195 = tpu.memref_slice %arg10[%dma_start3A_193, %dma_start3A_194] : memref<10240x128xf32, #tpu.memory_space<vmem_shared>> -> memref<10240x128xf32, #tpu.memory_space<vmem_shared>>
        tpu.enqueue_indirect_dma source(%arg8 : memref<128x128xf32, #tpu.memory_space<vmem>>) target(%dma_start3A_195 : memref<10240x128xf32, #tpu.memory_space<vmem_shared>>) offsets(%dma_start3A_192 : memref<128xi32, #tpu.memory_space<vmem>>) semaphore(%run_scoped3A_189 : memref<!tpu.dma_semaphore, #tpu.memory_space<semaphore_mem>>) {add = true}
        %dma_wait3A_196 = arith.constant 0 : i32
        %dma_wait3A_197 = tpu.memref_slice %arg7[%mul3A_156, %dma_wait3A_196] : memref<40x128xi32, #tpu.memory_space<vmem>> -> memref<1x128xi32, #tpu.memory_space<vmem>>
        %dma_wait3A_198 = tpu.memref_squeeze %dma_wait3A_197 : memref<1x128xi32, #tpu.memory_space<vmem>> -> memref<128xi32, #tpu.memory_space<vmem>>
        %dma_wait3A_199 = arith.constant 0 : i32
        %dma_wait3A_200 = arith.constant 0 : i32
        %dma_wait3A_201 = tpu.memref_slice %arg10[%dma_wait3A_199, %dma_wait3A_200] : memref<10240x128xf32, #tpu.memory_space<vmem_shared>> -> memref<10240x128xf32, #tpu.memory_space<vmem_shared>>
        tpu.wait_indirect_dma semaphore(%run_scoped3A_189 : memref<!tpu.dma_semaphore, #tpu.memory_space<semaphore_mem>>) src(%arg8 : memref<128x128xf32, #tpu.memory_space<vmem>>) dst(%dma_wait3A_201 : memref<10240x128xf32, #tpu.memory_space<vmem_shared>>)
        tpu.yield
      }) : () -> ()
      %add3A_171 = arith.constant 2 : i32
      %add3A_172 = arith.addi %mul3A_156, %add3A_171 : i32
      %dma_start3A_173 = arith.constant 0 : i32
      %dma_start3A_174 = tpu.memref_slice %arg6[%add3A_172, %dma_start3A_173] : memref<40x128xi32, #tpu.memory_space<vmem>> -> memref<1x128xi32, #tpu.memory_space<vmem>>
      %dma_start3A_175 = tpu.memref_squeeze %dma_start3A_174 : memref<1x128xi32, #tpu.memory_space<vmem>> -> memref<128xi32, #tpu.memory_space<vmem>>
      %dma_start3A_176 = arith.constant 0 : i32
      %dma_start3A_177 = arith.constant 0 : i32
      %dma_start3A_178 = tpu.memref_slice %arg3[%dma_start3A_176, %dma_start3A_177] : memref<10240x128xf32, #tpu.memory_space<hbm>> -> memref<10240x128xf32, #tpu.memory_space<hbm>>
      tpu.enqueue_indirect_dma source(%dma_start3A_178 : memref<10240x128xf32, #tpu.memory_space<hbm>>) target(%arg8 : memref<128x128xf32, #tpu.memory_space<vmem>>) offsets(%dma_start3A_175 : memref<128xi32, #tpu.memory_space<vmem>>) semaphore(%arg11 : memref<!tpu.dma_semaphore, #tpu.memory_space<semaphore_mem>>)
      %add3A_179 = arith.constant 1 : i32
      %add3A_180 = arith.addi %mul3A_156, %add3A_179 : i32
      %dma_wait3A_181 = arith.constant 0 : i32
      %dma_wait3A_182 = tpu.memref_slice %arg6[%add3A_180, %dma_wait3A_181] : memref<40x128xi32, #tpu.memory_space<vmem>> -> memref<1x128xi32, #tpu.memory_space<vmem>>
      %dma_wait3A_183 = tpu.memref_squeeze %dma_wait3A_182 : memref<1x128xi32, #tpu.memory_space<vmem>> -> memref<128xi32, #tpu.memory_space<vmem>>
      %dma_wait3A_184 = arith.constant 0 : i32
      %dma_wait3A_185 = arith.constant 0 : i32
      %dma_wait3A_186 = tpu.memref_slice %arg3[%dma_wait3A_184, %dma_wait3A_185] : memref<10240x128xf32, #tpu.memory_space<hbm>> -> memref<10240x128xf32, #tpu.memory_space<hbm>>
      tpu.wait_indirect_dma semaphore(%arg12 : memref<!tpu.dma_semaphore, #tpu.memory_space<semaphore_mem>>) src(%dma_wait3A_186 : memref<10240x128xf32, #tpu.memory_space<hbm>>) dst(%arg9 : memref<128x128xf32, #tpu.memory_space<vmem>>)
      %add3A_187 = arith.constant 1 : i32
      %add3A_188 = arith.addi %mul3A_156, %add3A_187 : i32
      "tpu.region"() ({
        %run_scoped3A_189 = tpu.sem_alloc : memref<!tpu.dma_semaphore, #tpu.memory_space<semaphore_mem>>
        %dma_start3A_190 = arith.constant 0 : i32
        %dma_start3A_191 = tpu.memref_slice %arg7[%add3A_188, %dma_start3A_190] : memref<40x128xi32, #tpu.memory_space<vmem>> -> memref<1x128xi32, #tpu.memory_space<vmem>>
        %dma_start3A_192 = tpu.memref_squeeze %dma_start3A_191 : memref<1x128xi32, #tpu.memory_space<vmem>> -> memref<128xi32, #tpu.memory_space<vmem>>
        %dma_start3A_193 = arith.constant 0 : i32
        %dma_start3A_194 = arith.constant 0 : i32
        %dma_start3A_195 = tpu.memref_slice %arg10[%dma_start3A_193, %dma_start3A_194] : memref<10240x128xf32, #tpu.memory_space<vmem_shared>> -> memref<10240x128xf32, #tpu.memory_space<vmem_shared>>
        tpu.enqueue_indirect_dma source(%arg9 : memref<128x128xf32, #tpu.memory_space<vmem>>) target(%dma_start3A_195 : memref<10240x128xf32, #tpu.memory_space<vmem_shared>>) offsets(%dma_start3A_192 : memref<128xi32, #tpu.memory_space<vmem>>) semaphore(%run_scoped3A_189 : memref<!tpu.dma_semaphore, #tpu.memory_space<semaphore_mem>>) {add = true}
        %dma_wait3A_196 = arith.constant 0 : i32
        %dma_wait3A_197 = tpu.memref_slice %arg7[%add3A_188, %dma_wait3A_196] : memref<40x128xi32, #tpu.memory_space<vmem>> -> memref<1x128xi32, #tpu.memory_space<vmem>>
        %dma_wait3A_198 = tpu.memref_squeeze %dma_wait3A_197 : memref<1x128xi32, #tpu.memory_space<vmem>> -> memref<128xi32, #tpu.memory_space<vmem>>
        %dma_wait3A_199 = arith.constant 0 : i32
        %dma_wait3A_200 = arith.constant 0 : i32
        %dma_wait3A_201 = tpu.memref_slice %arg10[%dma_wait3A_199, %dma_wait3A_200] : memref<10240x128xf32, #tpu.memory_space<vmem_shared>> -> memref<10240x128xf32, #tpu.memory_space<vmem_shared>>
        tpu.wait_indirect_dma semaphore(%run_scoped3A_189 : memref<!tpu.dma_semaphore, #tpu.memory_space<semaphore_mem>>) src(%arg9 : memref<128x128xf32, #tpu.memory_space<vmem>>) dst(%dma_wait3A_201 : memref<10240x128xf32, #tpu.memory_space<vmem_shared>>)
        tpu.yield
      }) : () -> ()
    }
    %scan3A_52 = arith.constant 19 : i32
    %dma_start3A_53 = arith.constant 39 : i32
    %dma_start3A_54 = arith.constant 0 : i32
    %dma_start3A_55 = tpu.memref_slice %arg6[%dma_start3A_53, %dma_start3A_54] : memref<40x128xi32, #tpu.memory_space<vmem>> -> memref<1x128xi32, #tpu.memory_space<vmem>>
    %dma_start3A_56 = tpu.memref_squeeze %dma_start3A_55 : memref<1x128xi32, #tpu.memory_space<vmem>> -> memref<128xi32, #tpu.memory_space<vmem>>
    %dma_start3A_57 = arith.constant 0 : i32
    %dma_start3A_58 = arith.constant 0 : i32
    %dma_start3A_59 = tpu.memref_slice %arg3[%dma_start3A_57, %dma_start3A_58] : memref<10240x128xf32, #tpu.memory_space<hbm>> -> memref<10240x128xf32, #tpu.memory_space<hbm>>
    tpu.enqueue_indirect_dma source(%dma_start3A_59 : memref<10240x128xf32, #tpu.memory_space<hbm>>) target(%arg9 : memref<128x128xf32, #tpu.memory_space<vmem>>) offsets(%dma_start3A_56 : memref<128xi32, #tpu.memory_space<vmem>>) semaphore(%arg12 : memref<!tpu.dma_semaphore, #tpu.memory_space<semaphore_mem>>)
    %dma_wait3A = arith.constant 38 : i32
    %dma_wait3A_60 = arith.constant 0 : i32
    %dma_wait3A_61 = tpu.memref_slice %arg6[%dma_wait3A, %dma_wait3A_60] : memref<40x128xi32, #tpu.memory_space<vmem>> -> memref<1x128xi32, #tpu.memory_space<vmem>>
    %dma_wait3A_62 = tpu.memref_squeeze %dma_wait3A_61 : memref<1x128xi32, #tpu.memory_space<vmem>> -> memref<128xi32, #tpu.memory_space<vmem>>
    %dma_wait3A_63 = arith.constant 0 : i32
    %dma_wait3A_64 = arith.constant 0 : i32
    %dma_wait3A_65 = tpu.memref_slice %arg3[%dma_wait3A_63, %dma_wait3A_64] : memref<10240x128xf32, #tpu.memory_space<hbm>> -> memref<10240x128xf32, #tpu.memory_space<hbm>>
    tpu.wait_indirect_dma semaphore(%arg11 : memref<!tpu.dma_semaphore, #tpu.memory_space<semaphore_mem>>) src(%dma_wait3A_65 : memref<10240x128xf32, #tpu.memory_space<hbm>>) dst(%arg8 : memref<128x128xf32, #tpu.memory_space<vmem>>)
    %run_scoped3A = arith.constant 38 : i32
    "tpu.region"() ({
      %run_scoped3A_150 = tpu.sem_alloc : memref<!tpu.dma_semaphore, #tpu.memory_space<semaphore_mem>>
      %dma_start3A_151 = arith.constant 0 : i32
      %dma_start3A_152 = tpu.memref_slice %arg7[%run_scoped3A, %dma_start3A_151] : memref<40x128xi32, #tpu.memory_space<vmem>> -> memref<1x128xi32, #tpu.memory_space<vmem>>
      %dma_start3A_153 = tpu.memref_squeeze %dma_start3A_152 : memref<1x128xi32, #tpu.memory_space<vmem>> -> memref<128xi32, #tpu.memory_space<vmem>>
      %dma_start3A_154 = arith.constant 0 : i32
      %dma_start3A_155 = arith.constant 0 : i32
      %dma_start3A_156 = tpu.memref_slice %arg10[%dma_start3A_154, %dma_start3A_155] : memref<10240x128xf32, #tpu.memory_space<vmem_shared>> -> memref<10240x128xf32, #tpu.memory_space<vmem_shared>>
      tpu.enqueue_indirect_dma source(%arg8 : memref<128x128xf32, #tpu.memory_space<vmem>>) target(%dma_start3A_156 : memref<10240x128xf32, #tpu.memory_space<vmem_shared>>) offsets(%dma_start3A_153 : memref<128xi32, #tpu.memory_space<vmem>>) semaphore(%run_scoped3A_150 : memref<!tpu.dma_semaphore, #tpu.memory_space<semaphore_mem>>) {add = true}
      %dma_wait3A_157 = arith.constant 0 : i32
      %dma_wait3A_158 = tpu.memref_slice %arg7[%run_scoped3A, %dma_wait3A_157] : memref<40x128xi32, #tpu.memory_space<vmem>> -> memref<1x128xi32, #tpu.memory_space<vmem>>
      %dma_wait3A_159 = tpu.memref_squeeze %dma_wait3A_158 : memref<1x128xi32, #tpu.memory_space<vmem>> -> memref<128xi32, #tpu.memory_space<vmem>>
      %dma_wait3A_160 = arith.constant 0 : i32
      %dma_wait3A_161 = arith.constant 0 : i32
      %dma_wait3A_162 = tpu.memref_slice %arg10[%dma_wait3A_160, %dma_wait3A_161] : memref<10240x128xf32, #tpu.memory_space<vmem_shared>> -> memref<10240x128xf32, #tpu.memory_space<vmem_shared>>
      tpu.wait_indirect_dma semaphore(%run_scoped3A_150 : memref<!tpu.dma_semaphore, #tpu.memory_space<semaphore_mem>>) src(%arg8 : memref<128x128xf32, #tpu.memory_space<vmem>>) dst(%dma_wait3A_162 : memref<10240x128xf32, #tpu.memory_space<vmem_shared>>)
      tpu.yield
    }) : () -> ()
    %dma_wait3A_66 = arith.constant 39 : i32
    %dma_wait3A_67 = arith.constant 0 : i32
    %dma_wait3A_68 = tpu.memref_slice %arg6[%dma_wait3A_66, %dma_wait3A_67] : memref<40x128xi32, #tpu.memory_space<vmem>> -> memref<1x128xi32, #tpu.memory_space<vmem>>
    %dma_wait3A_69 = tpu.memref_squeeze %dma_wait3A_68 : memref<1x128xi32, #tpu.memory_space<vmem>> -> memref<128xi32, #tpu.memory_space<vmem>>
    %dma_wait3A_70 = arith.constant 0 : i32
    %dma_wait3A_71 = arith.constant 0 : i32
    %dma_wait3A_72 = tpu.memref_slice %arg3[%dma_wait3A_70, %dma_wait3A_71] : memref<10240x128xf32, #tpu.memory_space<hbm>> -> memref<10240x128xf32, #tpu.memory_space<hbm>>
    tpu.wait_indirect_dma semaphore(%arg12 : memref<!tpu.dma_semaphore, #tpu.memory_space<semaphore_mem>>) src(%dma_wait3A_72 : memref<10240x128xf32, #tpu.memory_space<hbm>>) dst(%arg9 : memref<128x128xf32, #tpu.memory_space<vmem>>)
    %run_scoped3A_73 = arith.constant 39 : i32
    "tpu.region"() ({
      %run_scoped3A_150 = tpu.sem_alloc : memref<!tpu.dma_semaphore, #tpu.memory_space<semaphore_mem>>
      %dma_start3A_151 = arith.constant 0 : i32
      %dma_start3A_152 = tpu.memref_slice %arg7[%run_scoped3A_73, %dma_start3A_151] : memref<40x128xi32, #tpu.memory_space<vmem>> -> memref<1x128xi32, #tpu.memory_space<vmem>>
      %dma_start3A_153 = tpu.memref_squeeze %dma_start3A_152 : memref<1x128xi32, #tpu.memory_space<vmem>> -> memref<128xi32, #tpu.memory_space<vmem>>
      %dma_start3A_154 = arith.constant 0 : i32
      %dma_start3A_155 = arith.constant 0 : i32
      %dma_start3A_156 = tpu.memref_slice %arg10[%dma_start3A_154, %dma_start3A_155] : memref<10240x128xf32, #tpu.memory_space<vmem_shared>> -> memref<10240x128xf32, #tpu.memory_space<vmem_shared>>
      tpu.enqueue_indirect_dma source(%arg9 : memref<128x128xf32, #tpu.memory_space<vmem>>) target(%dma_start3A_156 : memref<10240x128xf32, #tpu.memory_space<vmem_shared>>) offsets(%dma_start3A_153 : memref<128xi32, #tpu.memory_space<vmem>>) semaphore(%run_scoped3A_150 : memref<!tpu.dma_semaphore, #tpu.memory_space<semaphore_mem>>) {add = true}
      %dma_wait3A_157 = arith.constant 0 : i32
      %dma_wait3A_158 = tpu.memref_slice %arg7[%run_scoped3A_73, %dma_wait3A_157] : memref<40x128xi32, #tpu.memory_space<vmem>> -> memref<1x128xi32, #tpu.memory_space<vmem>>
      %dma_wait3A_159 = tpu.memref_squeeze %dma_wait3A_158 : memref<1x128xi32, #tpu.memory_space<vmem>> -> memref<128xi32, #tpu.memory_space<vmem>>
      %dma_wait3A_160 = arith.constant 0 : i32
      %dma_wait3A_161 = arith.constant 0 : i32
      %dma_wait3A_162 = tpu.memref_slice %arg10[%dma_wait3A_160, %dma_wait3A_161] : memref<10240x128xf32, #tpu.memory_space<vmem_shared>> -> memref<10240x128xf32, #tpu.memory_space<vmem_shared>>
      tpu.wait_indirect_dma semaphore(%run_scoped3A_150 : memref<!tpu.dma_semaphore, #tpu.memory_space<semaphore_mem>>) src(%arg9 : memref<128x128xf32, #tpu.memory_space<vmem>>) dst(%dma_wait3A_162 : memref<10240x128xf32, #tpu.memory_space<vmem_shared>>)
      tpu.yield
    }) : () -> ()
    %ne3A_74 = arith.constant 31 : i32
    %ne3A_75 = arith.cmpi ne, %add3A, %ne3A_74 : i32
    %convert_element_type3A_76 = arith.extui %ne3A_75 : i1 to i32
    %cond3A_77 = arith.constant 0 : i32
    %cond3A_78 = arith.cmpi ne, %convert_element_type3A_76, %cond3A_77 : i32
    scf.if %cond3A_78 {
      %mul3A_150 = arith.constant 80 : i32
      %mul3A_151 = arith.muli %add3A, %mul3A_150 : i32
      %add3A_152 = arith.constant 40 : i32
      %add3A_153 = arith.addi %mul3A_151, %add3A_152 : i32
      %run_scoped3A_154 = arith.constant 0 : i32
      "tpu.region"() ({
        %run_scoped3A_155 = tpu.sem_alloc : memref<!tpu.dma_semaphore, #tpu.memory_space<semaphore_mem>>
        %dma_start3A_156 = arith.constant 0 : i32
        %dma_start3A_157 = tpu.memref_slice %arg2[%run_scoped3A_154, %add3A_153, %dma_start3A_156] : memref<2x2500x128xi32, #tpu.memory_space<hbm>> -> memref<1x40x128xi32, #tpu.memory_space<hbm>>
        %dma_start3A_158 = tpu.memref_squeeze %dma_start3A_157 : memref<1x40x128xi32, #tpu.memory_space<hbm>> -> memref<40x128xi32, #tpu.memory_space<hbm>>
        %dma_start3A_159 = arith.constant 0 : i32
        %dma_start3A_160 = tpu.memref_slice %arg2[%run_scoped3A_154, %add3A_153, %dma_start3A_159] : memref<2x2500x128xi32, #tpu.memory_space<hbm>> -> memref<1x40x128xi32, #tpu.memory_space<hbm>>
        %dma_start3A_161 = tpu.memref_squeeze %dma_start3A_160 : memref<1x40x128xi32, #tpu.memory_space<hbm>> -> memref<40x128xi32, #tpu.memory_space<hbm>>
        tpu.enqueue_dma source(%dma_start3A_161 : memref<40x128xi32, #tpu.memory_space<hbm>>) target(%arg6 : memref<40x128xi32, #tpu.memory_space<vmem>>) target_semaphore(%run_scoped3A_155 : memref<!tpu.dma_semaphore, #tpu.memory_space<semaphore_mem>>)
        %dma_wait3A_162 = arith.constant 0 : i32
        %dma_wait3A_163 = tpu.memref_slice %arg2[%run_scoped3A_154, %add3A_153, %dma_wait3A_162] : memref<2x2500x128xi32, #tpu.memory_space<hbm>> -> memref<1x40x128xi32, #tpu.memory_space<hbm>>
        %dma_wait3A_164 = tpu.memref_squeeze %dma_wait3A_163 : memref<1x40x128xi32, #tpu.memory_space<hbm>> -> memref<40x128xi32, #tpu.memory_space<hbm>>
        %dma_wait3A_165 = arith.constant 0 : i32
        %dma_wait3A_166 = tpu.memref_slice %arg2[%run_scoped3A_154, %add3A_153, %dma_wait3A_165] : memref<2x2500x128xi32, #tpu.memory_space<hbm>> -> memref<1x40x128xi32, #tpu.memory_space<hbm>>
        %dma_wait3A_167 = tpu.memref_squeeze %dma_wait3A_166 : memref<1x40x128xi32, #tpu.memory_space<hbm>> -> memref<40x128xi32, #tpu.memory_space<hbm>>
        tpu.wait_dma2 semaphore(%run_scoped3A_155 : memref<!tpu.dma_semaphore, #tpu.memory_space<semaphore_mem>>) src(%dma_wait3A_167 : memref<40x128xi32, #tpu.memory_space<hbm>>) dst(%arg6 : memref<40x128xi32, #tpu.memory_space<vmem>>)
        tpu.yield
      }) : () -> ()
    } else {
    }
    %eq3A_79 = arith.constant 31 : i32
    %eq3A_80 = arith.cmpi eq, %add3A, %eq3A_79 : i32
    %convert_element_type3A_81 = arith.extui %eq3A_80 : i1 to i32
    %cond3A_82 = arith.constant 0 : i32
    %cond3A_83 = arith.cmpi ne, %convert_element_type3A_81, %cond3A_82 : i32
    scf.if %cond3A_83 {
      %iota3A = tpu.iota {dimensions = array<i32: 0>} : vector<16xi32>
      %scan3A_150 = arith.constant 0 : i32
      %scan3A_151 = arith.constant 40 : i32
      %scan3A_152 = arith.addi %scan3A_150, %scan3A_151 : i32
      %scan3A_153 = arith.constant 1 : i32
      scf.for %scan3A_155 = %scan3A_150 to %scan3A_152 step %scan3A_153  : i32 {
        %mul3A_156 = arith.constant 1 : i32
        %mul3A_157 = arith.muli %scan3A_155, %mul3A_156 : i32
        %add3A_158 = arith.constant 0 : i32
        %add3A_159 = arith.addi %add3A_158, %mul3A_157 : i32
        %mul3A_160 = arith.constant 128 : i32
        %mul3A_161 = arith.muli %add3A_159, %mul3A_160 : i32
        %add3A_162 = arith.constant 0 : i32
        %add3A_163 = arith.addi %mul3A_161, %add3A_162 : i32
        %add3A_164 = vector.broadcast %add3A_163 : i32 to vector<16xi32>
        %add3A_165 = arith.addi %add3A_164, %iota3A : vector<16xi32>
        %rem3A = arith.constant 240 : i32
        %rem3A_166 = vector.broadcast %rem3A : i32 to vector<16xi32>
        %rem3A_167 = arith.remsi %add3A_165, %rem3A_166 : vector<16xi32>
        %add3A_168 = arith.constant 10000 : i32
        %add3A_169 = vector.broadcast %add3A_168 : i32 to vector<16xi32>
        %add3A_170 = arith.addi %add3A_169, %rem3A_167 : vector<16xi32>
        %swap3A = arith.index_cast %add3A_159 : i32 to index
        %swap3A_171 = arith.constant 0 : index
        %swap3A_172 = tpu.vector_load %arg6[%swap3A, %swap3A_171] {strides = array<i32>} : memref<40x128xi32, #tpu.memory_space<vmem>>, vector<16xi32>,
        tpu.vector_store %arg6[%swap3A, %swap3A_171], %add3A_170 {strides = array<i32>} : memref<40x128xi32, #tpu.memory_space<vmem>>, vector<16xi32>,
        %mul3A_173 = arith.constant 128 : i32
        %mul3A_174 = arith.muli %add3A_159, %mul3A_173 : i32
        %add3A_175 = arith.constant 16 : i32
        %add3A_176 = arith.addi %mul3A_174, %add3A_175 : i32
        %add3A_177 = vector.broadcast %add3A_176 : i32 to vector<16xi32>
        %add3A_178 = arith.addi %add3A_177, %iota3A : vector<16xi32>
        %rem3A_179 = arith.constant 240 : i32
        %rem3A_180 = vector.broadcast %rem3A_179 : i32 to vector<16xi32>
        %rem3A_181 = arith.remsi %add3A_178, %rem3A_180 : vector<16xi32>
        %add3A_182 = arith.constant 10000 : i32
        %add3A_183 = vector.broadcast %add3A_182 : i32 to vector<16xi32>
        %add3A_184 = arith.addi %add3A_183, %rem3A_181 : vector<16xi32>
        %swap3A_185 = arith.index_cast %add3A_159 : i32 to index
        %swap3A_186 = arith.constant 16 : index
        %swap3A_187 = tpu.vector_load %arg6[%swap3A_185, %swap3A_186] {strides = array<i32>} : memref<40x128xi32, #tpu.memory_space<vmem>>, vector<16xi32>,
        tpu.vector_store %arg6[%swap3A_185, %swap3A_186], %add3A_184 {strides = array<i32>} : memref<40x128xi32, #tpu.memory_space<vmem>>, vector<16xi32>,
        %mul3A_188 = arith.constant 128 : i32
        %mul3A_189 = arith.muli %add3A_159, %mul3A_188 : i32
        %add3A_190 = arith.constant 32 : i32
        %add3A_191 = arith.addi %mul3A_189, %add3A_190 : i32
        %add3A_192 = vector.broadcast %add3A_191 : i32 to vector<16xi32>
        %add3A_193 = arith.addi %add3A_192, %iota3A : vector<16xi32>
        %rem3A_194 = arith.constant 240 : i32
        %rem3A_195 = vector.broadcast %rem3A_194 : i32 to vector<16xi32>
        %rem3A_196 = arith.remsi %add3A_193, %rem3A_195 : vector<16xi32>
        %add3A_197 = arith.constant 10000 : i32
        %add3A_198 = vector.broadcast %add3A_197 : i32 to vector<16xi32>
        %add3A_199 = arith.addi %add3A_198, %rem3A_196 : vector<16xi32>
        %swap3A_200 = arith.index_cast %add3A_159 : i32 to index
        %swap3A_201 = arith.constant 32 : index
        %swap3A_202 = tpu.vector_load %arg6[%swap3A_200, %swap3A_201] {strides = array<i32>} : memref<40x128xi32, #tpu.memory_space<vmem>>, vector<16xi32>,
        tpu.vector_store %arg6[%swap3A_200, %swap3A_201], %add3A_199 {strides = array<i32>} : memref<40x128xi32, #tpu.memory_space<vmem>>, vector<16xi32>,
        %mul3A_203 = arith.constant 128 : i32
        %mul3A_204 = arith.muli %add3A_159, %mul3A_203 : i32
        %add3A_205 = arith.constant 48 : i32
        %add3A_206 = arith.addi %mul3A_204, %add3A_205 : i32
        %add3A_207 = vector.broadcast %add3A_206 : i32 to vector<16xi32>
        %add3A_208 = arith.addi %add3A_207, %iota3A : vector<16xi32>
        %rem3A_209 = arith.constant 240 : i32
        %rem3A_210 = vector.broadcast %rem3A_209 : i32 to vector<16xi32>
        %rem3A_211 = arith.remsi %add3A_208, %rem3A_210 : vector<16xi32>
        %add3A_212 = arith.constant 10000 : i32
        %add3A_213 = vector.broadcast %add3A_212 : i32 to vector<16xi32>
        %add3A_214 = arith.addi %add3A_213, %rem3A_211 : vector<16xi32>
        %swap3A_215 = arith.index_cast %add3A_159 : i32 to index
        %swap3A_216 = arith.constant 48 : index
        %swap3A_217 = tpu.vector_load %arg6[%swap3A_215, %swap3A_216] {strides = array<i32>} : memref<40x128xi32, #tpu.memory_space<vmem>>, vector<16xi32>,
        tpu.vector_store %arg6[%swap3A_215, %swap3A_216], %add3A_214 {strides = array<i32>} : memref<40x128xi32, #tpu.memory_space<vmem>>, vector<16xi32>,
        %mul3A_218 = arith.constant 128 : i32
        %mul3A_219 = arith.muli %add3A_159, %mul3A_218 : i32
        %add3A_220 = arith.constant 64 : i32
        %add3A_221 = arith.addi %mul3A_219, %add3A_220 : i32
        %add3A_222 = vector.broadcast %add3A_221 : i32 to vector<16xi32>
        %add3A_223 = arith.addi %add3A_222, %iota3A : vector<16xi32>
        %rem3A_224 = arith.constant 240 : i32
        %rem3A_225 = vector.broadcast %rem3A_224 : i32 to vector<16xi32>
        %rem3A_226 = arith.remsi %add3A_223, %rem3A_225 : vector<16xi32>
        %add3A_227 = arith.constant 10000 : i32
        %add3A_228 = vector.broadcast %add3A_227 : i32 to vector<16xi32>
        %add3A_229 = arith.addi %add3A_228, %rem3A_226 : vector<16xi32>
        %swap3A_230 = arith.index_cast %add3A_159 : i32 to index
        %swap3A_231 = arith.constant 64 : index
        %swap3A_232 = tpu.vector_load %arg6[%swap3A_230, %swap3A_231] {strides = array<i32>} : memref<40x128xi32, #tpu.memory_space<vmem>>, vector<16xi32>,
        tpu.vector_store %arg6[%swap3A_230, %swap3A_231], %add3A_229 {strides = array<i32>} : memref<40x128xi32, #tpu.memory_space<vmem>>, vector<16xi32>,
        %mul3A_233 = arith.constant 128 : i32
        %mul3A_234 = arith.muli %add3A_159, %mul3A_233 : i32
        %add3A_235 = arith.constant 80 : i32
        %add3A_236 = arith.addi %mul3A_234, %add3A_235 : i32
        %add3A_237 = vector.broadcast %add3A_236 : i32 to vector<16xi32>
        %add3A_238 = arith.addi %add3A_237, %iota3A : vector<16xi32>
        %rem3A_239 = arith.constant 240 : i32
        %rem3A_240 = vector.broadcast %rem3A_239 : i32 to vector<16xi32>
        %rem3A_241 = arith.remsi %add3A_238, %rem3A_240 : vector<16xi32>
        %add3A_242 = arith.constant 10000 : i32
        %add3A_243 = vector.broadcast %add3A_242 : i32 to vector<16xi32>
        %add3A_244 = arith.addi %add3A_243, %rem3A_241 : vector<16xi32>
        %swap3A_245 = arith.index_cast %add3A_159 : i32 to index
        %swap3A_246 = arith.constant 80 : index
        %swap3A_247 = tpu.vector_load %arg6[%swap3A_245, %swap3A_246] {strides = array<i32>} : memref<40x128xi32, #tpu.memory_space<vmem>>, vector<16xi32>,
        tpu.vector_store %arg6[%swap3A_245, %swap3A_246], %add3A_244 {strides = array<i32>} : memref<40x128xi32, #tpu.memory_space<vmem>>, vector<16xi32>,
        %mul3A_248 = arith.constant 128 : i32
        %mul3A_249 = arith.muli %add3A_159, %mul3A_248 : i32
        %add3A_250 = arith.constant 96 : i32
        %add3A_251 = arith.addi %mul3A_249, %add3A_250 : i32
        %add3A_252 = vector.broadcast %add3A_251 : i32 to vector<16xi32>
        %add3A_253 = arith.addi %add3A_252, %iota3A : vector<16xi32>
        %rem3A_254 = arith.constant 240 : i32
        %rem3A_255 = vector.broadcast %rem3A_254 : i32 to vector<16xi32>
        %rem3A_256 = arith.remsi %add3A_253, %rem3A_255 : vector<16xi32>
        %add3A_257 = arith.constant 10000 : i32
        %add3A_258 = vector.broadcast %add3A_257 : i32 to vector<16xi32>
        %add3A_259 = arith.addi %add3A_258, %rem3A_256 : vector<16xi32>
        %swap3A_260 = arith.index_cast %add3A_159 : i32 to index
        %swap3A_261 = arith.constant 96 : index
        %swap3A_262 = tpu.vector_load %arg6[%swap3A_260, %swap3A_261] {strides = array<i32>} : memref<40x128xi32, #tpu.memory_space<vmem>>, vector<16xi32>,
        tpu.vector_store %arg6[%swap3A_260, %swap3A_261], %add3A_259 {strides = array<i32>} : memref<40x128xi32, #tpu.memory_space<vmem>>, vector<16xi32>,
        %mul3A_263 = arith.constant 128 : i32
        %mul3A_264 = arith.muli %add3A_159, %mul3A_263 : i32
        %add3A_265 = arith.constant 112 : i32
        %add3A_266 = arith.addi %mul3A_264, %add3A_265 : i32
        %add3A_267 = vector.broadcast %add3A_266 : i32 to vector<16xi32>
        %add3A_268 = arith.addi %add3A_267, %iota3A : vector<16xi32>
        %rem3A_269 = arith.constant 240 : i32
        %rem3A_270 = vector.broadcast %rem3A_269 : i32 to vector<16xi32>
        %rem3A_271 = arith.remsi %add3A_268, %rem3A_270 : vector<16xi32>
        %add3A_272 = arith.constant 10000 : i32
        %add3A_273 = vector.broadcast %add3A_272 : i32 to vector<16xi32>
        %add3A_274 = arith.addi %add3A_273, %rem3A_271 : vector<16xi32>
        %swap3A_275 = arith.index_cast %add3A_159 : i32 to index
        %swap3A_276 = arith.constant 112 : index
        %swap3A_277 = tpu.vector_load %arg6[%swap3A_275, %swap3A_276] {strides = array<i32>} : memref<40x128xi32, #tpu.memory_space<vmem>>, vector<16xi32>,
        tpu.vector_store %arg6[%swap3A_275, %swap3A_276], %add3A_274 {strides = array<i32>} : memref<40x128xi32, #tpu.memory_space<vmem>>, vector<16xi32>,
      }
      %scan3A_154 = arith.constant 40 : i32
    } else {
    }
    %ne3A_84 = arith.constant 31 : i32
    %ne3A_85 = arith.cmpi ne, %add3A, %ne3A_84 : i32
    %convert_element_type3A_86 = arith.extui %ne3A_85 : i1 to i32
    %cond3A_87 = arith.constant 0 : i32
    %cond3A_88 = arith.cmpi ne, %convert_element_type3A_86, %cond3A_87 : i32
    scf.if %cond3A_88 {
      %mul3A_150 = arith.constant 80 : i32
      %mul3A_151 = arith.muli %add3A, %mul3A_150 : i32
      %add3A_152 = arith.constant 40 : i32
      %add3A_153 = arith.addi %mul3A_151, %add3A_152 : i32
      %run_scoped3A_154 = arith.constant 1 : i32
      "tpu.region"() ({
        %run_scoped3A_155 = tpu.sem_alloc : memref<!tpu.dma_semaphore, #tpu.memory_space<semaphore_mem>>
        %dma_start3A_156 = arith.constant 0 : i32
        %dma_start3A_157 = tpu.memref_slice %arg2[%run_scoped3A_154, %add3A_153, %dma_start3A_156] : memref<2x2500x128xi32, #tpu.memory_space<hbm>> -> memref<1x40x128xi32, #tpu.memory_space<hbm>>
        %dma_start3A_158 = tpu.memref_squeeze %dma_start3A_157 : memref<1x40x128xi32, #tpu.memory_space<hbm>> -> memref<40x128xi32, #tpu.memory_space<hbm>>
        %dma_start3A_159 = arith.constant 0 : i32
        %dma_start3A_160 = tpu.memref_slice %arg2[%run_scoped3A_154, %add3A_153, %dma_start3A_159] : memref<2x2500x128xi32, #tpu.memory_space<hbm>> -> memref<1x40x128xi32, #tpu.memory_space<hbm>>
        %dma_start3A_161 = tpu.memref_squeeze %dma_start3A_160 : memref<1x40x128xi32, #tpu.memory_space<hbm>> -> memref<40x128xi32, #tpu.memory_space<hbm>>
        tpu.enqueue_dma source(%dma_start3A_161 : memref<40x128xi32, #tpu.memory_space<hbm>>) target(%arg7 : memref<40x128xi32, #tpu.memory_space<vmem>>) target_semaphore(%run_scoped3A_155 : memref<!tpu.dma_semaphore, #tpu.memory_space<semaphore_mem>>)
        %dma_wait3A_162 = arith.constant 0 : i32
        %dma_wait3A_163 = tpu.memref_slice %arg2[%run_scoped3A_154, %add3A_153, %dma_wait3A_162] : memref<2x2500x128xi32, #tpu.memory_space<hbm>> -> memref<1x40x128xi32, #tpu.memory_space<hbm>>
        %dma_wait3A_164 = tpu.memref_squeeze %dma_wait3A_163 : memref<1x40x128xi32, #tpu.memory_space<hbm>> -> memref<40x128xi32, #tpu.memory_space<hbm>>
        %dma_wait3A_165 = arith.constant 0 : i32
        %dma_wait3A_166 = tpu.memref_slice %arg2[%run_scoped3A_154, %add3A_153, %dma_wait3A_165] : memref<2x2500x128xi32, #tpu.memory_space<hbm>> -> memref<1x40x128xi32, #tpu.memory_space<hbm>>
        %dma_wait3A_167 = tpu.memref_squeeze %dma_wait3A_166 : memref<1x40x128xi32, #tpu.memory_space<hbm>> -> memref<40x128xi32, #tpu.memory_space<hbm>>
        tpu.wait_dma2 semaphore(%run_scoped3A_155 : memref<!tpu.dma_semaphore, #tpu.memory_space<semaphore_mem>>) src(%dma_wait3A_167 : memref<40x128xi32, #tpu.memory_space<hbm>>) dst(%arg7 : memref<40x128xi32, #tpu.memory_space<vmem>>)
        tpu.yield
      }) : () -> ()
    } else {
    }
    %eq3A_89 = arith.constant 31 : i32
    %eq3A_90 = arith.cmpi eq, %add3A, %eq3A_89 : i32
    %convert_element_type3A_91 = arith.extui %eq3A_90 : i1 to i32
    %cond3A_92 = arith.constant 0 : i32
    %cond3A_93 = arith.cmpi ne, %convert_element_type3A_91, %cond3A_92 : i32
    scf.if %cond3A_93 {
      %iota3A = tpu.iota {dimensions = array<i32: 0>} : vector<16xi32>
      %scan3A_150 = arith.constant 0 : i32
      %scan3A_151 = arith.constant 40 : i32
      %scan3A_152 = arith.addi %scan3A_150, %scan3A_151 : i32
      %scan3A_153 = arith.constant 1 : i32
      scf.for %scan3A_155 = %scan3A_150 to %scan3A_152 step %scan3A_153  : i32 {
        %mul3A_156 = arith.constant 1 : i32
        %mul3A_157 = arith.muli %scan3A_155, %mul3A_156 : i32
        %add3A_158 = arith.constant 0 : i32
        %add3A_159 = arith.addi %add3A_158, %mul3A_157 : i32
        %mul3A_160 = arith.constant 128 : i32
        %mul3A_161 = arith.muli %add3A_159, %mul3A_160 : i32
        %add3A_162 = arith.constant 0 : i32
        %add3A_163 = arith.addi %mul3A_161, %add3A_162 : i32
        %add3A_164 = vector.broadcast %add3A_163 : i32 to vector<16xi32>
        %add3A_165 = arith.addi %add3A_164, %iota3A : vector<16xi32>
        %rem3A = arith.constant 240 : i32
        %rem3A_166 = vector.broadcast %rem3A : i32 to vector<16xi32>
        %rem3A_167 = arith.remsi %add3A_165, %rem3A_166 : vector<16xi32>
        %add3A_168 = arith.constant 10000 : i32
        %add3A_169 = vector.broadcast %add3A_168 : i32 to vector<16xi32>
        %add3A_170 = arith.addi %add3A_169, %rem3A_167 : vector<16xi32>
        %swap3A = arith.index_cast %add3A_159 : i32 to index
        %swap3A_171 = arith.constant 0 : index
        %swap3A_172 = tpu.vector_load %arg7[%swap3A, %swap3A_171] {strides = array<i32>} : memref<40x128xi32, #tpu.memory_space<vmem>>, vector<16xi32>,
        tpu.vector_store %arg7[%swap3A, %swap3A_171], %add3A_170 {strides = array<i32>} : memref<40x128xi32, #tpu.memory_space<vmem>>, vector<16xi32>,
        %mul3A_173 = arith.constant 128 : i32
        %mul3A_174 = arith.muli %add3A_159, %mul3A_173 : i32
        %add3A_175 = arith.constant 16 : i32
        %add3A_176 = arith.addi %mul3A_174, %add3A_175 : i32
        %add3A_177 = vector.broadcast %add3A_176 : i32 to vector<16xi32>
        %add3A_178 = arith.addi %add3A_177, %iota3A : vector<16xi32>
        %rem3A_179 = arith.constant 240 : i32
        %rem3A_180 = vector.broadcast %rem3A_179 : i32 to vector<16xi32>
        %rem3A_181 = arith.remsi %add3A_178, %rem3A_180 : vector<16xi32>
        %add3A_182 = arith.constant 10000 : i32
        %add3A_183 = vector.broadcast %add3A_182 : i32 to vector<16xi32>
        %add3A_184 = arith.addi %add3A_183, %rem3A_181 : vector<16xi32>
        %swap3A_185 = arith.index_cast %add3A_159 : i32 to index
        %swap3A_186 = arith.constant 16 : index
        %swap3A_187 = tpu.vector_load %arg7[%swap3A_185, %swap3A_186] {strides = array<i32>} : memref<40x128xi32, #tpu.memory_space<vmem>>, vector<16xi32>,
        tpu.vector_store %arg7[%swap3A_185, %swap3A_186], %add3A_184 {strides = array<i32>} : memref<40x128xi32, #tpu.memory_space<vmem>>, vector<16xi32>,
        %mul3A_188 = arith.constant 128 : i32
        %mul3A_189 = arith.muli %add3A_159, %mul3A_188 : i32
        %add3A_190 = arith.constant 32 : i32
        %add3A_191 = arith.addi %mul3A_189, %add3A_190 : i32
        %add3A_192 = vector.broadcast %add3A_191 : i32 to vector<16xi32>
        %add3A_193 = arith.addi %add3A_192, %iota3A : vector<16xi32>
        %rem3A_194 = arith.constant 240 : i32
        %rem3A_195 = vector.broadcast %rem3A_194 : i32 to vector<16xi32>
        %rem3A_196 = arith.remsi %add3A_193, %rem3A_195 : vector<16xi32>
        %add3A_197 = arith.constant 10000 : i32
        %add3A_198 = vector.broadcast %add3A_197 : i32 to vector<16xi32>
        %add3A_199 = arith.addi %add3A_198, %rem3A_196 : vector<16xi32>
        %swap3A_200 = arith.index_cast %add3A_159 : i32 to index
        %swap3A_201 = arith.constant 32 : index
        %swap3A_202 = tpu.vector_load %arg7[%swap3A_200, %swap3A_201] {strides = array<i32>} : memref<40x128xi32, #tpu.memory_space<vmem>>, vector<16xi32>,
        tpu.vector_store %arg7[%swap3A_200, %swap3A_201], %add3A_199 {strides = array<i32>} : memref<40x128xi32, #tpu.memory_space<vmem>>, vector<16xi32>,
        %mul3A_203 = arith.constant 128 : i32
        %mul3A_204 = arith.muli %add3A_159, %mul3A_203 : i32
        %add3A_205 = arith.constant 48 : i32
        %add3A_206 = arith.addi %mul3A_204, %add3A_205 : i32
        %add3A_207 = vector.broadcast %add3A_206 : i32 to vector<16xi32>
        %add3A_208 = arith.addi %add3A_207, %iota3A : vector<16xi32>
        %rem3A_209 = arith.constant 240 : i32
        %rem3A_210 = vector.broadcast %rem3A_209 : i32 to vector<16xi32>
        %rem3A_211 = arith.remsi %add3A_208, %rem3A_210 : vector<16xi32>
        %add3A_212 = arith.constant 10000 : i32
        %add3A_213 = vector.broadcast %add3A_212 : i32 to vector<16xi32>
        %add3A_214 = arith.addi %add3A_213, %rem3A_211 : vector<16xi32>
        %swap3A_215 = arith.index_cast %add3A_159 : i32 to index
        %swap3A_216 = arith.constant 48 : index
        %swap3A_217 = tpu.vector_load %arg7[%swap3A_215, %swap3A_216] {strides = array<i32>} : memref<40x128xi32, #tpu.memory_space<vmem>>, vector<16xi32>,
        tpu.vector_store %arg7[%swap3A_215, %swap3A_216], %add3A_214 {strides = array<i32>} : memref<40x128xi32, #tpu.memory_space<vmem>>, vector<16xi32>,
        %mul3A_218 = arith.constant 128 : i32
        %mul3A_219 = arith.muli %add3A_159, %mul3A_218 : i32
        %add3A_220 = arith.constant 64 : i32
        %add3A_221 = arith.addi %mul3A_219, %add3A_220 : i32
        %add3A_222 = vector.broadcast %add3A_221 : i32 to vector<16xi32>
        %add3A_223 = arith.addi %add3A_222, %iota3A : vector<16xi32>
        %rem3A_224 = arith.constant 240 : i32
        %rem3A_225 = vector.broadcast %rem3A_224 : i32 to vector<16xi32>
        %rem3A_226 = arith.remsi %add3A_223, %rem3A_225 : vector<16xi32>
        %add3A_227 = arith.constant 10000 : i32
        %add3A_228 = vector.broadcast %add3A_227 : i32 to vector<16xi32>
        %add3A_229 = arith.addi %add3A_228, %rem3A_226 : vector<16xi32>
        %swap3A_230 = arith.index_cast %add3A_159 : i32 to index
        %swap3A_231 = arith.constant 64 : index
        %swap3A_232 = tpu.vector_load %arg7[%swap3A_230, %swap3A_231] {strides = array<i32>} : memref<40x128xi32, #tpu.memory_space<vmem>>, vector<16xi32>,
        tpu.vector_store %arg7[%swap3A_230, %swap3A_231], %add3A_229 {strides = array<i32>} : memref<40x128xi32, #tpu.memory_space<vmem>>, vector<16xi32>,
        %mul3A_233 = arith.constant 128 : i32
        %mul3A_234 = arith.muli %add3A_159, %mul3A_233 : i32
        %add3A_235 = arith.constant 80 : i32
        %add3A_236 = arith.addi %mul3A_234, %add3A_235 : i32
        %add3A_237 = vector.broadcast %add3A_236 : i32 to vector<16xi32>
        %add3A_238 = arith.addi %add3A_237, %iota3A : vector<16xi32>
        %rem3A_239 = arith.constant 240 : i32
        %rem3A_240 = vector.broadcast %rem3A_239 : i32 to vector<16xi32>
        %rem3A_241 = arith.remsi %add3A_238, %rem3A_240 : vector<16xi32>
        %add3A_242 = arith.constant 10000 : i32
        %add3A_243 = vector.broadcast %add3A_242 : i32 to vector<16xi32>
        %add3A_244 = arith.addi %add3A_243, %rem3A_241 : vector<16xi32>
        %swap3A_245 = arith.index_cast %add3A_159 : i32 to index
        %swap3A_246 = arith.constant 80 : index
        %swap3A_247 = tpu.vector_load %arg7[%swap3A_245, %swap3A_246] {strides = array<i32>} : memref<40x128xi32, #tpu.memory_space<vmem>>, vector<16xi32>,
        tpu.vector_store %arg7[%swap3A_245, %swap3A_246], %add3A_244 {strides = array<i32>} : memref<40x128xi32, #tpu.memory_space<vmem>>, vector<16xi32>,
        %mul3A_248 = arith.constant 128 : i32
        %mul3A_249 = arith.muli %add3A_159, %mul3A_248 : i32
        %add3A_250 = arith.constant 96 : i32
        %add3A_251 = arith.addi %mul3A_249, %add3A_250 : i32
        %add3A_252 = vector.broadcast %add3A_251 : i32 to vector<16xi32>
        %add3A_253 = arith.addi %add3A_252, %iota3A : vector<16xi32>
        %rem3A_254 = arith.constant 240 : i32
        %rem3A_255 = vector.broadcast %rem3A_254 : i32 to vector<16xi32>
        %rem3A_256 = arith.remsi %add3A_253, %rem3A_255 : vector<16xi32>
        %add3A_257 = arith.constant 10000 : i32
        %add3A_258 = vector.broadcast %add3A_257 : i32 to vector<16xi32>
        %add3A_259 = arith.addi %add3A_258, %rem3A_256 : vector<16xi32>
        %swap3A_260 = arith.index_cast %add3A_159 : i32 to index
        %swap3A_261 = arith.constant 96 : index
        %swap3A_262 = tpu.vector_load %arg7[%swap3A_260, %swap3A_261] {strides = array<i32>} : memref<40x128xi32, #tpu.memory_space<vmem>>, vector<16xi32>,
        tpu.vector_store %arg7[%swap3A_260, %swap3A_261], %add3A_259 {strides = array<i32>} : memref<40x128xi32, #tpu.memory_space<vmem>>, vector<16xi32>,
        %mul3A_263 = arith.constant 128 : i32
        %mul3A_264 = arith.muli %add3A_159, %mul3A_263 : i32
        %add3A_265 = arith.constant 112 : i32
        %add3A_266 = arith.addi %mul3A_264, %add3A_265 : i32
        %add3A_267 = vector.broadcast %add3A_266 : i32 to vector<16xi32>
        %add3A_268 = arith.addi %add3A_267, %iota3A : vector<16xi32>
        %rem3A_269 = arith.constant 240 : i32
        %rem3A_270 = vector.broadcast %rem3A_269 : i32 to vector<16xi32>
        %rem3A_271 = arith.remsi %add3A_268, %rem3A_270 : vector<16xi32>
        %add3A_272 = arith.constant 10000 : i32
        %add3A_273 = vector.broadcast %add3A_272 : i32 to vector<16xi32>
        %add3A_274 = arith.addi %add3A_273, %rem3A_271 : vector<16xi32>
        %swap3A_275 = arith.index_cast %add3A_159 : i32 to index
        %swap3A_276 = arith.constant 112 : index
        %swap3A_277 = tpu.vector_load %arg7[%swap3A_275, %swap3A_276] {strides = array<i32>} : memref<40x128xi32, #tpu.memory_space<vmem>>, vector<16xi32>,
        tpu.vector_store %arg7[%swap3A_275, %swap3A_276], %add3A_274 {strides = array<i32>} : memref<40x128xi32, #tpu.memory_space<vmem>>, vector<16xi32>,
      }
      %scan3A_154 = arith.constant 40 : i32
    } else {
    }
    %dma_start3A_94 = arith.constant 0 : i32
    %dma_start3A_95 = arith.constant 0 : i32
    %dma_start3A_96 = tpu.memref_slice %arg6[%dma_start3A_94, %dma_start3A_95] : memref<40x128xi32, #tpu.memory_space<vmem>> -> memref<1x128xi32, #tpu.memory_space<vmem>>
    %dma_start3A_97 = tpu.memref_squeeze %dma_start3A_96 : memref<1x128xi32, #tpu.memory_space<vmem>> -> memref<128xi32, #tpu.memory_space<vmem>>
    %dma_start3A_98 = arith.constant 0 : i32
    %dma_start3A_99 = arith.constant 0 : i32
    %dma_start3A_100 = tpu.memref_slice %arg3[%dma_start3A_98, %dma_start3A_99] : memref<10240x128xf32, #tpu.memory_space<hbm>> -> memref<10240x128xf32, #tpu.memory_space<hbm>>
    tpu.enqueue_indirect_dma source(%dma_start3A_100 : memref<10240x128xf32, #tpu.memory_space<hbm>>) target(%arg8 : memref<128x128xf32, #tpu.memory_space<vmem>>) offsets(%dma_start3A_97 : memref<128xi32, #tpu.memory_space<vmem>>) semaphore(%arg11 : memref<!tpu.dma_semaphore, #tpu.memory_space<semaphore_mem>>)
    %scan3A_101 = arith.constant 0 : i32
    %scan3A_102 = arith.constant 19 : i32
    %scan3A_103 = arith.addi %scan3A_101, %scan3A_102 : i32
    %scan3A_104 = arith.constant 1 : i32
    scf.for %scan3A_150 = %scan3A_101 to %scan3A_103 step %scan3A_104  : i32 {
      %mul3A_151 = arith.constant 1 : i32
      %mul3A_152 = arith.muli %scan3A_150, %mul3A_151 : i32
      %add3A_153 = arith.constant 0 : i32
      %add3A_154 = arith.addi %add3A_153, %mul3A_152 : i32
      %mul3A_155 = arith.constant 2 : i32
      %mul3A_156 = arith.muli %mul3A_155, %add3A_154 : i32
      %add3A_157 = arith.constant 1 : i32
      %add3A_158 = arith.addi %mul3A_156, %add3A_157 : i32
      %dma_start3A_159 = arith.constant 0 : i32
      %dma_start3A_160 = tpu.memref_slice %arg6[%add3A_158, %dma_start3A_159] : memref<40x128xi32, #tpu.memory_space<vmem>> -> memref<1x128xi32, #tpu.memory_space<vmem>>
      %dma_start3A_161 = tpu.memref_squeeze %dma_start3A_160 : memref<1x128xi32, #tpu.memory_space<vmem>> -> memref<128xi32, #tpu.memory_space<vmem>>
      %dma_start3A_162 = arith.constant 0 : i32
      %dma_start3A_163 = arith.constant 0 : i32
      %dma_start3A_164 = tpu.memref_slice %arg3[%dma_start3A_162, %dma_start3A_163] : memref<10240x128xf32, #tpu.memory_space<hbm>> -> memref<10240x128xf32, #tpu.memory_space<hbm>>
      tpu.enqueue_indirect_dma source(%dma_start3A_164 : memref<10240x128xf32, #tpu.memory_space<hbm>>) target(%arg9 : memref<128x128xf32, #tpu.memory_space<vmem>>) offsets(%dma_start3A_161 : memref<128xi32, #tpu.memory_space<vmem>>) semaphore(%arg12 : memref<!tpu.dma_semaphore, #tpu.memory_space<semaphore_mem>>)
      %dma_wait3A_165 = arith.constant 0 : i32
      %dma_wait3A_166 = tpu.memref_slice %arg6[%mul3A_156, %dma_wait3A_165] : memref<40x128xi32, #tpu.memory_space<vmem>> -> memref<1x128xi32, #tpu.memory_space<vmem>>
      %dma_wait3A_167 = tpu.memref_squeeze %dma_wait3A_166 : memref<1x128xi32, #tpu.memory_space<vmem>> -> memref<128xi32, #tpu.memory_space<vmem>>
      %dma_wait3A_168 = arith.constant 0 : i32
      %dma_wait3A_169 = arith.constant 0 : i32
      %dma_wait3A_170 = tpu.memref_slice %arg3[%dma_wait3A_168, %dma_wait3A_169] : memref<10240x128xf32, #tpu.memory_space<hbm>> -> memref<10240x128xf32, #tpu.memory_space<hbm>>
      tpu.wait_indirect_dma semaphore(%arg11 : memref<!tpu.dma_semaphore, #tpu.memory_space<semaphore_mem>>) src(%dma_wait3A_170 : memref<10240x128xf32, #tpu.memory_space<hbm>>) dst(%arg8 : memref<128x128xf32, #tpu.memory_space<vmem>>)
      "tpu.region"() ({
        %run_scoped3A_189 = tpu.sem_alloc : memref<!tpu.dma_semaphore, #tpu.memory_space<semaphore_mem>>
        %dma_start3A_190 = arith.constant 0 : i32
        %dma_start3A_191 = tpu.memref_slice %arg7[%mul3A_156, %dma_start3A_190] : memref<40x128xi32, #tpu.memory_space<vmem>> -> memref<1x128xi32, #tpu.memory_space<vmem>>
        %dma_start3A_192 = tpu.memref_squeeze %dma_start3A_191 : memref<1x128xi32, #tpu.memory_space<vmem>> -> memref<128xi32, #tpu.memory_space<vmem>>
        %dma_start3A_193 = arith.constant 0 : i32
        %dma_start3A_194 = arith.constant 0 : i32
        %dma_start3A_195 = tpu.memref_slice %arg10[%dma_start3A_193, %dma_start3A_194] : memref<10240x128xf32, #tpu.memory_space<vmem_shared>> -> memref<10240x128xf32, #tpu.memory_space<vmem_shared>>
        tpu.enqueue_indirect_dma source(%arg8 : memref<128x128xf32, #tpu.memory_space<vmem>>) target(%dma_start3A_195 : memref<10240x128xf32, #tpu.memory_space<vmem_shared>>) offsets(%dma_start3A_192 : memref<128xi32, #tpu.memory_space<vmem>>) semaphore(%run_scoped3A_189 : memref<!tpu.dma_semaphore, #tpu.memory_space<semaphore_mem>>) {add = true}
        %dma_wait3A_196 = arith.constant 0 : i32
        %dma_wait3A_197 = tpu.memref_slice %arg7[%mul3A_156, %dma_wait3A_196] : memref<40x128xi32, #tpu.memory_space<vmem>> -> memref<1x128xi32, #tpu.memory_space<vmem>>
        %dma_wait3A_198 = tpu.memref_squeeze %dma_wait3A_197 : memref<1x128xi32, #tpu.memory_space<vmem>> -> memref<128xi32, #tpu.memory_space<vmem>>
        %dma_wait3A_199 = arith.constant 0 : i32
        %dma_wait3A_200 = arith.constant 0 : i32
        %dma_wait3A_201 = tpu.memref_slice %arg10[%dma_wait3A_199, %dma_wait3A_200] : memref<10240x128xf32, #tpu.memory_space<vmem_shared>> -> memref<10240x128xf32, #tpu.memory_space<vmem_shared>>
        tpu.wait_indirect_dma semaphore(%run_scoped3A_189 : memref<!tpu.dma_semaphore, #tpu.memory_space<semaphore_mem>>) src(%arg8 : memref<128x128xf32, #tpu.memory_space<vmem>>) dst(%dma_wait3A_201 : memref<10240x128xf32, #tpu.memory_space<vmem_shared>>)
        tpu.yield
      }) : () -> ()
      %add3A_171 = arith.constant 2 : i32
      %add3A_172 = arith.addi %mul3A_156, %add3A_171 : i32
      %dma_start3A_173 = arith.constant 0 : i32
      %dma_start3A_174 = tpu.memref_slice %arg6[%add3A_172, %dma_start3A_173] : memref<40x128xi32, #tpu.memory_space<vmem>> -> memref<1x128xi32, #tpu.memory_space<vmem>>
      %dma_start3A_175 = tpu.memref_squeeze %dma_start3A_174 : memref<1x128xi32, #tpu.memory_space<vmem>> -> memref<128xi32, #tpu.memory_space<vmem>>
      %dma_start3A_176 = arith.constant 0 : i32
      %dma_start3A_177 = arith.constant 0 : i32
      %dma_start3A_178 = tpu.memref_slice %arg3[%dma_start3A_176, %dma_start3A_177] : memref<10240x128xf32, #tpu.memory_space<hbm>> -> memref<10240x128xf32, #tpu.memory_space<hbm>>
      tpu.enqueue_indirect_dma source(%dma_start3A_178 : memref<10240x128xf32, #tpu.memory_space<hbm>>) target(%arg8 : memref<128x128xf32, #tpu.memory_space<vmem>>) offsets(%dma_start3A_175 : memref<128xi32, #tpu.memory_space<vmem>>) semaphore(%arg11 : memref<!tpu.dma_semaphore, #tpu.memory_space<semaphore_mem>>)
      %add3A_179 = arith.constant 1 : i32
      %add3A_180 = arith.addi %mul3A_156, %add3A_179 : i32
      %dma_wait3A_181 = arith.constant 0 : i32
      %dma_wait3A_182 = tpu.memref_slice %arg6[%add3A_180, %dma_wait3A_181] : memref<40x128xi32, #tpu.memory_space<vmem>> -> memref<1x128xi32, #tpu.memory_space<vmem>>
      %dma_wait3A_183 = tpu.memref_squeeze %dma_wait3A_182 : memref<1x128xi32, #tpu.memory_space<vmem>> -> memref<128xi32, #tpu.memory_space<vmem>>
      %dma_wait3A_184 = arith.constant 0 : i32
      %dma_wait3A_185 = arith.constant 0 : i32
      %dma_wait3A_186 = tpu.memref_slice %arg3[%dma_wait3A_184, %dma_wait3A_185] : memref<10240x128xf32, #tpu.memory_space<hbm>> -> memref<10240x128xf32, #tpu.memory_space<hbm>>
      tpu.wait_indirect_dma semaphore(%arg12 : memref<!tpu.dma_semaphore, #tpu.memory_space<semaphore_mem>>) src(%dma_wait3A_186 : memref<10240x128xf32, #tpu.memory_space<hbm>>) dst(%arg9 : memref<128x128xf32, #tpu.memory_space<vmem>>)
      %add3A_187 = arith.constant 1 : i32
      %add3A_188 = arith.addi %mul3A_156, %add3A_187 : i32
      "tpu.region"() ({
        %run_scoped3A_189 = tpu.sem_alloc : memref<!tpu.dma_semaphore, #tpu.memory_space<semaphore_mem>>
        %dma_start3A_190 = arith.constant 0 : i32
        %dma_start3A_191 = tpu.memref_slice %arg7[%add3A_188, %dma_start3A_190] : memref<40x128xi32, #tpu.memory_space<vmem>> -> memref<1x128xi32, #tpu.memory_space<vmem>>
        %dma_start3A_192 = tpu.memref_squeeze %dma_start3A_191 : memref<1x128xi32, #tpu.memory_space<vmem>> -> memref<128xi32, #tpu.memory_space<vmem>>
        %dma_start3A_193 = arith.constant 0 : i32
        %dma_start3A_194 = arith.constant 0 : i32
        %dma_start3A_195 = tpu.memref_slice %arg10[%dma_start3A_193, %dma_start3A_194] : memref<10240x128xf32, #tpu.memory_space<vmem_shared>> -> memref<10240x128xf32, #tpu.memory_space<vmem_shared>>
        tpu.enqueue_indirect_dma source(%arg9 : memref<128x128xf32, #tpu.memory_space<vmem>>) target(%dma_start3A_195 : memref<10240x128xf32, #tpu.memory_space<vmem_shared>>) offsets(%dma_start3A_192 : memref<128xi32, #tpu.memory_space<vmem>>) semaphore(%run_scoped3A_189 : memref<!tpu.dma_semaphore, #tpu.memory_space<semaphore_mem>>) {add = true}
        %dma_wait3A_196 = arith.constant 0 : i32
        %dma_wait3A_197 = tpu.memref_slice %arg7[%add3A_188, %dma_wait3A_196] : memref<40x128xi32, #tpu.memory_space<vmem>> -> memref<1x128xi32, #tpu.memory_space<vmem>>
        %dma_wait3A_198 = tpu.memref_squeeze %dma_wait3A_197 : memref<1x128xi32, #tpu.memory_space<vmem>> -> memref<128xi32, #tpu.memory_space<vmem>>
        %dma_wait3A_199 = arith.constant 0 : i32
        %dma_wait3A_200 = arith.constant 0 : i32
        %dma_wait3A_201 = tpu.memref_slice %arg10[%dma_wait3A_199, %dma_wait3A_200] : memref<10240x128xf32, #tpu.memory_space<vmem_shared>> -> memref<10240x128xf32, #tpu.memory_space<vmem_shared>>
        tpu.wait_indirect_dma semaphore(%run_scoped3A_189 : memref<!tpu.dma_semaphore, #tpu.memory_space<semaphore_mem>>) src(%arg9 : memref<128x128xf32, #tpu.memory_space<vmem>>) dst(%dma_wait3A_201 : memref<10240x128xf32, #tpu.memory_space<vmem_shared>>)
        tpu.yield
      }) : () -> ()
    }
    %scan3A_105 = arith.constant 19 : i32
    %dma_start3A_106 = arith.constant 39 : i32
    %dma_start3A_107 = arith.constant 0 : i32
    %dma_start3A_108 = tpu.memref_slice %arg6[%dma_start3A_106, %dma_start3A_107] : memref<40x128xi32, #tpu.memory_space<vmem>> -> memref<1x128xi32, #tpu.memory_space<vmem>>
    %dma_start3A_109 = tpu.memref_squeeze %dma_start3A_108 : memref<1x128xi32, #tpu.memory_space<vmem>> -> memref<128xi32, #tpu.memory_space<vmem>>
    %dma_start3A_110 = arith.constant 0 : i32
    %dma_start3A_111 = arith.constant 0 : i32
    %dma_start3A_112 = tpu.memref_slice %arg3[%dma_start3A_110, %dma_start3A_111] : memref<10240x128xf32, #tpu.memory_space<hbm>> -> memref<10240x128xf32, #tpu.memory_space<hbm>>
    tpu.enqueue_indirect_dma source(%dma_start3A_112 : memref<10240x128xf32, #tpu.memory_space<hbm>>) target(%arg9 : memref<128x128xf32, #tpu.memory_space<vmem>>) offsets(%dma_start3A_109 : memref<128xi32, #tpu.memory_space<vmem>>) semaphore(%arg12 : memref<!tpu.dma_semaphore, #tpu.memory_space<semaphore_mem>>)
    %dma_wait3A_113 = arith.constant 38 : i32
    %dma_wait3A_114 = arith.constant 0 : i32
    %dma_wait3A_115 = tpu.memref_slice %arg6[%dma_wait3A_113, %dma_wait3A_114] : memref<40x128xi32, #tpu.memory_space<vmem>> -> memref<1x128xi32, #tpu.memory_space<vmem>>
    %dma_wait3A_116 = tpu.memref_squeeze %dma_wait3A_115 : memref<1x128xi32, #tpu.memory_space<vmem>> -> memref<128xi32, #tpu.memory_space<vmem>>
    %dma_wait3A_117 = arith.constant 0 : i32
    %dma_wait3A_118 = arith.constant 0 : i32
    %dma_wait3A_119 = tpu.memref_slice %arg3[%dma_wait3A_117, %dma_wait3A_118] : memref<10240x128xf32, #tpu.memory_space<hbm>> -> memref<10240x128xf32, #tpu.memory_space<hbm>>
    tpu.wait_indirect_dma semaphore(%arg11 : memref<!tpu.dma_semaphore, #tpu.memory_space<semaphore_mem>>) src(%dma_wait3A_119 : memref<10240x128xf32, #tpu.memory_space<hbm>>) dst(%arg8 : memref<128x128xf32, #tpu.memory_space<vmem>>)
    %run_scoped3A_120 = arith.constant 38 : i32
    "tpu.region"() ({
      %run_scoped3A_150 = tpu.sem_alloc : memref<!tpu.dma_semaphore, #tpu.memory_space<semaphore_mem>>
      %dma_start3A_151 = arith.constant 0 : i32
      %dma_start3A_152 = tpu.memref_slice %arg7[%run_scoped3A_120, %dma_start3A_151] : memref<40x128xi32, #tpu.memory_space<vmem>> -> memref<1x128xi32, #tpu.memory_space<vmem>>
      %dma_start3A_153 = tpu.memref_squeeze %dma_start3A_152 : memref<1x128xi32, #tpu.memory_space<vmem>> -> memref<128xi32, #tpu.memory_space<vmem>>
      %dma_start3A_154 = arith.constant 0 : i32
      %dma_start3A_155 = arith.constant 0 : i32
      %dma_start3A_156 = tpu.memref_slice %arg10[%dma_start3A_154, %dma_start3A_155] : memref<10240x128xf32, #tpu.memory_space<vmem_shared>> -> memref<10240x128xf32, #tpu.memory_space<vmem_shared>>
      tpu.enqueue_indirect_dma source(%arg8 : memref<128x128xf32, #tpu.memory_space<vmem>>) target(%dma_start3A_156 : memref<10240x128xf32, #tpu.memory_space<vmem_shared>>) offsets(%dma_start3A_153 : memref<128xi32, #tpu.memory_space<vmem>>) semaphore(%run_scoped3A_150 : memref<!tpu.dma_semaphore, #tpu.memory_space<semaphore_mem>>) {add = true}
      %dma_wait3A_157 = arith.constant 0 : i32
      %dma_wait3A_158 = tpu.memref_slice %arg7[%run_scoped3A_120, %dma_wait3A_157] : memref<40x128xi32, #tpu.memory_space<vmem>> -> memref<1x128xi32, #tpu.memory_space<vmem>>
      %dma_wait3A_159 = tpu.memref_squeeze %dma_wait3A_158 : memref<1x128xi32, #tpu.memory_space<vmem>> -> memref<128xi32, #tpu.memory_space<vmem>>
      %dma_wait3A_160 = arith.constant 0 : i32
      %dma_wait3A_161 = arith.constant 0 : i32
      %dma_wait3A_162 = tpu.memref_slice %arg10[%dma_wait3A_160, %dma_wait3A_161] : memref<10240x128xf32, #tpu.memory_space<vmem_shared>> -> memref<10240x128xf32, #tpu.memory_space<vmem_shared>>
      tpu.wait_indirect_dma semaphore(%run_scoped3A_150 : memref<!tpu.dma_semaphore, #tpu.memory_space<semaphore_mem>>) src(%arg8 : memref<128x128xf32, #tpu.memory_space<vmem>>) dst(%dma_wait3A_162 : memref<10240x128xf32, #tpu.memory_space<vmem_shared>>)
      tpu.yield
    }) : () -> ()
    %dma_wait3A_121 = arith.constant 39 : i32
    %dma_wait3A_122 = arith.constant 0 : i32
    %dma_wait3A_123 = tpu.memref_slice %arg6[%dma_wait3A_121, %dma_wait3A_122] : memref<40x128xi32, #tpu.memory_space<vmem>> -> memref<1x128xi32, #tpu.memory_space<vmem>>
    %dma_wait3A_124 = tpu.memref_squeeze %dma_wait3A_123 : memref<1x128xi32, #tpu.memory_space<vmem>> -> memref<128xi32, #tpu.memory_space<vmem>>
    %dma_wait3A_125 = arith.constant 0 : i32
    %dma_wait3A_126 = arith.constant 0 : i32
    %dma_wait3A_127 = tpu.memref_slice %arg3[%dma_wait3A_125, %dma_wait3A_126] : memref<10240x128xf32, #tpu.memory_space<hbm>> -> memref<10240x128xf32, #tpu.memory_space<hbm>>
    tpu.wait_indirect_dma semaphore(%arg12 : memref<!tpu.dma_semaphore, #tpu.memory_space<semaphore_mem>>) src(%dma_wait3A_127 : memref<10240x128xf32, #tpu.memory_space<hbm>>) dst(%arg9 : memref<128x128xf32, #tpu.memory_space<vmem>>)
    %run_scoped3A_128 = arith.constant 39 : i32
    "tpu.region"() ({
      %run_scoped3A_150 = tpu.sem_alloc : memref<!tpu.dma_semaphore, #tpu.memory_space<semaphore_mem>>
      %dma_start3A_151 = arith.constant 0 : i32
      %dma_start3A_152 = tpu.memref_slice %arg7[%run_scoped3A_128, %dma_start3A_151] : memref<40x128xi32, #tpu.memory_space<vmem>> -> memref<1x128xi32, #tpu.memory_space<vmem>>
      %dma_start3A_153 = tpu.memref_squeeze %dma_start3A_152 : memref<1x128xi32, #tpu.memory_space<vmem>> -> memref<128xi32, #tpu.memory_space<vmem>>
      %dma_start3A_154 = arith.constant 0 : i32
      %dma_start3A_155 = arith.constant 0 : i32
      %dma_start3A_156 = tpu.memref_slice %arg10[%dma_start3A_154, %dma_start3A_155] : memref<10240x128xf32, #tpu.memory_space<vmem_shared>> -> memref<10240x128xf32, #tpu.memory_space<vmem_shared>>
      tpu.enqueue_indirect_dma source(%arg9 : memref<128x128xf32, #tpu.memory_space<vmem>>) target(%dma_start3A_156 : memref<10240x128xf32, #tpu.memory_space<vmem_shared>>) offsets(%dma_start3A_153 : memref<128xi32, #tpu.memory_space<vmem>>) semaphore(%run_scoped3A_150 : memref<!tpu.dma_semaphore, #tpu.memory_space<semaphore_mem>>) {add = true}
      %dma_wait3A_157 = arith.constant 0 : i32
      %dma_wait3A_158 = tpu.memref_slice %arg7[%run_scoped3A_128, %dma_wait3A_157] : memref<40x128xi32, #tpu.memory_space<vmem>> -> memref<1x128xi32, #tpu.memory_space<vmem>>
      %dma_wait3A_159 = tpu.memref_squeeze %dma_wait3A_158 : memref<1x128xi32, #tpu.memory_space<vmem>> -> memref<128xi32, #tpu.memory_space<vmem>>
      %dma_wait3A_160 = arith.constant 0 : i32
      %dma_wait3A_161 = arith.constant 0 : i32
      %dma_wait3A_162 = tpu.memref_slice %arg10[%dma_wait3A_160, %dma_wait3A_161] : memref<10240x128xf32, #tpu.memory_space<vmem_shared>> -> memref<10240x128xf32, #tpu.memory_space<vmem_shared>>
      tpu.wait_indirect_dma semaphore(%run_scoped3A_150 : memref<!tpu.dma_semaphore, #tpu.memory_space<semaphore_mem>>) src(%arg9 : memref<128x128xf32, #tpu.memory_space<vmem>>) dst(%dma_wait3A_162 : memref<10240x128xf32, #tpu.memory_space<vmem_shared>>)
      tpu.yield
    }) : () -> ()
    %barrier3A_129 = arith.constant 0 : index
    tpu.barrier barrier_id(%barrier3A_129)
    %mul3A_130 = arith.constant 640 : i32
    %mul3A_131 = arith.muli %arg1, %mul3A_130 : i32
    %add3A_132 = arith.constant 0 : i32
    %add3A_133 = arith.addi %mul3A_131, %add3A_132 : i32
    "tpu.region"() ({
      %run_scoped3A_150 = tpu.sem_alloc : memref<!tpu.dma_semaphore, #tpu.memory_space<semaphore_mem>>
      %dma_start3A_151 = arith.constant 0 : i32
      %dma_start3A_152 = tpu.memref_slice %arg5[%arg0, %add3A_133, %dma_start3A_151] : memref<2x10240x128xf32, #tpu.memory_space<hbm>> -> memref<1x128x128xf32, #tpu.memory_space<hbm>>
      %dma_start3A_153 = tpu.memref_squeeze %dma_start3A_152 : memref<1x128x128xf32, #tpu.memory_space<hbm>> -> memref<128x128xf32, #tpu.memory_space<hbm>>
      %dma_start3A_154 = arith.constant 0 : i32
      %dma_start3A_155 = tpu.memref_slice %arg10[%add3A_133, %dma_start3A_154] : memref<10240x128xf32, #tpu.memory_space<vmem_shared>> -> memref<128x128xf32, #tpu.memory_space<vmem_shared>>
      tpu.enqueue_dma source(%dma_start3A_155 : memref<128x128xf32, #tpu.memory_space<vmem_shared>>) target(%dma_start3A_153 : memref<128x128xf32, #tpu.memory_space<hbm>>) target_semaphore(%run_scoped3A_150 : memref<!tpu.dma_semaphore, #tpu.memory_space<semaphore_mem>>)
      %dma_wait3A_156 = arith.constant 0 : i32
      %dma_wait3A_157 = tpu.memref_slice %arg5[%arg0, %add3A_133, %dma_wait3A_156] : memref<2x10240x128xf32, #tpu.memory_space<hbm>> -> memref<1x128x128xf32, #tpu.memory_space<hbm>>
      %dma_wait3A_158 = tpu.memref_squeeze %dma_wait3A_157 : memref<1x128x128xf32, #tpu.memory_space<hbm>> -> memref<128x128xf32, #tpu.memory_space<hbm>>
      %dma_wait3A_159 = arith.constant 0 : i32
      %dma_wait3A_160 = tpu.memref_slice %arg10[%add3A_133, %dma_wait3A_159] : memref<10240x128xf32, #tpu.memory_space<vmem_shared>> -> memref<128x128xf32, #tpu.memory_space<vmem_shared>>
      tpu.wait_dma2 semaphore(%run_scoped3A_150 : memref<!tpu.dma_semaphore, #tpu.memory_space<semaphore_mem>>) src(%dma_wait3A_160 : memref<128x128xf32, #tpu.memory_space<vmem_shared>>) dst(%dma_wait3A_158 : memref<128x128xf32, #tpu.memory_space<hbm>>)
      tpu.yield
    }) : () -> ()
    %mul3A_134 = arith.constant 640 : i32
    %mul3A_135 = arith.muli %arg1, %mul3A_134 : i32
    %add3A_136 = arith.constant 128 : i32
    %add3A_137 = arith.addi %mul3A_135, %add3A_136 : i32
    "tpu.region"() ({
      %run_scoped3A_150 = tpu.sem_alloc : memref<!tpu.dma_semaphore, #tpu.memory_space<semaphore_mem>>
      %dma_start3A_151 = arith.constant 0 : i32
      %dma_start3A_152 = tpu.memref_slice %arg5[%arg0, %add3A_137, %dma_start3A_151] : memref<2x10240x128xf32, #tpu.memory_space<hbm>> -> memref<1x128x128xf32, #tpu.memory_space<hbm>>
      %dma_start3A_153 = tpu.memref_squeeze %dma_start3A_152 : memref<1x128x128xf32, #tpu.memory_space<hbm>> -> memref<128x128xf32, #tpu.memory_space<hbm>>
      %dma_start3A_154 = arith.constant 0 : i32
      %dma_start3A_155 = tpu.memref_slice %arg10[%add3A_137, %dma_start3A_154] : memref<10240x128xf32, #tpu.memory_space<vmem_shared>> -> memref<128x128xf32, #tpu.memory_space<vmem_shared>>
      tpu.enqueue_dma source(%dma_start3A_155 : memref<128x128xf32, #tpu.memory_space<vmem_shared>>) target(%dma_start3A_153 : memref<128x128xf32, #tpu.memory_space<hbm>>) target_semaphore(%run_scoped3A_150 : memref<!tpu.dma_semaphore, #tpu.memory_space<semaphore_mem>>)
      %dma_wait3A_156 = arith.constant 0 : i32
      %dma_wait3A_157 = tpu.memref_slice %arg5[%arg0, %add3A_137, %dma_wait3A_156] : memref<2x10240x128xf32, #tpu.memory_space<hbm>> -> memref<1x128x128xf32, #tpu.memory_space<hbm>>
      %dma_wait3A_158 = tpu.memref_squeeze %dma_wait3A_157 : memref<1x128x128xf32, #tpu.memory_space<hbm>> -> memref<128x128xf32, #tpu.memory_space<hbm>>
      %dma_wait3A_159 = arith.constant 0 : i32
      %dma_wait3A_160 = tpu.memref_slice %arg10[%add3A_137, %dma_wait3A_159] : memref<10240x128xf32, #tpu.memory_space<vmem_shared>> -> memref<128x128xf32, #tpu.memory_space<vmem_shared>>
      tpu.wait_dma2 semaphore(%run_scoped3A_150 : memref<!tpu.dma_semaphore, #tpu.memory_space<semaphore_mem>>) src(%dma_wait3A_160 : memref<128x128xf32, #tpu.memory_space<vmem_shared>>) dst(%dma_wait3A_158 : memref<128x128xf32, #tpu.memory_space<hbm>>)
      tpu.yield
    }) : () -> ()
    %mul3A_138 = arith.constant 640 : i32
    %mul3A_139 = arith.muli %arg1, %mul3A_138 : i32
    %add3A_140 = arith.constant 256 : i32
    %add3A_141 = arith.addi %mul3A_139, %add3A_140 : i32
    "tpu.region"() ({
      %run_scoped3A_150 = tpu.sem_alloc : memref<!tpu.dma_semaphore, #tpu.memory_space<semaphore_mem>>
      %dma_start3A_151 = arith.constant 0 : i32
      %dma_start3A_152 = tpu.memref_slice %arg5[%arg0, %add3A_141, %dma_start3A_151] : memref<2x10240x128xf32, #tpu.memory_space<hbm>> -> memref<1x128x128xf32, #tpu.memory_space<hbm>>
      %dma_start3A_153 = tpu.memref_squeeze %dma_start3A_152 : memref<1x128x128xf32, #tpu.memory_space<hbm>> -> memref<128x128xf32, #tpu.memory_space<hbm>>
      %dma_start3A_154 = arith.constant 0 : i32
      %dma_start3A_155 = tpu.memref_slice %arg10[%add3A_141, %dma_start3A_154] : memref<10240x128xf32, #tpu.memory_space<vmem_shared>> -> memref<128x128xf32, #tpu.memory_space<vmem_shared>>
      tpu.enqueue_dma source(%dma_start3A_155 : memref<128x128xf32, #tpu.memory_space<vmem_shared>>) target(%dma_start3A_153 : memref<128x128xf32, #tpu.memory_space<hbm>>) target_semaphore(%run_scoped3A_150 : memref<!tpu.dma_semaphore, #tpu.memory_space<semaphore_mem>>)
      %dma_wait3A_156 = arith.constant 0 : i32
      %dma_wait3A_157 = tpu.memref_slice %arg5[%arg0, %add3A_141, %dma_wait3A_156] : memref<2x10240x128xf32, #tpu.memory_space<hbm>> -> memref<1x128x128xf32, #tpu.memory_space<hbm>>
      %dma_wait3A_158 = tpu.memref_squeeze %dma_wait3A_157 : memref<1x128x128xf32, #tpu.memory_space<hbm>> -> memref<128x128xf32, #tpu.memory_space<hbm>>
      %dma_wait3A_159 = arith.constant 0 : i32
      %dma_wait3A_160 = tpu.memref_slice %arg10[%add3A_141, %dma_wait3A_159] : memref<10240x128xf32, #tpu.memory_space<vmem_shared>> -> memref<128x128xf32, #tpu.memory_space<vmem_shared>>
      tpu.wait_dma2 semaphore(%run_scoped3A_150 : memref<!tpu.dma_semaphore, #tpu.memory_space<semaphore_mem>>) src(%dma_wait3A_160 : memref<128x128xf32, #tpu.memory_space<vmem_shared>>) dst(%dma_wait3A_158 : memref<128x128xf32, #tpu.memory_space<hbm>>)
      tpu.yield
    }) : () -> ()
    %mul3A_142 = arith.constant 640 : i32
    %mul3A_143 = arith.muli %arg1, %mul3A_142 : i32
    %add3A_144 = arith.constant 384 : i32
    %add3A_145 = arith.addi %mul3A_143, %add3A_144 : i32
    "tpu.region"() ({
      %run_scoped3A_150 = tpu.sem_alloc : memref<!tpu.dma_semaphore, #tpu.memory_space<semaphore_mem>>
      %dma_start3A_151 = arith.constant 0 : i32
      %dma_start3A_152 = tpu.memref_slice %arg5[%arg0, %add3A_145, %dma_start3A_151] : memref<2x10240x128xf32, #tpu.memory_space<hbm>> -> memref<1x128x128xf32, #tpu.memory_space<hbm>>
      %dma_start3A_153 = tpu.memref_squeeze %dma_start3A_152 : memref<1x128x128xf32, #tpu.memory_space<hbm>> -> memref<128x128xf32, #tpu.memory_space<hbm>>
      %dma_start3A_154 = arith.constant 0 : i32
      %dma_start3A_155 = tpu.memref_slice %arg10[%add3A_145, %dma_start3A_154] : memref<10240x128xf32, #tpu.memory_space<vmem_shared>> -> memref<128x128xf32, #tpu.memory_space<vmem_shared>>
      tpu.enqueue_dma source(%dma_start3A_155 : memref<128x128xf32, #tpu.memory_space<vmem_shared>>) target(%dma_start3A_153 : memref<128x128xf32, #tpu.memory_space<hbm>>) target_semaphore(%run_scoped3A_150 : memref<!tpu.dma_semaphore, #tpu.memory_space<semaphore_mem>>)
      %dma_wait3A_156 = arith.constant 0 : i32
      %dma_wait3A_157 = tpu.memref_slice %arg5[%arg0, %add3A_145, %dma_wait3A_156] : memref<2x10240x128xf32, #tpu.memory_space<hbm>> -> memref<1x128x128xf32, #tpu.memory_space<hbm>>
      %dma_wait3A_158 = tpu.memref_squeeze %dma_wait3A_157 : memref<1x128x128xf32, #tpu.memory_space<hbm>> -> memref<128x128xf32, #tpu.memory_space<hbm>>
      %dma_wait3A_159 = arith.constant 0 : i32
      %dma_wait3A_160 = tpu.memref_slice %arg10[%add3A_145, %dma_wait3A_159] : memref<10240x128xf32, #tpu.memory_space<vmem_shared>> -> memref<128x128xf32, #tpu.memory_space<vmem_shared>>
      tpu.wait_dma2 semaphore(%run_scoped3A_150 : memref<!tpu.dma_semaphore, #tpu.memory_space<semaphore_mem>>) src(%dma_wait3A_160 : memref<128x128xf32, #tpu.memory_space<vmem_shared>>) dst(%dma_wait3A_158 : memref<128x128xf32, #tpu.memory_space<hbm>>)
      tpu.yield
    }) : () -> ()
    %mul3A_146 = arith.constant 640 : i32
    %mul3A_147 = arith.muli %arg1, %mul3A_146 : i32
    %add3A_148 = arith.constant 512 : i32
    %add3A_149 = arith.addi %mul3A_147, %add3A_148 : i32
    "tpu.region"() ({
      %run_scoped3A_150 = tpu.sem_alloc : memref<!tpu.dma_semaphore, #tpu.memory_space<semaphore_mem>>
      %dma_start3A_151 = arith.constant 0 : i32
      %dma_start3A_152 = tpu.memref_slice %arg5[%arg0, %add3A_149, %dma_start3A_151] : memref<2x10240x128xf32, #tpu.memory_space<hbm>> -> memref<1x128x128xf32, #tpu.memory_space<hbm>>
      %dma_start3A_153 = tpu.memref_squeeze %dma_start3A_152 : memref<1x128x128xf32, #tpu.memory_space<hbm>> -> memref<128x128xf32, #tpu.memory_space<hbm>>
      %dma_start3A_154 = arith.constant 0 : i32
      %dma_start3A_155 = tpu.memref_slice %arg10[%add3A_149, %dma_start3A_154] : memref<10240x128xf32, #tpu.memory_space<vmem_shared>> -> memref<128x128xf32, #tpu.memory_space<vmem_shared>>
      tpu.enqueue_dma source(%dma_start3A_155 : memref<128x128xf32, #tpu.memory_space<vmem_shared>>) target(%dma_start3A_153 : memref<128x128xf32, #tpu.memory_space<hbm>>) target_semaphore(%run_scoped3A_150 : memref<!tpu.dma_semaphore, #tpu.memory_space<semaphore_mem>>)
      %dma_wait3A_156 = arith.constant 0 : i32
      %dma_wait3A_157 = tpu.memref_slice %arg5[%arg0, %add3A_149, %dma_wait3A_156] : memref<2x10240x128xf32, #tpu.memory_space<hbm>> -> memref<1x128x128xf32, #tpu.memory_space<hbm>>
      %dma_wait3A_158 = tpu.memref_squeeze %dma_wait3A_157 : memref<1x128x128xf32, #tpu.memory_space<hbm>> -> memref<128x128xf32, #tpu.memory_space<hbm>>
      %dma_wait3A_159 = arith.constant 0 : i32
      %dma_wait3A_160 = tpu.memref_slice %arg10[%add3A_149, %dma_wait3A_159] : memref<10240x128xf32, #tpu.memory_space<vmem_shared>> -> memref<128x128xf32, #tpu.memory_space<vmem_shared>>
      tpu.wait_dma2 semaphore(%run_scoped3A_150 : memref<!tpu.dma_semaphore, #tpu.memory_space<semaphore_mem>>) src(%dma_wait3A_160 : memref<128x128xf32, #tpu.memory_space<vmem_shared>>) dst(%dma_wait3A_158 : memref<128x128xf32, #tpu.memory_space<hbm>>)
      tpu.yield
    }) : () -> ()
    return
  }
}

#map = affine_map<(d0, d1) -> (0, 0, 0)>
#map1 = affine_map<(d0, d1) -> (0, 0)>
module attributes {stable_mosaic.version = 14 : i64} {
  func.func @_deg_kernel(%arg0: i32, %arg1: i32, %arg2: memref<2x2500x128xi32, #tpu.memory_space<hbm>>, %arg3: memref<32x10240xf32, #tpu.memory_space<hbm>>, %arg4: memref<80x128xi32, #tpu.memory_space<vmem>>, %arg5: memref<10240xf32, #tpu.memory_space<vmem>>) attributes {dimension_semantics = [#tpu.dimension_semantics<core_parallel>, #tpu.dimension_semantics<subcore_parallel>], iteration_bounds = array<i64: 2, 16>, scalar_prefetch = 0 : i64, scratch_operands = 2 : i64, tpu.core_type = #tpu.core_type<sc_vector_subcore>, window_params = [{transform_indices = #map}, {transform_indices = #map1}]} {
    %mul3A = arith.constant 16 : i32
    %mul3A_0 = arith.muli %arg0, %mul3A : i32
    %add3A = arith.addi %mul3A_0, %arg1 : i32
    %ne3A = arith.constant 31 : i32
    %ne3A_1 = arith.cmpi ne, %add3A, %ne3A : i32
    %convert_element_type3A = arith.extui %ne3A_1 : i1 to i32
    %cond3A = arith.constant 0 : i32
    %cond3A_2 = arith.cmpi ne, %convert_element_type3A, %cond3A : i32
    scf.if %cond3A_2 {
      %mul3A_19 = arith.constant 80 : i32
      %mul3A_20 = arith.muli %add3A, %mul3A_19 : i32
      %add3A_21 = arith.constant 0 : i32
      %add3A_22 = arith.addi %mul3A_20, %add3A_21 : i32
      %run_scoped3A = arith.constant 1 : i32
      "tpu.region"() ({
        %run_scoped3A_23 = tpu.sem_alloc : memref<!tpu.dma_semaphore, #tpu.memory_space<semaphore_mem>>
        %dma_start3A = arith.constant 0 : i32
        %dma_start3A_24 = tpu.memref_slice %arg2[%run_scoped3A, %add3A_22, %dma_start3A] : memref<2x2500x128xi32, #tpu.memory_space<hbm>> -> memref<1x80x128xi32, #tpu.memory_space<hbm>>
        %dma_start3A_25 = tpu.memref_squeeze %dma_start3A_24 : memref<1x80x128xi32, #tpu.memory_space<hbm>> -> memref<80x128xi32, #tpu.memory_space<hbm>>
        %dma_start3A_26 = arith.constant 0 : i32
        %dma_start3A_27 = tpu.memref_slice %arg2[%run_scoped3A, %add3A_22, %dma_start3A_26] : memref<2x2500x128xi32, #tpu.memory_space<hbm>> -> memref<1x80x128xi32, #tpu.memory_space<hbm>>
        %dma_start3A_28 = tpu.memref_squeeze %dma_start3A_27 : memref<1x80x128xi32, #tpu.memory_space<hbm>> -> memref<80x128xi32, #tpu.memory_space<hbm>>
        tpu.enqueue_dma source(%dma_start3A_28 : memref<80x128xi32, #tpu.memory_space<hbm>>) target(%arg4 : memref<80x128xi32, #tpu.memory_space<vmem>>) target_semaphore(%run_scoped3A_23 : memref<!tpu.dma_semaphore, #tpu.memory_space<semaphore_mem>>)
        %dma_wait3A = arith.constant 0 : i32
        %dma_wait3A_29 = tpu.memref_slice %arg2[%run_scoped3A, %add3A_22, %dma_wait3A] : memref<2x2500x128xi32, #tpu.memory_space<hbm>> -> memref<1x80x128xi32, #tpu.memory_space<hbm>>
        %dma_wait3A_30 = tpu.memref_squeeze %dma_wait3A_29 : memref<1x80x128xi32, #tpu.memory_space<hbm>> -> memref<80x128xi32, #tpu.memory_space<hbm>>
        %dma_wait3A_31 = arith.constant 0 : i32
        %dma_wait3A_32 = tpu.memref_slice %arg2[%run_scoped3A, %add3A_22, %dma_wait3A_31] : memref<2x2500x128xi32, #tpu.memory_space<hbm>> -> memref<1x80x128xi32, #tpu.memory_space<hbm>>
        %dma_wait3A_33 = tpu.memref_squeeze %dma_wait3A_32 : memref<1x80x128xi32, #tpu.memory_space<hbm>> -> memref<80x128xi32, #tpu.memory_space<hbm>>
        tpu.wait_dma2 semaphore(%run_scoped3A_23 : memref<!tpu.dma_semaphore, #tpu.memory_space<semaphore_mem>>) src(%dma_wait3A_33 : memref<80x128xi32, #tpu.memory_space<hbm>>) dst(%arg4 : memref<80x128xi32, #tpu.memory_space<vmem>>)
        tpu.yield
      }) : () -> ()
    } else {
    }
    %eq3A = arith.constant 31 : i32
    %eq3A_3 = arith.cmpi eq, %add3A, %eq3A : i32
    %convert_element_type3A_4 = arith.extui %eq3A_3 : i1 to i32
    %cond3A_5 = arith.constant 0 : i32
    %cond3A_6 = arith.cmpi ne, %convert_element_type3A_4, %cond3A_5 : i32
    scf.if %cond3A_6 {
      %run_scoped3A = arith.constant 1 : i32
      "tpu.region"() ({
        %run_scoped3A_24 = tpu.sem_alloc : memref<!tpu.dma_semaphore, #tpu.memory_space<semaphore_mem>>
        %dma_start3A = arith.constant 0 : i32
        %dma_start3A_25 = arith.constant 0 : i32
        %dma_start3A_26 = tpu.memref_slice %arg4[%dma_start3A, %dma_start3A_25] : memref<80x128xi32, #tpu.memory_space<vmem>> -> memref<20x128xi32, #tpu.memory_space<vmem>>
        %dma_start3A_27 = arith.constant 2480 : i32
        %dma_start3A_28 = arith.constant 0 : i32
        %dma_start3A_29 = tpu.memref_slice %arg2[%run_scoped3A, %dma_start3A_27, %dma_start3A_28] : memref<2x2500x128xi32, #tpu.memory_space<hbm>> -> memref<1x20x128xi32, #tpu.memory_space<hbm>>
        %dma_start3A_30 = tpu.memref_squeeze %dma_start3A_29 : memref<1x20x128xi32, #tpu.memory_space<hbm>> -> memref<20x128xi32, #tpu.memory_space<hbm>>
        %dma_start3A_31 = arith.constant 0 : i32
        %dma_start3A_32 = arith.constant 0 : i32
        %dma_start3A_33 = tpu.memref_slice %arg4[%dma_start3A_31, %dma_start3A_32] : memref<80x128xi32, #tpu.memory_space<vmem>> -> memref<20x128xi32, #tpu.memory_space<vmem>>
        %dma_start3A_34 = arith.constant 2480 : i32
        %dma_start3A_35 = arith.constant 0 : i32
        %dma_start3A_36 = tpu.memref_slice %arg2[%run_scoped3A, %dma_start3A_34, %dma_start3A_35] : memref<2x2500x128xi32, #tpu.memory_space<hbm>> -> memref<1x20x128xi32, #tpu.memory_space<hbm>>
        %dma_start3A_37 = tpu.memref_squeeze %dma_start3A_36 : memref<1x20x128xi32, #tpu.memory_space<hbm>> -> memref<20x128xi32, #tpu.memory_space<hbm>>
        tpu.enqueue_dma source(%dma_start3A_37 : memref<20x128xi32, #tpu.memory_space<hbm>>) target(%dma_start3A_33 : memref<20x128xi32, #tpu.memory_space<vmem>>) target_semaphore(%run_scoped3A_24 : memref<!tpu.dma_semaphore, #tpu.memory_space<semaphore_mem>>)
        %dma_wait3A = arith.constant 0 : i32
        %dma_wait3A_38 = arith.constant 0 : i32
        %dma_wait3A_39 = tpu.memref_slice %arg4[%dma_wait3A, %dma_wait3A_38] : memref<80x128xi32, #tpu.memory_space<vmem>> -> memref<20x128xi32, #tpu.memory_space<vmem>>
        %dma_wait3A_40 = arith.constant 2480 : i32
        %dma_wait3A_41 = arith.constant 0 : i32
        %dma_wait3A_42 = tpu.memref_slice %arg2[%run_scoped3A, %dma_wait3A_40, %dma_wait3A_41] : memref<2x2500x128xi32, #tpu.memory_space<hbm>> -> memref<1x20x128xi32, #tpu.memory_space<hbm>>
        %dma_wait3A_43 = tpu.memref_squeeze %dma_wait3A_42 : memref<1x20x128xi32, #tpu.memory_space<hbm>> -> memref<20x128xi32, #tpu.memory_space<hbm>>
        %dma_wait3A_44 = arith.constant 0 : i32
        %dma_wait3A_45 = arith.constant 0 : i32
        %dma_wait3A_46 = tpu.memref_slice %arg4[%dma_wait3A_44, %dma_wait3A_45] : memref<80x128xi32, #tpu.memory_space<vmem>> -> memref<20x128xi32, #tpu.memory_space<vmem>>
        %dma_wait3A_47 = arith.constant 2480 : i32
        %dma_wait3A_48 = arith.constant 0 : i32
        %dma_wait3A_49 = tpu.memref_slice %arg2[%run_scoped3A, %dma_wait3A_47, %dma_wait3A_48] : memref<2x2500x128xi32, #tpu.memory_space<hbm>> -> memref<1x20x128xi32, #tpu.memory_space<hbm>>
        %dma_wait3A_50 = tpu.memref_squeeze %dma_wait3A_49 : memref<1x20x128xi32, #tpu.memory_space<hbm>> -> memref<20x128xi32, #tpu.memory_space<hbm>>
        tpu.wait_dma2 semaphore(%run_scoped3A_24 : memref<!tpu.dma_semaphore, #tpu.memory_space<semaphore_mem>>) src(%dma_wait3A_50 : memref<20x128xi32, #tpu.memory_space<hbm>>) dst(%dma_wait3A_46 : memref<20x128xi32, #tpu.memory_space<vmem>>)
        tpu.yield
      }) : () -> ()
      %iota3A = tpu.iota {dimensions = array<i32: 0>} : vector<16xi32>
      %scan3A_19 = arith.constant 0 : i32
      %scan3A_20 = arith.constant 60 : i32
      %scan3A_21 = arith.addi %scan3A_19, %scan3A_20 : i32
      %scan3A_22 = arith.constant 1 : i32
      scf.for %scan3A_24 = %scan3A_19 to %scan3A_21 step %scan3A_22  : i32 {
        %mul3A_25 = arith.constant 1 : i32
        %mul3A_26 = arith.muli %scan3A_24, %mul3A_25 : i32
        %add3A_27 = arith.constant 20 : i32
        %add3A_28 = arith.addi %add3A_27, %mul3A_26 : i32
        %mul3A_29 = arith.constant 128 : i32
        %mul3A_30 = arith.muli %add3A_28, %mul3A_29 : i32
        %add3A_31 = arith.constant 0 : i32
        %add3A_32 = arith.addi %mul3A_30, %add3A_31 : i32
        %add3A_33 = vector.broadcast %add3A_32 : i32 to vector<16xi32>
        %add3A_34 = arith.addi %add3A_33, %iota3A : vector<16xi32>
        %rem3A = arith.constant 240 : i32
        %rem3A_35 = vector.broadcast %rem3A : i32 to vector<16xi32>
        %rem3A_36 = arith.remsi %add3A_34, %rem3A_35 : vector<16xi32>
        %add3A_37 = arith.constant 10000 : i32
        %add3A_38 = vector.broadcast %add3A_37 : i32 to vector<16xi32>
        %add3A_39 = arith.addi %add3A_38, %rem3A_36 : vector<16xi32>
        %swap3A = arith.index_cast %add3A_28 : i32 to index
        %swap3A_40 = arith.constant 0 : index
        %swap3A_41 = tpu.vector_load %arg4[%swap3A, %swap3A_40] {strides = array<i32>} : memref<80x128xi32, #tpu.memory_space<vmem>>, vector<16xi32>,
        tpu.vector_store %arg4[%swap3A, %swap3A_40], %add3A_39 {strides = array<i32>} : memref<80x128xi32, #tpu.memory_space<vmem>>, vector<16xi32>,
        %mul3A_42 = arith.constant 128 : i32
        %mul3A_43 = arith.muli %add3A_28, %mul3A_42 : i32
        %add3A_44 = arith.constant 16 : i32
        %add3A_45 = arith.addi %mul3A_43, %add3A_44 : i32
        %add3A_46 = vector.broadcast %add3A_45 : i32 to vector<16xi32>
        %add3A_47 = arith.addi %add3A_46, %iota3A : vector<16xi32>
        %rem3A_48 = arith.constant 240 : i32
        %rem3A_49 = vector.broadcast %rem3A_48 : i32 to vector<16xi32>
        %rem3A_50 = arith.remsi %add3A_47, %rem3A_49 : vector<16xi32>
        %add3A_51 = arith.constant 10000 : i32
        %add3A_52 = vector.broadcast %add3A_51 : i32 to vector<16xi32>
        %add3A_53 = arith.addi %add3A_52, %rem3A_50 : vector<16xi32>
        %swap3A_54 = arith.index_cast %add3A_28 : i32 to index
        %swap3A_55 = arith.constant 16 : index
        %swap3A_56 = tpu.vector_load %arg4[%swap3A_54, %swap3A_55] {strides = array<i32>} : memref<80x128xi32, #tpu.memory_space<vmem>>, vector<16xi32>,
        tpu.vector_store %arg4[%swap3A_54, %swap3A_55], %add3A_53 {strides = array<i32>} : memref<80x128xi32, #tpu.memory_space<vmem>>, vector<16xi32>,
        %mul3A_57 = arith.constant 128 : i32
        %mul3A_58 = arith.muli %add3A_28, %mul3A_57 : i32
        %add3A_59 = arith.constant 32 : i32
        %add3A_60 = arith.addi %mul3A_58, %add3A_59 : i32
        %add3A_61 = vector.broadcast %add3A_60 : i32 to vector<16xi32>
        %add3A_62 = arith.addi %add3A_61, %iota3A : vector<16xi32>
        %rem3A_63 = arith.constant 240 : i32
        %rem3A_64 = vector.broadcast %rem3A_63 : i32 to vector<16xi32>
        %rem3A_65 = arith.remsi %add3A_62, %rem3A_64 : vector<16xi32>
        %add3A_66 = arith.constant 10000 : i32
        %add3A_67 = vector.broadcast %add3A_66 : i32 to vector<16xi32>
        %add3A_68 = arith.addi %add3A_67, %rem3A_65 : vector<16xi32>
        %swap3A_69 = arith.index_cast %add3A_28 : i32 to index
        %swap3A_70 = arith.constant 32 : index
        %swap3A_71 = tpu.vector_load %arg4[%swap3A_69, %swap3A_70] {strides = array<i32>} : memref<80x128xi32, #tpu.memory_space<vmem>>, vector<16xi32>,
        tpu.vector_store %arg4[%swap3A_69, %swap3A_70], %add3A_68 {strides = array<i32>} : memref<80x128xi32, #tpu.memory_space<vmem>>, vector<16xi32>,
        %mul3A_72 = arith.constant 128 : i32
        %mul3A_73 = arith.muli %add3A_28, %mul3A_72 : i32
        %add3A_74 = arith.constant 48 : i32
        %add3A_75 = arith.addi %mul3A_73, %add3A_74 : i32
        %add3A_76 = vector.broadcast %add3A_75 : i32 to vector<16xi32>
        %add3A_77 = arith.addi %add3A_76, %iota3A : vector<16xi32>
        %rem3A_78 = arith.constant 240 : i32
        %rem3A_79 = vector.broadcast %rem3A_78 : i32 to vector<16xi32>
        %rem3A_80 = arith.remsi %add3A_77, %rem3A_79 : vector<16xi32>
        %add3A_81 = arith.constant 10000 : i32
        %add3A_82 = vector.broadcast %add3A_81 : i32 to vector<16xi32>
        %add3A_83 = arith.addi %add3A_82, %rem3A_80 : vector<16xi32>
        %swap3A_84 = arith.index_cast %add3A_28 : i32 to index
        %swap3A_85 = arith.constant 48 : index
        %swap3A_86 = tpu.vector_load %arg4[%swap3A_84, %swap3A_85] {strides = array<i32>} : memref<80x128xi32, #tpu.memory_space<vmem>>, vector<16xi32>,
        tpu.vector_store %arg4[%swap3A_84, %swap3A_85], %add3A_83 {strides = array<i32>} : memref<80x128xi32, #tpu.memory_space<vmem>>, vector<16xi32>,
        %mul3A_87 = arith.constant 128 : i32
        %mul3A_88 = arith.muli %add3A_28, %mul3A_87 : i32
        %add3A_89 = arith.constant 64 : i32
        %add3A_90 = arith.addi %mul3A_88, %add3A_89 : i32
        %add3A_91 = vector.broadcast %add3A_90 : i32 to vector<16xi32>
        %add3A_92 = arith.addi %add3A_91, %iota3A : vector<16xi32>
        %rem3A_93 = arith.constant 240 : i32
        %rem3A_94 = vector.broadcast %rem3A_93 : i32 to vector<16xi32>
        %rem3A_95 = arith.remsi %add3A_92, %rem3A_94 : vector<16xi32>
        %add3A_96 = arith.constant 10000 : i32
        %add3A_97 = vector.broadcast %add3A_96 : i32 to vector<16xi32>
        %add3A_98 = arith.addi %add3A_97, %rem3A_95 : vector<16xi32>
        %swap3A_99 = arith.index_cast %add3A_28 : i32 to index
        %swap3A_100 = arith.constant 64 : index
        %swap3A_101 = tpu.vector_load %arg4[%swap3A_99, %swap3A_100] {strides = array<i32>} : memref<80x128xi32, #tpu.memory_space<vmem>>, vector<16xi32>,
        tpu.vector_store %arg4[%swap3A_99, %swap3A_100], %add3A_98 {strides = array<i32>} : memref<80x128xi32, #tpu.memory_space<vmem>>, vector<16xi32>,
        %mul3A_102 = arith.constant 128 : i32
        %mul3A_103 = arith.muli %add3A_28, %mul3A_102 : i32
        %add3A_104 = arith.constant 80 : i32
        %add3A_105 = arith.addi %mul3A_103, %add3A_104 : i32
        %add3A_106 = vector.broadcast %add3A_105 : i32 to vector<16xi32>
        %add3A_107 = arith.addi %add3A_106, %iota3A : vector<16xi32>
        %rem3A_108 = arith.constant 240 : i32
        %rem3A_109 = vector.broadcast %rem3A_108 : i32 to vector<16xi32>
        %rem3A_110 = arith.remsi %add3A_107, %rem3A_109 : vector<16xi32>
        %add3A_111 = arith.constant 10000 : i32
        %add3A_112 = vector.broadcast %add3A_111 : i32 to vector<16xi32>
        %add3A_113 = arith.addi %add3A_112, %rem3A_110 : vector<16xi32>
        %swap3A_114 = arith.index_cast %add3A_28 : i32 to index
        %swap3A_115 = arith.constant 80 : index
        %swap3A_116 = tpu.vector_load %arg4[%swap3A_114, %swap3A_115] {strides = array<i32>} : memref<80x128xi32, #tpu.memory_space<vmem>>, vector<16xi32>,
        tpu.vector_store %arg4[%swap3A_114, %swap3A_115], %add3A_113 {strides = array<i32>} : memref<80x128xi32, #tpu.memory_space<vmem>>, vector<16xi32>,
        %mul3A_117 = arith.constant 128 : i32
        %mul3A_118 = arith.muli %add3A_28, %mul3A_117 : i32
        %add3A_119 = arith.constant 96 : i32
        %add3A_120 = arith.addi %mul3A_118, %add3A_119 : i32
        %add3A_121 = vector.broadcast %add3A_120 : i32 to vector<16xi32>
        %add3A_122 = arith.addi %add3A_121, %iota3A : vector<16xi32>
        %rem3A_123 = arith.constant 240 : i32
        %rem3A_124 = vector.broadcast %rem3A_123 : i32 to vector<16xi32>
        %rem3A_125 = arith.remsi %add3A_122, %rem3A_124 : vector<16xi32>
        %add3A_126 = arith.constant 10000 : i32
        %add3A_127 = vector.broadcast %add3A_126 : i32 to vector<16xi32>
        %add3A_128 = arith.addi %add3A_127, %rem3A_125 : vector<16xi32>
        %swap3A_129 = arith.index_cast %add3A_28 : i32 to index
        %swap3A_130 = arith.constant 96 : index
        %swap3A_131 = tpu.vector_load %arg4[%swap3A_129, %swap3A_130] {strides = array<i32>} : memref<80x128xi32, #tpu.memory_space<vmem>>, vector<16xi32>,
        tpu.vector_store %arg4[%swap3A_129, %swap3A_130], %add3A_128 {strides = array<i32>} : memref<80x128xi32, #tpu.memory_space<vmem>>, vector<16xi32>,
        %mul3A_132 = arith.constant 128 : i32
        %mul3A_133 = arith.muli %add3A_28, %mul3A_132 : i32
        %add3A_134 = arith.constant 112 : i32
        %add3A_135 = arith.addi %mul3A_133, %add3A_134 : i32
        %add3A_136 = vector.broadcast %add3A_135 : i32 to vector<16xi32>
        %add3A_137 = arith.addi %add3A_136, %iota3A : vector<16xi32>
        %rem3A_138 = arith.constant 240 : i32
        %rem3A_139 = vector.broadcast %rem3A_138 : i32 to vector<16xi32>
        %rem3A_140 = arith.remsi %add3A_137, %rem3A_139 : vector<16xi32>
        %add3A_141 = arith.constant 10000 : i32
        %add3A_142 = vector.broadcast %add3A_141 : i32 to vector<16xi32>
        %add3A_143 = arith.addi %add3A_142, %rem3A_140 : vector<16xi32>
        %swap3A_144 = arith.index_cast %add3A_28 : i32 to index
        %swap3A_145 = arith.constant 112 : index
        %swap3A_146 = tpu.vector_load %arg4[%swap3A_144, %swap3A_145] {strides = array<i32>} : memref<80x128xi32, #tpu.memory_space<vmem>>, vector<16xi32>,
        tpu.vector_store %arg4[%swap3A_144, %swap3A_145], %add3A_143 {strides = array<i32>} : memref<80x128xi32, #tpu.memory_space<vmem>>, vector<16xi32>,
      }
      %scan3A_23 = arith.constant 60 : i32
    } else {
    }
    %broadcast_in_dim3A = arith.constant 0.000000e+00 : f32
    %broadcast_in_dim3A_7 = vector.broadcast %broadcast_in_dim3A : f32 to vector<16xf32>
    %scan3A = arith.constant 0 : i32
    %scan3A_8 = arith.constant 640 : i32
    %scan3A_9 = arith.addi %scan3A, %scan3A_8 : i32
    %scan3A_10 = arith.constant 1 : i32
    scf.for %scan3A_19 = %scan3A to %scan3A_9 step %scan3A_10  : i32 {
      %mul3A_20 = arith.constant 1 : i32
      %mul3A_21 = arith.muli %scan3A_19, %mul3A_20 : i32
      %add3A_22 = arith.constant 0 : i32
      %add3A_23 = arith.addi %add3A_22, %mul3A_21 : i32
      %mul3A_24 = arith.constant 16 : i32
      %mul3A_25 = arith.muli %add3A_23, %mul3A_24 : i32
      %swap3A = arith.index_cast %mul3A_25 : i32 to index
      %swap3A_26 = tpu.vector_load %arg5[%swap3A] {strides = array<i32>} : memref<10240xf32, #tpu.memory_space<vmem>>, vector<16xf32>,
      tpu.vector_store %arg5[%swap3A], %broadcast_in_dim3A_7 {strides = array<i32>} : memref<10240xf32, #tpu.memory_space<vmem>>, vector<16xf32>,
    }
    %scan3A_11 = arith.constant 640 : i32
    %broadcast_in_dim3A_12 = arith.constant 1.000000e+00 : f32
    %broadcast_in_dim3A_13 = vector.broadcast %broadcast_in_dim3A_12 : f32 to vector<16xf32>
    %scan3A_14 = arith.constant 0 : i32
    %scan3A_15 = arith.constant 80 : i32
    %scan3A_16 = arith.addi %scan3A_14, %scan3A_15 : i32
    %scan3A_17 = arith.constant 1 : i32
    scf.for %scan3A_19 = %scan3A_14 to %scan3A_16 step %scan3A_17  : i32 {
      %mul3A_20 = arith.constant 1 : i32
      %mul3A_21 = arith.muli %scan3A_19, %mul3A_20 : i32
      %add3A_22 = arith.constant 0 : i32
      %add3A_23 = arith.addi %add3A_22, %mul3A_21 : i32
      %get3A = arith.index_cast %add3A_23 : i32 to index
      %get3A_24 = arith.constant 0 : index
      %get3A_25 = tpu.vector_load %arg4[%get3A, %get3A_24] {strides = array<i32>} : memref<80x128xi32, #tpu.memory_space<vmem>>, vector<16xi32>,
      tpu.vector_store_idx %arg5[%get3A_25], %broadcast_in_dim3A_13 {add = true} : memref<10240xf32, #tpu.memory_space<vmem>>[vector<16xi32>], vector<16xf32>,
      %get3A_26 = arith.index_cast %add3A_23 : i32 to index
      %get3A_27 = arith.constant 16 : index
      %get3A_28 = tpu.vector_load %arg4[%get3A_26, %get3A_27] {strides = array<i32>} : memref<80x128xi32, #tpu.memory_space<vmem>>, vector<16xi32>,
      tpu.vector_store_idx %arg5[%get3A_28], %broadcast_in_dim3A_13 {add = true} : memref<10240xf32, #tpu.memory_space<vmem>>[vector<16xi32>], vector<16xf32>,
      %get3A_29 = arith.index_cast %add3A_23 : i32 to index
      %get3A_30 = arith.constant 32 : index
      %get3A_31 = tpu.vector_load %arg4[%get3A_29, %get3A_30] {strides = array<i32>} : memref<80x128xi32, #tpu.memory_space<vmem>>, vector<16xi32>,
      tpu.vector_store_idx %arg5[%get3A_31], %broadcast_in_dim3A_13 {add = true} : memref<10240xf32, #tpu.memory_space<vmem>>[vector<16xi32>], vector<16xf32>,
      %get3A_32 = arith.index_cast %add3A_23 : i32 to index
      %get3A_33 = arith.constant 48 : index
      %get3A_34 = tpu.vector_load %arg4[%get3A_32, %get3A_33] {strides = array<i32>} : memref<80x128xi32, #tpu.memory_space<vmem>>, vector<16xi32>,
      tpu.vector_store_idx %arg5[%get3A_34], %broadcast_in_dim3A_13 {add = true} : memref<10240xf32, #tpu.memory_space<vmem>>[vector<16xi32>], vector<16xf32>,
      %get3A_35 = arith.index_cast %add3A_23 : i32 to index
      %get3A_36 = arith.constant 64 : index
      %get3A_37 = tpu.vector_load %arg4[%get3A_35, %get3A_36] {strides = array<i32>} : memref<80x128xi32, #tpu.memory_space<vmem>>, vector<16xi32>,
      tpu.vector_store_idx %arg5[%get3A_37], %broadcast_in_dim3A_13 {add = true} : memref<10240xf32, #tpu.memory_space<vmem>>[vector<16xi32>], vector<16xf32>,
      %get3A_38 = arith.index_cast %add3A_23 : i32 to index
      %get3A_39 = arith.constant 80 : index
      %get3A_40 = tpu.vector_load %arg4[%get3A_38, %get3A_39] {strides = array<i32>} : memref<80x128xi32, #tpu.memory_space<vmem>>, vector<16xi32>,
      tpu.vector_store_idx %arg5[%get3A_40], %broadcast_in_dim3A_13 {add = true} : memref<10240xf32, #tpu.memory_space<vmem>>[vector<16xi32>], vector<16xf32>,
      %get3A_41 = arith.index_cast %add3A_23 : i32 to index
      %get3A_42 = arith.constant 96 : index
      %get3A_43 = tpu.vector_load %arg4[%get3A_41, %get3A_42] {strides = array<i32>} : memref<80x128xi32, #tpu.memory_space<vmem>>, vector<16xi32>,
      tpu.vector_store_idx %arg5[%get3A_43], %broadcast_in_dim3A_13 {add = true} : memref<10240xf32, #tpu.memory_space<vmem>>[vector<16xi32>], vector<16xf32>,
      %get3A_44 = arith.index_cast %add3A_23 : i32 to index
      %get3A_45 = arith.constant 112 : index
      %get3A_46 = tpu.vector_load %arg4[%get3A_44, %get3A_45] {strides = array<i32>} : memref<80x128xi32, #tpu.memory_space<vmem>>, vector<16xi32>,
      tpu.vector_store_idx %arg5[%get3A_46], %broadcast_in_dim3A_13 {add = true} : memref<10240xf32, #tpu.memory_space<vmem>>[vector<16xi32>], vector<16xf32>,
    }
    %scan3A_18 = arith.constant 80 : i32
    "tpu.region"() ({
      %run_scoped3A = tpu.sem_alloc : memref<!tpu.dma_semaphore, #tpu.memory_space<semaphore_mem>>
      %dma_start3A = arith.constant 0 : i32
      %dma_start3A_19 = tpu.memref_slice %arg3[%add3A, %dma_start3A] : memref<32x10240xf32, #tpu.memory_space<hbm>> -> memref<1x10240xf32, #tpu.memory_space<hbm>>
      %dma_start3A_20 = tpu.memref_squeeze %dma_start3A_19 : memref<1x10240xf32, #tpu.memory_space<hbm>> -> memref<10240xf32, #tpu.memory_space<hbm>>
      %dma_start3A_21 = arith.constant 0 : i32
      %dma_start3A_22 = tpu.memref_slice %arg3[%add3A, %dma_start3A_21] : memref<32x10240xf32, #tpu.memory_space<hbm>> -> memref<1x10240xf32, #tpu.memory_space<hbm>>
      %dma_start3A_23 = tpu.memref_squeeze %dma_start3A_22 : memref<1x10240xf32, #tpu.memory_space<hbm>> -> memref<10240xf32, #tpu.memory_space<hbm>>
      tpu.enqueue_dma source(%arg5 : memref<10240xf32, #tpu.memory_space<vmem>>) target(%dma_start3A_23 : memref<10240xf32, #tpu.memory_space<hbm>>) target_semaphore(%run_scoped3A : memref<!tpu.dma_semaphore, #tpu.memory_space<semaphore_mem>>)
      %dma_wait3A = arith.constant 0 : i32
      %dma_wait3A_24 = tpu.memref_slice %arg3[%add3A, %dma_wait3A] : memref<32x10240xf32, #tpu.memory_space<hbm>> -> memref<1x10240xf32, #tpu.memory_space<hbm>>
      %dma_wait3A_25 = tpu.memref_squeeze %dma_wait3A_24 : memref<1x10240xf32, #tpu.memory_space<hbm>> -> memref<10240xf32, #tpu.memory_space<hbm>>
      %dma_wait3A_26 = arith.constant 0 : i32
      %dma_wait3A_27 = tpu.memref_slice %arg3[%add3A, %dma_wait3A_26] : memref<32x10240xf32, #tpu.memory_space<hbm>> -> memref<1x10240xf32, #tpu.memory_space<hbm>>
      %dma_wait3A_28 = tpu.memref_squeeze %dma_wait3A_27 : memref<1x10240xf32, #tpu.memory_space<hbm>> -> memref<10240xf32, #tpu.memory_space<hbm>>
      tpu.wait_dma2 semaphore(%run_scoped3A : memref<!tpu.dma_semaphore, #tpu.memory_space<semaphore_mem>>) src(%arg5 : memref<10240xf32, #tpu.memory_space<vmem>>) dst(%dma_wait3A_28 : memref<10240xf32, #tpu.memory_space<hbm>>)
      tpu.yield
    }) : () -> ()
    return
  }
}

#map = affine_map<(d0, d1) -> (0, 0, 0)>
#map1 = affine_map<(d0, d1) -> (0)>
#map2 = affine_map<(d0, d1) -> (0, 0)>
module attributes {stable_mosaic.version = 14 : i64} {
  func.func @_s_kernel(%arg0: i32, %arg1: i32, %arg2: memref<2x2500x128xi32, #tpu.memory_space<hbm>>, %arg3: memref<10240xf32, #tpu.memory_space<hbm>>, %arg4: memref<32x10240xf32, #tpu.memory_space<hbm>>, %arg5: memref<80x128xi32, #tpu.memory_space<vmem>>, %arg6: memref<80x128xi32, #tpu.memory_space<vmem>>, %arg7: memref<10240xf32, #tpu.memory_space<vmem>>, %arg8: memref<10240xf32, #tpu.memory_space<vmem>>) attributes {dimension_semantics = [#tpu.dimension_semantics<core_parallel>, #tpu.dimension_semantics<subcore_parallel>], iteration_bounds = array<i64: 2, 16>, scalar_prefetch = 0 : i64, scratch_operands = 4 : i64, tpu.core_type = #tpu.core_type<sc_vector_subcore>, window_params = [{transform_indices = #map}, {transform_indices = #map1}, {transform_indices = #map2}]} {
    %mul3A = arith.constant 16 : i32
    %mul3A_0 = arith.muli %arg0, %mul3A : i32
    %add3A = arith.addi %mul3A_0, %arg1 : i32
    %ne3A = arith.constant 31 : i32
    %ne3A_1 = arith.cmpi ne, %add3A, %ne3A : i32
    %convert_element_type3A = arith.extui %ne3A_1 : i1 to i32
    %cond3A = arith.constant 0 : i32
    %cond3A_2 = arith.cmpi ne, %convert_element_type3A, %cond3A : i32
    scf.if %cond3A_2 {
      %mul3A_27 = arith.constant 80 : i32
      %mul3A_28 = arith.muli %add3A, %mul3A_27 : i32
      %add3A_29 = arith.constant 0 : i32
      %add3A_30 = arith.addi %mul3A_28, %add3A_29 : i32
      %run_scoped3A = arith.constant 0 : i32
      "tpu.region"() ({
        %run_scoped3A_31 = tpu.sem_alloc : memref<!tpu.dma_semaphore, #tpu.memory_space<semaphore_mem>>
        %dma_start3A = arith.constant 0 : i32
        %dma_start3A_32 = tpu.memref_slice %arg2[%run_scoped3A, %add3A_30, %dma_start3A] : memref<2x2500x128xi32, #tpu.memory_space<hbm>> -> memref<1x80x128xi32, #tpu.memory_space<hbm>>
        %dma_start3A_33 = tpu.memref_squeeze %dma_start3A_32 : memref<1x80x128xi32, #tpu.memory_space<hbm>> -> memref<80x128xi32, #tpu.memory_space<hbm>>
        %dma_start3A_34 = arith.constant 0 : i32
        %dma_start3A_35 = tpu.memref_slice %arg2[%run_scoped3A, %add3A_30, %dma_start3A_34] : memref<2x2500x128xi32, #tpu.memory_space<hbm>> -> memref<1x80x128xi32, #tpu.memory_space<hbm>>
        %dma_start3A_36 = tpu.memref_squeeze %dma_start3A_35 : memref<1x80x128xi32, #tpu.memory_space<hbm>> -> memref<80x128xi32, #tpu.memory_space<hbm>>
        tpu.enqueue_dma source(%dma_start3A_36 : memref<80x128xi32, #tpu.memory_space<hbm>>) target(%arg5 : memref<80x128xi32, #tpu.memory_space<vmem>>) target_semaphore(%run_scoped3A_31 : memref<!tpu.dma_semaphore, #tpu.memory_space<semaphore_mem>>)
        %dma_wait3A = arith.constant 0 : i32
        %dma_wait3A_37 = tpu.memref_slice %arg2[%run_scoped3A, %add3A_30, %dma_wait3A] : memref<2x2500x128xi32, #tpu.memory_space<hbm>> -> memref<1x80x128xi32, #tpu.memory_space<hbm>>
        %dma_wait3A_38 = tpu.memref_squeeze %dma_wait3A_37 : memref<1x80x128xi32, #tpu.memory_space<hbm>> -> memref<80x128xi32, #tpu.memory_space<hbm>>
        %dma_wait3A_39 = arith.constant 0 : i32
        %dma_wait3A_40 = tpu.memref_slice %arg2[%run_scoped3A, %add3A_30, %dma_wait3A_39] : memref<2x2500x128xi32, #tpu.memory_space<hbm>> -> memref<1x80x128xi32, #tpu.memory_space<hbm>>
        %dma_wait3A_41 = tpu.memref_squeeze %dma_wait3A_40 : memref<1x80x128xi32, #tpu.memory_space<hbm>> -> memref<80x128xi32, #tpu.memory_space<hbm>>
        tpu.wait_dma2 semaphore(%run_scoped3A_31 : memref<!tpu.dma_semaphore, #tpu.memory_space<semaphore_mem>>) src(%dma_wait3A_41 : memref<80x128xi32, #tpu.memory_space<hbm>>) dst(%arg5 : memref<80x128xi32, #tpu.memory_space<vmem>>)
        tpu.yield
      }) : () -> ()
    } else {
    }
    %eq3A = arith.constant 31 : i32
    %eq3A_3 = arith.cmpi eq, %add3A, %eq3A : i32
    %convert_element_type3A_4 = arith.extui %eq3A_3 : i1 to i32
    %cond3A_5 = arith.constant 0 : i32
    %cond3A_6 = arith.cmpi ne, %convert_element_type3A_4, %cond3A_5 : i32
    scf.if %cond3A_6 {
      %run_scoped3A = arith.constant 0 : i32
      "tpu.region"() ({
        %run_scoped3A_32 = tpu.sem_alloc : memref<!tpu.dma_semaphore, #tpu.memory_space<semaphore_mem>>
        %dma_start3A = arith.constant 0 : i32
        %dma_start3A_33 = arith.constant 0 : i32
        %dma_start3A_34 = tpu.memref_slice %arg5[%dma_start3A, %dma_start3A_33] : memref<80x128xi32, #tpu.memory_space<vmem>> -> memref<20x128xi32, #tpu.memory_space<vmem>>
        %dma_start3A_35 = arith.constant 2480 : i32
        %dma_start3A_36 = arith.constant 0 : i32
        %dma_start3A_37 = tpu.memref_slice %arg2[%run_scoped3A, %dma_start3A_35, %dma_start3A_36] : memref<2x2500x128xi32, #tpu.memory_space<hbm>> -> memref<1x20x128xi32, #tpu.memory_space<hbm>>
        %dma_start3A_38 = tpu.memref_squeeze %dma_start3A_37 : memref<1x20x128xi32, #tpu.memory_space<hbm>> -> memref<20x128xi32, #tpu.memory_space<hbm>>
        %dma_start3A_39 = arith.constant 0 : i32
        %dma_start3A_40 = arith.constant 0 : i32
        %dma_start3A_41 = tpu.memref_slice %arg5[%dma_start3A_39, %dma_start3A_40] : memref<80x128xi32, #tpu.memory_space<vmem>> -> memref<20x128xi32, #tpu.memory_space<vmem>>
        %dma_start3A_42 = arith.constant 2480 : i32
        %dma_start3A_43 = arith.constant 0 : i32
        %dma_start3A_44 = tpu.memref_slice %arg2[%run_scoped3A, %dma_start3A_42, %dma_start3A_43] : memref<2x2500x128xi32, #tpu.memory_space<hbm>> -> memref<1x20x128xi32, #tpu.memory_space<hbm>>
        %dma_start3A_45 = tpu.memref_squeeze %dma_start3A_44 : memref<1x20x128xi32, #tpu.memory_space<hbm>> -> memref<20x128xi32, #tpu.memory_space<hbm>>
        tpu.enqueue_dma source(%dma_start3A_45 : memref<20x128xi32, #tpu.memory_space<hbm>>) target(%dma_start3A_41 : memref<20x128xi32, #tpu.memory_space<vmem>>) target_semaphore(%run_scoped3A_32 : memref<!tpu.dma_semaphore, #tpu.memory_space<semaphore_mem>>)
        %dma_wait3A = arith.constant 0 : i32
        %dma_wait3A_46 = arith.constant 0 : i32
        %dma_wait3A_47 = tpu.memref_slice %arg5[%dma_wait3A, %dma_wait3A_46] : memref<80x128xi32, #tpu.memory_space<vmem>> -> memref<20x128xi32, #tpu.memory_space<vmem>>
        %dma_wait3A_48 = arith.constant 2480 : i32
        %dma_wait3A_49 = arith.constant 0 : i32
        %dma_wait3A_50 = tpu.memref_slice %arg2[%run_scoped3A, %dma_wait3A_48, %dma_wait3A_49] : memref<2x2500x128xi32, #tpu.memory_space<hbm>> -> memref<1x20x128xi32, #tpu.memory_space<hbm>>
        %dma_wait3A_51 = tpu.memref_squeeze %dma_wait3A_50 : memref<1x20x128xi32, #tpu.memory_space<hbm>> -> memref<20x128xi32, #tpu.memory_space<hbm>>
        %dma_wait3A_52 = arith.constant 0 : i32
        %dma_wait3A_53 = arith.constant 0 : i32
        %dma_wait3A_54 = tpu.memref_slice %arg5[%dma_wait3A_52, %dma_wait3A_53] : memref<80x128xi32, #tpu.memory_space<vmem>> -> memref<20x128xi32, #tpu.memory_space<vmem>>
        %dma_wait3A_55 = arith.constant 2480 : i32
        %dma_wait3A_56 = arith.constant 0 : i32
        %dma_wait3A_57 = tpu.memref_slice %arg2[%run_scoped3A, %dma_wait3A_55, %dma_wait3A_56] : memref<2x2500x128xi32, #tpu.memory_space<hbm>> -> memref<1x20x128xi32, #tpu.memory_space<hbm>>
        %dma_wait3A_58 = tpu.memref_squeeze %dma_wait3A_57 : memref<1x20x128xi32, #tpu.memory_space<hbm>> -> memref<20x128xi32, #tpu.memory_space<hbm>>
        tpu.wait_dma2 semaphore(%run_scoped3A_32 : memref<!tpu.dma_semaphore, #tpu.memory_space<semaphore_mem>>) src(%dma_wait3A_58 : memref<20x128xi32, #tpu.memory_space<hbm>>) dst(%dma_wait3A_54 : memref<20x128xi32, #tpu.memory_space<vmem>>)
        tpu.yield
      }) : () -> ()
      %iota3A = tpu.iota {dimensions = array<i32: 0>} : vector<16xi32>
      %scan3A_27 = arith.constant 0 : i32
      %scan3A_28 = arith.constant 60 : i32
      %scan3A_29 = arith.addi %scan3A_27, %scan3A_28 : i32
      %scan3A_30 = arith.constant 1 : i32
      scf.for %scan3A_32 = %scan3A_27 to %scan3A_29 step %scan3A_30  : i32 {
        %mul3A_33 = arith.constant 1 : i32
        %mul3A_34 = arith.muli %scan3A_32, %mul3A_33 : i32
        %add3A_35 = arith.constant 20 : i32
        %add3A_36 = arith.addi %add3A_35, %mul3A_34 : i32
        %mul3A_37 = arith.constant 128 : i32
        %mul3A_38 = arith.muli %add3A_36, %mul3A_37 : i32
        %add3A_39 = arith.constant 0 : i32
        %add3A_40 = arith.addi %mul3A_38, %add3A_39 : i32
        %add3A_41 = vector.broadcast %add3A_40 : i32 to vector<16xi32>
        %add3A_42 = arith.addi %add3A_41, %iota3A : vector<16xi32>
        %rem3A = arith.constant 240 : i32
        %rem3A_43 = vector.broadcast %rem3A : i32 to vector<16xi32>
        %rem3A_44 = arith.remsi %add3A_42, %rem3A_43 : vector<16xi32>
        %add3A_45 = arith.constant 10000 : i32
        %add3A_46 = vector.broadcast %add3A_45 : i32 to vector<16xi32>
        %add3A_47 = arith.addi %add3A_46, %rem3A_44 : vector<16xi32>
        %swap3A = arith.index_cast %add3A_36 : i32 to index
        %swap3A_48 = arith.constant 0 : index
        %swap3A_49 = tpu.vector_load %arg5[%swap3A, %swap3A_48] {strides = array<i32>} : memref<80x128xi32, #tpu.memory_space<vmem>>, vector<16xi32>,
        tpu.vector_store %arg5[%swap3A, %swap3A_48], %add3A_47 {strides = array<i32>} : memref<80x128xi32, #tpu.memory_space<vmem>>, vector<16xi32>,
        %mul3A_50 = arith.constant 128 : i32
        %mul3A_51 = arith.muli %add3A_36, %mul3A_50 : i32
        %add3A_52 = arith.constant 16 : i32
        %add3A_53 = arith.addi %mul3A_51, %add3A_52 : i32
        %add3A_54 = vector.broadcast %add3A_53 : i32 to vector<16xi32>
        %add3A_55 = arith.addi %add3A_54, %iota3A : vector<16xi32>
        %rem3A_56 = arith.constant 240 : i32
        %rem3A_57 = vector.broadcast %rem3A_56 : i32 to vector<16xi32>
        %rem3A_58 = arith.remsi %add3A_55, %rem3A_57 : vector<16xi32>
        %add3A_59 = arith.constant 10000 : i32
        %add3A_60 = vector.broadcast %add3A_59 : i32 to vector<16xi32>
        %add3A_61 = arith.addi %add3A_60, %rem3A_58 : vector<16xi32>
        %swap3A_62 = arith.index_cast %add3A_36 : i32 to index
        %swap3A_63 = arith.constant 16 : index
        %swap3A_64 = tpu.vector_load %arg5[%swap3A_62, %swap3A_63] {strides = array<i32>} : memref<80x128xi32, #tpu.memory_space<vmem>>, vector<16xi32>,
        tpu.vector_store %arg5[%swap3A_62, %swap3A_63], %add3A_61 {strides = array<i32>} : memref<80x128xi32, #tpu.memory_space<vmem>>, vector<16xi32>,
        %mul3A_65 = arith.constant 128 : i32
        %mul3A_66 = arith.muli %add3A_36, %mul3A_65 : i32
        %add3A_67 = arith.constant 32 : i32
        %add3A_68 = arith.addi %mul3A_66, %add3A_67 : i32
        %add3A_69 = vector.broadcast %add3A_68 : i32 to vector<16xi32>
        %add3A_70 = arith.addi %add3A_69, %iota3A : vector<16xi32>
        %rem3A_71 = arith.constant 240 : i32
        %rem3A_72 = vector.broadcast %rem3A_71 : i32 to vector<16xi32>
        %rem3A_73 = arith.remsi %add3A_70, %rem3A_72 : vector<16xi32>
        %add3A_74 = arith.constant 10000 : i32
        %add3A_75 = vector.broadcast %add3A_74 : i32 to vector<16xi32>
        %add3A_76 = arith.addi %add3A_75, %rem3A_73 : vector<16xi32>
        %swap3A_77 = arith.index_cast %add3A_36 : i32 to index
        %swap3A_78 = arith.constant 32 : index
        %swap3A_79 = tpu.vector_load %arg5[%swap3A_77, %swap3A_78] {strides = array<i32>} : memref<80x128xi32, #tpu.memory_space<vmem>>, vector<16xi32>,
        tpu.vector_store %arg5[%swap3A_77, %swap3A_78], %add3A_76 {strides = array<i32>} : memref<80x128xi32, #tpu.memory_space<vmem>>, vector<16xi32>,
        %mul3A_80 = arith.constant 128 : i32
        %mul3A_81 = arith.muli %add3A_36, %mul3A_80 : i32
        %add3A_82 = arith.constant 48 : i32
        %add3A_83 = arith.addi %mul3A_81, %add3A_82 : i32
        %add3A_84 = vector.broadcast %add3A_83 : i32 to vector<16xi32>
        %add3A_85 = arith.addi %add3A_84, %iota3A : vector<16xi32>
        %rem3A_86 = arith.constant 240 : i32
        %rem3A_87 = vector.broadcast %rem3A_86 : i32 to vector<16xi32>
        %rem3A_88 = arith.remsi %add3A_85, %rem3A_87 : vector<16xi32>
        %add3A_89 = arith.constant 10000 : i32
        %add3A_90 = vector.broadcast %add3A_89 : i32 to vector<16xi32>
        %add3A_91 = arith.addi %add3A_90, %rem3A_88 : vector<16xi32>
        %swap3A_92 = arith.index_cast %add3A_36 : i32 to index
        %swap3A_93 = arith.constant 48 : index
        %swap3A_94 = tpu.vector_load %arg5[%swap3A_92, %swap3A_93] {strides = array<i32>} : memref<80x128xi32, #tpu.memory_space<vmem>>, vector<16xi32>,
        tpu.vector_store %arg5[%swap3A_92, %swap3A_93], %add3A_91 {strides = array<i32>} : memref<80x128xi32, #tpu.memory_space<vmem>>, vector<16xi32>,
        %mul3A_95 = arith.constant 128 : i32
        %mul3A_96 = arith.muli %add3A_36, %mul3A_95 : i32
        %add3A_97 = arith.constant 64 : i32
        %add3A_98 = arith.addi %mul3A_96, %add3A_97 : i32
        %add3A_99 = vector.broadcast %add3A_98 : i32 to vector<16xi32>
        %add3A_100 = arith.addi %add3A_99, %iota3A : vector<16xi32>
        %rem3A_101 = arith.constant 240 : i32
        %rem3A_102 = vector.broadcast %rem3A_101 : i32 to vector<16xi32>
        %rem3A_103 = arith.remsi %add3A_100, %rem3A_102 : vector<16xi32>
        %add3A_104 = arith.constant 10000 : i32
        %add3A_105 = vector.broadcast %add3A_104 : i32 to vector<16xi32>
        %add3A_106 = arith.addi %add3A_105, %rem3A_103 : vector<16xi32>
        %swap3A_107 = arith.index_cast %add3A_36 : i32 to index
        %swap3A_108 = arith.constant 64 : index
        %swap3A_109 = tpu.vector_load %arg5[%swap3A_107, %swap3A_108] {strides = array<i32>} : memref<80x128xi32, #tpu.memory_space<vmem>>, vector<16xi32>,
        tpu.vector_store %arg5[%swap3A_107, %swap3A_108], %add3A_106 {strides = array<i32>} : memref<80x128xi32, #tpu.memory_space<vmem>>, vector<16xi32>,
        %mul3A_110 = arith.constant 128 : i32
        %mul3A_111 = arith.muli %add3A_36, %mul3A_110 : i32
        %add3A_112 = arith.constant 80 : i32
        %add3A_113 = arith.addi %mul3A_111, %add3A_112 : i32
        %add3A_114 = vector.broadcast %add3A_113 : i32 to vector<16xi32>
        %add3A_115 = arith.addi %add3A_114, %iota3A : vector<16xi32>
        %rem3A_116 = arith.constant 240 : i32
        %rem3A_117 = vector.broadcast %rem3A_116 : i32 to vector<16xi32>
        %rem3A_118 = arith.remsi %add3A_115, %rem3A_117 : vector<16xi32>
        %add3A_119 = arith.constant 10000 : i32
        %add3A_120 = vector.broadcast %add3A_119 : i32 to vector<16xi32>
        %add3A_121 = arith.addi %add3A_120, %rem3A_118 : vector<16xi32>
        %swap3A_122 = arith.index_cast %add3A_36 : i32 to index
        %swap3A_123 = arith.constant 80 : index
        %swap3A_124 = tpu.vector_load %arg5[%swap3A_122, %swap3A_123] {strides = array<i32>} : memref<80x128xi32, #tpu.memory_space<vmem>>, vector<16xi32>,
        tpu.vector_store %arg5[%swap3A_122, %swap3A_123], %add3A_121 {strides = array<i32>} : memref<80x128xi32, #tpu.memory_space<vmem>>, vector<16xi32>,
        %mul3A_125 = arith.constant 128 : i32
        %mul3A_126 = arith.muli %add3A_36, %mul3A_125 : i32
        %add3A_127 = arith.constant 96 : i32
        %add3A_128 = arith.addi %mul3A_126, %add3A_127 : i32
        %add3A_129 = vector.broadcast %add3A_128 : i32 to vector<16xi32>
        %add3A_130 = arith.addi %add3A_129, %iota3A : vector<16xi32>
        %rem3A_131 = arith.constant 240 : i32
        %rem3A_132 = vector.broadcast %rem3A_131 : i32 to vector<16xi32>
        %rem3A_133 = arith.remsi %add3A_130, %rem3A_132 : vector<16xi32>
        %add3A_134 = arith.constant 10000 : i32
        %add3A_135 = vector.broadcast %add3A_134 : i32 to vector<16xi32>
        %add3A_136 = arith.addi %add3A_135, %rem3A_133 : vector<16xi32>
        %swap3A_137 = arith.index_cast %add3A_36 : i32 to index
        %swap3A_138 = arith.constant 96 : index
        %swap3A_139 = tpu.vector_load %arg5[%swap3A_137, %swap3A_138] {strides = array<i32>} : memref<80x128xi32, #tpu.memory_space<vmem>>, vector<16xi32>,
        tpu.vector_store %arg5[%swap3A_137, %swap3A_138], %add3A_136 {strides = array<i32>} : memref<80x128xi32, #tpu.memory_space<vmem>>, vector<16xi32>,
        %mul3A_140 = arith.constant 128 : i32
        %mul3A_141 = arith.muli %add3A_36, %mul3A_140 : i32
        %add3A_142 = arith.constant 112 : i32
        %add3A_143 = arith.addi %mul3A_141, %add3A_142 : i32
        %add3A_144 = vector.broadcast %add3A_143 : i32 to vector<16xi32>
        %add3A_145 = arith.addi %add3A_144, %iota3A : vector<16xi32>
        %rem3A_146 = arith.constant 240 : i32
        %rem3A_147 = vector.broadcast %rem3A_146 : i32 to vector<16xi32>
        %rem3A_148 = arith.remsi %add3A_145, %rem3A_147 : vector<16xi32>
        %add3A_149 = arith.constant 10000 : i32
        %add3A_150 = vector.broadcast %add3A_149 : i32 to vector<16xi32>
        %add3A_151 = arith.addi %add3A_150, %rem3A_148 : vector<16xi32>
        %swap3A_152 = arith.index_cast %add3A_36 : i32 to index
        %swap3A_153 = arith.constant 112 : index
        %swap3A_154 = tpu.vector_load %arg5[%swap3A_152, %swap3A_153] {strides = array<i32>} : memref<80x128xi32, #tpu.memory_space<vmem>>, vector<16xi32>,
        tpu.vector_store %arg5[%swap3A_152, %swap3A_153], %add3A_151 {strides = array<i32>} : memref<80x128xi32, #tpu.memory_space<vmem>>, vector<16xi32>,
      }
      %scan3A_31 = arith.constant 60 : i32
    } else {
    }
    %ne3A_7 = arith.constant 31 : i32
    %ne3A_8 = arith.cmpi ne, %add3A, %ne3A_7 : i32
    %convert_element_type3A_9 = arith.extui %ne3A_8 : i1 to i32
    %cond3A_10 = arith.constant 0 : i32
    %cond3A_11 = arith.cmpi ne, %convert_element_type3A_9, %cond3A_10 : i32
    scf.if %cond3A_11 {
      %mul3A_27 = arith.constant 80 : i32
      %mul3A_28 = arith.muli %add3A, %mul3A_27 : i32
      %add3A_29 = arith.constant 0 : i32
      %add3A_30 = arith.addi %mul3A_28, %add3A_29 : i32
      %run_scoped3A = arith.constant 1 : i32
      "tpu.region"() ({
        %run_scoped3A_31 = tpu.sem_alloc : memref<!tpu.dma_semaphore, #tpu.memory_space<semaphore_mem>>
        %dma_start3A = arith.constant 0 : i32
        %dma_start3A_32 = tpu.memref_slice %arg2[%run_scoped3A, %add3A_30, %dma_start3A] : memref<2x2500x128xi32, #tpu.memory_space<hbm>> -> memref<1x80x128xi32, #tpu.memory_space<hbm>>
        %dma_start3A_33 = tpu.memref_squeeze %dma_start3A_32 : memref<1x80x128xi32, #tpu.memory_space<hbm>> -> memref<80x128xi32, #tpu.memory_space<hbm>>
        %dma_start3A_34 = arith.constant 0 : i32
        %dma_start3A_35 = tpu.memref_slice %arg2[%run_scoped3A, %add3A_30, %dma_start3A_34] : memref<2x2500x128xi32, #tpu.memory_space<hbm>> -> memref<1x80x128xi32, #tpu.memory_space<hbm>>
        %dma_start3A_36 = tpu.memref_squeeze %dma_start3A_35 : memref<1x80x128xi32, #tpu.memory_space<hbm>> -> memref<80x128xi32, #tpu.memory_space<hbm>>
        tpu.enqueue_dma source(%dma_start3A_36 : memref<80x128xi32, #tpu.memory_space<hbm>>) target(%arg6 : memref<80x128xi32, #tpu.memory_space<vmem>>) target_semaphore(%run_scoped3A_31 : memref<!tpu.dma_semaphore, #tpu.memory_space<semaphore_mem>>)
        %dma_wait3A = arith.constant 0 : i32
        %dma_wait3A_37 = tpu.memref_slice %arg2[%run_scoped3A, %add3A_30, %dma_wait3A] : memref<2x2500x128xi32, #tpu.memory_space<hbm>> -> memref<1x80x128xi32, #tpu.memory_space<hbm>>
        %dma_wait3A_38 = tpu.memref_squeeze %dma_wait3A_37 : memref<1x80x128xi32, #tpu.memory_space<hbm>> -> memref<80x128xi32, #tpu.memory_space<hbm>>
        %dma_wait3A_39 = arith.constant 0 : i32
        %dma_wait3A_40 = tpu.memref_slice %arg2[%run_scoped3A, %add3A_30, %dma_wait3A_39] : memref<2x2500x128xi32, #tpu.memory_space<hbm>> -> memref<1x80x128xi32, #tpu.memory_space<hbm>>
        %dma_wait3A_41 = tpu.memref_squeeze %dma_wait3A_40 : memref<1x80x128xi32, #tpu.memory_space<hbm>> -> memref<80x128xi32, #tpu.memory_space<hbm>>
        tpu.wait_dma2 semaphore(%run_scoped3A_31 : memref<!tpu.dma_semaphore, #tpu.memory_space<semaphore_mem>>) src(%dma_wait3A_41 : memref<80x128xi32, #tpu.memory_space<hbm>>) dst(%arg6 : memref<80x128xi32, #tpu.memory_space<vmem>>)
        tpu.yield
      }) : () -> ()
    } else {
    }
    %eq3A_12 = arith.constant 31 : i32
    %eq3A_13 = arith.cmpi eq, %add3A, %eq3A_12 : i32
    %convert_element_type3A_14 = arith.extui %eq3A_13 : i1 to i32
    %cond3A_15 = arith.constant 0 : i32
    %cond3A_16 = arith.cmpi ne, %convert_element_type3A_14, %cond3A_15 : i32
    scf.if %cond3A_16 {
      %run_scoped3A = arith.constant 1 : i32
      "tpu.region"() ({
        %run_scoped3A_32 = tpu.sem_alloc : memref<!tpu.dma_semaphore, #tpu.memory_space<semaphore_mem>>
        %dma_start3A = arith.constant 0 : i32
        %dma_start3A_33 = arith.constant 0 : i32
        %dma_start3A_34 = tpu.memref_slice %arg6[%dma_start3A, %dma_start3A_33] : memref<80x128xi32, #tpu.memory_space<vmem>> -> memref<20x128xi32, #tpu.memory_space<vmem>>
        %dma_start3A_35 = arith.constant 2480 : i32
        %dma_start3A_36 = arith.constant 0 : i32
        %dma_start3A_37 = tpu.memref_slice %arg2[%run_scoped3A, %dma_start3A_35, %dma_start3A_36] : memref<2x2500x128xi32, #tpu.memory_space<hbm>> -> memref<1x20x128xi32, #tpu.memory_space<hbm>>
        %dma_start3A_38 = tpu.memref_squeeze %dma_start3A_37 : memref<1x20x128xi32, #tpu.memory_space<hbm>> -> memref<20x128xi32, #tpu.memory_space<hbm>>
        %dma_start3A_39 = arith.constant 0 : i32
        %dma_start3A_40 = arith.constant 0 : i32
        %dma_start3A_41 = tpu.memref_slice %arg6[%dma_start3A_39, %dma_start3A_40] : memref<80x128xi32, #tpu.memory_space<vmem>> -> memref<20x128xi32, #tpu.memory_space<vmem>>
        %dma_start3A_42 = arith.constant 2480 : i32
        %dma_start3A_43 = arith.constant 0 : i32
        %dma_start3A_44 = tpu.memref_slice %arg2[%run_scoped3A, %dma_start3A_42, %dma_start3A_43] : memref<2x2500x128xi32, #tpu.memory_space<hbm>> -> memref<1x20x128xi32, #tpu.memory_space<hbm>>
        %dma_start3A_45 = tpu.memref_squeeze %dma_start3A_44 : memref<1x20x128xi32, #tpu.memory_space<hbm>> -> memref<20x128xi32, #tpu.memory_space<hbm>>
        tpu.enqueue_dma source(%dma_start3A_45 : memref<20x128xi32, #tpu.memory_space<hbm>>) target(%dma_start3A_41 : memref<20x128xi32, #tpu.memory_space<vmem>>) target_semaphore(%run_scoped3A_32 : memref<!tpu.dma_semaphore, #tpu.memory_space<semaphore_mem>>)
        %dma_wait3A = arith.constant 0 : i32
        %dma_wait3A_46 = arith.constant 0 : i32
        %dma_wait3A_47 = tpu.memref_slice %arg6[%dma_wait3A, %dma_wait3A_46] : memref<80x128xi32, #tpu.memory_space<vmem>> -> memref<20x128xi32, #tpu.memory_space<vmem>>
        %dma_wait3A_48 = arith.constant 2480 : i32
        %dma_wait3A_49 = arith.constant 0 : i32
        %dma_wait3A_50 = tpu.memref_slice %arg2[%run_scoped3A, %dma_wait3A_48, %dma_wait3A_49] : memref<2x2500x128xi32, #tpu.memory_space<hbm>> -> memref<1x20x128xi32, #tpu.memory_space<hbm>>
        %dma_wait3A_51 = tpu.memref_squeeze %dma_wait3A_50 : memref<1x20x128xi32, #tpu.memory_space<hbm>> -> memref<20x128xi32, #tpu.memory_space<hbm>>
        %dma_wait3A_52 = arith.constant 0 : i32
        %dma_wait3A_53 = arith.constant 0 : i32
        %dma_wait3A_54 = tpu.memref_slice %arg6[%dma_wait3A_52, %dma_wait3A_53] : memref<80x128xi32, #tpu.memory_space<vmem>> -> memref<20x128xi32, #tpu.memory_space<vmem>>
        %dma_wait3A_55 = arith.constant 2480 : i32
        %dma_wait3A_56 = arith.constant 0 : i32
        %dma_wait3A_57 = tpu.memref_slice %arg2[%run_scoped3A, %dma_wait3A_55, %dma_wait3A_56] : memref<2x2500x128xi32, #tpu.memory_space<hbm>> -> memref<1x20x128xi32, #tpu.memory_space<hbm>>
        %dma_wait3A_58 = tpu.memref_squeeze %dma_wait3A_57 : memref<1x20x128xi32, #tpu.memory_space<hbm>> -> memref<20x128xi32, #tpu.memory_space<hbm>>
        tpu.wait_dma2 semaphore(%run_scoped3A_32 : memref<!tpu.dma_semaphore, #tpu.memory_space<semaphore_mem>>) src(%dma_wait3A_58 : memref<20x128xi32, #tpu.memory_space<hbm>>) dst(%dma_wait3A_54 : memref<20x128xi32, #tpu.memory_space<vmem>>)
        tpu.yield
      }) : () -> ()
      %iota3A = tpu.iota {dimensions = array<i32: 0>} : vector<16xi32>
      %scan3A_27 = arith.constant 0 : i32
      %scan3A_28 = arith.constant 60 : i32
      %scan3A_29 = arith.addi %scan3A_27, %scan3A_28 : i32
      %scan3A_30 = arith.constant 1 : i32
      scf.for %scan3A_32 = %scan3A_27 to %scan3A_29 step %scan3A_30  : i32 {
        %mul3A_33 = arith.constant 1 : i32
        %mul3A_34 = arith.muli %scan3A_32, %mul3A_33 : i32
        %add3A_35 = arith.constant 20 : i32
        %add3A_36 = arith.addi %add3A_35, %mul3A_34 : i32
        %mul3A_37 = arith.constant 128 : i32
        %mul3A_38 = arith.muli %add3A_36, %mul3A_37 : i32
        %add3A_39 = arith.constant 0 : i32
        %add3A_40 = arith.addi %mul3A_38, %add3A_39 : i32
        %add3A_41 = vector.broadcast %add3A_40 : i32 to vector<16xi32>
        %add3A_42 = arith.addi %add3A_41, %iota3A : vector<16xi32>
        %rem3A = arith.constant 240 : i32
        %rem3A_43 = vector.broadcast %rem3A : i32 to vector<16xi32>
        %rem3A_44 = arith.remsi %add3A_42, %rem3A_43 : vector<16xi32>
        %add3A_45 = arith.constant 10000 : i32
        %add3A_46 = vector.broadcast %add3A_45 : i32 to vector<16xi32>
        %add3A_47 = arith.addi %add3A_46, %rem3A_44 : vector<16xi32>
        %swap3A = arith.index_cast %add3A_36 : i32 to index
        %swap3A_48 = arith.constant 0 : index
        %swap3A_49 = tpu.vector_load %arg6[%swap3A, %swap3A_48] {strides = array<i32>} : memref<80x128xi32, #tpu.memory_space<vmem>>, vector<16xi32>,
        tpu.vector_store %arg6[%swap3A, %swap3A_48], %add3A_47 {strides = array<i32>} : memref<80x128xi32, #tpu.memory_space<vmem>>, vector<16xi32>,
        %mul3A_50 = arith.constant 128 : i32
        %mul3A_51 = arith.muli %add3A_36, %mul3A_50 : i32
        %add3A_52 = arith.constant 16 : i32
        %add3A_53 = arith.addi %mul3A_51, %add3A_52 : i32
        %add3A_54 = vector.broadcast %add3A_53 : i32 to vector<16xi32>
        %add3A_55 = arith.addi %add3A_54, %iota3A : vector<16xi32>
        %rem3A_56 = arith.constant 240 : i32
        %rem3A_57 = vector.broadcast %rem3A_56 : i32 to vector<16xi32>
        %rem3A_58 = arith.remsi %add3A_55, %rem3A_57 : vector<16xi32>
        %add3A_59 = arith.constant 10000 : i32
        %add3A_60 = vector.broadcast %add3A_59 : i32 to vector<16xi32>
        %add3A_61 = arith.addi %add3A_60, %rem3A_58 : vector<16xi32>
        %swap3A_62 = arith.index_cast %add3A_36 : i32 to index
        %swap3A_63 = arith.constant 16 : index
        %swap3A_64 = tpu.vector_load %arg6[%swap3A_62, %swap3A_63] {strides = array<i32>} : memref<80x128xi32, #tpu.memory_space<vmem>>, vector<16xi32>,
        tpu.vector_store %arg6[%swap3A_62, %swap3A_63], %add3A_61 {strides = array<i32>} : memref<80x128xi32, #tpu.memory_space<vmem>>, vector<16xi32>,
        %mul3A_65 = arith.constant 128 : i32
        %mul3A_66 = arith.muli %add3A_36, %mul3A_65 : i32
        %add3A_67 = arith.constant 32 : i32
        %add3A_68 = arith.addi %mul3A_66, %add3A_67 : i32
        %add3A_69 = vector.broadcast %add3A_68 : i32 to vector<16xi32>
        %add3A_70 = arith.addi %add3A_69, %iota3A : vector<16xi32>
        %rem3A_71 = arith.constant 240 : i32
        %rem3A_72 = vector.broadcast %rem3A_71 : i32 to vector<16xi32>
        %rem3A_73 = arith.remsi %add3A_70, %rem3A_72 : vector<16xi32>
        %add3A_74 = arith.constant 10000 : i32
        %add3A_75 = vector.broadcast %add3A_74 : i32 to vector<16xi32>
        %add3A_76 = arith.addi %add3A_75, %rem3A_73 : vector<16xi32>
        %swap3A_77 = arith.index_cast %add3A_36 : i32 to index
        %swap3A_78 = arith.constant 32 : index
        %swap3A_79 = tpu.vector_load %arg6[%swap3A_77, %swap3A_78] {strides = array<i32>} : memref<80x128xi32, #tpu.memory_space<vmem>>, vector<16xi32>,
        tpu.vector_store %arg6[%swap3A_77, %swap3A_78], %add3A_76 {strides = array<i32>} : memref<80x128xi32, #tpu.memory_space<vmem>>, vector<16xi32>,
        %mul3A_80 = arith.constant 128 : i32
        %mul3A_81 = arith.muli %add3A_36, %mul3A_80 : i32
        %add3A_82 = arith.constant 48 : i32
        %add3A_83 = arith.addi %mul3A_81, %add3A_82 : i32
        %add3A_84 = vector.broadcast %add3A_83 : i32 to vector<16xi32>
        %add3A_85 = arith.addi %add3A_84, %iota3A : vector<16xi32>
        %rem3A_86 = arith.constant 240 : i32
        %rem3A_87 = vector.broadcast %rem3A_86 : i32 to vector<16xi32>
        %rem3A_88 = arith.remsi %add3A_85, %rem3A_87 : vector<16xi32>
        %add3A_89 = arith.constant 10000 : i32
        %add3A_90 = vector.broadcast %add3A_89 : i32 to vector<16xi32>
        %add3A_91 = arith.addi %add3A_90, %rem3A_88 : vector<16xi32>
        %swap3A_92 = arith.index_cast %add3A_36 : i32 to index
        %swap3A_93 = arith.constant 48 : index
        %swap3A_94 = tpu.vector_load %arg6[%swap3A_92, %swap3A_93] {strides = array<i32>} : memref<80x128xi32, #tpu.memory_space<vmem>>, vector<16xi32>,
        tpu.vector_store %arg6[%swap3A_92, %swap3A_93], %add3A_91 {strides = array<i32>} : memref<80x128xi32, #tpu.memory_space<vmem>>, vector<16xi32>,
        %mul3A_95 = arith.constant 128 : i32
        %mul3A_96 = arith.muli %add3A_36, %mul3A_95 : i32
        %add3A_97 = arith.constant 64 : i32
        %add3A_98 = arith.addi %mul3A_96, %add3A_97 : i32
        %add3A_99 = vector.broadcast %add3A_98 : i32 to vector<16xi32>
        %add3A_100 = arith.addi %add3A_99, %iota3A : vector<16xi32>
        %rem3A_101 = arith.constant 240 : i32
        %rem3A_102 = vector.broadcast %rem3A_101 : i32 to vector<16xi32>
        %rem3A_103 = arith.remsi %add3A_100, %rem3A_102 : vector<16xi32>
        %add3A_104 = arith.constant 10000 : i32
        %add3A_105 = vector.broadcast %add3A_104 : i32 to vector<16xi32>
        %add3A_106 = arith.addi %add3A_105, %rem3A_103 : vector<16xi32>
        %swap3A_107 = arith.index_cast %add3A_36 : i32 to index
        %swap3A_108 = arith.constant 64 : index
        %swap3A_109 = tpu.vector_load %arg6[%swap3A_107, %swap3A_108] {strides = array<i32>} : memref<80x128xi32, #tpu.memory_space<vmem>>, vector<16xi32>,
        tpu.vector_store %arg6[%swap3A_107, %swap3A_108], %add3A_106 {strides = array<i32>} : memref<80x128xi32, #tpu.memory_space<vmem>>, vector<16xi32>,
        %mul3A_110 = arith.constant 128 : i32
        %mul3A_111 = arith.muli %add3A_36, %mul3A_110 : i32
        %add3A_112 = arith.constant 80 : i32
        %add3A_113 = arith.addi %mul3A_111, %add3A_112 : i32
        %add3A_114 = vector.broadcast %add3A_113 : i32 to vector<16xi32>
        %add3A_115 = arith.addi %add3A_114, %iota3A : vector<16xi32>
        %rem3A_116 = arith.constant 240 : i32
        %rem3A_117 = vector.broadcast %rem3A_116 : i32 to vector<16xi32>
        %rem3A_118 = arith.remsi %add3A_115, %rem3A_117 : vector<16xi32>
        %add3A_119 = arith.constant 10000 : i32
        %add3A_120 = vector.broadcast %add3A_119 : i32 to vector<16xi32>
        %add3A_121 = arith.addi %add3A_120, %rem3A_118 : vector<16xi32>
        %swap3A_122 = arith.index_cast %add3A_36 : i32 to index
        %swap3A_123 = arith.constant 80 : index
        %swap3A_124 = tpu.vector_load %arg6[%swap3A_122, %swap3A_123] {strides = array<i32>} : memref<80x128xi32, #tpu.memory_space<vmem>>, vector<16xi32>,
        tpu.vector_store %arg6[%swap3A_122, %swap3A_123], %add3A_121 {strides = array<i32>} : memref<80x128xi32, #tpu.memory_space<vmem>>, vector<16xi32>,
        %mul3A_125 = arith.constant 128 : i32
        %mul3A_126 = arith.muli %add3A_36, %mul3A_125 : i32
        %add3A_127 = arith.constant 96 : i32
        %add3A_128 = arith.addi %mul3A_126, %add3A_127 : i32
        %add3A_129 = vector.broadcast %add3A_128 : i32 to vector<16xi32>
        %add3A_130 = arith.addi %add3A_129, %iota3A : vector<16xi32>
        %rem3A_131 = arith.constant 240 : i32
        %rem3A_132 = vector.broadcast %rem3A_131 : i32 to vector<16xi32>
        %rem3A_133 = arith.remsi %add3A_130, %rem3A_132 : vector<16xi32>
        %add3A_134 = arith.constant 10000 : i32
        %add3A_135 = vector.broadcast %add3A_134 : i32 to vector<16xi32>
        %add3A_136 = arith.addi %add3A_135, %rem3A_133 : vector<16xi32>
        %swap3A_137 = arith.index_cast %add3A_36 : i32 to index
        %swap3A_138 = arith.constant 96 : index
        %swap3A_139 = tpu.vector_load %arg6[%swap3A_137, %swap3A_138] {strides = array<i32>} : memref<80x128xi32, #tpu.memory_space<vmem>>, vector<16xi32>,
        tpu.vector_store %arg6[%swap3A_137, %swap3A_138], %add3A_136 {strides = array<i32>} : memref<80x128xi32, #tpu.memory_space<vmem>>, vector<16xi32>,
        %mul3A_140 = arith.constant 128 : i32
        %mul3A_141 = arith.muli %add3A_36, %mul3A_140 : i32
        %add3A_142 = arith.constant 112 : i32
        %add3A_143 = arith.addi %mul3A_141, %add3A_142 : i32
        %add3A_144 = vector.broadcast %add3A_143 : i32 to vector<16xi32>
        %add3A_145 = arith.addi %add3A_144, %iota3A : vector<16xi32>
        %rem3A_146 = arith.constant 240 : i32
        %rem3A_147 = vector.broadcast %rem3A_146 : i32 to vector<16xi32>
        %rem3A_148 = arith.remsi %add3A_145, %rem3A_147 : vector<16xi32>
        %add3A_149 = arith.constant 10000 : i32
        %add3A_150 = vector.broadcast %add3A_149 : i32 to vector<16xi32>
        %add3A_151 = arith.addi %add3A_150, %rem3A_148 : vector<16xi32>
        %swap3A_152 = arith.index_cast %add3A_36 : i32 to index
        %swap3A_153 = arith.constant 112 : index
        %swap3A_154 = tpu.vector_load %arg6[%swap3A_152, %swap3A_153] {strides = array<i32>} : memref<80x128xi32, #tpu.memory_space<vmem>>, vector<16xi32>,
        tpu.vector_store %arg6[%swap3A_152, %swap3A_153], %add3A_151 {strides = array<i32>} : memref<80x128xi32, #tpu.memory_space<vmem>>, vector<16xi32>,
      }
      %scan3A_31 = arith.constant 60 : i32
    } else {
    }
    "tpu.region"() ({
      %run_scoped3A = tpu.sem_alloc : memref<!tpu.dma_semaphore, #tpu.memory_space<semaphore_mem>>
      tpu.enqueue_dma source(%arg3 : memref<10240xf32, #tpu.memory_space<hbm>>) target(%arg7 : memref<10240xf32, #tpu.memory_space<vmem>>) target_semaphore(%run_scoped3A : memref<!tpu.dma_semaphore, #tpu.memory_space<semaphore_mem>>)
      tpu.wait_dma2 semaphore(%run_scoped3A : memref<!tpu.dma_semaphore, #tpu.memory_space<semaphore_mem>>) src(%arg3 : memref<10240xf32, #tpu.memory_space<hbm>>) dst(%arg7 : memref<10240xf32, #tpu.memory_space<vmem>>)
      tpu.yield
    }) : () -> ()
    %broadcast_in_dim3A = arith.constant 0.000000e+00 : f32
    %broadcast_in_dim3A_17 = vector.broadcast %broadcast_in_dim3A : f32 to vector<16xf32>
    %scan3A = arith.constant 0 : i32
    %scan3A_18 = arith.constant 640 : i32
    %scan3A_19 = arith.addi %scan3A, %scan3A_18 : i32
    %scan3A_20 = arith.constant 1 : i32
    scf.for %scan3A_27 = %scan3A to %scan3A_19 step %scan3A_20  : i32 {
      %mul3A_28 = arith.constant 1 : i32
      %mul3A_29 = arith.muli %scan3A_27, %mul3A_28 : i32
      %add3A_30 = arith.constant 0 : i32
      %add3A_31 = arith.addi %add3A_30, %mul3A_29 : i32
      %mul3A_32 = arith.constant 16 : i32
      %mul3A_33 = arith.muli %add3A_31, %mul3A_32 : i32
      %swap3A = arith.index_cast %mul3A_33 : i32 to index
      %swap3A_34 = tpu.vector_load %arg8[%swap3A] {strides = array<i32>} : memref<10240xf32, #tpu.memory_space<vmem>>, vector<16xf32>,
      tpu.vector_store %arg8[%swap3A], %broadcast_in_dim3A_17 {strides = array<i32>} : memref<10240xf32, #tpu.memory_space<vmem>>, vector<16xf32>,
    }
    %scan3A_21 = arith.constant 640 : i32
    %scan3A_22 = arith.constant 0 : i32
    %scan3A_23 = arith.constant 80 : i32
    %scan3A_24 = arith.addi %scan3A_22, %scan3A_23 : i32
    %scan3A_25 = arith.constant 1 : i32
    scf.for %scan3A_27 = %scan3A_22 to %scan3A_24 step %scan3A_25  : i32 {
      %mul3A_28 = arith.constant 1 : i32
      %mul3A_29 = arith.muli %scan3A_27, %mul3A_28 : i32
      %add3A_30 = arith.constant 0 : i32
      %add3A_31 = arith.addi %add3A_30, %mul3A_29 : i32
      %get3A = arith.index_cast %add3A_31 : i32 to index
      %get3A_32 = arith.constant 0 : index
      %get3A_33 = tpu.vector_load %arg5[%get3A, %get3A_32] {strides = array<i32>} : memref<80x128xi32, #tpu.memory_space<vmem>>, vector<16xi32>,
      %get3A_34 = arith.index_cast %add3A_31 : i32 to index
      %get3A_35 = arith.constant 0 : index
      %get3A_36 = tpu.vector_load %arg6[%get3A_34, %get3A_35] {strides = array<i32>} : memref<80x128xi32, #tpu.memory_space<vmem>>, vector<16xi32>,
      %gather3A = tpu.vector_load_idx %arg7[%get3A_36] : memref<10240xf32, #tpu.memory_space<vmem>>[vector<16xi32>], vector<16xf32>,
      tpu.vector_store_idx %arg8[%get3A_33], %gather3A {add = true} : memref<10240xf32, #tpu.memory_space<vmem>>[vector<16xi32>], vector<16xf32>,
      %get3A_37 = arith.index_cast %add3A_31 : i32 to index
      %get3A_38 = arith.constant 16 : index
      %get3A_39 = tpu.vector_load %arg5[%get3A_37, %get3A_38] {strides = array<i32>} : memref<80x128xi32, #tpu.memory_space<vmem>>, vector<16xi32>,
      %get3A_40 = arith.index_cast %add3A_31 : i32 to index
      %get3A_41 = arith.constant 16 : index
      %get3A_42 = tpu.vector_load %arg6[%get3A_40, %get3A_41] {strides = array<i32>} : memref<80x128xi32, #tpu.memory_space<vmem>>, vector<16xi32>,
      %gather3A_43 = tpu.vector_load_idx %arg7[%get3A_42] : memref<10240xf32, #tpu.memory_space<vmem>>[vector<16xi32>], vector<16xf32>,
      tpu.vector_store_idx %arg8[%get3A_39], %gather3A_43 {add = true} : memref<10240xf32, #tpu.memory_space<vmem>>[vector<16xi32>], vector<16xf32>,
      %get3A_44 = arith.index_cast %add3A_31 : i32 to index
      %get3A_45 = arith.constant 32 : index
      %get3A_46 = tpu.vector_load %arg5[%get3A_44, %get3A_45] {strides = array<i32>} : memref<80x128xi32, #tpu.memory_space<vmem>>, vector<16xi32>,
      %get3A_47 = arith.index_cast %add3A_31 : i32 to index
      %get3A_48 = arith.constant 32 : index
      %get3A_49 = tpu.vector_load %arg6[%get3A_47, %get3A_48] {strides = array<i32>} : memref<80x128xi32, #tpu.memory_space<vmem>>, vector<16xi32>,
      %gather3A_50 = tpu.vector_load_idx %arg7[%get3A_49] : memref<10240xf32, #tpu.memory_space<vmem>>[vector<16xi32>], vector<16xf32>,
      tpu.vector_store_idx %arg8[%get3A_46], %gather3A_50 {add = true} : memref<10240xf32, #tpu.memory_space<vmem>>[vector<16xi32>], vector<16xf32>,
      %get3A_51 = arith.index_cast %add3A_31 : i32 to index
      %get3A_52 = arith.constant 48 : index
      %get3A_53 = tpu.vector_load %arg5[%get3A_51, %get3A_52] {strides = array<i32>} : memref<80x128xi32, #tpu.memory_space<vmem>>, vector<16xi32>,
      %get3A_54 = arith.index_cast %add3A_31 : i32 to index
      %get3A_55 = arith.constant 48 : index
      %get3A_56 = tpu.vector_load %arg6[%get3A_54, %get3A_55] {strides = array<i32>} : memref<80x128xi32, #tpu.memory_space<vmem>>, vector<16xi32>,
      %gather3A_57 = tpu.vector_load_idx %arg7[%get3A_56] : memref<10240xf32, #tpu.memory_space<vmem>>[vector<16xi32>], vector<16xf32>,
      tpu.vector_store_idx %arg8[%get3A_53], %gather3A_57 {add = true} : memref<10240xf32, #tpu.memory_space<vmem>>[vector<16xi32>], vector<16xf32>,
      %get3A_58 = arith.index_cast %add3A_31 : i32 to index
      %get3A_59 = arith.constant 64 : index
      %get3A_60 = tpu.vector_load %arg5[%get3A_58, %get3A_59] {strides = array<i32>} : memref<80x128xi32, #tpu.memory_space<vmem>>, vector<16xi32>,
      %get3A_61 = arith.index_cast %add3A_31 : i32 to index
      %get3A_62 = arith.constant 64 : index
      %get3A_63 = tpu.vector_load %arg6[%get3A_61, %get3A_62] {strides = array<i32>} : memref<80x128xi32, #tpu.memory_space<vmem>>, vector<16xi32>,
      %gather3A_64 = tpu.vector_load_idx %arg7[%get3A_63] : memref<10240xf32, #tpu.memory_space<vmem>>[vector<16xi32>], vector<16xf32>,
      tpu.vector_store_idx %arg8[%get3A_60], %gather3A_64 {add = true} : memref<10240xf32, #tpu.memory_space<vmem>>[vector<16xi32>], vector<16xf32>,
      %get3A_65 = arith.index_cast %add3A_31 : i32 to index
      %get3A_66 = arith.constant 80 : index
      %get3A_67 = tpu.vector_load %arg5[%get3A_65, %get3A_66] {strides = array<i32>} : memref<80x128xi32, #tpu.memory_space<vmem>>, vector<16xi32>,
      %get3A_68 = arith.index_cast %add3A_31 : i32 to index
      %get3A_69 = arith.constant 80 : index
      %get3A_70 = tpu.vector_load %arg6[%get3A_68, %get3A_69] {strides = array<i32>} : memref<80x128xi32, #tpu.memory_space<vmem>>, vector<16xi32>,
      %gather3A_71 = tpu.vector_load_idx %arg7[%get3A_70] : memref<10240xf32, #tpu.memory_space<vmem>>[vector<16xi32>], vector<16xf32>,
      tpu.vector_store_idx %arg8[%get3A_67], %gather3A_71 {add = true} : memref<10240xf32, #tpu.memory_space<vmem>>[vector<16xi32>], vector<16xf32>,
      %get3A_72 = arith.index_cast %add3A_31 : i32 to index
      %get3A_73 = arith.constant 96 : index
      %get3A_74 = tpu.vector_load %arg5[%get3A_72, %get3A_73] {strides = array<i32>} : memref<80x128xi32, #tpu.memory_space<vmem>>, vector<16xi32>,
      %get3A_75 = arith.index_cast %add3A_31 : i32 to index
      %get3A_76 = arith.constant 96 : index
      %get3A_77 = tpu.vector_load %arg6[%get3A_75, %get3A_76] {strides = array<i32>} : memref<80x128xi32, #tpu.memory_space<vmem>>, vector<16xi32>,
      %gather3A_78 = tpu.vector_load_idx %arg7[%get3A_77] : memref<10240xf32, #tpu.memory_space<vmem>>[vector<16xi32>], vector<16xf32>,
      tpu.vector_store_idx %arg8[%get3A_74], %gather3A_78 {add = true} : memref<10240xf32, #tpu.memory_space<vmem>>[vector<16xi32>], vector<16xf32>,
      %get3A_79 = arith.index_cast %add3A_31 : i32 to index
      %get3A_80 = arith.constant 112 : index
      %get3A_81 = tpu.vector_load %arg5[%get3A_79, %get3A_80] {strides = array<i32>} : memref<80x128xi32, #tpu.memory_space<vmem>>, vector<16xi32>,
      %get3A_82 = arith.index_cast %add3A_31 : i32 to index
      %get3A_83 = arith.constant 112 : index
      %get3A_84 = tpu.vector_load %arg6[%get3A_82, %get3A_83] {strides = array<i32>} : memref<80x128xi32, #tpu.memory_space<vmem>>, vector<16xi32>,
      %gather3A_85 = tpu.vector_load_idx %arg7[%get3A_84] : memref<10240xf32, #tpu.memory_space<vmem>>[vector<16xi32>], vector<16xf32>,
      tpu.vector_store_idx %arg8[%get3A_81], %gather3A_85 {add = true} : memref<10240xf32, #tpu.memory_space<vmem>>[vector<16xi32>], vector<16xf32>,
    }
    %scan3A_26 = arith.constant 80 : i32
    "tpu.region"() ({
      %run_scoped3A = tpu.sem_alloc : memref<!tpu.dma_semaphore, #tpu.memory_space<semaphore_mem>>
      %dma_start3A = arith.constant 0 : i32
      %dma_start3A_27 = tpu.memref_slice %arg4[%add3A, %dma_start3A] : memref<32x10240xf32, #tpu.memory_space<hbm>> -> memref<1x10240xf32, #tpu.memory_space<hbm>>
      %dma_start3A_28 = tpu.memref_squeeze %dma_start3A_27 : memref<1x10240xf32, #tpu.memory_space<hbm>> -> memref<10240xf32, #tpu.memory_space<hbm>>
      %dma_start3A_29 = arith.constant 0 : i32
      %dma_start3A_30 = tpu.memref_slice %arg4[%add3A, %dma_start3A_29] : memref<32x10240xf32, #tpu.memory_space<hbm>> -> memref<1x10240xf32, #tpu.memory_space<hbm>>
      %dma_start3A_31 = tpu.memref_squeeze %dma_start3A_30 : memref<1x10240xf32, #tpu.memory_space<hbm>> -> memref<10240xf32, #tpu.memory_space<hbm>>
      tpu.enqueue_dma source(%arg8 : memref<10240xf32, #tpu.memory_space<vmem>>) target(%dma_start3A_31 : memref<10240xf32, #tpu.memory_space<hbm>>) target_semaphore(%run_scoped3A : memref<!tpu.dma_semaphore, #tpu.memory_space<semaphore_mem>>)
      %dma_wait3A = arith.constant 0 : i32
      %dma_wait3A_32 = tpu.memref_slice %arg4[%add3A, %dma_wait3A] : memref<32x10240xf32, #tpu.memory_space<hbm>> -> memref<1x10240xf32, #tpu.memory_space<hbm>>
      %dma_wait3A_33 = tpu.memref_squeeze %dma_wait3A_32 : memref<1x10240xf32, #tpu.memory_space<hbm>> -> memref<10240xf32, #tpu.memory_space<hbm>>
      %dma_wait3A_34 = arith.constant 0 : i32
      %dma_wait3A_35 = tpu.memref_slice %arg4[%add3A, %dma_wait3A_34] : memref<32x10240xf32, #tpu.memory_space<hbm>> -> memref<1x10240xf32, #tpu.memory_space<hbm>>
      %dma_wait3A_36 = tpu.memref_squeeze %dma_wait3A_35 : memref<1x10240xf32, #tpu.memory_space<hbm>> -> memref<10240xf32, #tpu.memory_space<hbm>>
      tpu.wait_dma2 semaphore(%run_scoped3A : memref<!tpu.dma_semaphore, #tpu.memory_space<semaphore_mem>>) src(%arg8 : memref<10240xf32, #tpu.memory_space<vmem>>) dst(%dma_wait3A_36 : memref<10240xf32, #tpu.memory_space<hbm>>)
      tpu.yield
    }) : () -> ()
    return
  }
}

module attributes {stable_mosaic.version = 14 : i64} {
  func.func @_mm_body(%arg0: i32, %arg1: memref<1024x128xf32, #tpu.memory_space<vmem>>, %arg2: memref<128x128xf32, #tpu.memory_space<vmem>>, %arg3: memref<1024x128xf32, #tpu.memory_space<vmem>>) attributes {dimension_semantics = [#tpu.dimension_semantics<arbitrary>], iteration_bounds = array<i64: 10>, scalar_prefetch = 0 : i64, scratch_operands = 0 : i64, tpu.core_type = #tpu.core_type<tc>, window_params = [{transform_indices = @transform_0, window_bounds = array<i64: 1024, 128>}, {pipeline_mode = #tpu.pipeline_mode<synchronous>, transform_indices = @transform_1, window_bounds = array<i64: 128, 128>}, {transform_indices = @transform_2, window_bounds = array<i64: 1024, 128>}]} {
    %get3A = arith.constant 0 : index
    %get3A_0 = arith.constant 0 : index
    %get3A_1 = vector.load %arg1[%get3A, %get3A_0] : memref<1024x128xf32, #tpu.memory_space<vmem>>, vector<1024x128xf32>
    %get3A_2 = arith.constant 0 : index
    %get3A_3 = arith.constant 0 : index
    %get3A_4 = vector.load %arg2[%get3A_2, %get3A_3] : memref<128x128xf32, #tpu.memory_space<vmem>>, vector<128x128xf32>
    %dot_general3A = arith.constant dense<0.000000e+00> : vector<1024x128xf32>
    %dot_general3A_5 = tpu.matmul %get3A_1, %get3A_4, %dot_general3A {dimension_numbers = #tpu.dot_dimension_numbers<[1], [0], [0], [1], [0, 0, 1, 1], [], []>, transpose_lhs_hint = false} : vector<1024x128xf32>, vector<128x128xf32>, vector<1024x128xf32> -> vector<1024x128xf32>
    %swap3A = arith.constant 0 : index
    %swap3A_6 = arith.constant 0 : index
    %swap3A_7 = vector.load %arg3[%swap3A, %swap3A_6] : memref<1024x128xf32, #tpu.memory_space<vmem>>, vector<1024x128xf32>
    tpu.vector_store %arg3[%swap3A, %swap3A_6], %dot_general3A_5 {strides = array<i32>} : memref<1024x128xf32, #tpu.memory_space<vmem>>, vector<1024x128xf32>,
    return
  }
  func.func @transform_0(%arg0: i32) -> (i32, i32) {
    %c0_i32 = arith.constant 0 : i32
    %c0_i32_0 = arith.constant 0 : i32
    return %arg0, %c0_i32 : i32, i32
  }
  func.func @transform_1(%arg0: i32) -> (i32, i32) {
    %c0_i32 = arith.constant 0 : i32
    %c0_i32_0 = arith.constant 0 : i32
    %c0_i32_1 = arith.constant 0 : i32
    return %c0_i32, %c0_i32_0 : i32, i32
  }
  func.func @transform_2(%arg0: i32) -> (i32, i32) {
    %c0_i32 = arith.constant 0 : i32
    %c0_i32_0 = arith.constant 0 : i32
    return %arg0, %c0_i32 : i32, i32
  }
}

module attributes {stable_mosaic.version = 14 : i64} {
  func.func @_dinv_body(%arg0: i32, %arg1: memref<32x1024xf32, #tpu.memory_space<vmem>>, %arg2: memref<8x128xf32, #tpu.memory_space<vmem>>, %arg3: memref<1024xf32, #tpu.memory_space<vmem>>) attributes {dimension_semantics = [#tpu.dimension_semantics<arbitrary>], iteration_bounds = array<i64: 10>, scalar_prefetch = 0 : i64, scratch_operands = 0 : i64, tpu.core_type = #tpu.core_type<tc>, window_params = [{transform_indices = @transform_0, window_bounds = array<i64: 32, 1024>}, {transform_indices = @transform_1, window_bounds = array<i64: 8, 128>}, {transform_indices = @transform_2, window_bounds = array<i64: 1024>}]} {
    %get3A = arith.constant 0 : index
    %get3A_0 = arith.constant 0 : index
    %get3A_1 = vector.load %arg1[%get3A, %get3A_0] : memref<32x1024xf32, #tpu.memory_space<vmem>>, vector<32x1024xf32>
    %reduce_sum3A = arith.constant dense<0.000000e+00> : vector<1024xf32>
    %reduce_sum3A_2 = vector.multi_reduction <add>, %get3A_1, %reduce_sum3A [0] : vector<32x1024xf32> to vector<1024xf32>
    %add3A = arith.constant 1.000000e+00 : f32
    %add3A_3 = vector.broadcast %add3A : f32 to vector<1024xf32>
    %add3A_4 = arith.addf %reduce_sum3A_2, %add3A_3 : vector<1024xf32>
    %rsqrt3A = math.rsqrt %add3A_4 : vector<1024xf32>
    %swap3A = arith.constant 0 : index
    %swap3A_5 = vector.load %arg3[%swap3A] : memref<1024xf32, #tpu.memory_space<vmem>>, vector<1024xf32>
    tpu.vector_store %arg3[%swap3A], %rsqrt3A {strides = array<i32>} : memref<1024xf32, #tpu.memory_space<vmem>>, vector<1024xf32>,
    return
  }
  func.func @transform_0(%arg0: i32) -> (i32, i32) {
    %c0_i32 = arith.constant 0 : i32
    %c0_i32_0 = arith.constant 0 : i32
    return %c0_i32, %arg0 : i32, i32
  }
  func.func @transform_1(%arg0: i32) -> (i32, i32) {
    %c0_i32 = arith.constant 0 : i32
    %c0_i32_0 = arith.constant 0 : i32
    %c0_i32_1 = arith.constant 0 : i32
    return %c0_i32, %c0_i32_0 : i32, i32
  }
  func.func @transform_2(%arg0: i32) -> i32 {
    %c0_i32 = arith.constant 0 : i32
    return %arg0 : i32
  }
}

module attributes {stable_mosaic.version = 14 : i64} {
  func.func @_y_body(%arg0: i32, %arg1: memref<1024xf32, #tpu.memory_space<vmem>>, %arg2: memref<1024x128xf32, #tpu.memory_space<vmem>>, %arg3: memref<1024x128xf32, #tpu.memory_space<vmem>>) attributes {dimension_semantics = [#tpu.dimension_semantics<arbitrary>], iteration_bounds = array<i64: 10>, scalar_prefetch = 0 : i64, scratch_operands = 0 : i64, tpu.core_type = #tpu.core_type<tc>, window_params = [{transform_indices = @transform_0, window_bounds = array<i64: 1024>}, {transform_indices = @transform_1, window_bounds = array<i64: 1024, 128>}, {transform_indices = @transform_2, window_bounds = array<i64: 1024, 128>}]} {
    %get3A = arith.constant 0 : index
    %get3A_0 = vector.load %arg1[%get3A] : memref<1024xf32, #tpu.memory_space<vmem>>, vector<1024xf32>
    %broadcast_in_dim3A = vector.shape_cast %get3A_0 : vector<1024xf32> to vector<1024x1xf32>
    %get3A_1 = arith.constant 0 : index
    %get3A_2 = arith.constant 0 : index
    %get3A_3 = vector.load %arg2[%get3A_1, %get3A_2] : memref<1024x128xf32, #tpu.memory_space<vmem>>, vector<1024x128xf32>
    %mul3A = vector.broadcast %broadcast_in_dim3A : vector<1024x1xf32> to vector<1024x128xf32>
    %mul3A_4 = arith.mulf %mul3A, %get3A_3 : vector<1024x128xf32>
    %swap3A = arith.constant 0 : index
    %swap3A_5 = arith.constant 0 : index
    %swap3A_6 = vector.load %arg3[%swap3A, %swap3A_5] : memref<1024x128xf32, #tpu.memory_space<vmem>>, vector<1024x128xf32>
    tpu.vector_store %arg3[%swap3A, %swap3A_5], %mul3A_4 {strides = array<i32>} : memref<1024x128xf32, #tpu.memory_space<vmem>>, vector<1024x128xf32>,
    return
  }
  func.func @transform_0(%arg0: i32) -> i32 {
    %c0_i32 = arith.constant 0 : i32
    return %arg0 : i32
  }
  func.func @transform_1(%arg0: i32) -> (i32, i32) {
    %c0_i32 = arith.constant 0 : i32
    %c0_i32_0 = arith.constant 0 : i32
    return %arg0, %c0_i32 : i32, i32
  }
  func.func @transform_2(%arg0: i32) -> (i32, i32) {
    %c0_i32 = arith.constant 0 : i32
    %c0_i32_0 = arith.constant 0 : i32
    return %arg0, %c0_i32 : i32, i32
  }
}

module attributes {stable_mosaic.version = 14 : i64} {
  func.func @_final_body(%arg0: i32, %arg1: memref<2x1024x128xf32, #tpu.memory_space<vmem>>, %arg2: memref<1024x128xf32, #tpu.memory_space<vmem>>, %arg3: memref<1024xf32, #tpu.memory_space<vmem>>, %arg4: memref<32x1024xf32, #tpu.memory_space<vmem>>, %arg5: memref<1x128xf32, #tpu.memory_space<vmem>>, %arg6: memref<128x128xf32, #tpu.memory_space<vmem>>, %arg7: memref<1x128xf32, #tpu.memory_space<vmem>>, %arg8: memref<1x128xf32, #tpu.memory_space<vmem>>, %arg9: memref<1x1xf32, #tpu.memory_space<vmem>>, %arg10: memref<1x1xf32, #tpu.memory_space<vmem>>, %arg11: memref<8x128xf32, #tpu.memory_space<vmem>>) attributes {dimension_semantics = [#tpu.dimension_semantics<arbitrary>], iteration_bounds = array<i64: 10>, scalar_prefetch = 0 : i64, scratch_operands = 1 : i64, tpu.core_type = #tpu.core_type<tc>, window_params = [{transform_indices = @transform_0, window_bounds = array<i64: 2, 1024, 128>}, {transform_indices = @transform_1, window_bounds = array<i64: 1024, 128>}, {transform_indices = @transform_2, window_bounds = array<i64: 1024>}, {transform_indices = @transform_3, window_bounds = array<i64: 32, 1024>}, {pipeline_mode = #tpu.pipeline_mode<synchronous>, transform_indices = @transform_4, window_bounds = array<i64: 1, 128>}, {pipeline_mode = #tpu.pipeline_mode<synchronous>, transform_indices = @transform_5, window_bounds = array<i64: 128, 128>}, {pipeline_mode = #tpu.pipeline_mode<synchronous>, transform_indices = @transform_6, window_bounds = array<i64: 1, 128>}, {pipeline_mode = #tpu.pipeline_mode<synchronous>, transform_indices = @transform_7, window_bounds = array<i64: 1, 128>}, {pipeline_mode = #tpu.pipeline_mode<synchronous>, transform_indices = @transform_8, window_bounds = array<i64: 1, 1>}, {pipeline_mode = #tpu.pipeline_mode<synchronous>, transform_indices = @transform_9, window_bounds = array<i64: 1, 1>}]} {
    %get3A = arith.constant 0 : index
    %get3A_0 = vector.load %arg3[%get3A] : memref<1024xf32, #tpu.memory_space<vmem>>, vector<1024xf32>
    %broadcast_in_dim3A = vector.shape_cast %get3A_0 : vector<1024xf32> to vector<1024x1xf32>
    %get3A_1 = arith.constant 0 : index
    %get3A_2 = arith.constant 0 : index
    %get3A_3 = arith.constant 0 : index
    %get3A_4 = vector.load %arg1[%get3A_1, %get3A_2, %get3A_3] : memref<2x1024x128xf32, #tpu.memory_space<vmem>>, vector<1x1024x128xf32>
    %get3A_5 = vector.shape_cast %get3A_4 : vector<1x1024x128xf32> to vector<1024x128xf32>
    %get3A_6 = arith.constant 1 : index
    %get3A_7 = arith.constant 0 : index
    %get3A_8 = arith.constant 0 : index
    %get3A_9 = vector.load %arg1[%get3A_6, %get3A_7, %get3A_8] : memref<2x1024x128xf32, #tpu.memory_space<vmem>>, vector<1x1024x128xf32>
    %get3A_10 = vector.shape_cast %get3A_9 : vector<1x1024x128xf32> to vector<1024x128xf32>
    %add3A = arith.addf %get3A_5, %get3A_10 : vector<1024x128xf32>
    %mul3A = vector.broadcast %broadcast_in_dim3A : vector<1024x1xf32> to vector<1024x128xf32>
    %mul3A_11 = arith.mulf %mul3A, %add3A : vector<1024x128xf32>
    %mul3A_12 = arith.mulf %broadcast_in_dim3A, %broadcast_in_dim3A : vector<1024x1xf32>
    %get3A_13 = arith.constant 0 : index
    %get3A_14 = arith.constant 0 : index
    %get3A_15 = vector.load %arg2[%get3A_13, %get3A_14] : memref<1024x128xf32, #tpu.memory_space<vmem>>, vector<1024x128xf32>
    %mul3A_16 = vector.broadcast %mul3A_12 : vector<1024x1xf32> to vector<1024x128xf32>
    %mul3A_17 = arith.mulf %mul3A_16, %get3A_15 : vector<1024x128xf32>
    %add3A_18 = arith.addf %mul3A_11, %mul3A_17 : vector<1024x128xf32>
    %get3A_19 = arith.constant 0 : index
    %get3A_20 = arith.constant 0 : index
    %get3A_21 = vector.load %arg5[%get3A_19, %get3A_20] : memref<1x128xf32, #tpu.memory_space<vmem>>, vector<1x128xf32>
    %add3A_22 = vector.broadcast %get3A_21 : vector<1x128xf32> to vector<1024x128xf32>
    %add3A_23 = arith.addf %add3A_18, %add3A_22 : vector<1024x128xf32>
    %max3A = arith.constant 0.000000e+00 : f32
    %max3A_24 = vector.broadcast %max3A : f32 to vector<1024x128xf32>
    %max3A_25 = arith.maximumf %add3A_23, %max3A_24 : vector<1024x128xf32>
    %get3A_26 = arith.constant 0 : index
    %get3A_27 = arith.constant 0 : index
    %get3A_28 = vector.load %arg4[%get3A_26, %get3A_27] : memref<32x1024xf32, #tpu.memory_space<vmem>>, vector<32x1024xf32>
    %reduce_sum3A = arith.constant dense<0.000000e+00> : vector<1024xf32>
    %reduce_sum3A_29 = vector.multi_reduction <add>, %get3A_28, %reduce_sum3A [0] : vector<32x1024xf32> to vector<1024xf32>
    %broadcast_in_dim3A_30 = vector.shape_cast %reduce_sum3A_29 : vector<1024xf32> to vector<1024x1xf32>
    %mul3A_31 = arith.constant 1024 : i32
    %mul3A_32 = arith.muli %arg0, %mul3A_31 : i32
    %iota3A = tpu.iota {dimensions = array<i32: 0>} : vector<1024x1xi32>
    %add3A_33 = vector.broadcast %mul3A_32 : i32 to vector<1024x1xi32>
    %add3A_34 = arith.addi %add3A_33, %iota3A : vector<1024x1xi32>
    %lt3A = arith.constant 10000 : i32
    %lt3A_35 = vector.broadcast %lt3A : i32 to vector<1024x1xi32>
    %lt3A_36 = arith.cmpi slt, %add3A_34, %lt3A_35 : vector<1024x1xi32>
    %add3A_37 = arith.addf %broadcast_in_dim3A, %broadcast_in_dim3A_30 : vector<1024x1xf32>
    %mul3A_38 = arith.mulf %broadcast_in_dim3A, %add3A_37 : vector<1024x1xf32>
    %jit3A = arith.constant 0.000000e+00 : f32
    %broadcast_in_dim3A_39 = vector.broadcast %jit3A : f32 to vector<1024x1xf32>
    %select_n3A = arith.select %lt3A_36, %mul3A_38, %broadcast_in_dim3A_39 : vector<1024x1xi1>, vector<1024x1xf32>
    %mul3A_40 = vector.broadcast %select_n3A : vector<1024x1xf32> to vector<1024x128xf32>
    %mul3A_41 = arith.mulf %mul3A_40, %max3A_25 : vector<1024x128xf32>
    %reshape3A = vector.shape_cast %mul3A_41 : vector<1024x128xf32> to vector<128x8x128xf32>
    %reduce_sum3A_42 = arith.constant dense<0.000000e+00> : vector<8x128xf32>
    %reduce_sum3A_43 = vector.multi_reduction <add>, %reshape3A, %reduce_sum3A_42 [0] : vector<128x8x128xf32> to vector<8x128xf32>
    %eq3A = arith.constant 0 : i32
    %eq3A_44 = arith.cmpi eq, %arg0, %eq3A : i32
    %convert_element_type3A = arith.extui %eq3A_44 : i1 to i32
    %cond3A = arith.constant 0 : i32
    %cond3A_45 = arith.cmpi ne, %convert_element_type3A, %cond3A : i32
    scf.if %cond3A_45 {
      %broadcast_in_dim3A_57 = arith.constant 0.000000e+00 : f32
      %broadcast_in_dim3A_58 = vector.broadcast %broadcast_in_dim3A_57 : f32 to vector<8x128xf32>
      %swap3A_59 = arith.constant 0 : index
      %swap3A_60 = arith.constant 0 : index
      %swap3A_61 = vector.load %arg11[%swap3A_59, %swap3A_60] : memref<8x128xf32, #tpu.memory_space<vmem>>, vector<8x128xf32>
      tpu.vector_store %arg11[%swap3A_59, %swap3A_60], %broadcast_in_dim3A_58 {strides = array<i32>} : memref<8x128xf32, #tpu.memory_space<vmem>>, vector<8x128xf32>,
    } else {
    }
    %get3A_46 = arith.constant 0 : index
    %get3A_47 = arith.constant 0 : index
    %get3A_48 = vector.load %arg11[%get3A_46, %get3A_47] : memref<8x128xf32, #tpu.memory_space<vmem>>, vector<8x128xf32>
    %add3A_49 = arith.addf %get3A_48, %reduce_sum3A_43 : vector<8x128xf32>
    %swap3A = arith.constant 0 : index
    %swap3A_50 = arith.constant 0 : index
    %swap3A_51 = vector.load %arg11[%swap3A, %swap3A_50] : memref<8x128xf32, #tpu.memory_space<vmem>>, vector<8x128xf32>
    tpu.vector_store %arg11[%swap3A, %swap3A_50], %add3A_49 {strides = array<i32>} : memref<8x128xf32, #tpu.memory_space<vmem>>, vector<8x128xf32>,
    %eq3A_52 = arith.constant 9 : i32
    %eq3A_53 = arith.cmpi eq, %arg0, %eq3A_52 : i32
    %convert_element_type3A_54 = arith.extui %eq3A_53 : i1 to i32
    %cond3A_55 = arith.constant 0 : i32
    %cond3A_56 = arith.cmpi ne, %convert_element_type3A_54, %cond3A_55 : i32
    scf.if %cond3A_56 {
      %get3A_57 = arith.constant 0 : index
      %get3A_58 = arith.constant 0 : index
      %get3A_59 = vector.load %arg11[%get3A_57, %get3A_58] : memref<8x128xf32, #tpu.memory_space<vmem>>, vector<8x128xf32>
      %reduce_sum3A_60 = arith.constant dense<0.000000e+00> : vector<128xf32>
      %reduce_sum3A_61 = vector.multi_reduction <add>, %get3A_59, %reduce_sum3A_60 [0] : vector<8x128xf32> to vector<128xf32>
      %broadcast_in_dim3A_62 = vector.shape_cast %reduce_sum3A_61 : vector<128xf32> to vector<1x128xf32>
      %mul3A_63 = arith.constant 9.99999974E-5 : f32
      %mul3A_64 = vector.broadcast %mul3A_63 : f32 to vector<1x128xf32>
      %mul3A_65 = arith.mulf %broadcast_in_dim3A_62, %mul3A_64 : vector<1x128xf32>
      %get3A_66 = arith.constant 0 : index
      %get3A_67 = arith.constant 0 : index
      %get3A_68 = vector.load %arg6[%get3A_66, %get3A_67] : memref<128x128xf32, #tpu.memory_space<vmem>>, vector<128x128xf32>
      %dot_general3A = arith.constant dense<0.000000e+00> : vector<1x128xf32>
      %dot_general3A_69 = tpu.matmul %mul3A_65, %get3A_68, %dot_general3A {dimension_numbers = #tpu.dot_dimension_numbers<[1], [0], [0], [1], [0, 0, 1, 1], [], []>, transpose_lhs_hint = false} : vector<1x128xf32>, vector<128x128xf32>, vector<1x128xf32> -> vector<1x128xf32>
      %get3A_70 = arith.constant 0 : index
      %get3A_71 = arith.constant 0 : index
      %get3A_72 = vector.load %arg7[%get3A_70, %get3A_71] : memref<1x128xf32, #tpu.memory_space<vmem>>, vector<1x128xf32>
      %add3A_73 = arith.addf %dot_general3A_69, %get3A_72 : vector<1x128xf32>
      %get3A_74 = arith.constant 0 : index
      %get3A_75 = arith.constant 0 : index
      %get3A_76 = vector.load %arg8[%get3A_74, %get3A_75] : memref<1x128xf32, #tpu.memory_space<vmem>>, vector<1x128xf32>
      %mul3A_77 = arith.mulf %add3A_73, %get3A_76 : vector<1x128xf32>
      %reduce_sum3A_78 = arith.constant dense<0.000000e+00> : vector<1xf32>
      %reduce_sum3A_79 = vector.multi_reduction <add>, %mul3A_77, %reduce_sum3A_78 [1] : vector<1x128xf32> to vector<1xf32>
      %broadcast_in_dim3A_80 = vector.shape_cast %reduce_sum3A_79 : vector<1xf32> to vector<1x1xf32>
      %get3A_81 = arith.constant 0 : index
      %get3A_82 = arith.constant 0 : index
      %get3A_83 = vector.load %arg9[%get3A_81, %get3A_82] : memref<1x1xf32, #tpu.memory_space<vmem>>, vector<1x1xf32>
      %add3A_84 = arith.addf %broadcast_in_dim3A_80, %get3A_83 : vector<1x1xf32>
      %swap3A_85 = arith.constant 0 : index
      %swap3A_86 = arith.constant 0 : index
      %swap3A_87 = vector.load %arg10[%swap3A_85, %swap3A_86] : memref<1x1xf32, #tpu.memory_space<vmem>>, vector<1x1xf32>
      tpu.vector_store %arg10[%swap3A_85, %swap3A_86], %add3A_84 {strides = array<i32>} : memref<1x1xf32, #tpu.memory_space<vmem>>, vector<1x1xf32>,
    } else {
    }
    return
  }
  func.func @transform_0(%arg0: i32) -> (i32, i32, i32) {
    %c0_i32 = arith.constant 0 : i32
    %c0_i32_0 = arith.constant 0 : i32
    %c0_i32_1 = arith.constant 0 : i32
    return %c0_i32, %arg0, %c0_i32_0 : i32, i32, i32
  }
  func.func @transform_1(%arg0: i32) -> (i32, i32) {
    %c0_i32 = arith.constant 0 : i32
    %c0_i32_0 = arith.constant 0 : i32
    return %arg0, %c0_i32 : i32, i32
  }
  func.func @transform_2(%arg0: i32) -> i32 {
    %c0_i32 = arith.constant 0 : i32
    return %arg0 : i32
  }
  func.func @transform_3(%arg0: i32) -> (i32, i32) {
    %c0_i32 = arith.constant 0 : i32
    %c0_i32_0 = arith.constant 0 : i32
    return %c0_i32, %arg0 : i32, i32
  }
  func.func @transform_4(%arg0: i32) -> (i32, i32) {
    %c0_i32 = arith.constant 0 : i32
    %c0_i32_0 = arith.constant 0 : i32
    %c0_i32_1 = arith.constant 0 : i32
    return %c0_i32, %c0_i32_0 : i32, i32
  }
  func.func @transform_5(%arg0: i32) -> (i32, i32) {
    %c0_i32 = arith.constant 0 : i32
    %c0_i32_0 = arith.constant 0 : i32
    %c0_i32_1 = arith.constant 0 : i32
    return %c0_i32, %c0_i32_0 : i32, i32
  }
  func.func @transform_6(%arg0: i32) -> (i32, i32) {
    %c0_i32 = arith.constant 0 : i32
    %c0_i32_0 = arith.constant 0 : i32
    %c0_i32_1 = arith.constant 0 : i32
    return %c0_i32, %c0_i32_0 : i32, i32
  }
  func.func @transform_7(%arg0: i32) -> (i32, i32) {
    %c0_i32 = arith.constant 0 : i32
    %c0_i32_0 = arith.constant 0 : i32
    %c0_i32_1 = arith.constant 0 : i32
    return %c0_i32, %c0_i32_0 : i32, i32
  }
  func.func @transform_8(%arg0: i32) -> (i32, i32) {
    %c0_i32 = arith.constant 0 : i32
    %c0_i32_0 = arith.constant 0 : i32
    %c0_i32_1 = arith.constant 0 : i32
    return %c0_i32, %c0_i32_0 : i32, i32
  }
  func.func @transform_9(%arg0: i32) -> (i32, i32) {
    %c0_i32 = arith.constant 0 : i32
    %c0_i32_0 = arith.constant 0 : i32
    %c0_i32_1 = arith.constant 0 : i32
    return %c0_i32, %c0_i32_0 : i32, i32
  }
}

</mosaic_0001>

<sc_bundles>
// kernel: kernel.12.cloned.1.call-start
scs
__scs_entry_jumppad:
0x0: {  	(pc) =	sbr.rel $0x88, $3  }
0x1: {  	(tag) =	ssettag $0x0;
	lr =	simm.s32 $0x1  }
0x2: {  	[smem:$0x3F99] =	sst lr;
	_ =	strace $0xD0000000  }
0x3: {  	_ = 	snop  }
0x4: {  	_ = 	snop  }
0x5: {  	_ = 	snop  }
0x6: {  	_ = 	snop  }
0x7: {  	_ = 	snop  }
__scs_overlays_trampoline_lowered:
0x8: {  	[smem:$0x3FA8] =	sst s0  }
0x9: {  	[smem:$0x3FA9] =	sst s1  }
0xa: {  	[smem:$0x3FAA] =	sst s2  }
0xb: {  	[smem:$0x3FAB] =	sst s3  }
0xc: {  	[smem:$0x3FAC] =	sst s4  }
0xd: {  	[smem:$0x3FAD] =	sst s5  }
0xe: {  	[smem:$0x3FAE] =	sst s6  }
0xf: {  	[smem:$0x3FAF] =	sst s7  }
0x10: {  	[smem:$0x3FB0] =	sst s8  }
0x11: {  	[smem:$0x3FB1] =	sst s9;
	s0 =	simm.s32 @!p0 $0x0  }
0x12: {  	s1 =	sld [smem:$0x3F97];
	s0 =	simm.s32 @p0 $0x1  }
0x13: {  	[smem:$0x3FB2] =	sst s0;
	s0 =	simm.s32 @!p1 $0x0  }
0x14: {  	s2 =	sld [smem:$0x3F96];
	s0 =	simm.s32 @p1 $0x1  }
0x15: {  	[smem:$0x3FB3] =	sst s0;
	s0 =	simm.s32 @!p2 $0x0  }
0x16: {  	s3 =	sld [smem:$0x3FDB];
	s0 =	simm.s32 @p2 $0x1  }
0x17: {  	s4 =	simm.s32 $0x1BF5;
	[smem:$0x3FB5] =	sst s0  }
0x18: {  	s0 =	sld [smem:$0x3F98];
	_ =	swait.ge [sflag:s4], $0x0  }
0x19: {  	s7 =	sld [smem:$0x3F99]  }
0x1a: {  	s8 =	sadd.s32 $0xFFFFE003, lr  }
0x1b: {  	s9 =	sadd.s32 $0xFFFFFEF7, lr;
	s5 =	simm.s32 $0xFFFFFFFF;
	p2 =	slt.u32 s8, $0xFFFFF086  }
0x1c: {  	p1 =	slt.u32 s9, $0xF7A;
	s5 =	simm.s32 @!p2 $0x0  }
0x1d: {  	s5 =	simm.s32 @p1 $0x1;
	p0 =	seq.s32 s7, s2  }
0x1e: {  	s7 =	smul.u32 @!p0 $0xF7A, s2;
	p2 =	seq.s32 @!p0 s5, $0x0  }
0x1f: {  	s9 =	smul.u32 $0xF7A, s1;
	s8 =	simm.s32 @!p0 $0x1BF5;
	p2 =	por !p2, p0  }
0x20: {  	[sflag:s8] =	ssyncset.s32 @!p0 $0xFFFFF086;
	s6 =	sadd.s32 @!p0 s3, s7;
	s7 =	simm.s32 @!p0 $0x108  }
0x21: {  	s3 =	sadd.s32 s3, s9;
	s6 =	sadd.s32 @!p0 $0x88, s6;
	s7 =	simm.s32 @p2 $0x1082  }
0x22: {  	[simem:s7], [sflag:s8] =	dma.local @!p0 [hbm:s6], $0xF7A  }
0x23: {  	s9 =	sor.u32 $0xD0000000, s2;
	s6 =	simm.s32 $0x108;
	_ =	swait.ge @!p0 [sflag:s8], $0x0  }
0x24: {  	s3 =	sadd.s32 $0x88, s3;
	s6 =	simm.s32 @!p1 $0x1082;
	[sflag:s4] =	ssyncset.s32 $0xFFFFF086  }
0x25: {  	[simem:s6], [sflag:s4] =	dma.local [hbm:s3], $0xF7A  }
0x26: {  	[smem:$0x3F99] =	sst s1;
	(tag) =	ssettag s2;
	_ =	strace s9  }
0x27: {  	s1 =	sld [smem:$0x3FA9]  }
0x28: {  	s2 =	sld [smem:$0x3FAA]  }
0x29: {  	s4 =	sld [smem:$0x3FAC]  }
0x2a: {  	p0 =	seq.s32 s5, $0x0;
	s5 =	sld [smem:$0x3FAD]  }
0x2b: {  	s6 =	sld [smem:$0x3FAE]  }
0x2c: {  	s7 =	sld [smem:$0x3FAF]  }
0x2d: {  	s3 =	simm.s32 $0x108;
	s8 =	sld [smem:$0x3FB0]  }
0x2e: {  	s3 =	simm.s32 @!p0 $0x1082;
	s9 =	sld [smem:$0x3FB1]  }
0x2f: {  	lr =	sadd.s32 s0, s3;
	s0 =	sld [smem:$0x3FA8]  }
0x30: {  	s3 =	sld [smem:$0x3FAB]  }
0x31: {  	[smem:$0x3FB4] =	sst s10  }
0x32: {  	s10 =	sld [smem:$0x3FB2];
	_ =	sdelay $0x3  }
0x33: {  	p0 =	seq.s32 s10, $0x1;
	s10 =	sld [smem:$0x3FB4];
	_ =	sdelay $0x3  }
0x34: {  	[smem:$0x3FB4] =	sst s10  }
0x35: {  	s10 =	sld [smem:$0x3FB3];
	_ =	sdelay $0x3  }
0x36: {  	p1 =	seq.s32 s10, $0x1;
	s10 =	sld [smem:$0x3FB4];
	_ =	sdelay $0x3  }
0x37: {  	[smem:$0x3FB4] =	sst s10  }
0x38: {  	s10 =	sld [smem:$0x3FB5]  }
0x39: {  	_ = 	snop;
	(pc) =	sbr.ind lr, $3  }
0x3a: {  	_ = 	snop  }
0x3b: {  	_ = 	snop  }
0x3c: {  	p2 =	seq.s32 s10, $0x1;
	s10 =	sld [smem:$0x3FB4]  }
0x3d: {  	_ =	shalt  }
0x3e: {  	_ =	shalt  }
0x3f: {  	_ =	shalt  }
0x40: {  	_ =	shalt  }
0x41: {  	_ =	shalt  }
0x42: {  	_ =	shalt  }
0x43: {  	_ =	shalt  }
0x44: {  	_ =	shalt  }
0x45: {  	_ =	shalt  }
0x46: {  	_ =	shalt  }
0x47: {  	_ =	shalt  }
0x48: {  	_ =	shalt  }
0x49: {  	_ =	shalt  }
0x4a: {  	_ =	shalt  }
0x4b: {  	_ =	shalt  }
0x4c: {  	_ =	shalt  }
0x4d: {  	_ =	shalt  }
0x4e: {  	_ =	shalt  }
0x4f: {  	_ =	shalt  }
0x50: {  	_ =	shalt  }
0x51: {  	_ =	shalt  }
0x52: {  	_ =	shalt  }
0x53: {  	_ =	shalt  }
0x54: {  	_ =	shalt  }
0x55: {  	_ =	shalt  }
0x56: {  	_ =	shalt  }
0x57: {  	_ =	shalt  }
0x58: {  	_ =	shalt  }
0x59: {  	_ =	shalt  }
0x5a: {  	_ =	shalt  }
0x5b: {  	_ =	shalt  }
0x5c: {  	_ =	shalt  }
0x5d: {  	_ =	shalt  }
0x5e: {  	_ =	shalt  }
0x5f: {  	_ =	shalt  }
0x60: {  	_ =	shalt  }
0x61: {  	_ =	shalt  }
0x62: {  	_ =	shalt  }
0x63: {  	_ =	shalt  }
0x64: {  	_ =	shalt  }
0x65: {  	_ =	shalt  }
0x66: {  	_ =	shalt  }
0x67: {  	_ =	shalt  }
0x68: {  	_ =	shalt  }
0x69: {  	_ =	shalt  }
0x6a: {  	_ =	shalt  }
0x6b: {  	_ =	shalt  }
0x6c: {  	_ =	shalt  }
0x6d: {  	_ =	shalt  }
0x6e: {  	_ =	shalt  }
0x6f: {  	_ =	shalt  }
0x70: {  	_ =	shalt  }
0x71: {  	_ =	shalt  }
0x72: {  	_ =	shalt  }
0x73: {  	_ =	shalt  }
0x74: {  	_ =	shalt  }
0x75: {  	_ =	shalt  }
0x76: {  	_ =	shalt  }
0x77: {  	_ =	shalt  }
0x78: {  	_ =	shalt  }
0x79: {  	_ =	shalt  }
0x7a: {  	_ =	shalt  }
0x7b: {  	_ =	shalt  }
0x7c: {  	_ =	shalt  }
0x7d: {  	_ =	shalt  }
0x7e: {  	_ =	shalt  }
0x7f: {  	_ =	shalt  }
0x80: {  	_ =	shalt  }
0x81: {  	_ =	shalt  }
0x82: {  	_ =	shalt  }
0x83: {  	_ =	shalt  }
0x84: {  	_ =	shalt  }
0x85: {  	_ =	shalt  }
0x86: {  	_ =	shalt  }
0x87: {  	_ =	shalt  }
.Lfunc_end0:
.L_simem_size_0:
called_computation.1_lowered:
.L_overlay_start_0:
0x88: {  	s2 =	sld [smem:$0x3FD9]  }
0x89: {  	s3 =	sld [smem:$0x3FFE];
	_ =	sdelay $0x1  }
0x8a: {  	s1 =	srdreg.scid  }
0x8b: {  	s0 =	sand.u32 $0x1, s1  }
0x8c: {  	s16 =	sshll.u32 s0, $0xA;
	s2 =	sadd.s32 s3, s2  }
0x8d: {  	s2 =	sadd.s32 s2, s16  }
0x8e: {  	[smem:$0x3FC0] =	sst s2  }
0x8f: {  	_ = 	snop  }
0x90: {  	(tm) =	ssettm $0x1  }
0x91: {  	s17 =	sld [smem:$0x3FFB];
	_ =	sdelay $0x3  }
0x92: {  	_ =	strace s17  }
0x93: {  	s2 =	sld [smem:$0x3FFC];
	_ =	sdelay $0x3  }
0x94: {  	_ =	strace s2  }
0x95: {  	s2 =	sld [smem:$0x3FFD];
	_ =	sdelay $0x3  }
0x96: {  	_ =	strace s2  }
0x97: {  	_ =	strace $0x8FFFFFFF  }
0x98: {  	s18 =	sld [smem:$0x3FDB];
	_ =	sdelay $0x1  }
0x99: {  	s19 =	simm.s32 $_scs_section_size  }
0x9a: {  	s4 =	simm.s32 $_size__tile_overlayer_lowered;
	s5 =	simm.s32 $_tile_overlayer_lowered  }
0x9b: {  	s22 =	simm.s32 $0x1BFF;
	s21 =	sshll.u32 s5, $0x1;
	s2 =	sadd.s32 s19, s18  }
0x9c: {  	s6 =	simm.s32 $0x0;
	s20 =	sshll.u32 s4, $0x1;
	s4 =	sadd.s32 s21, s2  }
0x9d: {  	[timem:s6], [sflag:s22] =	dma.local [hbm:s4], s20  }
0x9e: {  	_ =	swait.ge [sflag:s22], s20  }
0x9f: {  	s3 =	ssub.s32 $0x0, s20;
	[sflag:s22] =	ssyncset.done $0x0  }
0xa0: {  	[sflag:s22] =	ssyncadd.s32 s3;
	_ =	sdelay $0x1  }
0xa1: {  	s23 =	simm.s32 $0x1B8B  }
0xa2: {  	_ =	swait.ge [sflag:s23], $0x1  }
0xa3: {  	[sflag:s23] =	ssyncset.done $0x0  }
0xa4: {  	s25 =	simm.s32 $0x1B8E;
	s24 =	sld [smem:$0x3FFE];
	[sflag:s23] =	ssyncadd.s32 $0xFFFFFFFF  }
0xa5: {  	s26 =	simm.s32 $execute0_lowered;
	[smem:$0x3FD2] =	sst s25  }
0xa6: {  	s4 =	sshll.u32 s26, $0x1;
	_ =	strace $0x80000049;
	[dreg:$0x1] =	wrdreg $0xFFFFFFFF  }
0xa7: {  	s28 =	simm.s32 $_size_execute0_lowered;
	s2 =	sadd.s32 s2, s4;
	[dreg:$0x0] =	wrdreg $0x0  }
0xa8: {  	s4 =	sshll.u32 s28, $0x1;
	[dreg:$0x2] =	wrdreg s2  }
0xa9: {  	[dreg:$0x3] =	wrdreg s4  }
0xaa: {  	[dreg:$0x4] =	wrdreg $0xC0  }
0xab: {  	_ =	task [dreg:s6], $0x5FFFF  }
0xac: {  	[dreg:$0x1] =	wrdreg $0xFFFFFFFF  }
0xad: {  	[dreg:$0x0] =	wrdreg $0x60  }
0xae: {  	[dreg:$0x2] =	wrdreg s24  }
0xaf: {  	[dreg:$0x3] =	wrdreg $0x9  }
0xb0: {  	_ =	task.clear_ibuf [dreg:s6], $0x4FFFF;
	_ =	strace $0x90000049  }
0xb1: {  	s29 =	simm.s32 $0x9;
	_ =	strace $0x8000004B  }
0xb2: {  	_ =	swait.ge [sflag:s29], $0x1  }
0xb3: {  	[sflag:s29] =	ssyncadd.s32 $0xFFFFFFFF  }
0xb4: {  	_ =	strace $0x9000004B  }
0xb5: {  	_ =	sfence  }
0xb6: {  	s30 =	sld [smem:$0x0];
	_ =	sdelay $0x2  }
0xb7: {  	s31 =	sshll.u32 s1, $0xD;
	s1 =	sshrl.u32 s1, $0x2  }
0xb8: {  	s3 =	sand.u32 $0x4000, s31;
	s1 =	sadd.s32 s1, s30  }
0xb9: {  	s0 =	sor.u32 s3, s0;
	s1 =	sshll.u32 s1, $0x11  }
0xba: {  	s0 =	sor.u32 s1, s0  }
0xbb: {  	s0 =	sadd.s32 $0x8F2B, s0  }
0xbc: {  	[sflag:s0] =	ssyncadd.remote.s32 $0x1  }
0xbd: {  	_ =	sfence.sel $0xFFFF  }
0xbe: {  	[dreg:$0x0] =	wrdreg $0xFFFFFFFF;
	(pc) =	sbr.abs _section_cstart, $3  }
0xbf: {  	[dreg:$0x1] =	wrdreg $0xFFFFFFFF  }
0xc0: {  	_ =	task.clear_ibuf [dreg:s6], $0x2FFFF;
	_ =	strace $0x9FFFFFFF  }
0xc1: {  	(tm) =	ssettm $0x7FFFFFFF  }
tec
execute0_lowered:
.L_overlay_start_1:
0x0: {  	(tag) =	ssettag $0x1  }
0x1: {  	s0 =	srdreg.scid  }
0x2: {  	s7 =	rddreg [dreg:$0x0];
	s2 =	simm.s32 $0x0;
	s13 =	simm.s32 $0x7800  }
0x3: {  	s14 =	simm.s32 $0x80;
	s15 =	simm.s32 $0x400;
	s16 =	simm.s32 $0x0  }
0x4: {  	s4 =	sand.u32 $0x1, s0;
	s0 =	stileid.u32;
	[smem:$0x7FF] =	sst s2  }
0x5: {  	s8 =	sadd.s32 $0x2A00, s7;
	s1 =	sshll.u32 s4, $0x4;
	s5 =	sshll.u32 s0, $0x7  }
0x6: {  	s4 =	ssub.s32 $0x2, s4;
	s10 =	sor.u32 s0, s1;
	s1 =	rddreg [dreg:$0x1]  }
0x7: {  	s5 =	sand.u32 $0x380, s5;
	_ =	strace $0x8000004A;
	s6 =	smul.u32 $0x2800, s10  }
0x8: {  	s31 =	sshrl.u32 s4, $0x1;
	s3 =	sshrl.u32 s10, $0x3;
	s9 =	smul.u32 $0x500, s10  }
0x9: {  	s12 =	ssub.s32 s4, s31;
	p0 =	seq.s32 s10, $0x1F;
	s3 =	smul.u32 $0x14000, s3  }
0xa: {  	s10 =	simm.s32 $0x1;
	s6 =	sshrl.u32 s6, $0x3;
	s4 =	sadd.s32 s8, s9  }
0xb: {  	s9 =	smax.u32 s12, $0x1;
	s12 =	simm.s32 $0x5000;
	s5 =	sor.u32 s5, s3  }
0xc: {  	s3 =	sadd.s32 $0x16400, s7;
	s6 =	sadd.s32 s8, s6;
	s5 =	sshrl.u32 s5, $0x3  }
0xd: {  	s11 =	sadd.s32 s5, s7;
	s5 =	sadd.s32 $0x9C80, s6;
	s6 =	sadd.s32 $0xC500, s7  }
0xe: {  	v0 =	vlaneseq.u32;
	v1 =	vimm.f32 $0.0e+00;
	s7 =	sadd.s32 $0x16180, s7;
	s8 =	sadd.s32 $0x16A00, s11;
	s11 =	simm.s32 $0x2800  }
.LBB2_1:
.Ltmp0:
0xf: {  	(pc) =	sbr.rel @!p0 .LBB2_2-.Ltmp0, $1  }
0x10: {  	_ =	sdelay $0x3  }
0x11: {  	s17 =	simm.s32 $0xA40  }
0x12: {  	s29 =	simm.s32 $0xA60;
	v5 =	vor.u32 s17, v0  }
0x13: {  	s18 =	simm.s32 $0xA00;
	v8 =	vor.u32 s29, v0;
	v9 =	vmulhi.u32 $0x88888889, v5  }
0x14: {  	s30 =	simm.s32 $0xA10;
	v10 =	vor.u32 s18, v0;
	v11 =	vmulhi.u32 $0x88888889, v8  }
0x15: {  	s20 =	simm.s32 $0xA50;
	v3 =	vor.u32 s30, v0;
	v12 =	vmulhi.u32 $0x88888889, v10  }
0x16: {  	s31 =	simm.s32 $0xA30;
	v7 =	vor.u32 s20, v0;
	v13 =	vmulhi.u32 $0x88888889, v3  }
0x17: {  	s19 =	simm.s32 $0xA20;
	v2 =	vor.u32 s31, v0;
	s17 =	simm.s32 $0xA70;
	v14 =	vmulhi.u32 $0x88888889, v7  }
0x18: {  	v6 =	vor.u32 s19, v0;
	v4 =	vor.u32 s17, v0;
	v15 =	vmulhi.u32 $0x88888889, v2  }
0x19: {  	v11 =	vshrl.u32 v11, $0x7;
	v12 =	vshrl.u32 v12, $0x7;
	v9 =	vshrl.u32 v9, $0x7  }
0x1a: {  	[tilespmem:s2], [sflag:$0x1] =	stream.linear.gather [hbm4b:s6+s2], $0xA00, $0x38;
	v11 =	vmul.u32 $0xF0, v11;
	v16 =	vmul.u32 $0xF0, v12;
	v12 =	vmulhi.u32 $0x88888889, v4;
	[tilespmem:$0xA000] =	vst v63  }
0x1b: {  	_ =	swait.ge [sflag:s10], $0xA00;
	v14 =	vshrl.u32 v14, $0x7;
	v17 =	vshrl.u32 v13, $0x7;
	v13 =	vshrl.u32 v15, $0x7  }
0x1c: {  	[sflag:s10] =	ssyncset.done $0x0;
	v14 =	vmul.u32 $0xF0, v14;
	v8 =	vsub.s32 v8, v11;
	v11 =	vshrl.u32 v12, $0x7  }
0x1d: {  	[sflag:s10] =	ssyncadd.s32 $0xFFFFF600;
	v12 =	vmulhi.u32 $0x88888889, v6;
	v15 =	vadd.s32 $0x2710, v8;
	v8 =	vmul.u32 $0xF0, v13  }
0x1e: {  	s18 =	simm.s32 $0xAF0;
	s19 =	simm.s32 $0xAF0;
	v13 =	vmul.u32 $0xF0, v9;
	v9 =	vsub.s32 v10, v16;
	v10 =	vmul.u32 $0xF0, v17;
	[tilespmem:s17+$0xFFFFFFF0] =	vst v15  }
.LBB2_4:
0x1f: {  	s20 =	sadd.s32 $0xFFFFFF90, s18  }
0x20: {  	s21 =	sadd.s32 $0xFFFFFFA0, s18;
	s22 =	sadd.s32 $0xFFFFFFB0, s18;
	v12 =	vshrl.u32 v12, $0x7;
	v13 =	vsub.s32 v5, v13;
	v11 =	vmul.u32 $0xF0, v11;
	s23 =	smov.u32 s18  }
0x21: {  	s24 =	sadd.s32 $0xFFFFFFE0, s18;
	v15 =	vor.u32 s20, v0;
	v16 =	vor.u32 s21, v0;
	s20 =	sadd.s32 $0xFFFFFFC0, s18;
	s21 =	sadd.s32 $0xFFFFFFD0, s18;
	v14 =	vsub.s32 v7, v14  }
0x22: {  	p1 =	sne.s32 s18, $0x27F0;
	s18 =	sadd.s32 $0x80, s18;
	v12 =	vmul.u32 $0xF0, v12;
	v17 =	vor.u32 s20, v0;
	v5 =	vor.u32 s21, v0;
	s20 =	sadd.s32 $0xFFFFFFF0, s23  }
0x23: {  	v7 =	vor.u32 s24, v0;
	v14 =	vadd.s32 $0x2710, v14;
	v18 =	vor.u32 s20, v0  }
0x24: {  	v10 =	vsub.s32 v3, v10;
	v13 =	vadd.s32 $0x2710, v13;
	v3 =	vmovc v16;
	v19 =	vmulhi.u32 $0x88888889, v5;
	[tilespmem:s17+$0xFFFFFFE0] =	vst v14  }
0x25: {  	v12 =	vsub.s32 v6, v12;
	v6 =	vor.u32 s22, v0;
	v14 =	vor.u32 s23, v0;
	[tilespmem:s17+$0xFFFFFFD0] =	vst v13  }
0x26: {  	v10 =	vadd.s32 $0x2710, v10;
	v11 =	vsub.s32 v4, v11;
	v13 =	vmulhi.u32 $0x88888889, v18;
	v4 =	vmovc v14  }
0x27: {  	v9 =	vadd.s32 $0x2710, v9;
	v14 =	vmulhi.u32 $0x88888889, v15;
	[tilespmem:s17+$0xFFFFFFA0] =	vst v10;
	v10 =	vadd.s32 $0x2710, v11  }
0x28: {  	v8 =	vsub.s32 v2, v8;
	v2 =	vmovc v17;
	v11 =	vmulhi.u32 $0x88888889, v3;
	[tilespmem:s17+$0xFFFFFF90] =	vst v9;
	v9 =	vadd.s32 $0x2710, v12  }
0x29: {  	v13 =	vshrl.u32 v13, $0x7;
	v12 =	vshrl.u32 v14, $0x7;
	v14 =	vmulhi.u32 $0x88888889, v7;
	[tilespmem:s17+$0xFFFFFFB0] =	vst v9  }
0x2a: {  	v13 =	vmul.u32 $0xF0, v13;
	v9 =	vmul.u32 $0xF0, v12;
	v12 =	vmulhi.u32 $0x88888889, v2;
	[tilespmem:s17+$0x0] =	vst v10  }
.Ltmp1:
0x2b: {  	v16 =	vmulhi.u32 $0x88888889, v4;
	v10 =	vshrl.u32 v19, $0x7;
	v14 =	vshrl.u32 v14, $0x7;
	(pc) =	sbr.rel @p1 .LBB2_4-.Ltmp1, $4  }
0x2c: {  	v8 =	vadd.s32 $0x2710, v8;
	v17 =	vshrl.u32 v11, $0x7;
	v11 =	vsub.s32 v18, v13  }
0x2d: {  	v13 =	vshrl.u32 v12, $0x7;
	v18 =	vadd.s32 $0x2710, v11;
	v11 =	vshrl.u32 v16, $0x7;
	[tilespmem:s17+$0xFFFFFFC0] =	vst v8;
	s17 =	smov.u32 s19  }
0x2e: {  	v12 =	vmulhi.u32 $0x88888889, v6;
	v8 =	vmul.u32 $0xF0, v13;
	v13 =	vmul.u32 $0xF0, v10;
	[tilespmem:s19+$0xFFFFFFF0] =	vst v18  }
0x2f: {  	v9 =	vsub.s32 v15, v9;
	v14 =	vmul.u32 $0xF0, v14;
	v10 =	vmul.u32 $0xF0, v17;
	s19 =	sadd.s32 $0x80, s19  }
0x30: {  	v12 =	vshrl.u32 v12, $0x7;
	v5 =	vsub.s32 v5, v13;
	v11 =	vmul.u32 $0xF0, v11  }
0x31: {  	s26 =	simm.s32 $0xA60;
	v2 =	vsub.s32 v2, v8;
	v7 =	vsub.s32 v7, v14;
	v12 =	vmul.u32 $0xF0, v12  }
0x32: {  	s19 =	simm.s32 $0xA00;
	v3 =	vsub.s32 v3, v10;
	v5 =	vadd.s32 $0x2710, v5;
	v8 =	vor.u32 s26, v0  }
0x33: {  	v14 =	vor.u32 s19, v0;
	v7 =	vadd.s32 $0x2710, v7;
	v10 =	vadd.s32 $0x2710, v3  }
0x34: {  	s20 =	simm.s32 $0xA20;
	v3 =	vsub.s32 v4, v11;
	v4 =	vadd.s32 $0x2710, v9;
	[tilespmem:s17+$0xFFFFFFD0] =	vst v5;
	v13 =	vmulhi.u32 $0x88888889, v14  }
0x35: {  	s18 =	simm.s32 $0xA40;
	v5 =	vor.u32 s20, v0;
	v6 =	vsub.s32 v6, v12;
	[tilespmem:s17+$0xFFFFFFE0] =	vst v7;
	v9 =	vadd.s32 $0x2710, v3  }
0x36: {  	s28 =	simm.s32 $0xA10;
	v3 =	vor.u32 s18, v0;
	[tilespmem:s17+$0xFFFFFFA0] =	vst v10;
	v10 =	vadd.s32 $0x2710, v2;
	v12 =	vmulhi.u32 $0x88888889, v8  }
0x37: {  	s31 =	simm.s32 $0xA70;
	[tilespmem:s17+$0xFFFFFF90] =	vst v4;
	v7 =	vadd.s32 $0x2710, v6;
	v11 =	vmulhi.u32 $0x88888889, v3;
	v6 =	vor.u32 s28, v0  }
0x38: {  	s30 =	simm.s32 $0xA50;
	v4 =	vor.u32 s31, v0;
	[tilespmem:s17+$0xFFFFFFC0] =	vst v10;
	v10 =	vshrl.u32 v13, $0x7;
	v15 =	vmulhi.u32 $0x88888889, v6  }
0x39: {  	s29 =	simm.s32 $0xA30;
	[tilespmem:s17+$0xFFFFFFB0] =	vst v7;
	v7 =	vor.u32 s30, v0;
	v16 =	vmul.u32 $0xF0, v10;
	v10 =	vmulhi.u32 $0x88888889, v4  }
0x3a: {  	v2 =	vor.u32 s29, v0;
	[tilespmem:s17+$0x0] =	vst v9;
	v12 =	vshrl.u32 v12, $0x7;
	v9 =	vmulhi.u32 $0x88888889, v7  }
0x3b: {  	v13 =	vmulhi.u32 $0x88888889, v2;
	v12 =	vmul.u32 $0xF0, v12;
	[tilespmem:s11], [sflag:$0x1] =	stream.linear.gather [hbm4b:s7+s2], $0xA00, $0x38;
	v11 =	vshrl.u32 v11, $0x7;
	[tilespmem:$0xA000] =	vst v63  }
0x3c: {  	_ =	swait.ge [sflag:s10], $0xA00;
	v15 =	vshrl.u32 v15, $0x7;
	v10 =	vshrl.u32 v10, $0x7;
	v17 =	vshrl.u32 v9, $0x7  }
0x3d: {  	v8 =	vsub.s32 v8, v12;
	[sflag:s10] =	ssyncset.done $0x0;
	v9 =	vshrl.u32 v13, $0x7;
	v12 =	vmulhi.u32 $0x88888889, v5  }
0x3e: {  	s17 =	simm.s32 $0x3270;
	v13 =	vmul.u32 $0xF0, v11;
	v11 =	vmul.u32 $0xF0, v15;
	v18 =	vadd.s32 $0x2710, v8;
	[sflag:s10] =	ssyncadd.s32 $0xFFFFF600  }
0x3f: {  	s19 =	simm.s32 $0x32F0;
	s18 =	simm.s32 $0xAF0;
	v8 =	vmul.u32 $0xF0, v9;
	v9 =	vsub.s32 v14, v16;
	v14 =	vmul.u32 $0xF0, v17;
	[tilespmem:s17+$0xFFFFFFF0] =	vst v18  }
.LBB2_6:
0x40: {  	s20 =	sadd.s32 $0xFFFFFF90, s18  }
0x41: {  	s21 =	sadd.s32 $0xFFFFFFA0, s18;
	s22 =	sadd.s32 $0xFFFFFFB0, s18;
	v12 =	vshrl.u32 v12, $0x7;
	v13 =	vsub.s32 v3, v13;
	v10 =	vmul.u32 $0xF0, v10;
	s23 =	smov.u32 s18  }
0x42: {  	s24 =	sadd.s32 $0xFFFFFFE0, s18;
	v15 =	vor.u32 s20, v0;
	v16 =	vor.u32 s21, v0;
	s20 =	sadd.s32 $0xFFFFFFC0, s18;
	s21 =	sadd.s32 $0xFFFFFFD0, s18;
	v14 =	vsub.s32 v7, v14  }
0x43: {  	p1 =	sne.s32 s18, $0x27F0;
	s18 =	sadd.s32 $0x80, s18;
	v12 =	vmul.u32 $0xF0, v12;
	v17 =	vor.u32 s20, v0;
	v3 =	vor.u32 s21, v0;
	s20 =	sadd.s32 $0xFFFFFFF0, s23  }
0x44: {  	v7 =	vor.u32 s24, v0;
	v14 =	vadd.s32 $0x2710, v14;
	v18 =	vor.u32 s20, v0  }
0x45: {  	v11 =	vsub.s32 v6, v11;
	v13 =	vadd.s32 $0x2710, v13;
	v6 =	vmovc v16;
	v19 =	vmulhi.u32 $0x88888889, v3;
	[tilespmem:s17+$0xFFFFFFE0] =	vst v14  }
0x46: {  	v12 =	vsub.s32 v5, v12;
	v5 =	vor.u32 s22, v0;
	v14 =	vor.u32 s23, v0;
	[tilespmem:s17+$0xFFFFFFD0] =	vst v13  }
0x47: {  	v11 =	vadd.s32 $0x2710, v11;
	v10 =	vsub.s32 v4, v10;
	v13 =	vmulhi.u32 $0x88888889, v18;
	v4 =	vmovc v14  }
0x48: {  	v9 =	vadd.s32 $0x2710, v9;
	v10 =	vadd.s32 $0x2710, v10;
	v14 =	vmulhi.u32 $0x88888889, v15;
	[tilespmem:s17+$0xFFFFFFA0] =	vst v11  }
0x49: {  	v8 =	vsub.s32 v2, v8;
	v2 =	vmovc v17;
	v11 =	vmulhi.u32 $0x88888889, v6;
	[tilespmem:s17+$0xFFFFFF90] =	vst v9;
	v9 =	vadd.s32 $0x2710, v12  }
0x4a: {  	v13 =	vshrl.u32 v13, $0x7;
	v12 =	vshrl.u32 v14, $0x7;
	v14 =	vmulhi.u32 $0x88888889, v7;
	[tilespmem:s17+$0xFFFFFFB0] =	vst v9  }
0x4b: {  	v13 =	vmul.u32 $0xF0, v13;
	v9 =	vmul.u32 $0xF0, v12;
	v12 =	vmulhi.u32 $0x88888889, v2;
	[tilespmem:s17+$0x0] =	vst v10  }
.Ltmp2:
0x4c: {  	v16 =	vshrl.u32 v19, $0x7;
	v14 =	vshrl.u32 v14, $0x7;
	v10 =	vmulhi.u32 $0x88888889, v4;
	(pc) =	sbr.rel @p1 .LBB2_6-.Ltmp2, $4  }
0x4d: {  	v8 =	vadd.s32 $0x2710, v8;
	v11 =	vshrl.u32 v11, $0x7;
	v13 =	vsub.s32 v18, v13  }
0x4e: {  	v17 =	vshrl.u32 v12, $0x7;
	v18 =	vadd.s32 $0x2710, v13;
	v10 =	vshrl.u32 v10, $0x7;
	[tilespmem:s17+$0xFFFFFFC0] =	vst v8;
	s17 =	smov.u32 s19  }
0x4f: {  	v12 =	vmulhi.u32 $0x88888889, v5;
	v13 =	vmul.u32 $0xF0, v16;
	v8 =	vmul.u32 $0xF0, v17;
	[tilespmem:s19+$0xFFFFFFF0] =	vst v18  }
0x50: {  	v11 =	vmul.u32 $0xF0, v11;
	v9 =	vsub.s32 v15, v9;
	v14 =	vmul.u32 $0xF0, v14;
	s19 =	sadd.s32 $0x80, s19  }
0x51: {  	v3 =	vsub.s32 v3, v13;
	v62 =	vadd.s32 $0x2710, v9  }
0x52: {  	v12 =	vshrl.u32 v12, $0x7;
	v2 =	vsub.s32 v2, v8;
	v3 =	vadd.s32 $0x2710, v3;
	[tilespmem:s17+$0xFFFFFF90] =	vst v62  }
0x53: {  	v7 =	vsub.s32 v7, v14;
	v12 =	vmul.u32 $0xF0, v12;
	v2 =	vadd.s32 $0x2710, v2;
	[tilespmem:s17+$0xFFFFFFD0] =	vst v3  }
.Ltmp3:
0x54: {  	v61 =	vmul.u32 $0xF0, v10;
	v6 =	vsub.s32 v6, v11;
	v7 =	vadd.s32 $0x2710, v7;
	[tilespmem:s17+$0xFFFFFFC0] =	vst v2;
	(pc) =	sbr.rel .LBB2_8-.Ltmp3, $4  }
0x55: {  	v3 =	vadd.s32 $0x2710, v6;
	[tilespmem:s17+$0xFFFFFFE0] =	vst v7;
	v5 =	vsub.s32 v5, v12  }
0x56: {  	[tilespmem:s17+$0xFFFFFFA0] =	vst v3;
	v3 =	vsub.s32 v4, v61;
	v63 =	vadd.s32 $0x2710, v5  }
0x57: {  	v3 =	vadd.s32 $0x2710, v3;
	[tilespmem:s17+$0xFFFFFFB0] =	vst v63  }
0x58: {  	[tilespmem:s17+$0x0] =	vst v3  }
.LBB2_2:
0x59: {  	[tilespmem:s2], [sflag:$0x1] =	stream.linear.gather [hbm4b:s4+s2], $0x2800, $0x38;
	[tilespmem:$0xA000] =	vst v63  }
0x5a: {  	_ =	swait.ge [sflag:s10], $0x2800  }
0x5b: {  	[sflag:s10] =	ssyncset.done $0x0  }
0x5c: {  	[sflag:s10] =	ssyncadd.s32 $0xFFFFD800  }
0x5d: {  	[tilespmem:s11], [sflag:$0x1] =	stream.linear.gather [hbm4b:s5+s2], $0x2800, $0x38;
	[tilespmem:$0xA000] =	vst v63  }
0x5e: {  	_ =	swait.ge [sflag:s10], $0x2800  }
0x5f: {  	[sflag:s10] =	ssyncset.done $0x0  }
0x60: {  	[sflag:s10] =	ssyncadd.s32 $0xFFFFD800  }
.LBB2_8:
0x61: {  	s17 =	simm.s32 $0x0  }
0x62: {  	[tilespmem:s12], [sflag:$0x1] =	stream.linear.gather [hbm4b:s3+s17], $0x2800, $0x38;
	[tilespmem:$0xA000] =	vst v63  }
0x63: {  	_ =	swait.ge [sflag:s10], $0x2800  }
0x64: {  	[sflag:s10] =	ssyncset.done $0x0  }
0x65: {  	s18 =	simm.s32 $0x40;
	s19 =	simm.s32 $0x0;
	[sflag:s10] =	ssyncadd.s32 $0xFFFFD800  }
.LBB2_9:
0x66: {  	p1 =	sne.s32 s18, $0x9FC0;
	[tilespmem:s19+$0x7800] =	vst v1;
	s19 =	smov.u32 s18;
	s18 =	sadd.s32 $0x40, s18  }
.Ltmp4:
0x67: {  	(pc) =	sbr.rel @p1 .LBB2_9-.Ltmp4, $2  }
0x68: {  	_ =	sdelay $0x2  }
0x69: {  	s19 =	sshra.s32 s19, $0x2  }
0x6a: {  	[tilespmem:s19+$0x7800] =	vst v1  }
.LBB2_11:
0x6b: {  	s18 =	sshra.s32 s17, $0x2  }
0x6c: {  	v2 =	vld [tilespmem:s18+$0x2800];
	_ =	sdelay $0x4  }
0x6d: {  	v3 =	vld [tilespmem:s18+$0x0];
	_ =	sdelay $0x2  }
0x6e: {  	v2 =	vld.idx.msk [tilespmem:v2+s12+$0x0], $0xffff;
	_ =	sdelay $0x4  }
0x6f: {  	[tilespmem:v3+s13+$0x0] =	vst.idx.add.f32.msk $0xffff, v2  }
0x70: {  	v2 =	vld [tilespmem:s18+$0x2810];
	_ =	sdelay $0x4  }
0x71: {  	v3 =	vld [tilespmem:s18+$0x10];
	_ =	sdelay $0x2  }
0x72: {  	v2 =	vld.idx.msk [tilespmem:v2+s12+$0x0], $0xffff;
	_ =	sdelay $0x4  }
0x73: {  	[tilespmem:v3+s13+$0x0] =	vst.idx.add.f32.msk $0xffff, v2  }
0x74: {  	v2 =	vld [tilespmem:s18+$0x2820];
	_ =	sdelay $0x4  }
0x75: {  	v3 =	vld [tilespmem:s18+$0x20];
	_ =	sdelay $0x2  }
0x76: {  	v2 =	vld.idx.msk [tilespmem:v2+s12+$0x0], $0xffff;
	_ =	sdelay $0x4  }
0x77: {  	[tilespmem:v3+s13+$0x0] =	vst.idx.add.f32.msk $0xffff, v2  }
0x78: {  	v2 =	vld [tilespmem:s18+$0x2830];
	_ =	sdelay $0x4  }
0x79: {  	v3 =	vld [tilespmem:s18+$0x30];
	_ =	sdelay $0x2  }
0x7a: {  	v2 =	vld.idx.msk [tilespmem:v2+s12+$0x0], $0xffff;
	_ =	sdelay $0x4  }
0x7b: {  	[tilespmem:v3+s13+$0x0] =	vst.idx.add.f32.msk $0xffff, v2  }
0x7c: {  	v2 =	vld [tilespmem:s18+$0x2840];
	_ =	sdelay $0x4  }
0x7d: {  	v3 =	vld [tilespmem:s18+$0x40];
	_ =	sdelay $0x2  }
0x7e: {  	v2 =	vld.idx.msk [tilespmem:v2+s12+$0x0], $0xffff;
	_ =	sdelay $0x4  }
0x7f: {  	[tilespmem:v3+s13+$0x0] =	vst.idx.add.f32.msk $0xffff, v2  }
0x80: {  	v2 =	vld [tilespmem:s18+$0x2850];
	_ =	sdelay $0x4  }
0x81: {  	v3 =	vld [tilespmem:s18+$0x50];
	_ =	sdelay $0x2  }
0x82: {  	v2 =	vld.idx.msk [tilespmem:v2+s12+$0x0], $0xffff;
	_ =	sdelay $0x4  }
0x83: {  	[tilespmem:v3+s13+$0x0] =	vst.idx.add.f32.msk $0xffff, v2  }
0x84: {  	v2 =	vld [tilespmem:s18+$0x2860];
	_ =	sdelay $0x4  }
0x85: {  	v3 =	vld [tilespmem:s18+$0x60];
	_ =	sdelay $0x2  }
0x86: {  	v2 =	vld.idx.msk [tilespmem:v2+s12+$0x0], $0xffff;
	_ =	sdelay $0x4  }
0x87: {  	[tilespmem:v3+s13+$0x0] =	vst.idx.add.f32.msk $0xffff, v2  }
0x88: {  	v2 =	vld [tilespmem:s18+$0x2870];
	_ =	sdelay $0x4  }
0x89: {  	v3 =	vld [tilespmem:s18+$0x70];
	_ =	sdelay $0x2  }
0x8a: {  	p1 =	sne.s32 s17, $0x9E00;
	v2 =	vld.idx.msk [tilespmem:v2+s12+$0x0], $0xffff  }
.Ltmp5:
0x8b: {  	_ = 	snop;
	(pc) =	sbr.rel @p1 .LBB2_11-.Ltmp5, $2  }
0x8c: {  	_ =	sdelay $0x2  }
0x8d: {  	s17 =	sadd.s32 $0x200, s17;
	[tilespmem:v3+s13+$0x0] =	vst.idx.add.f32.msk $0xffff, v2  }
0x8e: {  	s16 =	sadd.s32 $0x1, s16  }
0x8f: {  	p1 =	sne.s32 s16, s9  }
.Ltmp6:
0x90: {  	_ = 	snop;
	(pc) =	sbr.rel @p1 .LBB2_1-.Ltmp6, $4  }
0x91: {  	[hbm4b:s8+s14] =	stream.strided.scatter [tilespmem:s13], [sflag:$0x1], $0x2800, s15, s14, $0x38;
	[tilespmem:$0xA000] =	vst v63  }
0x92: {  	_ =	swait.ge [sflag:s10], $0x2800  }
0x93: {  	[sflag:s10] =	ssyncset.done $0x0  }
0x94: {  	[sflag:s10] =	ssyncadd.s32 $0xFFFFD800  }
0x95: {  	_ =	sfence.sel $0x180000  }
0x96: {  	[bflag:$0x0] =	sbarrier.arrive $0xFFFF  }
0x97: {  	p0 =	sne.s32 s0, $0x0;
	_ =	strace $0x9000004A  }
0x98: {  	s0 =	sadd.s32 @!p0 $0x100000, s1;
	[bflag:$0x2] =	sbarrier.arrive $0xFFFF  }
0x99: {  	[sflag:s0] =	ssyncadd.tile.s32 @!p0 $0x1;
	_ =	shalt  }
.Lfunc_end2:
_tile_overlayer_lowered:
.L_overlay_start_2:
0x9a: {  	(tag) =	ssettag $0x2  }
0x9b: {  	s0 =	rddreg [dreg:$0x0];
	s2 =	stileid.u32  }
0x9c: {  	s1 =	rddreg [dreg:$0x1];
	p0 =	sne.s32 s2, $0x0  }
0x9d: {  	s3 =	rddreg [dreg:$0x2];
	[bflag:$0x3] =	sbarrier.arrive $0xFFFF;
	s2 =	simm.s32 @!p0 $0x1C01  }
0x9e: {  	[timem:s3], [sflag:s2] =	dma.local @!p0 [hbm:s0], s1  }
0x9f: {  	s0 =	simm.s32 @!p0 $0x1  }
0xa0: {  	_ =	swait.ge @!p0 [sflag:s0], s1  }
0xa1: {  	s1 =	ssub.s32 @!p0 $0x0, s1;
	[sflag:s0] =	ssyncset.done @!p0 $0x0  }
0xa2: {  	[sflag:s0] =	ssyncadd.s32 @!p0 s1  }
0xa3: {  	[bflag:$0x3] =	sbarrier.arrive $0xFFFF  }
0xa4: {  	_ =	shalt  }

// kernel: kernel.15.cloned.1.call-start
scs
__scs_entry_jumppad:
0x0: {  	(pc) =	sbr.rel $0x88, $3  }
0x1: {  	(tag) =	ssettag $0x0;
	lr =	simm.s32 $0x1  }
0x2: {  	[smem:$0x3F99] =	sst lr;
	_ =	strace $0xD0000000  }
0x3: {  	_ = 	snop  }
0x4: {  	_ = 	snop  }
0x5: {  	_ = 	snop  }
0x6: {  	_ = 	snop  }
0x7: {  	_ = 	snop  }
__scs_overlays_trampoline_lowered:
0x8: {  	[smem:$0x3FA8] =	sst s0  }
0x9: {  	[smem:$0x3FA9] =	sst s1  }
0xa: {  	[smem:$0x3FAA] =	sst s2  }
0xb: {  	[smem:$0x3FAB] =	sst s3  }
0xc: {  	[smem:$0x3FAC] =	sst s4  }
0xd: {  	[smem:$0x3FAD] =	sst s5  }
0xe: {  	[smem:$0x3FAE] =	sst s6  }
0xf: {  	[smem:$0x3FAF] =	sst s7  }
0x10: {  	[smem:$0x3FB0] =	sst s8  }
0x11: {  	[smem:$0x3FB1] =	sst s9;
	s0 =	simm.s32 @!p0 $0x0  }
0x12: {  	s1 =	sld [smem:$0x3F97];
	s0 =	simm.s32 @p0 $0x1  }
0x13: {  	[smem:$0x3FB2] =	sst s0;
	s0 =	simm.s32 @!p1 $0x0  }
0x14: {  	s2 =	sld [smem:$0x3F96];
	s0 =	simm.s32 @p1 $0x1  }
0x15: {  	[smem:$0x3FB3] =	sst s0;
	s0 =	simm.s32 @!p2 $0x0  }
0x16: {  	s3 =	sld [smem:$0x3FDB];
	s0 =	simm.s32 @p2 $0x1  }
0x17: {  	s4 =	simm.s32 $0x1BF5;
	[smem:$0x3FB5] =	sst s0  }
0x18: {  	s0 =	sld [smem:$0x3F98];
	_ =	swait.ge [sflag:s4], $0x0  }
0x19: {  	s7 =	sld [smem:$0x3F99]  }
0x1a: {  	s8 =	sadd.s32 $0xFFFFE003, lr  }
0x1b: {  	s9 =	sadd.s32 $0xFFFFFEF7, lr;
	s5 =	simm.s32 $0xFFFFFFFF;
	p2 =	slt.u32 s8, $0xFFFFF086  }
0x1c: {  	p1 =	slt.u32 s9, $0xF7A;
	s5 =	simm.s32 @!p2 $0x0  }
0x1d: {  	s5 =	simm.s32 @p1 $0x1;
	p0 =	seq.s32 s7, s2  }
0x1e: {  	s7 =	smul.u32 @!p0 $0xF7A, s2;
	p2 =	seq.s32 @!p0 s5, $0x0  }
0x1f: {  	s9 =	smul.u32 $0xF7A, s1;
	s8 =	simm.s32 @!p0 $0x1BF5;
	p2 =	por !p2, p0  }
0x20: {  	[sflag:s8] =	ssyncset.s32 @!p0 $0xFFFFF086;
	s6 =	sadd.s32 @!p0 s3, s7;
	s7 =	simm.s32 @!p0 $0x108  }
0x21: {  	s3 =	sadd.s32 s3, s9;
	s6 =	sadd.s32 @!p0 $0x88, s6;
	s7 =	simm.s32 @p2 $0x1082  }
0x22: {  	[simem:s7], [sflag:s8] =	dma.local @!p0 [hbm:s6], $0xF7A  }
0x23: {  	s9 =	sor.u32 $0xD0000000, s2;
	s6 =	simm.s32 $0x108;
	_ =	swait.ge @!p0 [sflag:s8], $0x0  }
0x24: {  	s3 =	sadd.s32 $0x88, s3;
	s6 =	simm.s32 @!p1 $0x1082;
	[sflag:s4] =	ssyncset.s32 $0xFFFFF086  }
0x25: {  	[simem:s6], [sflag:s4] =	dma.local [hbm:s3], $0xF7A  }
0x26: {  	[smem:$0x3F99] =	sst s1;
	(tag) =	ssettag s2;
	_ =	strace s9  }
0x27: {  	s1 =	sld [smem:$0x3FA9]  }
0x28: {  	s2 =	sld [smem:$0x3FAA]  }
0x29: {  	s4 =	sld [smem:$0x3FAC]  }
0x2a: {  	p0 =	seq.s32 s5, $0x0;
	s5 =	sld [smem:$0x3FAD]  }
0x2b: {  	s6 =	sld [smem:$0x3FAE]  }
0x2c: {  	s7 =	sld [smem:$0x3FAF]  }
0x2d: {  	s3 =	simm.s32 $0x108;
	s8 =	sld [smem:$0x3FB0]  }
0x2e: {  	s3 =	simm.s32 @!p0 $0x1082;
	s9 =	sld [smem:$0x3FB1]  }
0x2f: {  	lr =	sadd.s32 s0, s3;
	s0 =	sld [smem:$0x3FA8]  }
0x30: {  	s3 =	sld [smem:$0x3FAB]  }
0x31: {  	[smem:$0x3FB4] =	sst s10  }
0x32: {  	s10 =	sld [smem:$0x3FB2];
	_ =	sdelay $0x3  }
0x33: {  	p0 =	seq.s32 s10, $0x1;
	s10 =	sld [smem:$0x3FB4];
	_ =	sdelay $0x3  }
0x34: {  	[smem:$0x3FB4] =	sst s10  }
0x35: {  	s10 =	sld [smem:$0x3FB3];
	_ =	sdelay $0x3  }
0x36: {  	p1 =	seq.s32 s10, $0x1;
	s10 =	sld [smem:$0x3FB4];
	_ =	sdelay $0x3  }
0x37: {  	[smem:$0x3FB4] =	sst s10  }
0x38: {  	s10 =	sld [smem:$0x3FB5]  }
0x39: {  	_ = 	snop;
	(pc) =	sbr.ind lr, $3  }
0x3a: {  	_ = 	snop  }
0x3b: {  	_ = 	snop  }
0x3c: {  	p2 =	seq.s32 s10, $0x1;
	s10 =	sld [smem:$0x3FB4]  }
0x3d: {  	_ =	shalt  }
0x3e: {  	_ =	shalt  }
0x3f: {  	_ =	shalt  }
0x40: {  	_ =	shalt  }
0x41: {  	_ =	shalt  }
0x42: {  	_ =	shalt  }
0x43: {  	_ =	shalt  }
0x44: {  	_ =	shalt  }
0x45: {  	_ =	shalt  }
0x46: {  	_ =	shalt  }
0x47: {  	_ =	shalt  }
0x48: {  	_ =	shalt  }
0x49: {  	_ =	shalt  }
0x4a: {  	_ =	shalt  }
0x4b: {  	_ =	shalt  }
0x4c: {  	_ =	shalt  }
0x4d: {  	_ =	shalt  }
0x4e: {  	_ =	shalt  }
0x4f: {  	_ =	shalt  }
0x50: {  	_ =	shalt  }
0x51: {  	_ =	shalt  }
0x52: {  	_ =	shalt  }
0x53: {  	_ =	shalt  }
0x54: {  	_ =	shalt  }
0x55: {  	_ =	shalt  }
0x56: {  	_ =	shalt  }
0x57: {  	_ =	shalt  }
0x58: {  	_ =	shalt  }
0x59: {  	_ =	shalt  }
0x5a: {  	_ =	shalt  }
0x5b: {  	_ =	shalt  }
0x5c: {  	_ =	shalt  }
0x5d: {  	_ =	shalt  }
0x5e: {  	_ =	shalt  }
0x5f: {  	_ =	shalt  }
0x60: {  	_ =	shalt  }
0x61: {  	_ =	shalt  }
0x62: {  	_ =	shalt  }
0x63: {  	_ =	shalt  }
0x64: {  	_ =	shalt  }
0x65: {  	_ =	shalt  }
0x66: {  	_ =	shalt  }
0x67: {  	_ =	shalt  }
0x68: {  	_ =	shalt  }
0x69: {  	_ =	shalt  }
0x6a: {  	_ =	shalt  }
0x6b: {  	_ =	shalt  }
0x6c: {  	_ =	shalt  }
0x6d: {  	_ =	shalt  }
0x6e: {  	_ =	shalt  }
0x6f: {  	_ =	shalt  }
0x70: {  	_ =	shalt  }
0x71: {  	_ =	shalt  }
0x72: {  	_ =	shalt  }
0x73: {  	_ =	shalt  }
0x74: {  	_ =	shalt  }
0x75: {  	_ =	shalt  }
0x76: {  	_ =	shalt  }
0x77: {  	_ =	shalt  }
0x78: {  	_ =	shalt  }
0x79: {  	_ =	shalt  }
0x7a: {  	_ =	shalt  }
0x7b: {  	_ =	shalt  }
0x7c: {  	_ =	shalt  }
0x7d: {  	_ =	shalt  }
0x7e: {  	_ =	shalt  }
0x7f: {  	_ =	shalt  }
0x80: {  	_ =	shalt  }
0x81: {  	_ =	shalt  }
0x82: {  	_ =	shalt  }
0x83: {  	_ =	shalt  }
0x84: {  	_ =	shalt  }
0x85: {  	_ =	shalt  }
0x86: {  	_ =	shalt  }
0x87: {  	_ =	shalt  }
.Lfunc_end0:
.L_simem_size_0:
called_computation.2_lowered:
.L_overlay_start_0:
0x88: {  	s2 =	sld [smem:$0x3FD9]  }
0x89: {  	s3 =	sld [smem:$0x3FFE];
	_ =	sdelay $0x1  }
0x8a: {  	s1 =	srdreg.scid  }
0x8b: {  	s0 =	sand.u32 $0x1, s1  }
0x8c: {  	s16 =	sshll.u32 s0, $0xA;
	s2 =	sadd.s32 s3, s2  }
0x8d: {  	s2 =	sadd.s32 s2, s16  }
0x8e: {  	[smem:$0x3FC0] =	sst s2  }
0x8f: {  	_ = 	snop  }
0x90: {  	(tm) =	ssettm $0x1  }
0x91: {  	s17 =	sld [smem:$0x3FFB];
	_ =	sdelay $0x3  }
0x92: {  	_ =	strace s17  }
0x93: {  	s2 =	sld [smem:$0x3FFC];
	_ =	sdelay $0x3  }
0x94: {  	_ =	strace s2  }
0x95: {  	s2 =	sld [smem:$0x3FFD];
	_ =	sdelay $0x3  }
0x96: {  	_ =	strace s2  }
0x97: {  	_ =	strace $0x8FFFFFFF  }
0x98: {  	s18 =	sld [smem:$0x3FDB];
	_ =	sdelay $0x1  }
0x99: {  	s19 =	simm.s32 $_scs_section_size  }
0x9a: {  	s4 =	simm.s32 $_size__tile_overlayer_lowered;
	s5 =	simm.s32 $_tile_overlayer_lowered  }
0x9b: {  	s22 =	simm.s32 $0x1BFF;
	s21 =	sshll.u32 s5, $0x1;
	s2 =	sadd.s32 s19, s18  }
0x9c: {  	s6 =	simm.s32 $0x0;
	s20 =	sshll.u32 s4, $0x1;
	s4 =	sadd.s32 s21, s2  }
0x9d: {  	[timem:s6], [sflag:s22] =	dma.local [hbm:s4], s20  }
0x9e: {  	_ =	swait.ge [sflag:s22], s20  }
0x9f: {  	s3 =	ssub.s32 $0x0, s20;
	[sflag:s22] =	ssyncset.done $0x0  }
0xa0: {  	[sflag:s22] =	ssyncadd.s32 s3;
	_ =	sdelay $0x1  }
0xa1: {  	s23 =	simm.s32 $0x1B8B  }
0xa2: {  	_ =	swait.ge [sflag:s23], $0x1  }
0xa3: {  	[sflag:s23] =	ssyncset.done $0x0  }
0xa4: {  	s25 =	simm.s32 $0x1B8E;
	s24 =	sld [smem:$0x3FFE];
	[sflag:s23] =	ssyncadd.s32 $0xFFFFFFFF  }
0xa5: {  	s26 =	simm.s32 $execute0_lowered;
	[smem:$0x3FD2] =	sst s25  }
0xa6: {  	s4 =	sshll.u32 s26, $0x1;
	_ =	strace $0x8000004C;
	[dreg:$0x1] =	wrdreg $0xFFFFFFFF  }
0xa7: {  	s28 =	simm.s32 $_size_execute0_lowered;
	s2 =	sadd.s32 s2, s4;
	[dreg:$0x0] =	wrdreg $0x0  }
0xa8: {  	s4 =	sshll.u32 s28, $0x1;
	[dreg:$0x2] =	wrdreg s2  }
0xa9: {  	[dreg:$0x3] =	wrdreg s4  }
0xaa: {  	[dreg:$0x4] =	wrdreg $0xC0  }
0xab: {  	_ =	task [dreg:s6], $0x5FFFF  }
0xac: {  	[dreg:$0x1] =	wrdreg $0xFFFFFFFF  }
0xad: {  	[dreg:$0x0] =	wrdreg $0x60  }
0xae: {  	[dreg:$0x2] =	wrdreg s24  }
0xaf: {  	[dreg:$0x3] =	wrdreg $0xA8000  }
0xb0: {  	[dreg:$0x4] =	wrdreg $0x9  }
0xb1: {  	_ =	task.clear_ibuf [dreg:s6], $0x5FFFF;
	_ =	strace $0x9000004C  }
0xb2: {  	s29 =	simm.s32 $0x9;
	_ =	strace $0x8000004E  }
0xb3: {  	_ =	swait.ge [sflag:s29], $0x1  }
0xb4: {  	[sflag:s29] =	ssyncadd.s32 $0xFFFFFFFF  }
0xb5: {  	_ =	strace $0x9000004E  }
0xb6: {  	_ =	sfence  }
0xb7: {  	s30 =	sld [smem:$0x0];
	_ =	sdelay $0x2  }
0xb8: {  	s31 =	sshll.u32 s1, $0xD;
	s1 =	sshrl.u32 s1, $0x2  }
0xb9: {  	s3 =	sand.u32 $0x4000, s31;
	s1 =	sadd.s32 s1, s30  }
0xba: {  	s0 =	sor.u32 s3, s0;
	s1 =	sshll.u32 s1, $0x11  }
0xbb: {  	s0 =	sor.u32 s1, s0  }
0xbc: {  	s0 =	sadd.s32 $0x8F2B, s0  }
0xbd: {  	[sflag:s0] =	ssyncadd.remote.s32 $0x1  }
0xbe: {  	_ =	sfence.sel $0xFFFF  }
0xbf: {  	[dreg:$0x0] =	wrdreg $0xFFFFFFFF;
	(pc) =	sbr.abs _section_cstart, $3  }
0xc0: {  	[dreg:$0x1] =	wrdreg $0xFFFFFFFF  }
0xc1: {  	_ =	task.clear_ibuf [dreg:s6], $0x2FFFF;
	_ =	strace $0x9FFFFFFF  }
0xc2: {  	(tm) =	ssettm $0x7FFFFFFF  }
0xc3: {  	_ =	shalt  }
tec
execute0_lowered:
.L_overlay_start_1:
0x0: {  	(tag) =	ssettag $0x1  }
0x1: {  	s0 =	rddreg [dreg:$0x0]  }
0x2: {  	s1 =	rddreg [dreg:$0x1];
	s2 =	simm.s32 $0x0;
	s5 =	srdreg.scid  }
0x3: {  	s30 =	stileid.u32;
	s28 =	simm.s32 $0x1;
	s29 =	simm.s32 $0x2  }
0x4: {  	[smem:$0x7FF] =	sst s2;
	s3 =	sadd.s32 $0x2A00, s0;
	s4 =	sadd.s32 $0x20A00, s0  }
0x5: {  	s10 =	sand.u32 $0x1, s5;
	s11 =	sadd.s32 $0x48A00, s0;
	s6 =	smul.u32 $0x50000, s30  }
0x6: {  	s12 =	smul.u32 $0x14000, s30;
	s26 =	sadd.s32 $0xC500, s0;
	s0 =	sadd.s32 $0x16180, s0  }
0x7: {  	_ =	strace $0x8000004D;
	s5 =	ssub.s32 $0x2, s10;
	[dreg:$0x5] =	wrdreg s26  }
0x8: {  	s8 =	sshll.u32 s10, $0x4;
	s10 =	smul.u32 $0x140000, s10;
	[dreg:$0x6] =	wrdreg s0  }
0x9: {  	s7 =	sshrl.u32 s5, $0x1;
	s14 =	sor.u32 s30, s8;
	s25 =	sshrl.u32 s6, $0x2  }
0xa: {  	s15 =	sadd.s32 $0x4000, s12;
	s18 =	sadd.s32 $0x8000, s12;
	s19 =	sadd.s32 $0xC000, s12  }
0xb: {  	s20 =	sadd.s32 $0x10000, s12;
	s13 =	ssub.s32 s5, s7;
	s5 =	sadd.s32 s25, s1  }
0xc: {  	s6 =	sadd.s32 s15, s1;
	s7 =	sadd.s32 s18, s1;
	s16 =	smul.u32 $0x2800, s14  }
0xd: {  	s17 =	smul.u32 $0x500, s14;
	s8 =	sadd.s32 s19, s1;
	s9 =	sadd.s32 s20, s1  }
0xe: {  	s21 =	sadd.s32 s10, s15;
	s23 =	sadd.s32 s10, s18;
	s24 =	sadd.s32 s10, s19  }
0xf: {  	p0 =	seq.s32 s14, $0x1F;
	s15 =	simm.s32 $0x1380;
	s22 =	sshrl.u32 s21, $0x3  }
0x10: {  	s25 =	sshrl.u32 s24, $0x3;
	s21 =	simm.s32 $0x1400;
	s24 =	simm.s32 $0x2780  }
0x11: {  	s16 =	sshrl.u32 s16, $0x3;
	s17 =	sadd.s32 s3, s17;
	s31 =	sadd.s32 s11, s22  }
0x12: {  	s22 =	simm.s32 $0x2800;
	[dreg:$0x3] =	wrdreg s17;
	s3 =	sadd.s32 s3, s16  }
0x13: {  	s17 =	sadd.s32 s12, s10;
	s10 =	sadd.s32 s10, s20;
	s20 =	smax.u32 s13, $0x1  }
0x14: {  	s16 =	sadd.s32 $0x9C80, s3;
	s0 =	sshrl.u32 s17, $0x3;
	s26 =	sshrl.u32 s10, $0x3  }
0x15: {  	s10 =	simm.s32 $0x0;
	[dreg:$0x4] =	wrdreg s16;
	s16 =	sadd.s32 $0x280, s3  }
0x16: {  	s3 =	sadd.s32 $0x9F00, s3;
	s17 =	sadd.s32 s11, s0;
	s0 =	sshrl.u32 s23, $0x3  }
0x17: {  	s19 =	sadd.s32 s11, s26;
	s23 =	simm.s32 $0x3;
	[dreg:$0x7] =	wrdreg s16  }
0x18: {  	s26 =	simm.s32 $0x6800;
	[dreg:$0x8] =	wrdreg s3;
	s18 =	sadd.s32 s11, s0  }
0x19: {  	v0 =	vimm.f32 $0.0e+00;
	v1 =	vlaneseq.u32;
	s0 =	sadd.s32 s11, s25;
	s25 =	simm.s32 $0x80;
	s16 =	simm.s32 $0x2700  }
.LBB2_1:
0x1a: {  	s3 =	simm.s32 $0x0;
	s11 =	simm.s32 $0x200  }
.LBB2_2:
0x1b: {  	p1 =	sne.s32 s11, $0xFE00;
	[tilespmem:s3+$0x2870] =	vst v0  }
0x1c: {  	[tilespmem:s3+$0x2800] =	vst v0  }
0x1d: {  	[tilespmem:s3+$0x2810] =	vst v0  }
.Ltmp0:
0x1e: {  	[tilespmem:s3+$0x2820] =	vst v0;
	(pc) =	sbr.rel @p1 .LBB2_2-.Ltmp0, $4  }
0x1f: {  	[tilespmem:s3+$0x2830] =	vst v0  }
0x20: {  	[tilespmem:s3+$0x2840] =	vst v0  }
0x21: {  	[tilespmem:s3+$0x2850] =	vst v0  }
0x22: {  	[tilespmem:s3+$0x2860] =	vst v0;
	s3 =	sshra.s32 s11, $0x2;
	s11 =	sadd.s32 $0x200, s11  }
0x23: {  	[tilespmem:s3+$0x2870] =	vst v0  }
0x24: {  	[tilespmem:s3+$0x2800] =	vst v0  }
0x25: {  	[tilespmem:s3+$0x2810] =	vst v0  }
0x26: {  	[tilespmem:s3+$0x2820] =	vst v0  }
0x27: {  	[tilespmem:s3+$0x2830] =	vst v0  }
0x28: {  	[tilespmem:s3+$0x2840] =	vst v0  }
0x29: {  	[tilespmem:s3+$0x2850] =	vst v0  }
0x2a: {  	[tilespmem:s3+$0x2860] =	vst v0  }
0x2b: {  	[spmem:s5] =	stream.linear.scatter [tilespmem:s22], [sflag:$0x3], $0x4000, $0x38;
	[tilespmem:$0x1E800] =	vst v63  }
0x2c: {  	_ =	swait.ge [sflag:s23], $0x4000  }
0x2d: {  	[sflag:s23] =	ssyncset.done $0x0  }
0x2e: {  	[sflag:s23] =	ssyncadd.s32 $0xFFFFC000  }
0x2f: {  	[spmem:s6] =	stream.linear.scatter [tilespmem:s22], [sflag:$0x3], $0x4000, $0x38;
	[tilespmem:$0x1E800] =	vst v63  }
0x30: {  	_ =	swait.ge [sflag:s23], $0x4000  }
0x31: {  	[sflag:s23] =	ssyncset.done $0x0  }
0x32: {  	[sflag:s23] =	ssyncadd.s32 $0xFFFFC000  }
0x33: {  	[spmem:s7] =	stream.linear.scatter [tilespmem:s22], [sflag:$0x3], $0x4000, $0x38;
	[tilespmem:$0x1E800] =	vst v63  }
0x34: {  	_ =	swait.ge [sflag:s23], $0x4000  }
0x35: {  	[sflag:s23] =	ssyncset.done $0x0  }
0x36: {  	[sflag:s23] =	ssyncadd.s32 $0xFFFFC000  }
0x37: {  	[spmem:s8] =	stream.linear.scatter [tilespmem:s22], [sflag:$0x3], $0x4000, $0x38;
	[tilespmem:$0x1E800] =	vst v63  }
0x38: {  	_ =	swait.ge [sflag:s23], $0x4000  }
0x39: {  	[sflag:s23] =	ssyncset.done $0x0  }
0x3a: {  	[sflag:s23] =	ssyncadd.s32 $0xFFFFC000  }
0x3b: {  	[spmem:s9] =	stream.linear.scatter [tilespmem:s22], [sflag:$0x3], $0x4000, $0x38;
	[tilespmem:$0x1E800] =	vst v63  }
.Ltmp1:
0x3c: {  	_ =	swait.ge [sflag:s23], $0x4000;
	(pc) =	sbr.rel @!p0 .LBB2_4-.Ltmp1, $3  }
0x3d: {  	[sflag:s23] =	ssyncset.done $0x0  }
0x3e: {  	[sflag:s23] =	ssyncadd.s32 $0xFFFFC000  }
0x3f: {  	[bflag:$0x0] =	sbarrier.arrive $0xFFFF;
	_ =	sdelay $0x1  }
0x40: {  	s3 =	simm.s32 $0xA40  }
0x41: {  	s13 =	simm.s32 $0xA60;
	v5 =	vor.u32 s3, v1  }
0x42: {  	s11 =	simm.s32 $0xA00;
	v8 =	vor.u32 s13, v1;
	v9 =	vmulhi.u32 $0x88888889, v5  }
0x43: {  	s14 =	simm.s32 $0xA10;
	v10 =	vor.u32 s11, v1;
	v11 =	vmulhi.u32 $0x88888889, v8  }
0x44: {  	s16 =	simm.s32 $0xA50;
	v3 =	vor.u32 s14, v1;
	v12 =	vmulhi.u32 $0x88888889, v10  }
0x45: {  	s15 =	simm.s32 $0xA30;
	v7 =	vor.u32 s16, v1;
	v13 =	vmulhi.u32 $0x88888889, v3  }
0x46: {  	s12 =	simm.s32 $0xA20;
	v2 =	vor.u32 s15, v1;
	s11 =	simm.s32 $0xA70;
	v14 =	vmulhi.u32 $0x88888889, v7  }
0x47: {  	v6 =	vor.u32 s12, v1;
	v4 =	vor.u32 s11, v1;
	v15 =	vmulhi.u32 $0x88888889, v2  }
0x48: {  	s24 =	rddreg [dreg:$0x5];
	v11 =	vshrl.u32 v11, $0x7;
	v12 =	vshrl.u32 v12, $0x7;
	v9 =	vshrl.u32 v9, $0x7  }
0x49: {  	[tilespmem:s2], [sflag:$0x3] =	stream.linear.gather [hbm4b:s24+s2], $0xA00, $0x38;
	v11 =	vmul.u32 $0xF0, v11;
	v16 =	vmul.u32 $0xF0, v12;
	v12 =	vmulhi.u32 $0x88888889, v4;
	[tilespmem:$0x1E800] =	vst v63  }
0x4a: {  	_ =	swait.ge [sflag:s23], $0xA00;
	v14 =	vshrl.u32 v14, $0x7;
	v17 =	vshrl.u32 v13, $0x7;
	v13 =	vshrl.u32 v15, $0x7  }
0x4b: {  	[sflag:s23] =	ssyncset.done $0x0;
	v14 =	vmul.u32 $0xF0, v14;
	v8 =	vsub.s32 v8, v11;
	v11 =	vshrl.u32 v12, $0x7  }
0x4c: {  	[sflag:s23] =	ssyncadd.s32 $0xFFFFF600;
	v12 =	vmulhi.u32 $0x88888889, v6;
	v15 =	vadd.s32 $0x2710, v8;
	v8 =	vmul.u32 $0xF0, v13  }
0x4d: {  	s12 =	simm.s32 $0xAF0;
	s3 =	simm.s32 $0xAF0;
	v13 =	vmul.u32 $0xF0, v9;
	v9 =	vsub.s32 v10, v16;
	v10 =	vmul.u32 $0xF0, v17;
	[tilespmem:s11+$0xFFFFFFF0] =	vst v15  }
.LBB2_6:
0x4e: {  	s13 =	sadd.s32 $0xFFFFFF90, s12  }
0x4f: {  	s14 =	sadd.s32 $0xFFFFFFA0, s12;
	s15 =	sadd.s32 $0xFFFFFFB0, s12;
	v12 =	vshrl.u32 v12, $0x7;
	v13 =	vsub.s32 v5, v13;
	v11 =	vmul.u32 $0xF0, v11;
	s24 =	smov.u32 s12  }
0x50: {  	s16 =	sadd.s32 $0xFFFFFFE0, s12;
	v15 =	vor.u32 s13, v1;
	v16 =	vor.u32 s14, v1;
	s13 =	sadd.s32 $0xFFFFFFC0, s12;
	s14 =	sadd.s32 $0xFFFFFFD0, s12;
	v14 =	vsub.s32 v7, v14  }
0x51: {  	p1 =	sne.s32 s12, $0x13F0;
	s12 =	sadd.s32 $0x80, s12;
	v12 =	vmul.u32 $0xF0, v12;
	v17 =	vor.u32 s13, v1;
	v5 =	vor.u32 s14, v1;
	s13 =	sadd.s32 $0xFFFFFFF0, s24  }
0x52: {  	v7 =	vor.u32 s16, v1;
	v14 =	vadd.s32 $0x2710, v14;
	v18 =	vor.u32 s13, v1  }
0x53: {  	v10 =	vsub.s32 v3, v10;
	v13 =	vadd.s32 $0x2710, v13;
	v3 =	vmovc v16;
	v19 =	vmulhi.u32 $0x88888889, v5;
	[tilespmem:s11+$0xFFFFFFE0] =	vst v14  }
0x54: {  	v12 =	vsub.s32 v6, v12;
	v6 =	vor.u32 s15, v1;
	v14 =	vor.u32 s24, v1;
	[tilespmem:s11+$0xFFFFFFD0] =	vst v13  }
0x55: {  	v10 =	vadd.s32 $0x2710, v10;
	v11 =	vsub.s32 v4, v11;
	v13 =	vmulhi.u32 $0x88888889, v18;
	v4 =	vmovc v14  }
0x56: {  	v9 =	vadd.s32 $0x2710, v9;
	v14 =	vmulhi.u32 $0x88888889, v15;
	[tilespmem:s11+$0xFFFFFFA0] =	vst v10;
	v10 =	vadd.s32 $0x2710, v11  }
0x57: {  	v8 =	vsub.s32 v2, v8;
	v2 =	vmovc v17;
	v11 =	vmulhi.u32 $0x88888889, v3;
	[tilespmem:s11+$0xFFFFFF90] =	vst v9;
	v9 =	vadd.s32 $0x2710, v12  }
0x58: {  	v13 =	vshrl.u32 v13, $0x7;
	v12 =	vshrl.u32 v14, $0x7;
	v14 =	vmulhi.u32 $0x88888889, v7;
	[tilespmem:s11+$0xFFFFFFB0] =	vst v9  }
0x59: {  	v13 =	vmul.u32 $0xF0, v13;
	v9 =	vmul.u32 $0xF0, v12;
	v12 =	vmulhi.u32 $0x88888889, v2;
	[tilespmem:s11+$0x0] =	vst v10  }
.Ltmp2:
0x5a: {  	v16 =	vmulhi.u32 $0x88888889, v4;
	v10 =	vshrl.u32 v19, $0x7;
	v14 =	vshrl.u32 v14, $0x7;
	(pc) =	sbr.rel @p1 .LBB2_6-.Ltmp2, $4  }
0x5b: {  	v8 =	vadd.s32 $0x2710, v8;
	v17 =	vshrl.u32 v11, $0x7;
	v11 =	vsub.s32 v18, v13  }
0x5c: {  	v13 =	vshrl.u32 v12, $0x7;
	v18 =	vadd.s32 $0x2710, v11;
	v11 =	vshrl.u32 v16, $0x7;
	[tilespmem:s11+$0xFFFFFFC0] =	vst v8;
	s11 =	smov.u32 s3  }
0x5d: {  	v12 =	vmulhi.u32 $0x88888889, v6;
	v8 =	vmul.u32 $0xF0, v13;
	v13 =	vmul.u32 $0xF0, v10;
	[tilespmem:s3+$0xFFFFFFF0] =	vst v18  }
0x5e: {  	v9 =	vsub.s32 v15, v9;
	v14 =	vmul.u32 $0xF0, v14;
	v10 =	vmul.u32 $0xF0, v17;
	s3 =	sadd.s32 $0x80, s3  }
0x5f: {  	v12 =	vshrl.u32 v12, $0x7;
	v5 =	vsub.s32 v5, v13;
	v11 =	vmul.u32 $0xF0, v11  }
0x60: {  	s16 =	simm.s32 $0xA60;
	v2 =	vsub.s32 v2, v8;
	v7 =	vsub.s32 v7, v14;
	v12 =	vmul.u32 $0xF0, v12  }
0x61: {  	s12 =	simm.s32 $0xA00;
	v3 =	vsub.s32 v3, v10;
	v5 =	vadd.s32 $0x2710, v5;
	v8 =	vor.u32 s16, v1  }
0x62: {  	v14 =	vor.u32 s12, v1;
	v7 =	vadd.s32 $0x2710, v7;
	v10 =	vadd.s32 $0x2710, v3  }
0x63: {  	s13 =	simm.s32 $0xA20;
	v3 =	vsub.s32 v4, v11;
	v4 =	vadd.s32 $0x2710, v9;
	[tilespmem:s11+$0xFFFFFFD0] =	vst v5;
	v13 =	vmulhi.u32 $0x88888889, v14  }
0x64: {  	s3 =	simm.s32 $0xA40;
	v5 =	vor.u32 s13, v1;
	v6 =	vsub.s32 v6, v12;
	[tilespmem:s11+$0xFFFFFFE0] =	vst v7;
	v9 =	vadd.s32 $0x2710, v3  }
0x65: {  	s24 =	simm.s32 $0xA10;
	v3 =	vor.u32 s3, v1;
	[tilespmem:s11+$0xFFFFFFA0] =	vst v10;
	v10 =	vadd.s32 $0x2710, v2;
	v12 =	vmulhi.u32 $0x88888889, v8  }
0x66: {  	s16 =	simm.s32 $0xA70;
	[tilespmem:s11+$0xFFFFFF90] =	vst v4;
	v7 =	vadd.s32 $0x2710, v6;
	v11 =	vmulhi.u32 $0x88888889, v3;
	v6 =	vor.u32 s24, v1  }
0x67: {  	s15 =	simm.s32 $0xA50;
	v4 =	vor.u32 s16, v1;
	[tilespmem:s11+$0xFFFFFFC0] =	vst v10;
	v10 =	vshrl.u32 v13, $0x7;
	v15 =	vmulhi.u32 $0x88888889, v6  }
0x68: {  	s14 =	simm.s32 $0xA30;
	[tilespmem:s11+$0xFFFFFFB0] =	vst v7;
	v7 =	vor.u32 s15, v1;
	v16 =	vmul.u32 $0xF0, v10;
	v10 =	vmulhi.u32 $0x88888889, v4  }
0x69: {  	v2 =	vor.u32 s14, v1;
	[tilespmem:s11+$0x0] =	vst v9;
	s24 =	rddreg [dreg:$0x6];
	v12 =	vshrl.u32 v12, $0x7;
	v9 =	vmulhi.u32 $0x88888889, v7  }
0x6a: {  	v13 =	vmulhi.u32 $0x88888889, v2;
	v12 =	vmul.u32 $0xF0, v12;
	[tilespmem:s21], [sflag:$0x3] =	stream.linear.gather [hbm4b:s24+s2], $0xA00, $0x38;
	v11 =	vshrl.u32 v11, $0x7;
	[tilespmem:$0x1E800] =	vst v63  }
0x6b: {  	_ =	swait.ge [sflag:s23], $0xA00;
	v15 =	vshrl.u32 v15, $0x7;
	v10 =	vshrl.u32 v10, $0x7;
	v17 =	vshrl.u32 v9, $0x7  }
0x6c: {  	v8 =	vsub.s32 v8, v12;
	[sflag:s23] =	ssyncset.done $0x0;
	v9 =	vshrl.u32 v13, $0x7;
	v12 =	vmulhi.u32 $0x88888889, v5  }
0x6d: {  	s11 =	simm.s32 $0x1E70;
	v13 =	vmul.u32 $0xF0, v11;
	v11 =	vmul.u32 $0xF0, v15;
	v18 =	vadd.s32 $0x2710, v8;
	[sflag:s23] =	ssyncadd.s32 $0xFFFFF600  }
0x6e: {  	s12 =	simm.s32 $0xAF0;
	s3 =	simm.s32 $0x1EF0;
	v8 =	vmul.u32 $0xF0, v9;
	v9 =	vsub.s32 v14, v16;
	v14 =	vmul.u32 $0xF0, v17;
	[tilespmem:s11+$0xFFFFFFF0] =	vst v18  }
.LBB2_8:
0x6f: {  	s13 =	sadd.s32 $0xFFFFFF90, s12  }
0x70: {  	s14 =	sadd.s32 $0xFFFFFFA0, s12;
	s15 =	sadd.s32 $0xFFFFFFB0, s12;
	v12 =	vshrl.u32 v12, $0x7;
	v13 =	vsub.s32 v3, v13;
	v10 =	vmul.u32 $0xF0, v10;
	s16 =	smov.u32 s12  }
0x71: {  	s24 =	sadd.s32 $0xFFFFFFE0, s12;
	v15 =	vor.u32 s13, v1;
	v16 =	vor.u32 s14, v1;
	s13 =	sadd.s32 $0xFFFFFFC0, s12;
	s14 =	sadd.s32 $0xFFFFFFD0, s12;
	v14 =	vsub.s32 v7, v14  }
0x72: {  	p1 =	sne.s32 s12, $0x13F0;
	s12 =	sadd.s32 $0x80, s12;
	v12 =	vmul.u32 $0xF0, v12;
	v17 =	vor.u32 s13, v1;
	v3 =	vor.u32 s14, v1;
	s13 =	sadd.s32 $0xFFFFFFF0, s16  }
0x73: {  	v7 =	vor.u32 s24, v1;
	v14 =	vadd.s32 $0x2710, v14;
	v18 =	vor.u32 s13, v1  }
0x74: {  	v11 =	vsub.s32 v6, v11;
	v13 =	vadd.s32 $0x2710, v13;
	v6 =	vmovc v16;
	v19 =	vmulhi.u32 $0x88888889, v3;
	[tilespmem:s11+$0xFFFFFFE0] =	vst v14  }
0x75: {  	v12 =	vsub.s32 v5, v12;
	v5 =	vor.u32 s15, v1;
	v14 =	vor.u32 s16, v1;
	[tilespmem:s11+$0xFFFFFFD0] =	vst v13  }
0x76: {  	v11 =	vadd.s32 $0x2710, v11;
	v10 =	vsub.s32 v4, v10;
	v13 =	vmulhi.u32 $0x88888889, v18;
	v4 =	vmovc v14  }
0x77: {  	v9 =	vadd.s32 $0x2710, v9;
	v10 =	vadd.s32 $0x2710, v10;
	v14 =	vmulhi.u32 $0x88888889, v15;
	[tilespmem:s11+$0xFFFFFFA0] =	vst v11  }
0x78: {  	v8 =	vsub.s32 v2, v8;
	v2 =	vmovc v17;
	v11 =	vmulhi.u32 $0x88888889, v6;
	[tilespmem:s11+$0xFFFFFF90] =	vst v9;
	v9 =	vadd.s32 $0x2710, v12  }
0x79: {  	v13 =	vshrl.u32 v13, $0x7;
	v12 =	vshrl.u32 v14, $0x7;
	v14 =	vmulhi.u32 $0x88888889, v7;
	[tilespmem:s11+$0xFFFFFFB0] =	vst v9  }
0x7a: {  	v13 =	vmul.u32 $0xF0, v13;
	v9 =	vmul.u32 $0xF0, v12;
	v12 =	vmulhi.u32 $0x88888889, v2;
	[tilespmem:s11+$0x0] =	vst v10  }
.Ltmp3:
0x7b: {  	v16 =	vshrl.u32 v19, $0x7;
	v14 =	vshrl.u32 v14, $0x7;
	v10 =	vmulhi.u32 $0x88888889, v4;
	(pc) =	sbr.rel @p1 .LBB2_8-.Ltmp3, $4  }
0x7c: {  	v8 =	vadd.s32 $0x2710, v8;
	v11 =	vshrl.u32 v11, $0x7;
	v13 =	vsub.s32 v18, v13  }
0x7d: {  	v17 =	vshrl.u32 v12, $0x7;
	v18 =	vadd.s32 $0x2710, v13;
	v10 =	vshrl.u32 v10, $0x7;
	[tilespmem:s11+$0xFFFFFFC0] =	vst v8;
	s11 =	smov.u32 s3  }
0x7e: {  	v12 =	vmulhi.u32 $0x88888889, v5;
	v13 =	vmul.u32 $0xF0, v16;
	v8 =	vmul.u32 $0xF0, v17;
	[tilespmem:s3+$0xFFFFFFF0] =	vst v18  }
0x7f: {  	v11 =	vmul.u32 $0xF0, v11;
	v9 =	vsub.s32 v15, v9;
	v14 =	vmul.u32 $0xF0, v14;
	s3 =	sadd.s32 $0x80, s3  }
0x80: {  	v3 =	vsub.s32 v3, v13;
	v62 =	vadd.s32 $0x2710, v9  }
0x81: {  	v12 =	vshrl.u32 v12, $0x7;
	v2 =	vsub.s32 v2, v8;
	v3 =	vadd.s32 $0x2710, v3;
	[tilespmem:s11+$0xFFFFFF90] =	vst v62  }
0x82: {  	v7 =	vsub.s32 v7, v14;
	v12 =	vmul.u32 $0xF0, v12;
	v2 =	vadd.s32 $0x2710, v2;
	[tilespmem:s11+$0xFFFFFFD0] =	vst v3  }
.Ltmp4:
0x83: {  	v61 =	vmul.u32 $0xF0, v10;
	v6 =	vsub.s32 v6, v11;
	v7 =	vadd.s32 $0x2710, v7;
	[tilespmem:s11+$0xFFFFFFC0] =	vst v2;
	(pc) =	sbr.rel .LBB2_10-.Ltmp4, $4  }
0x84: {  	v3 =	vadd.s32 $0x2710, v6;
	[tilespmem:s11+$0xFFFFFFE0] =	vst v7;
	v5 =	vsub.s32 v5, v12  }
0x85: {  	[tilespmem:s11+$0xFFFFFFA0] =	vst v3;
	v3 =	vsub.s32 v4, v61;
	v63 =	vadd.s32 $0x2710, v5  }
0x86: {  	v3 =	vadd.s32 $0x2710, v3;
	[tilespmem:s11+$0xFFFFFFB0] =	vst v63  }
0x87: {  	s15 =	simm.s32 $0x1380;
	s16 =	simm.s32 $0x2700;
	s24 =	simm.s32 $0x2780;
	[tilespmem:s11+$0x0] =	vst v3  }
.LBB2_4:
0x88: {  	s3 =	rddreg [dreg:$0x3]  }
0x89: {  	[tilespmem:s2], [sflag:$0x3] =	stream.linear.gather [hbm4b:s3+s2], $0x1400, $0x38;
	[tilespmem:$0x1E800] =	vst v63  }
0x8a: {  	_ =	swait.ge [sflag:s23], $0x1400  }
0x8b: {  	[sflag:s23] =	ssyncset.done $0x0  }
0x8c: {  	s14 =	rddreg [dreg:$0x4];
	[sflag:s23] =	ssyncadd.s32 $0xFFFFEC00  }
0x8d: {  	[tilespmem:s21], [sflag:$0x3] =	stream.linear.gather [hbm4b:s14+s2], $0x1400, $0x38;
	[tilespmem:$0x1E800] =	vst v63  }
0x8e: {  	_ =	swait.ge [sflag:s23], $0x1400  }
0x8f: {  	[sflag:s23] =	ssyncset.done $0x0  }
0x90: {  	[sflag:s23] =	ssyncadd.s32 $0xFFFFEC00  }
.LBB2_10:
0x91: {  	s3 =	simm.s32 $0x0  }
0x92: {  	[tilespmem:s22], [sflag:$0x1] =	stream.indirect.gather [hbm4b:s4+s25], $0x80, s3, s25, $0xb8;
	[tilespmem:$0x1E800] =	vst v63  }
0x93: {  	s11 =	simm.s32 $0x80  }
0x94: {  	[tilespmem:s26], [sflag:$0x2] =	stream.indirect.gather [hbm4b:s4+s25], $0x80, s11, s25, $0xb8;
	[tilespmem:$0x1E800] =	vst v63  }
0x95: {  	_ =	swait.ge [sflag:s28], $0x4000  }
0x96: {  	[sflag:s28] =	ssyncset.done $0x0  }
0x97: {  	s12 =	simm.s32 $0x1400;
	[sflag:s28] =	ssyncadd.s32 $0xFFFFC000  }
0x98: {  	[spmem:s1] =	stream.indirect.scatter.add.f32 [tilespmem:s22], [sflag:$0x3], $0x80, s12, s25, $0xb8;
	[tilespmem:$0x1E800] =	vst v63  }
0x99: {  	_ =	swait.ge [sflag:s23], $0x4000  }
0x9a: {  	[sflag:s23] =	ssyncset.done $0x0  }
0x9b: {  	s13 =	simm.s32 $0x100;
	[sflag:s23] =	ssyncadd.s32 $0xFFFFC000  }
0x9c: {  	[tilespmem:s22], [sflag:$0x1] =	stream.indirect.gather [hbm4b:s4+s25], $0x80, s13, s25, $0xb8;
	[tilespmem:$0x1E800] =	vst v63  }
0x9d: {  	_ =	swait.ge [sflag:s29], $0x4000  }
0x9e: {  	[sflag:s29] =	ssyncset.done $0x0  }
0x9f: {  	s14 =	simm.s32 $0x1480;
	[sflag:s29] =	ssyncadd.s32 $0xFFFFC000  }
0xa0: {  	[spmem:s1] =	stream.indirect.scatter.add.f32 [tilespmem:s26], [sflag:$0x3], $0x80, s14, s25, $0xb8;
	[tilespmem:$0x1E800] =	vst v63  }
0xa1: {  	_ =	swait.ge [sflag:s23], $0x4000  }
0xa2: {  	s3 =	simm.s32 $0x100;
	s11 =	simm.s32 $0x800;
	[sflag:s23] =	ssyncset.done $0x0  }
.LBB2_11:
0xa3: {  	s12 =	sadd.s32 $0x80, s3  }
0xa4: {  	[sflag:s23] =	ssyncadd.s32 $0xFFFFC000;
	s13 =	smov.u32 s11;
	s14 =	sadd.s32 $0x400, s11  }
0xa5: {  	[tilespmem:s26], [sflag:$0x2] =	stream.indirect.gather [hbm4b:s4+s25], $0x80, s12, s25, $0xb8;
	[tilespmem:$0x1E800] =	vst v63  }
0xa6: {  	p1 =	sne.s32 s11, $0x4800;
	_ =	swait.ge [sflag:s28], $0x4000  }
0xa7: {  	[sflag:s28] =	ssyncset.done $0x0  }
0xa8: {  	s11 =	sadd.s32 $0x1400, s3;
	[sflag:s28] =	ssyncadd.s32 $0xFFFFC000  }
0xa9: {  	[spmem:s1] =	stream.indirect.scatter.add.f32 [tilespmem:s22], [sflag:$0x3], $0x80, s11, s25, $0xb8;
	[tilespmem:$0x1E800] =	vst v63  }
0xaa: {  	_ =	swait.ge [sflag:s23], $0x4000  }
0xab: {  	[sflag:s23] =	ssyncset.done $0x0  }
0xac: {  	s11 =	sadd.s32 $0x100, s3;
	[sflag:s23] =	ssyncadd.s32 $0xFFFFC000  }
0xad: {  	[tilespmem:s22], [sflag:$0x1] =	stream.indirect.gather [hbm4b:s4+s25], $0x80, s11, s25, $0xb8;
	[tilespmem:$0x1E800] =	vst v63  }
0xae: {  	_ =	swait.ge [sflag:s29], $0x4000  }
.Ltmp5:
0xaf: {  	[sflag:s29] =	ssyncset.done $0x0;
	(pc) =	sbr.rel @p1 .LBB2_11-.Ltmp5, $4  }
0xb0: {  	s3 =	sadd.s32 $0x1480, s3;
	[sflag:s29] =	ssyncadd.s32 $0xFFFFC000  }
0xb1: {  	[spmem:s1] =	stream.indirect.scatter.add.f32 [tilespmem:s26], [sflag:$0x3], $0x80, s3, s25, $0xb8;
	[tilespmem:$0x1E800] =	vst v63  }
0xb2: {  	_ =	swait.ge [sflag:s23], $0x4000  }
0xb3: {  	s11 =	smov.u32 s14;
	s3 =	sshra.s32 s13, $0x2;
	[sflag:s23] =	ssyncset.done $0x0  }
0xb4: {  	s11 =	sadd.s32 $0x80, s3;
	[sflag:s23] =	ssyncadd.s32 $0xFFFFC000  }
0xb5: {  	[tilespmem:s26], [sflag:$0x2] =	stream.indirect.gather [hbm4b:s4+s25], $0x80, s11, s25, $0xb8;
	[tilespmem:$0x1E800] =	vst v63  }
0xb6: {  	_ =	swait.ge [sflag:s28], $0x4000  }
0xb7: {  	[sflag:s28] =	ssyncset.done $0x0  }
0xb8: {  	s12 =	sadd.s32 $0x1400, s3;
	[sflag:s28] =	ssyncadd.s32 $0xFFFFC000  }
0xb9: {  	[spmem:s1] =	stream.indirect.scatter.add.f32 [tilespmem:s22], [sflag:$0x3], $0x80, s12, s25, $0xb8;
	[tilespmem:$0x1E800] =	vst v63  }
0xba: {  	_ =	swait.ge [sflag:s23], $0x4000  }
0xbb: {  	[sflag:s23] =	ssyncset.done $0x0  }
0xbc: {  	s13 =	sadd.s32 $0x100, s3;
	[sflag:s23] =	ssyncadd.s32 $0xFFFFC000  }
0xbd: {  	[tilespmem:s22], [sflag:$0x1] =	stream.indirect.gather [hbm4b:s4+s25], $0x80, s13, s25, $0xb8;
	[tilespmem:$0x1E800] =	vst v63  }
0xbe: {  	_ =	swait.ge [sflag:s29], $0x4000  }
0xbf: {  	[sflag:s29] =	ssyncset.done $0x0  }
0xc0: {  	s14 =	sadd.s32 $0x1480, s3;
	[sflag:s29] =	ssyncadd.s32 $0xFFFFC000  }
0xc1: {  	[spmem:s1] =	stream.indirect.scatter.add.f32 [tilespmem:s26], [sflag:$0x3], $0x80, s14, s25, $0xb8;
	[tilespmem:$0x1E800] =	vst v63  }
0xc2: {  	_ =	swait.ge [sflag:s23], $0x4000  }
0xc3: {  	[sflag:s23] =	ssyncset.done $0x0  }
0xc4: {  	[sflag:s23] =	ssyncadd.s32 $0xFFFFC000  }
0xc5: {  	[tilespmem:s26], [sflag:$0x2] =	stream.indirect.gather [hbm4b:s4+s25], $0x80, s15, s25, $0xb8;
	[tilespmem:$0x1E800] =	vst v63  }
0xc6: {  	_ =	swait.ge [sflag:s28], $0x4000  }
0xc7: {  	[sflag:s28] =	ssyncset.done $0x0  }
0xc8: {  	[sflag:s28] =	ssyncadd.s32 $0xFFFFC000  }
0xc9: {  	[spmem:s1] =	stream.indirect.scatter.add.f32 [tilespmem:s22], [sflag:$0x3], $0x80, s16, s25, $0xb8;
	[tilespmem:$0x1E800] =	vst v63  }
0xca: {  	_ =	swait.ge [sflag:s23], $0x4000  }
0xcb: {  	[sflag:s23] =	ssyncset.done $0x0  }
0xcc: {  	[sflag:s23] =	ssyncadd.s32 $0xFFFFC000  }
0xcd: {  	_ =	swait.ge [sflag:s29], $0x4000  }
0xce: {  	[sflag:s29] =	ssyncset.done $0x0  }
.Ltmp6:
0xcf: {  	[sflag:s29] =	ssyncadd.s32 $0xFFFFC000;
	(pc) =	sbr.rel @!p0 .LBB2_13-.Ltmp6, $4  }
0xd0: {  	[spmem:s1] =	stream.indirect.scatter.add.f32 [tilespmem:s26], [sflag:$0x3], $0x80, s24, s25, $0xb8;
	[tilespmem:$0x1E800] =	vst v63  }
0xd1: {  	_ =	swait.ge [sflag:s23], $0x4000  }
0xd2: {  	[sflag:s23] =	ssyncset.done $0x0  }
0xd3: {  	s3 =	simm.s32 $0x70;
	s11 =	simm.s32 $0x40;
	[sflag:s23] =	ssyncadd.s32 $0xFFFFC000  }
0xd4: {  	s13 =	simm.s32 $0x40  }
0xd5: {  	s12 =	simm.s32 $0x60;
	v9 =	vor.u32 s13, v1  }
0xd6: {  	s14 =	simm.s32 $0x0;
	v7 =	vor.u32 s12, v1;
	v11 =	vmulhi.u32 $0x88888889, v9  }
0xd7: {  	s15 =	simm.s32 $0x10;
	v5 =	vor.u32 s14, v1;
	v6 =	vmulhi.u32 $0x88888889, v7  }
0xd8: {  	s16 =	simm.s32 $0x30;
	v4 =	vor.u32 s15, v1;
	v12 =	vmulhi.u32 $0x88888889, v5  }
0xd9: {  	s14 =	simm.s32 $0x50;
	v2 =	vor.u32 s16, v1;
	v13 =	vmulhi.u32 $0x88888889, v4  }
0xda: {  	s12 =	simm.s32 $0x20;
	v10 =	vor.u32 s14, v1;
	v15 =	vmulhi.u32 $0x88888889, v2  }
0xdb: {  	v8 =	vor.u32 s12, v1;
	v14 =	vmulhi.u32 $0x88888889, v10  }
0xdc: {  	v3 =	vor.u32 s3, v1;
	v18 =	vmulhi.u32 $0x88888889, v8  }
0xdd: {  	v6 =	vshrl.u32 v6, $0x7;
	v12 =	vshrl.u32 v12, $0x7;
	v11 =	vshrl.u32 v11, $0x7  }
0xde: {  	v16 =	vmul.u32 $0xF0, v6;
	v6 =	vmul.u32 $0xF0, v12;
	v12 =	vmulhi.u32 $0x88888889, v3  }
0xdf: {  	v13 =	vshrl.u32 v13, $0x7;
	v19 =	vshrl.u32 v14, $0x7;
	v14 =	vshrl.u32 v15, $0x7  }
0xe0: {  	s2 =	smov.u32 s20;
	s21 =	smov.u32 s19;
	v20 =	vmul.u32 $0xF0, v11;
	v14 =	vmul.u32 $0xF0, v14;
	v7 =	vsub.s32 v7, v16  }
0xe1: {  	s20 =	smov.u32 s0;
	s0 =	smov.u32 s18;
	s19 =	smov.u32 s31;
	v19 =	vmul.u32 $0xF0, v19;
	v17 =	vshrl.u32 v12, $0x7;
	v7 =	vadd.s32 $0x2710, v7  }
0xe2: {  	s31 =	smov.u32 s17;
	s3 =	simm.s32 $0xC0;
	s15 =	simm.s32 $0xF0;
	v15 =	vsub.s32 v5, v6;
	v16 =	vmul.u32 $0xF0, v13;
	v13 =	vmovc v4;
	v11 =	vmovc v2;
	[tilespmem:s11+$0x20] =	vst v7;
	v12 =	vmov v3  }
.LBB2_15:
0xe3: {  	s16 =	sadd.s32 $0xFFFFFF90, s15  }
0xe4: {  	s24 =	sadd.s32 $0xFFFFFFA0, s15;
	s17 =	sadd.s32 $0xFFFFFFB0, s15;
	v18 =	vshrl.u32 v18, $0x7;
	v20 =	vsub.s32 v9, v20;
	v17 =	vmul.u32 $0xF0, v17;
	s30 =	smov.u32 s15  }
0xe5: {  	s18 =	sadd.s32 $0xFFFFFFE0, s15;
	v21 =	vor.u32 s16, v1;
	v22 =	vor.u32 s24, v1;
	s16 =	sadd.s32 $0xFFFFFFC0, s15;
	s24 =	sadd.s32 $0xFFFFFFD0, s15;
	v19 =	vsub.s32 v10, v19  }
0xe6: {  	p1 =	sne.s32 s15, $0x13F0;
	s15 =	sadd.s32 $0x80, s15;
	v18 =	vmul.u32 $0xF0, v18;
	v23 =	vor.u32 s16, v1;
	v9 =	vor.u32 s24, v1;
	s16 =	sadd.s32 $0xFFFFFFF0, s30  }
0xe7: {  	v10 =	vor.u32 s18, v1;
	v19 =	vadd.s32 $0x2710, v19;
	v24 =	vor.u32 s16, v1  }
0xe8: {  	v16 =	vsub.s32 v13, v16;
	v20 =	vadd.s32 $0x2710, v20;
	v13 =	vmovc v22;
	v25 =	vmulhi.u32 $0x88888889, v9;
	[tilespmem:s11+$0x10] =	vst v19  }
0xe9: {  	v18 =	vsub.s32 v8, v18;
	v8 =	vor.u32 s17, v1;
	v19 =	vor.u32 s30, v1;
	[tilespmem:s11+$0x0] =	vst v20  }
0xea: {  	v16 =	vadd.s32 $0x2710, v16;
	v17 =	vsub.s32 v12, v17;
	v20 =	vmulhi.u32 $0x88888889, v24;
	v12 =	vmovc v19  }
0xeb: {  	v15 =	vadd.s32 $0x2710, v15;
	v19 =	vmulhi.u32 $0x88888889, v21;
	[tilespmem:s11+$0xFFFFFFD0] =	vst v16;
	v16 =	vadd.s32 $0x2710, v17  }
0xec: {  	v14 =	vsub.s32 v11, v14;
	v11 =	vmovc v23;
	v17 =	vmulhi.u32 $0x88888889, v13;
	[tilespmem:s11+$0xFFFFFFC0] =	vst v15;
	v15 =	vadd.s32 $0x2710, v18  }
0xed: {  	v20 =	vshrl.u32 v20, $0x7;
	v18 =	vshrl.u32 v19, $0x7;
	v19 =	vmulhi.u32 $0x88888889, v10;
	[tilespmem:s11+$0xFFFFFFE0] =	vst v15  }
0xee: {  	v20 =	vmul.u32 $0xF0, v20;
	v15 =	vmul.u32 $0xF0, v18;
	v18 =	vmulhi.u32 $0x88888889, v11;
	[tilespmem:s11+$0x30] =	vst v16  }
.Ltmp7:
0xef: {  	v22 =	vmulhi.u32 $0x88888889, v12;
	v16 =	vshrl.u32 v25, $0x7;
	v19 =	vshrl.u32 v19, $0x7;
	(pc) =	sbr.rel @p1 .LBB2_15-.Ltmp7, $4  }
0xf0: {  	v14 =	vadd.s32 $0x2710, v14;
	v23 =	vshrl.u32 v17, $0x7;
	v17 =	vsub.s32 v24, v20  }
0xf1: {  	v20 =	vshrl.u32 v18, $0x7;
	v24 =	vadd.s32 $0x2710, v17;
	v17 =	vshrl.u32 v22, $0x7;
	[tilespmem:s11+$0xFFFFFFF0] =	vst v14;
	s11 =	smov.u32 s3  }
0xf2: {  	v18 =	vmulhi.u32 $0x88888889, v8;
	v14 =	vmul.u32 $0xF0, v20;
	v20 =	vmul.u32 $0xF0, v16;
	[tilespmem:s3+$0x20] =	vst v24  }
0xf3: {  	v15 =	vsub.s32 v21, v15;
	v19 =	vmul.u32 $0xF0, v19;
	v16 =	vmul.u32 $0xF0, v23;
	s3 =	sadd.s32 $0x80, s3  }
0xf4: {  	v18 =	vshrl.u32 v18, $0x7;
	v20 =	vsub.s32 v9, v20  }
0xf5: {  	v17 =	vmul.u32 $0xF0, v17;
	v60 =	vmulhi.u32 $0x88888889, v4;
	v15 =	vadd.s32 $0x2710, v15  }
0xf6: {  	v11 =	vsub.s32 v11, v14;
	v14 =	vmulhi.u32 $0x88888889, v3;
	v5 =	vsub.s32 v5, v6  }
0xf7: {  	v9 =	vsub.s32 v10, v19;
	v10 =	vmul.u32 $0xF0, v18;
	v13 =	vsub.s32 v13, v16  }
0xf8: {  	v58 =	vadd.s32 $0x2710, v20;
	[tilespmem:s11+$0xFFFFFFC0] =	vst v15;
	v11 =	vadd.s32 $0x2710, v11;
	v57 =	vadd.s32 $0x2710, v9  }
0xf9: {  	v9 =	vor.u32 s13, v1;
	v13 =	vadd.s32 $0x2710, v13;
	[tilespmem:s11+$0x0] =	vst v58;
	v12 =	vsub.s32 v12, v17  }
0xfa: {  	v62 =	vshrl.u32 v60, $0x7;
	[tilespmem:s11+$0xFFFFFFF0] =	vst v11;
	v8 =	vsub.s32 v8, v10;
	v59 =	vmulhi.u32 $0x88888889, v9  }
0xfb: {  	v10 =	vor.u32 s14, v1;
	[tilespmem:s11+$0xFFFFFFD0] =	vst v13;
	v12 =	vadd.s32 $0x2710, v12;
	v13 =	vmulhi.u32 $0x88888889, v2  }
0xfc: {  	v6 =	vmul.u32 $0xF0, v62;
	v61 =	vmulhi.u32 $0x88888889, v10;
	v8 =	vadd.s32 $0x2710, v8;
	[tilespmem:s11+$0x30] =	vst v12  }
0xfd: {  	v12 =	vshrl.u32 v14, $0x7;
	[tilespmem:s11+$0xFFFFFFE0] =	vst v8;
	v8 =	vor.u32 s12, v1;
	v15 =	vshrl.u32 v59, $0x7  }
0xfe: {  	[tilespmem:s11+$0x10] =	vst v57;
	v63 =	vshrl.u32 v13, $0x7;
	s11 =	simm.s32 $0x1440;
	v16 =	vshrl.u32 v61, $0x7;
	v13 =	vmulhi.u32 $0x88888889, v8  }
0xff: {  	s3 =	simm.s32 $0x14C0;
	s12 =	simm.s32 $0xF0;
	v11 =	vmul.u32 $0xF0, v63;
	v14 =	vmul.u32 $0xF0, v15;
	[tilespmem:s11+$0x20] =	vst v7;
	v7 =	vmul.u32 $0xF0, v16  }
.LBB2_17:
0x100: {  	s13 =	sadd.s32 $0xFFFFFF90, s12  }
0x101: {  	s14 =	sadd.s32 $0xFFFFFFA0, s12;
	s15 =	sadd.s32 $0xFFFFFFB0, s12;
	v13 =	vshrl.u32 v13, $0x7;
	v14 =	vsub.s32 v9, v14;
	v12 =	vmul.u32 $0xF0, v12;
	s16 =	smov.u32 s12  }
0x102: {  	s17 =	sadd.s32 $0xFFFFFFE0, s12;
	v15 =	vor.u32 s13, v1;
	v16 =	vor.u32 s14, v1;
	s13 =	sadd.s32 $0xFFFFFFC0, s12;
	s14 =	sadd.s32 $0xFFFFFFD0, s12;
	v7 =	vsub.s32 v10, v7  }
0x103: {  	p1 =	sne.s32 s12, $0x13F0;
	s12 =	sadd.s32 $0x80, s12;
	v13 =	vmul.u32 $0xF0, v13;
	v17 =	vor.u32 s13, v1;
	v9 =	vor.u32 s14, v1;
	s13 =	sadd.s32 $0xFFFFFFF0, s16  }
0x104: {  	v10 =	vor.u32 s17, v1;
	v7 =	vadd.s32 $0x2710, v7;
	v18 =	vor.u32 s13, v1  }
0x105: {  	v6 =	vsub.s32 v4, v6;
	v14 =	vadd.s32 $0x2710, v14;
	v4 =	vmovc v16;
	v19 =	vmulhi.u32 $0x88888889, v9;
	[tilespmem:s11+$0x10] =	vst v7  }
0x106: {  	v13 =	vsub.s32 v8, v13;
	v8 =	vor.u32 s15, v1;
	v7 =	vor.u32 s16, v1;
	[tilespmem:s11+$0x0] =	vst v14  }
0x107: {  	v6 =	vadd.s32 $0x2710, v6;
	v12 =	vsub.s32 v3, v12;
	v14 =	vmulhi.u32 $0x88888889, v18;
	v3 =	vmovc v7  }
0x108: {  	v5 =	vadd.s32 $0x2710, v5;
	v7 =	vmulhi.u32 $0x88888889, v15;
	[tilespmem:s11+$0xFFFFFFD0] =	vst v6;
	v6 =	vadd.s32 $0x2710, v12  }
0x109: {  	v11 =	vsub.s32 v2, v11;
	v2 =	vmovc v17;
	v12 =	vmulhi.u32 $0x88888889, v4;
	[tilespmem:s11+$0xFFFFFFC0] =	vst v5;
	v5 =	vadd.s32 $0x2710, v13  }
0x10a: {  	v7 =	vshrl.u32 v7, $0x7;
	v14 =	vshrl.u32 v14, $0x7;
	v13 =	vmulhi.u32 $0x88888889, v10;
	[tilespmem:s11+$0xFFFFFFE0] =	vst v5  }
0x10b: {  	v14 =	vmul.u32 $0xF0, v14;
	v5 =	vmul.u32 $0xF0, v7;
	v7 =	vmulhi.u32 $0x88888889, v2;
	[tilespmem:s11+$0x30] =	vst v6  }
.Ltmp8:
0x10c: {  	v6 =	vshrl.u32 v19, $0x7;
	v16 =	vshrl.u32 v13, $0x7;
	v13 =	vmulhi.u32 $0x88888889, v3;
	(pc) =	sbr.rel @p1 .LBB2_17-.Ltmp8, $4  }
0x10d: {  	v11 =	vadd.s32 $0x2710, v11;
	v17 =	vshrl.u32 v12, $0x7;
	v12 =	vsub.s32 v18, v14  }
0x10e: {  	v7 =	vshrl.u32 v7, $0x7;
	v18 =	vadd.s32 $0x2710, v12;
	v12 =	vshrl.u32 v13, $0x7;
	[tilespmem:s11+$0xFFFFFFF0] =	vst v11;
	s11 =	smov.u32 s3  }
0x10f: {  	v14 =	vmul.u32 $0xF0, v6;
	v13 =	vmulhi.u32 $0x88888889, v8;
	v11 =	vmul.u32 $0xF0, v7;
	[tilespmem:s3+$0x20] =	vst v18  }
0x110: {  	v5 =	vsub.s32 v15, v5;
	v6 =	vmul.u32 $0xF0, v17;
	v7 =	vmul.u32 $0xF0, v16;
	s3 =	sadd.s32 $0x80, s3  }
0x111: {  	v9 =	vsub.s32 v9, v14;
	v5 =	vadd.s32 $0x2710, v5  }
0x112: {  	v59 =	vshrl.u32 v13, $0x7;
	v2 =	vsub.s32 v2, v11;
	v60 =	vadd.s32 $0x2710, v9;
	[tilespmem:s11+$0xFFFFFFC0] =	vst v5  }
0x113: {  	v61 =	vmul.u32 $0xF0, v12;
	v7 =	vsub.s32 v10, v7;
	v2 =	vadd.s32 $0x2710, v2;
	[tilespmem:s11+$0x0] =	vst v60  }
.Ltmp9:
0x114: {  	v10 =	vmul.u32 $0xF0, v59;
	v4 =	vsub.s32 v4, v6;
	v7 =	vadd.s32 $0x2710, v7;
	[tilespmem:s11+$0xFFFFFFF0] =	vst v2;
	(pc) =	sbr.rel .LBB2_19-.Ltmp9, $4  }
0x115: {  	s30 =	stileid.u32;
	s17 =	smov.u32 s31;
	s31 =	smov.u32 s19;
	v4 =	vadd.s32 $0x2710, v4;
	v3 =	vsub.s32 v3, v61;
	[tilespmem:s11+$0x10] =	vst v7  }
0x116: {  	s18 =	smov.u32 s0;
	s0 =	smov.u32 s20;
	s19 =	smov.u32 s21;
	v62 =	vsub.s32 v8, v10;
	[tilespmem:s11+$0xFFFFFFD0] =	vst v4;
	v3 =	vadd.s32 $0x2710, v3  }
0x117: {  	s20 =	smov.u32 s2;
	s2 =	simm.s32 $0x0;
	s21 =	simm.s32 $0x1400;
	v63 =	vadd.s32 $0x2710, v62;
	[tilespmem:s11+$0x30] =	vst v3  }
0x118: {  	s15 =	simm.s32 $0x1380;
	s16 =	simm.s32 $0x2700;
	s24 =	simm.s32 $0x2780;
	[tilespmem:s11+$0xFFFFFFE0] =	vst v63  }
.LBB2_13:
0x119: {  	s3 =	rddreg [dreg:$0x7]  }
0x11a: {  	[tilespmem:s2], [sflag:$0x3] =	stream.linear.gather [hbm4b:s3+s2], $0x1400, $0x38;
	[tilespmem:$0x1E800] =	vst v63  }
0x11b: {  	_ =	swait.ge [sflag:s23], $0x1400  }
0x11c: {  	[sflag:s23] =	ssyncset.done $0x0  }
0x11d: {  	s14 =	rddreg [dreg:$0x8];
	[sflag:s23] =	ssyncadd.s32 $0xFFFFEC00  }
0x11e: {  	[tilespmem:s21], [sflag:$0x3] =	stream.linear.gather [hbm4b:s14+s2], $0x1400, $0x38;
	[tilespmem:$0x1E800] =	vst v63  }
0x11f: {  	_ =	swait.ge [sflag:s23], $0x1400  }
0x120: {  	[sflag:s23] =	ssyncset.done $0x0  }
0x121: {  	[sflag:s23] =	ssyncadd.s32 $0xFFFFEC00  }
.LBB2_19:
0x122: {  	s3 =	simm.s32 $0x0  }
0x123: {  	[tilespmem:s22], [sflag:$0x1] =	stream.indirect.gather [hbm4b:s4+s25], $0x80, s3, s25, $0xb8;
	[tilespmem:$0x1E800] =	vst v63  }
0x124: {  	s11 =	simm.s32 $0x80  }
0x125: {  	[tilespmem:s26], [sflag:$0x2] =	stream.indirect.gather [hbm4b:s4+s25], $0x80, s11, s25, $0xb8;
	[tilespmem:$0x1E800] =	vst v63  }
0x126: {  	_ =	swait.ge [sflag:s28], $0x4000  }
0x127: {  	[sflag:s28] =	ssyncset.done $0x0  }
0x128: {  	s12 =	simm.s32 $0x1400;
	[sflag:s28] =	ssyncadd.s32 $0xFFFFC000  }
0x129: {  	[spmem:s1] =	stream.indirect.scatter.add.f32 [tilespmem:s22], [sflag:$0x3], $0x80, s12, s25, $0xb8;
	[tilespmem:$0x1E800] =	vst v63  }
0x12a: {  	_ =	swait.ge [sflag:s23], $0x4000  }
0x12b: {  	[sflag:s23] =	ssyncset.done $0x0  }
0x12c: {  	s13 =	simm.s32 $0x100;
	[sflag:s23] =	ssyncadd.s32 $0xFFFFC000  }
0x12d: {  	[tilespmem:s22], [sflag:$0x1] =	stream.indirect.gather [hbm4b:s4+s25], $0x80, s13, s25, $0xb8;
	[tilespmem:$0x1E800] =	vst v63  }
0x12e: {  	_ =	swait.ge [sflag:s29], $0x4000  }
0x12f: {  	[sflag:s29] =	ssyncset.done $0x0  }
0x130: {  	s14 =	simm.s32 $0x1480;
	[sflag:s29] =	ssyncadd.s32 $0xFFFFC000  }
0x131: {  	[spmem:s1] =	stream.indirect.scatter.add.f32 [tilespmem:s26], [sflag:$0x3], $0x80, s14, s25, $0xb8;
	[tilespmem:$0x1E800] =	vst v63  }
0x132: {  	_ =	swait.ge [sflag:s23], $0x4000  }
0x133: {  	s3 =	simm.s32 $0x100;
	s11 =	simm.s32 $0x800;
	[sflag:s23] =	ssyncset.done $0x0  }
.LBB2_20:
0x134: {  	s12 =	sadd.s32 $0x80, s3  }
0x135: {  	[sflag:s23] =	ssyncadd.s32 $0xFFFFC000;
	s13 =	smov.u32 s11;
	s14 =	sadd.s32 $0x400, s11  }
0x136: {  	[tilespmem:s26], [sflag:$0x2] =	stream.indirect.gather [hbm4b:s4+s25], $0x80, s12, s25, $0xb8;
	[tilespmem:$0x1E800] =	vst v63  }
0x137: {  	p1 =	sne.s32 s11, $0x4800;
	_ =	swait.ge [sflag:s28], $0x4000  }
0x138: {  	[sflag:s28] =	ssyncset.done $0x0  }
0x139: {  	s11 =	sadd.s32 $0x1400, s3;
	[sflag:s28] =	ssyncadd.s32 $0xFFFFC000  }
0x13a: {  	[spmem:s1] =	stream.indirect.scatter.add.f32 [tilespmem:s22], [sflag:$0x3], $0x80, s11, s25, $0xb8;
	[tilespmem:$0x1E800] =	vst v63  }
0x13b: {  	_ =	swait.ge [sflag:s23], $0x4000  }
0x13c: {  	[sflag:s23] =	ssyncset.done $0x0  }
0x13d: {  	s11 =	sadd.s32 $0x100, s3;
	[sflag:s23] =	ssyncadd.s32 $0xFFFFC000  }
0x13e: {  	[tilespmem:s22], [sflag:$0x1] =	stream.indirect.gather [hbm4b:s4+s25], $0x80, s11, s25, $0xb8;
	[tilespmem:$0x1E800] =	vst v63  }
0x13f: {  	_ =	swait.ge [sflag:s29], $0x4000  }
.Ltmp10:
0x140: {  	[sflag:s29] =	ssyncset.done $0x0;
	(pc) =	sbr.rel @p1 .LBB2_20-.Ltmp10, $4  }
0x141: {  	s3 =	sadd.s32 $0x1480, s3;
	[sflag:s29] =	ssyncadd.s32 $0xFFFFC000  }
0x142: {  	[spmem:s1] =	stream.indirect.scatter.add.f32 [tilespmem:s26], [sflag:$0x3], $0x80, s3, s25, $0xb8;
	[tilespmem:$0x1E800] =	vst v63  }
0x143: {  	_ =	swait.ge [sflag:s23], $0x4000  }
0x144: {  	s11 =	smov.u32 s14;
	s3 =	sshra.s32 s13, $0x2;
	[sflag:s23] =	ssyncset.done $0x0  }
0x145: {  	s11 =	sadd.s32 $0x80, s3;
	[sflag:s23] =	ssyncadd.s32 $0xFFFFC000  }
0x146: {  	[tilespmem:s26], [sflag:$0x2] =	stream.indirect.gather [hbm4b:s4+s25], $0x80, s11, s25, $0xb8;
	[tilespmem:$0x1E800] =	vst v63  }
0x147: {  	_ =	swait.ge [sflag:s28], $0x4000  }
0x148: {  	[sflag:s28] =	ssyncset.done $0x0  }
0x149: {  	s13 =	sadd.s32 $0x1400, s3;
	[sflag:s28] =	ssyncadd.s32 $0xFFFFC000  }
0x14a: {  	[spmem:s1] =	stream.indirect.scatter.add.f32 [tilespmem:s22], [sflag:$0x3], $0x80, s13, s25, $0xb8;
	[tilespmem:$0x1E800] =	vst v63  }
0x14b: {  	_ =	swait.ge [sflag:s23], $0x4000  }
0x14c: {  	[sflag:s23] =	ssyncset.done $0x0  }
0x14d: {  	s14 =	sadd.s32 $0x100, s3;
	[sflag:s23] =	ssyncadd.s32 $0xFFFFC000  }
0x14e: {  	[tilespmem:s22], [sflag:$0x1] =	stream.indirect.gather [hbm4b:s4+s25], $0x80, s14, s25, $0xb8;
	[tilespmem:$0x1E800] =	vst v63  }
0x14f: {  	_ =	swait.ge [sflag:s29], $0x4000  }
0x150: {  	[sflag:s29] =	ssyncset.done $0x0  }
0x151: {  	s11 =	sadd.s32 $0x1480, s3;
	[sflag:s29] =	ssyncadd.s32 $0xFFFFC000  }
0x152: {  	[spmem:s1] =	stream.indirect.scatter.add.f32 [tilespmem:s26], [sflag:$0x3], $0x80, s11, s25, $0xb8;
	[tilespmem:$0x1E800] =	vst v63  }
0x153: {  	_ =	swait.ge [sflag:s23], $0x4000  }
0x154: {  	[sflag:s23] =	ssyncset.done $0x0  }
0x155: {  	[sflag:s23] =	ssyncadd.s32 $0xFFFFC000  }
0x156: {  	[tilespmem:s26], [sflag:$0x2] =	stream.indirect.gather [hbm4b:s4+s25], $0x80, s15, s25, $0xb8;
	[tilespmem:$0x1E800] =	vst v63  }
0x157: {  	_ =	swait.ge [sflag:s28], $0x4000  }
0x158: {  	[sflag:s28] =	ssyncset.done $0x0  }
0x159: {  	[sflag:s28] =	ssyncadd.s32 $0xFFFFC000  }
0x15a: {  	[spmem:s1] =	stream.indirect.scatter.add.f32 [tilespmem:s22], [sflag:$0x3], $0x80, s16, s25, $0xb8;
	[tilespmem:$0x1E800] =	vst v63  }
0x15b: {  	_ =	swait.ge [sflag:s23], $0x4000  }
0x15c: {  	[sflag:s23] =	ssyncset.done $0x0  }
0x15d: {  	[sflag:s23] =	ssyncadd.s32 $0xFFFFC000  }
0x15e: {  	_ =	swait.ge [sflag:s29], $0x4000  }
0x15f: {  	[sflag:s29] =	ssyncset.done $0x0  }
0x160: {  	[sflag:s29] =	ssyncadd.s32 $0xFFFFC000  }
0x161: {  	[spmem:s1] =	stream.indirect.scatter.add.f32 [tilespmem:s26], [sflag:$0x3], $0x80, s24, s25, $0xb8;
	[tilespmem:$0x1E800] =	vst v63  }
0x162: {  	_ =	swait.ge [sflag:s23], $0x4000  }
0x163: {  	[sflag:s23] =	ssyncset.done $0x0  }
0x164: {  	s12 =	sshll.u32 s30, $0x6;
	[sflag:s23] =	ssyncadd.s32 $0xFFFFC000  }
0x165: {  	s3 =	sor.u32 $0x1C03, s12;
	s13 =	sshrl.u32 s5, $0x3;
	[bflag:$0x0] =	sbarrier.arrive $0xFFFF  }
0x166: {  	[hbm:s17], [sflag:s3] =	dma.local [spmem:s13], $0x800  }
0x167: {  	_ =	swait.ge [sflag:s23], $0x800  }
0x168: {  	[sflag:s23] =	ssyncset.done $0x0  }
0x169: {  	s14 =	sshrl.u32 s6, $0x3;
	[sflag:s23] =	ssyncadd.s32 $0xFFFFF800  }
0x16a: {  	[hbm:s31], [sflag:s3] =	dma.local [spmem:s14], $0x800  }
0x16b: {  	_ =	swait.ge [sflag:s23], $0x800  }
0x16c: {  	[sflag:s23] =	ssyncset.done $0x0  }
0x16d: {  	s12 =	sshrl.u32 s7, $0x3;
	[sflag:s23] =	ssyncadd.s32 $0xFFFFF800  }
0x16e: {  	[hbm:s18], [sflag:s3] =	dma.local [spmem:s12], $0x800  }
0x16f: {  	_ =	swait.ge [sflag:s23], $0x800  }
0x170: {  	[sflag:s23] =	ssyncset.done $0x0  }
0x171: {  	s13 =	sshrl.u32 s8, $0x3;
	[sflag:s23] =	ssyncadd.s32 $0xFFFFF800  }
0x172: {  	[hbm:s0], [sflag:s3] =	dma.local [spmem:s13], $0x800  }
0x173: {  	s10 =	sadd.s32 $0x1, s10;
	_ =	swait.ge [sflag:s23], $0x800  }
0x174: {  	p1 =	sne.s32 s10, s20;
	[sflag:s23] =	ssyncset.done $0x0  }
.Ltmp11:
0x175: {  	s14 =	sshrl.u32 s9, $0x3;
	[sflag:s23] =	ssyncadd.s32 $0xFFFFF800;
	(pc) =	sbr.rel @p1 .LBB2_1-.Ltmp11, $4  }
0x176: {  	[hbm:s19], [sflag:s3] =	dma.local [spmem:s14], $0x800  }
0x177: {  	_ =	swait.ge [sflag:s23], $0x800  }
0x178: {  	[sflag:s23] =	ssyncset.done $0x0  }
0x179: {  	[sflag:s23] =	ssyncadd.s32 $0xFFFFF800  }
0x17a: {  	_ =	sfence.sel $0x180000  }
0x17b: {  	[bflag:$0x0] =	sbarrier.arrive $0xFFFF  }
0x17c: {  	_ =	strace $0x9000004D  }
0x17d: {  	[bflag:$0x2] =	sbarrier.arrive $0xFFFF  }
0x17e: {  	p0 =	sne.s32 s30, $0x0;
	s0 =	rddreg [dreg:$0x2]  }
0x17f: {  	s0 =	sadd.s32 @!p0 $0x100000, s0  }
0x180: {  	[sflag:s0] =	ssyncadd.tile.s32 @!p0 $0x1;
	_ =	shalt  }
.Lfunc_end2:
_tile_overlayer_lowered:
.L_overlay_start_2:
0x181: {  	(tag) =	ssettag $0x2  }
0x182: {  	s0 =	rddreg [dreg:$0x0];
	s2 =	stileid.u32  }
0x183: {  	s1 =	rddreg [dreg:$0x1];
	p0 =	sne.s32 s2, $0x0  }
0x184: {  	s3 =	rddreg [dreg:$0x2];
	[bflag:$0x3] =	sbarrier.arrive $0xFFFF;
	s2 =	simm.s32 @!p0 $0x1C03  }
0x185: {  	[timem:s3], [sflag:s2] =	dma.local @!p0 [hbm:s0], s1  }
0x186: {  	s0 =	simm.s32 @!p0 $0x3  }
0x187: {  	_ =	swait.ge @!p0 [sflag:s0], s1  }
0x188: {  	s1 =	ssub.s32 @!p0 $0x0, s1;
	[sflag:s0] =	ssyncset.done @!p0 $0x0  }
0x189: {  	[sflag:s0] =	ssyncadd.s32 @!p0 s1  }
0x18a: {  	[bflag:$0x3] =	sbarrier.arrive $0xFFFF  }
0x18b: {  	_ =	shalt  }

// kernel: kernel.9.cloned.1.call-start
scs
__scs_entry_jumppad:
0x0: {  	(pc) =	sbr.rel $0x88, $3  }
0x1: {  	(tag) =	ssettag $0x0;
	lr =	simm.s32 $0x1  }
0x2: {  	[smem:$0x3F99] =	sst lr;
	_ =	strace $0xD0000000  }
0x3: {  	_ = 	snop  }
0x4: {  	_ = 	snop  }
0x5: {  	_ = 	snop  }
0x6: {  	_ = 	snop  }
0x7: {  	_ = 	snop  }
__scs_overlays_trampoline_lowered:
0x8: {  	[smem:$0x3FA8] =	sst s0  }
0x9: {  	[smem:$0x3FA9] =	sst s1  }
0xa: {  	[smem:$0x3FAA] =	sst s2  }
0xb: {  	[smem:$0x3FAB] =	sst s3  }
0xc: {  	[smem:$0x3FAC] =	sst s4  }
0xd: {  	[smem:$0x3FAD] =	sst s5  }
0xe: {  	[smem:$0x3FAE] =	sst s6  }
0xf: {  	[smem:$0x3FAF] =	sst s7  }
0x10: {  	[smem:$0x3FB0] =	sst s8  }
0x11: {  	[smem:$0x3FB1] =	sst s9;
	s0 =	simm.s32 @!p0 $0x0  }
0x12: {  	s1 =	sld [smem:$0x3F97];
	s0 =	simm.s32 @p0 $0x1  }
0x13: {  	[smem:$0x3FB2] =	sst s0;
	s0 =	simm.s32 @!p1 $0x0  }
0x14: {  	s2 =	sld [smem:$0x3F96];
	s0 =	simm.s32 @p1 $0x1  }
0x15: {  	[smem:$0x3FB3] =	sst s0;
	s0 =	simm.s32 @!p2 $0x0  }
0x16: {  	s3 =	sld [smem:$0x3FDB];
	s0 =	simm.s32 @p2 $0x1  }
0x17: {  	s4 =	simm.s32 $0x1BF5;
	[smem:$0x3FB5] =	sst s0  }
0x18: {  	s0 =	sld [smem:$0x3F98];
	_ =	swait.ge [sflag:s4], $0x0  }
0x19: {  	s7 =	sld [smem:$0x3F99]  }
0x1a: {  	s8 =	sadd.s32 $0xFFFFE003, lr  }
0x1b: {  	s9 =	sadd.s32 $0xFFFFFEF7, lr;
	s5 =	simm.s32 $0xFFFFFFFF;
	p2 =	slt.u32 s8, $0xFFFFF086  }
0x1c: {  	p1 =	slt.u32 s9, $0xF7A;
	s5 =	simm.s32 @!p2 $0x0  }
0x1d: {  	s5 =	simm.s32 @p1 $0x1;
	p0 =	seq.s32 s7, s2  }
0x1e: {  	s7 =	smul.u32 @!p0 $0xF7A, s2;
	p2 =	seq.s32 @!p0 s5, $0x0  }
0x1f: {  	s9 =	smul.u32 $0xF7A, s1;
	s8 =	simm.s32 @!p0 $0x1BF5;
	p2 =	por !p2, p0  }
0x20: {  	[sflag:s8] =	ssyncset.s32 @!p0 $0xFFFFF086;
	s6 =	sadd.s32 @!p0 s3, s7;
	s7 =	simm.s32 @!p0 $0x108  }
0x21: {  	s3 =	sadd.s32 s3, s9;
	s6 =	sadd.s32 @!p0 $0x88, s6;
	s7 =	simm.s32 @p2 $0x1082  }
0x22: {  	[simem:s7], [sflag:s8] =	dma.local @!p0 [hbm:s6], $0xF7A  }
0x23: {  	s9 =	sor.u32 $0xD0000000, s2;
	s6 =	simm.s32 $0x108;
	_ =	swait.ge @!p0 [sflag:s8], $0x0  }
0x24: {  	s3 =	sadd.s32 $0x88, s3;
	s6 =	simm.s32 @!p1 $0x1082;
	[sflag:s4] =	ssyncset.s32 $0xFFFFF086  }
0x25: {  	[simem:s6], [sflag:s4] =	dma.local [hbm:s3], $0xF7A  }
0x26: {  	[smem:$0x3F99] =	sst s1;
	(tag) =	ssettag s2;
	_ =	strace s9  }
0x27: {  	s1 =	sld [smem:$0x3FA9]  }
0x28: {  	s2 =	sld [smem:$0x3FAA]  }
0x29: {  	s4 =	sld [smem:$0x3FAC]  }
0x2a: {  	p0 =	seq.s32 s5, $0x0;
	s5 =	sld [smem:$0x3FAD]  }
0x2b: {  	s6 =	sld [smem:$0x3FAE]  }
0x2c: {  	s7 =	sld [smem:$0x3FAF]  }
0x2d: {  	s3 =	simm.s32 $0x108;
	s8 =	sld [smem:$0x3FB0]  }
0x2e: {  	s3 =	simm.s32 @!p0 $0x1082;
	s9 =	sld [smem:$0x3FB1]  }
0x2f: {  	lr =	sadd.s32 s0, s3;
	s0 =	sld [smem:$0x3FA8]  }
0x30: {  	s3 =	sld [smem:$0x3FAB]  }
0x31: {  	[smem:$0x3FB4] =	sst s10  }
0x32: {  	s10 =	sld [smem:$0x3FB2];
	_ =	sdelay $0x3  }
0x33: {  	p0 =	seq.s32 s10, $0x1;
	s10 =	sld [smem:$0x3FB4];
	_ =	sdelay $0x3  }
0x34: {  	[smem:$0x3FB4] =	sst s10  }
0x35: {  	s10 =	sld [smem:$0x3FB3];
	_ =	sdelay $0x3  }
0x36: {  	p1 =	seq.s32 s10, $0x1;
	s10 =	sld [smem:$0x3FB4];
	_ =	sdelay $0x3  }
0x37: {  	[smem:$0x3FB4] =	sst s10  }
0x38: {  	s10 =	sld [smem:$0x3FB5]  }
0x39: {  	_ = 	snop;
	(pc) =	sbr.ind lr, $3  }
0x3a: {  	_ = 	snop  }
0x3b: {  	_ = 	snop  }
0x3c: {  	p2 =	seq.s32 s10, $0x1;
	s10 =	sld [smem:$0x3FB4]  }
0x3d: {  	_ =	shalt  }
0x3e: {  	_ =	shalt  }
0x3f: {  	_ =	shalt  }
0x40: {  	_ =	shalt  }
0x41: {  	_ =	shalt  }
0x42: {  	_ =	shalt  }
0x43: {  	_ =	shalt  }
0x44: {  	_ =	shalt  }
0x45: {  	_ =	shalt  }
0x46: {  	_ =	shalt  }
0x47: {  	_ =	shalt  }
0x48: {  	_ =	shalt  }
0x49: {  	_ =	shalt  }
0x4a: {  	_ =	shalt  }
0x4b: {  	_ =	shalt  }
0x4c: {  	_ =	shalt  }
0x4d: {  	_ =	shalt  }
0x4e: {  	_ =	shalt  }
0x4f: {  	_ =	shalt  }
0x50: {  	_ =	shalt  }
0x51: {  	_ =	shalt  }
0x52: {  	_ =	shalt  }
0x53: {  	_ =	shalt  }
0x54: {  	_ =	shalt  }
0x55: {  	_ =	shalt  }
0x56: {  	_ =	shalt  }
0x57: {  	_ =	shalt  }
0x58: {  	_ =	shalt  }
0x59: {  	_ =	shalt  }
0x5a: {  	_ =	shalt  }
0x5b: {  	_ =	shalt  }
0x5c: {  	_ =	shalt  }
0x5d: {  	_ =	shalt  }
0x5e: {  	_ =	shalt  }
0x5f: {  	_ =	shalt  }
0x60: {  	_ =	shalt  }
0x61: {  	_ =	shalt  }
0x62: {  	_ =	shalt  }
0x63: {  	_ =	shalt  }
0x64: {  	_ =	shalt  }
0x65: {  	_ =	shalt  }
0x66: {  	_ =	shalt  }
0x67: {  	_ =	shalt  }
0x68: {  	_ =	shalt  }
0x69: {  	_ =	shalt  }
0x6a: {  	_ =	shalt  }
0x6b: {  	_ =	shalt  }
0x6c: {  	_ =	shalt  }
0x6d: {  	_ =	shalt  }
0x6e: {  	_ =	shalt  }
0x6f: {  	_ =	shalt  }
0x70: {  	_ =	shalt  }
0x71: {  	_ =	shalt  }
0x72: {  	_ =	shalt  }
0x73: {  	_ =	shalt  }
0x74: {  	_ =	shalt  }
0x75: {  	_ =	shalt  }
0x76: {  	_ =	shalt  }
0x77: {  	_ =	shalt  }
0x78: {  	_ =	shalt  }
0x79: {  	_ =	shalt  }
0x7a: {  	_ =	shalt  }
0x7b: {  	_ =	shalt  }
0x7c: {  	_ =	shalt  }
0x7d: {  	_ =	shalt  }
0x7e: {  	_ =	shalt  }
0x7f: {  	_ =	shalt  }
0x80: {  	_ =	shalt  }
0x81: {  	_ =	shalt  }
0x82: {  	_ =	shalt  }
0x83: {  	_ =	shalt  }
0x84: {  	_ =	shalt  }
0x85: {  	_ =	shalt  }
0x86: {  	_ =	shalt  }
0x87: {  	_ =	shalt  }
.Lfunc_end0:
.L_simem_size_0:
called_computation_lowered:
.L_overlay_start_0:
0x88: {  	s2 =	sld [smem:$0x3FD9]  }
0x89: {  	s3 =	sld [smem:$0x3FFE];
	_ =	sdelay $0x1  }
0x8a: {  	s1 =	srdreg.scid  }
0x8b: {  	s0 =	sand.u32 $0x1, s1  }
0x8c: {  	s16 =	sshll.u32 s0, $0xA;
	s2 =	sadd.s32 s3, s2  }
0x8d: {  	s2 =	sadd.s32 s2, s16  }
0x8e: {  	[smem:$0x3FC0] =	sst s2  }
0x8f: {  	_ = 	snop  }
0x90: {  	(tm) =	ssettm $0x1  }
0x91: {  	s17 =	sld [smem:$0x3FFB];
	_ =	sdelay $0x3  }
0x92: {  	_ =	strace s17  }
0x93: {  	s2 =	sld [smem:$0x3FFC];
	_ =	sdelay $0x3  }
0x94: {  	_ =	strace s2  }
0x95: {  	s2 =	sld [smem:$0x3FFD];
	_ =	sdelay $0x3  }
0x96: {  	_ =	strace s2  }
0x97: {  	_ =	strace $0x8FFFFFFF  }
0x98: {  	s18 =	sld [smem:$0x3FDB];
	_ =	sdelay $0x1  }
0x99: {  	s19 =	simm.s32 $_scs_section_size  }
0x9a: {  	s4 =	simm.s32 $_size__tile_overlayer_lowered;
	s5 =	simm.s32 $_tile_overlayer_lowered  }
0x9b: {  	s22 =	simm.s32 $0x1BFF;
	s21 =	sshll.u32 s5, $0x1;
	s2 =	sadd.s32 s19, s18  }
0x9c: {  	s6 =	simm.s32 $0x0;
	s20 =	sshll.u32 s4, $0x1;
	s4 =	sadd.s32 s21, s2  }
0x9d: {  	[timem:s6], [sflag:s22] =	dma.local [hbm:s4], s20  }
0x9e: {  	_ =	swait.ge [sflag:s22], s20  }
0x9f: {  	s3 =	ssub.s32 $0x0, s20;
	[sflag:s22] =	ssyncset.done $0x0  }
0xa0: {  	[sflag:s22] =	ssyncadd.s32 s3;
	_ =	sdelay $0x1  }
0xa1: {  	s23 =	simm.s32 $0x1B8B  }
0xa2: {  	_ =	swait.ge [sflag:s23], $0x1  }
0xa3: {  	[sflag:s23] =	ssyncset.done $0x0  }
0xa4: {  	s25 =	simm.s32 $0x1B8E;
	s24 =	sld [smem:$0x3FFE];
	[sflag:s23] =	ssyncadd.s32 $0xFFFFFFFF  }
0xa5: {  	s26 =	simm.s32 $execute0_lowered;
	[smem:$0x3FD2] =	sst s25  }
0xa6: {  	s4 =	sshll.u32 s26, $0x1;
	_ =	strace $0x80000046;
	[dreg:$0x1] =	wrdreg $0xFFFFFFFF  }
0xa7: {  	s28 =	simm.s32 $_size_execute0_lowered;
	s2 =	sadd.s32 s2, s4;
	[dreg:$0x0] =	wrdreg $0x0  }
0xa8: {  	s4 =	sshll.u32 s28, $0x1;
	[dreg:$0x2] =	wrdreg s2  }
0xa9: {  	[dreg:$0x3] =	wrdreg s4  }
0xaa: {  	[dreg:$0x4] =	wrdreg $0xC0  }
0xab: {  	_ =	task [dreg:s6], $0x5FFFF  }
0xac: {  	[dreg:$0x1] =	wrdreg $0xFFFFFFFF  }
0xad: {  	[dreg:$0x0] =	wrdreg $0x60  }
0xae: {  	[dreg:$0x2] =	wrdreg s24  }
0xaf: {  	[dreg:$0x3] =	wrdreg $0x9  }
0xb0: {  	_ =	task.clear_ibuf [dreg:s6], $0x4FFFF;
	_ =	strace $0x90000046  }
0xb1: {  	s29 =	simm.s32 $0x9;
	_ =	strace $0x80000048  }
0xb2: {  	_ =	swait.ge [sflag:s29], $0x1  }
0xb3: {  	[sflag:s29] =	ssyncadd.s32 $0xFFFFFFFF  }
0xb4: {  	_ =	strace $0x90000048  }
0xb5: {  	_ =	sfence  }
0xb6: {  	s30 =	sld [smem:$0x0];
	_ =	sdelay $0x2  }
0xb7: {  	s31 =	sshll.u32 s1, $0xD;
	s1 =	sshrl.u32 s1, $0x2  }
0xb8: {  	s3 =	sand.u32 $0x4000, s31;
	s1 =	sadd.s32 s1, s30  }
0xb9: {  	s0 =	sor.u32 s3, s0;
	s1 =	sshll.u32 s1, $0x11  }
0xba: {  	s0 =	sor.u32 s1, s0  }
0xbb: {  	s0 =	sadd.s32 $0x8F2B, s0  }
0xbc: {  	[sflag:s0] =	ssyncadd.remote.s32 $0x1  }
0xbd: {  	_ =	sfence.sel $0xFFFF  }
0xbe: {  	[dreg:$0x0] =	wrdreg $0xFFFFFFFF;
	(pc) =	sbr.abs _section_cstart, $3  }
0xbf: {  	[dreg:$0x1] =	wrdreg $0xFFFFFFFF  }
0xc0: {  	_ =	task.clear_ibuf [dreg:s6], $0x2FFFF;
	_ =	strace $0x9FFFFFFF  }
0xc1: {  	(tm) =	ssettm $0x7FFFFFFF  }
tec
execute0_lowered:
.L_overlay_start_1:
0x0: {  	(tag) =	ssettag $0x1  }
0x1: {  	s0 =	srdreg.scid;
	s4 =	rddreg [dreg:$0x0];
	s2 =	simm.s32 $0x0  }
0x2: {  	s9 =	simm.s32 $0x80;
	s10 =	simm.s32 $0x400;
	s3 =	sand.u32 $0x1, s0  }
0x3: {  	s11 =	simm.s32 $0x0;
	s0 =	stileid.u32;
	s1 =	sshll.u32 s3, $0x4  }
0x4: {  	[smem:$0x7FF] =	sst s2;
	s6 =	sshll.u32 s0, $0x7;
	s7 =	sor.u32 s0, s1  }
0x5: {  	s3 =	ssub.s32 $0x2, s3;
	s5 =	sshrl.u32 s7, $0x3;
	s8 =	smul.u32 $0x2800, s7  }
0x6: {  	s1 =	rddreg [dreg:$0x1];
	_ =	strace $0x80000047;
	s5 =	smul.u32 $0x14000, s5  }
0x7: {  	s6 =	sand.u32 $0x380, s6;
	s31 =	sshrl.u32 s3, $0x1;
	p0 =	seq.s32 s7, $0x1F  }
0x8: {  	s7 =	simm.s32 $0x1;
	s30 =	sshrl.u32 s8, $0x3;
	s5 =	sor.u32 s6, s5  }
0x9: {  	s8 =	ssub.s32 s3, s31;
	s6 =	sadd.s32 s4, s30;
	s5 =	sshrl.u32 s5, $0x3  }
0xa: {  	s3 =	sadd.s32 $0xC680, s6;
	s6 =	smax.u32 s8, $0x1;
	s5 =	sadd.s32 s5, s4  }
0xb: {  	v0 =	vlaneseq.u32;
	v1 =	vimm.f32 $0.0e+00;
	v2 =	vimm.f32 $1.000000000e+00;
	s8 =	simm.s32 $0x2800;
	s4 =	sadd.s32 $0x16180, s4;
	s5 =	sadd.s32 $0x16400, s5  }
.LBB2_1:
.Ltmp0:
0xc: {  	(pc) =	sbr.rel @!p0 .LBB2_2-.Ltmp0, $1  }
0xd: {  	_ =	sdelay $0x3  }
0xe: {  	s12 =	simm.s32 $0xA40  }
0xf: {  	s29 =	simm.s32 $0xA60;
	v7 =	vor.u32 s12, v0  }
0x10: {  	s13 =	simm.s32 $0xA00;
	v9 =	vor.u32 s29, v0;
	v10 =	vmulhi.u32 $0x88888889, v7  }
0x11: {  	s30 =	simm.s32 $0xA10;
	v11 =	vor.u32 s13, v0;
	v12 =	vmulhi.u32 $0x88888889, v9  }
0x12: {  	s15 =	simm.s32 $0xA50;
	v6 =	vor.u32 s30, v0;
	v13 =	vmulhi.u32 $0x88888889, v11  }
0x13: {  	s31 =	simm.s32 $0xA30;
	v8 =	vor.u32 s15, v0;
	v14 =	vmulhi.u32 $0x88888889, v6  }
0x14: {  	s14 =	simm.s32 $0xA20;
	v3 =	vor.u32 s31, v0;
	s12 =	simm.s32 $0xA70;
	v15 =	vmulhi.u32 $0x88888889, v8  }
0x15: {  	v5 =	vor.u32 s14, v0;
	v4 =	vor.u32 s12, v0;
	v16 =	vmulhi.u32 $0x88888889, v3  }
0x16: {  	v12 =	vshrl.u32 v12, $0x7;
	v13 =	vshrl.u32 v13, $0x7;
	v10 =	vshrl.u32 v10, $0x7  }
0x17: {  	[tilespmem:s2], [sflag:$0x1] =	stream.linear.gather [hbm4b:s4+s2], $0xA00, $0x38;
	v12 =	vmul.u32 $0xF0, v12;
	v17 =	vmul.u32 $0xF0, v13;
	v13 =	vmulhi.u32 $0x88888889, v4;
	[tilespmem:$0x5000] =	vst v63  }
0x18: {  	_ =	swait.ge [sflag:s7], $0xA00;
	v15 =	vshrl.u32 v15, $0x7;
	v18 =	vshrl.u32 v14, $0x7;
	v14 =	vshrl.u32 v16, $0x7  }
0x19: {  	[sflag:s7] =	ssyncset.done $0x0;
	v15 =	vmul.u32 $0xF0, v15;
	v9 =	vsub.s32 v9, v12;
	v12 =	vshrl.u32 v13, $0x7  }
0x1a: {  	[sflag:s7] =	ssyncadd.s32 $0xFFFFF600;
	v13 =	vmulhi.u32 $0x88888889, v5;
	v16 =	vadd.s32 $0x2710, v9;
	v9 =	vmul.u32 $0xF0, v14  }
0x1b: {  	s13 =	simm.s32 $0xAF0;
	s14 =	simm.s32 $0xAF0;
	v14 =	vmul.u32 $0xF0, v10;
	v10 =	vsub.s32 v11, v17;
	v11 =	vmul.u32 $0xF0, v18;
	[tilespmem:s12+$0xFFFFFFF0] =	vst v16  }
.LBB2_4:
0x1c: {  	s15 =	sadd.s32 $0xFFFFFF90, s13  }
0x1d: {  	s16 =	sadd.s32 $0xFFFFFFA0, s13;
	s17 =	sadd.s32 $0xFFFFFFB0, s13;
	v13 =	vshrl.u32 v13, $0x7;
	v14 =	vsub.s32 v7, v14;
	v12 =	vmul.u32 $0xF0, v12;
	s18 =	smov.u32 s13  }
0x1e: {  	s19 =	sadd.s32 $0xFFFFFFE0, s13;
	v16 =	vor.u32 s15, v0;
	v17 =	vor.u32 s16, v0;
	s15 =	sadd.s32 $0xFFFFFFC0, s13;
	s16 =	sadd.s32 $0xFFFFFFD0, s13;
	v15 =	vsub.s32 v8, v15  }
0x1f: {  	p1 =	sne.s32 s13, $0x27F0;
	s13 =	sadd.s32 $0x80, s13;
	v13 =	vmul.u32 $0xF0, v13;
	v18 =	vor.u32 s15, v0;
	v7 =	vor.u32 s16, v0;
	s15 =	sadd.s32 $0xFFFFFFF0, s18  }
0x20: {  	v8 =	vor.u32 s19, v0;
	v15 =	vadd.s32 $0x2710, v15;
	v19 =	vor.u32 s15, v0  }
0x21: {  	v11 =	vsub.s32 v6, v11;
	v14 =	vadd.s32 $0x2710, v14;
	v6 =	vmovc v17;
	v20 =	vmulhi.u32 $0x88888889, v7;
	[tilespmem:s12+$0xFFFFFFE0] =	vst v15  }
0x22: {  	v13 =	vsub.s32 v5, v13;
	v5 =	vor.u32 s17, v0;
	v15 =	vor.u32 s18, v0;
	[tilespmem:s12+$0xFFFFFFD0] =	vst v14  }
0x23: {  	v11 =	vadd.s32 $0x2710, v11;
	v12 =	vsub.s32 v4, v12;
	v14 =	vmulhi.u32 $0x88888889, v19;
	v4 =	vmovc v15  }
0x24: {  	v10 =	vadd.s32 $0x2710, v10;
	v15 =	vmulhi.u32 $0x88888889, v16;
	[tilespmem:s12+$0xFFFFFFA0] =	vst v11;
	v11 =	vadd.s32 $0x2710, v12  }
0x25: {  	v9 =	vsub.s32 v3, v9;
	v3 =	vmovc v18;
	v12 =	vmulhi.u32 $0x88888889, v6;
	[tilespmem:s12+$0xFFFFFF90] =	vst v10;
	v10 =	vadd.s32 $0x2710, v13  }
0x26: {  	v14 =	vshrl.u32 v14, $0x7;
	v13 =	vshrl.u32 v15, $0x7;
	v15 =	vmulhi.u32 $0x88888889, v8;
	[tilespmem:s12+$0xFFFFFFB0] =	vst v10  }
0x27: {  	v14 =	vmul.u32 $0xF0, v14;
	v10 =	vmul.u32 $0xF0, v13;
	v13 =	vmulhi.u32 $0x88888889, v3;
	[tilespmem:s12+$0x0] =	vst v11  }
.Ltmp1:
0x28: {  	v17 =	vmulhi.u32 $0x88888889, v4;
	v11 =	vshrl.u32 v20, $0x7;
	v15 =	vshrl.u32 v15, $0x7;
	(pc) =	sbr.rel @p1 .LBB2_4-.Ltmp1, $4  }
0x29: {  	v9 =	vadd.s32 $0x2710, v9;
	v18 =	vshrl.u32 v12, $0x7;
	v12 =	vsub.s32 v19, v14  }
0x2a: {  	v14 =	vshrl.u32 v13, $0x7;
	v19 =	vadd.s32 $0x2710, v12;
	v12 =	vshrl.u32 v17, $0x7;
	[tilespmem:s12+$0xFFFFFFC0] =	vst v9;
	s12 =	smov.u32 s14  }
0x2b: {  	v13 =	vmulhi.u32 $0x88888889, v5;
	v9 =	vmul.u32 $0xF0, v14;
	v14 =	vmul.u32 $0xF0, v11;
	[tilespmem:s14+$0xFFFFFFF0] =	vst v19  }
0x2c: {  	v10 =	vsub.s32 v16, v10;
	v15 =	vmul.u32 $0xF0, v15;
	v11 =	vmul.u32 $0xF0, v18;
	s14 =	sadd.s32 $0x80, s14  }
0x2d: {  	v7 =	vsub.s32 v7, v14;
	v63 =	vadd.s32 $0x2710, v10  }
0x2e: {  	v13 =	vshrl.u32 v13, $0x7;
	v3 =	vsub.s32 v3, v9;
	v7 =	vadd.s32 $0x2710, v7;
	[tilespmem:s12+$0xFFFFFF90] =	vst v63  }
0x2f: {  	v62 =	vmul.u32 $0xF0, v12;
	v8 =	vsub.s32 v8, v15;
	v3 =	vadd.s32 $0x2710, v3;
	[tilespmem:s12+$0xFFFFFFD0] =	vst v7  }
.Ltmp2:
0x30: {  	v13 =	vmul.u32 $0xF0, v13;
	v6 =	vsub.s32 v6, v11;
	v8 =	vadd.s32 $0x2710, v8;
	[tilespmem:s12+$0xFFFFFFC0] =	vst v3;
	(pc) =	sbr.rel .LBB2_6-.Ltmp2, $4  }
0x31: {  	v6 =	vadd.s32 $0x2710, v6;
	v4 =	vsub.s32 v4, v62;
	[tilespmem:s12+$0xFFFFFFE0] =	vst v8  }
0x32: {  	v5 =	vsub.s32 v5, v13;
	[tilespmem:s12+$0xFFFFFFA0] =	vst v6;
	v4 =	vadd.s32 $0x2710, v4  }
0x33: {  	v5 =	vadd.s32 $0x2710, v5;
	[tilespmem:s12+$0x0] =	vst v4  }
0x34: {  	[tilespmem:s12+$0xFFFFFFB0] =	vst v5  }
.LBB2_2:
0x35: {  	[tilespmem:s2], [sflag:$0x1] =	stream.linear.gather [hbm4b:s3+s2], $0x2800, $0x38;
	[tilespmem:$0x5000] =	vst v63  }
0x36: {  	_ =	swait.ge [sflag:s7], $0x2800  }
0x37: {  	[sflag:s7] =	ssyncset.done $0x0  }
0x38: {  	[sflag:s7] =	ssyncadd.s32 $0xFFFFD800  }
.LBB2_6:
0x39: {  	s12 =	simm.s32 $0x0;
	s13 =	simm.s32 $0x40;
	s14 =	simm.s32 $0x0  }
.LBB2_7:
0x3a: {  	p1 =	sne.s32 s13, $0x9FC0;
	[tilespmem:s14+$0x2800] =	vst v1;
	s14 =	smov.u32 s13;
	s13 =	sadd.s32 $0x40, s13  }
.Ltmp3:
0x3b: {  	(pc) =	sbr.rel @p1 .LBB2_7-.Ltmp3, $2  }
0x3c: {  	_ =	sdelay $0x2  }
0x3d: {  	s14 =	sshra.s32 s14, $0x2  }
0x3e: {  	[tilespmem:s14+$0x2800] =	vst v1  }
.LBB2_9:
0x3f: {  	s13 =	sshra.s32 s12, $0x2  }
0x40: {  	v3 =	vld [tilespmem:s13+$0x0];
	_ =	sdelay $0x7  }
0x41: {  	[tilespmem:v3+s8+$0x0] =	vst.idx.add.f32.msk $0xffff, v2  }
0x42: {  	v3 =	vld [tilespmem:s13+$0x10];
	_ =	sdelay $0x7  }
0x43: {  	[tilespmem:v3+s8+$0x0] =	vst.idx.add.f32.msk $0xffff, v2  }
0x44: {  	v3 =	vld [tilespmem:s13+$0x20];
	_ =	sdelay $0x7  }
0x45: {  	[tilespmem:v3+s8+$0x0] =	vst.idx.add.f32.msk $0xffff, v2  }
0x46: {  	v3 =	vld [tilespmem:s13+$0x30];
	_ =	sdelay $0x7  }
0x47: {  	[tilespmem:v3+s8+$0x0] =	vst.idx.add.f32.msk $0xffff, v2  }
0x48: {  	v3 =	vld [tilespmem:s13+$0x40];
	_ =	sdelay $0x7  }
0x49: {  	[tilespmem:v3+s8+$0x0] =	vst.idx.add.f32.msk $0xffff, v2  }
0x4a: {  	v3 =	vld [tilespmem:s13+$0x50];
	_ =	sdelay $0x7  }
0x4b: {  	[tilespmem:v3+s8+$0x0] =	vst.idx.add.f32.msk $0xffff, v2  }
0x4c: {  	v3 =	vld [tilespmem:s13+$0x60];
	_ =	sdelay $0x7  }
0x4d: {  	[tilespmem:v3+s8+$0x0] =	vst.idx.add.f32.msk $0xffff, v2  }
0x4e: {  	v3 =	vld [tilespmem:s13+$0x70];
	_ =	sdelay $0x2  }
0x4f: {  	p1 =	sne.s32 s12, $0x9E00  }
.Ltmp4:
0x50: {  	_ = 	snop;
	(pc) =	sbr.rel @p1 .LBB2_9-.Ltmp4, $2  }
0x51: {  	_ =	sdelay $0x2  }
0x52: {  	s12 =	sadd.s32 $0x200, s12;
	[tilespmem:v3+s8+$0x0] =	vst.idx.add.f32.msk $0xffff, v2  }
0x53: {  	s11 =	sadd.s32 $0x1, s11  }
0x54: {  	p1 =	sne.s32 s11, s6  }
.Ltmp5:
0x55: {  	_ = 	snop;
	(pc) =	sbr.rel @p1 .LBB2_1-.Ltmp5, $4  }
0x56: {  	[hbm4b:s5+s9] =	stream.strided.scatter [tilespmem:s8], [sflag:$0x1], $0x2800, s10, s9, $0x38;
	[tilespmem:$0x5000] =	vst v63  }
0x57: {  	_ =	swait.ge [sflag:s7], $0x2800  }
0x58: {  	[sflag:s7] =	ssyncset.done $0x0  }
0x59: {  	[sflag:s7] =	ssyncadd.s32 $0xFFFFD800  }
0x5a: {  	_ =	sfence.sel $0x180000  }
0x5b: {  	[bflag:$0x0] =	sbarrier.arrive $0xFFFF  }
0x5c: {  	p0 =	sne.s32 s0, $0x0;
	_ =	strace $0x90000047  }
0x5d: {  	s0 =	sadd.s32 @!p0 $0x100000, s1;
	[bflag:$0x2] =	sbarrier.arrive $0xFFFF  }
0x5e: {  	[sflag:s0] =	ssyncadd.tile.s32 @!p0 $0x1;
	_ =	shalt  }
.Lfunc_end2:
_tile_overlayer_lowered:
.L_overlay_start_2:
0x5f: {  	(tag) =	ssettag $0x2  }
0x60: {  	s0 =	rddreg [dreg:$0x0];
	s2 =	stileid.u32  }
0x61: {  	s1 =	rddreg [dreg:$0x1];
	p0 =	sne.s32 s2, $0x0  }
0x62: {  	s3 =	rddreg [dreg:$0x2];
	[bflag:$0x3] =	sbarrier.arrive $0xFFFF;
	s2 =	simm.s32 @!p0 $0x1C01  }
0x63: {  	[timem:s3], [sflag:s2] =	dma.local @!p0 [hbm:s0], s1  }
0x64: {  	s0 =	simm.s32 @!p0 $0x1  }
0x65: {  	_ =	swait.ge @!p0 [sflag:s0], s1  }
0x66: {  	s1 =	ssub.s32 @!p0 $0x0, s1;
	[sflag:s0] =	ssyncset.done @!p0 $0x0  }
0x67: {  	[sflag:s0] =	ssyncadd.s32 @!p0 s1  }
0x68: {  	[bflag:$0x3] =	sbarrier.arrive $0xFFFF  }
0x69: {  	_ =	shalt  }

</sc_bundles>
